<compile_context>
chip_gen: v7x
topology: tpu7x:2x2x1
jax: 0.10.2.dev20260603
libtpu: 0.0.44.dev20260713+nightly
codegen_flags: <defaults>
</compile_context>

<pallas_src>
import functools

import jax
import jax.numpy as jnp
from jax import lax
from jax.experimental import pallas as pl
from jax.experimental.pallas import tpu as pltpu
from jax.experimental.pallas import tpu_sc as plsc

N = 10000
E = 320000
D = 128
DE = 16
G = 128
L = 3


_BE = 4000


def _edge_linear_body(attr_ref, w_ref, out_ref):
    out_ref[0] = jnp.dot(attr_ref[...], w_ref[0],
                         preferred_element_type=jnp.float32)


def _edge_linear(edge_attr, eW):
    return pl.pallas_call(
        _edge_linear_body,
        grid=(L, E // _BE),
        in_specs=[
            pl.BlockSpec((_BE, DE), lambda l, e: (e, 0)),
            pl.BlockSpec((1, DE, D), lambda l, e: (l, 0, 0)),
        ],
        out_specs=pl.BlockSpec((1, _BE, D), lambda l, e: (l, e, 0)),
        out_shape=jax.ShapeDtypeStruct((L, E, D), jnp.float32),
    )(edge_attr, eW)



_W = 80
_ZR = 632
_NA = N + 8


_EPT = E // 32
_NCH = _EPT // _W
_LCH = 13


def _edge_pass_body(h_hbm, c_hbm, srcs_hbm, dstp0_hbm, dstp1_hbm,
                    eb_hbm, zero_hbm, out_hbm,
                    src_v, dst_v, g_v, c_v, eb_v,
                    acc_sh, sem, sem2):
    ci = lax.axis_index("c")
    s = lax.axis_index("s")
    wid = ci * 16 + s
    @pl.when(s < 15)
    def _():
        pltpu.sync_copy(zero_hbm, acc_sh.at[pl.ds(s * _ZR, _ZR)])

    @pl.when(s == 15)
    def _():
        pltpu.sync_copy(zero_hbm.at[pl.ds(0, _NA - 15 * _ZR)],
                        acc_sh.at[pl.ds(15 * _ZR, _NA - 15 * _ZR)])

    pltpu.sync_copy(eb_hbm, eb_v)
    plsc.subcore_barrier()

    def make_chunk(dst_hbm):
        def chunk(k, carry):
            base = wid * _EPT + k * _W
            pltpu.sync_copy(dst_hbm.at[pl.ds(base, _W)], dst_v)
            pltpu.sync_copy(srcs_hbm.at[pl.ds(base, _W)], src_v)
            cp_c = pltpu.async_copy(c_hbm.at[pl.ds(base, _W)], c_v, sem2)
            pltpu.async_copy(h_hbm.at[src_v], g_v, sem).wait()
            cp_c.wait()

            def row(r, carry2):
                for j in range(D // 16):
                    sl = pl.ds(j * 16, 16)
                    g_v[r, sl] = jnp.maximum(
                        (g_v[r, sl] + c_v[r, sl]) + eb_v[0, sl], 0.0)
                return carry2

            lax.fori_loop(0, _W, row, 0)
            pltpu.sync_copy(g_v, acc_sh.at[dst_v], add=True)
            return carry
        return chunk

    lax.fori_loop(0, _NCH, make_chunk(dstp0_hbm), 0)
    plsc.subcore_barrier()
    lax.fori_loop(0, _LCH, make_chunk(dstp1_hbm), 0)
    plsc.subcore_barrier()

    @pl.when(s < 15)
    def _():
        pltpu.sync_copy(acc_sh.at[pl.ds(s * _ZR, _ZR)],
                        out_hbm.at[ci].at[pl.ds(s * _ZR, _ZR)])

    @pl.when(s == 15)
    def _():
        pltpu.sync_copy(acc_sh.at[pl.ds(15 * _ZR, N - 15 * _ZR)],
                        out_hbm.at[ci].at[pl.ds(15 * _ZR, N - 15 * _ZR)])


@functools.cache
def _build_edge_pass():
    return functools.partial(
        pl.kernel,
        out_type=jax.ShapeDtypeStruct((2, N, D), jnp.float32),
        mesh=plsc.VectorSubcoreMesh(core_axis_name="c", subcore_axis_name="s"),
        scratch_types=[
            pltpu.VMEM((_W,), jnp.int32),
            pltpu.VMEM((_W,), jnp.int32),
            pltpu.VMEM((_W, D), jnp.float32),
            pltpu.VMEM((_W, D), jnp.float32),
            pltpu.VMEM((1, D), jnp.float32),
            pltpu.VMEM_SHARED((_NA, D), jnp.float32),
            pltpu.SemaphoreType.DMA,
            pltpu.SemaphoreType.DMA,
        ],
    )(_edge_pass_body)


def _edge_pass(h, c_l, srcs, dst_p0, dst_p1, eb, zeros):
    return _build_edge_pass()(h, c_l, srcs, dst_p0, dst_p1, eb, zeros)



_BN = 2000


def _node_mlp_body(h_ref, p_ref, w1_ref, b1_ref, w2_ref, b2_ref, out_ref):
    z = h_ref[...] + p_ref[0] + p_ref[1]
    z = jnp.maximum(jnp.dot(z, w1_ref[...], preferred_element_type=jnp.float32)
                    + b1_ref[...], 0.0)
    z = jnp.dot(z, w2_ref[...], preferred_element_type=jnp.float32) + b2_ref[...]
    out_ref[...] = jnp.maximum(z, 0.0)


def _node_mlp(h, parts, W1, b1, W2, b2):
    return pl.pallas_call(
        _node_mlp_body,
        grid=(N // _BN,),
        in_specs=[
            pl.BlockSpec((_BN, D), lambda i: (i, 0)),
            pl.BlockSpec((2, _BN, D), lambda i: (0, i, 0)),
            pl.BlockSpec((D, D), lambda i: (0, 0)),
            pl.BlockSpec((1, D), lambda i: (0, 0)),
            pl.BlockSpec((D, D), lambda i: (0, 0)),
            pl.BlockSpec((1, D), lambda i: (0, 0)),
        ],
        out_specs=pl.BlockSpec((_BN, D), lambda i: (i, 0)),
        out_shape=jax.ShapeDtypeStruct((N, D), jnp.float32),
    )(h, parts, W1, b1, W2, b2)



_BH = 2000
_NH = N // _BH


def _head_body(h1_ref, h2_ref, h3_ref, j_ref, jb_ref, batch_ref,
               gam_ref, bet_ref, f2w_ref, f2b_ref, out_ref,
               sums_ref, counts_ref):
    i = pl.program_id(0)

    @pl.when(i == 0)
    def _():
        sums_ref[...] = jnp.zeros_like(sums_ref)
        counts_ref[...] = jnp.zeros_like(counts_ref)

    y = (jnp.dot(h1_ref[...], j_ref[0], preferred_element_type=jnp.float32)
         + jnp.dot(h2_ref[...], j_ref[1], preferred_element_type=jnp.float32)
         + jnp.dot(h3_ref[...], j_ref[2], preferred_element_type=jnp.float32)
         + jb_ref[...])
    ids = batch_ref[0, 0, :]
    oh = (ids[:, None] == lax.broadcasted_iota(jnp.int32, (_BH, G), 1)
          ).astype(jnp.float32)
    sums_ref[...] += lax.dot_general(
        oh, y, (((0,), (0,)), ((), ())), preferred_element_type=jnp.float32,
        precision=lax.Precision.HIGHEST)
    counts_ref[...] += lax.dot_general(
        oh, jnp.ones((_BH, D), jnp.float32), (((0,), (0,)), ((), ())),
        preferred_element_type=jnp.float32, precision=lax.Precision.HIGHEST)

    @pl.when(i == _NH - 1)
    def _():
        pooled = sums_ref[...] / jnp.maximum(counts_ref[...], 1.0)
        mean = jnp.mean(pooled, axis=0, keepdims=True)
        var = jnp.mean((pooled - mean) ** 2, axis=0, keepdims=True)
        t = (pooled - mean) / jnp.sqrt(var + 1e-5) * gam_ref[...] + bet_ref[...]
        t = jnp.where(t >= 0.0, t, 0.01 * t)
        out_ref[...] = lax.dot_general(
            f2w_ref[...], t, (((0,), (1,)), ((), ())),
            preferred_element_type=jnp.float32) + f2b_ref[...]


def _head(h1, h2, h3, jk_W, jk_b, batch3, gam, bet, f2w, f2b):
    return pl.pallas_call(
        _head_body,
        grid=(_NH,),
        in_specs=[
            pl.BlockSpec((_BH, D), lambda i: (i, 0)),
            pl.BlockSpec((_BH, D), lambda i: (i, 0)),
            pl.BlockSpec((_BH, D), lambda i: (i, 0)),
            pl.BlockSpec((L, D, D), lambda i: (0, 0, 0)),
            pl.BlockSpec((1, D), lambda i: (0, 0)),
            pl.BlockSpec((1, 1, _BH), lambda i: (i, 0, 0)),
            pl.BlockSpec((1, D), lambda i: (0, 0)),
            pl.BlockSpec((1, D), lambda i: (0, 0)),
            pl.BlockSpec((D, 1), lambda i: (0, 0)),
            pl.BlockSpec((1, 1), lambda i: (0, 0)),
        ],
        out_specs=pl.BlockSpec((1, G), lambda i: (0, 0)),
        out_shape=jax.ShapeDtypeStruct((1, G), jnp.float32),
        scratch_shapes=[
            pltpu.VMEM((G, D), jnp.float32),
            pltpu.VMEM((G, D), jnp.float32),
        ],
    )(h1, h2, h3, jk_W, jk_b, batch3, gam, bet, f2w, f2b)




def kernel(x, edge_index, edge_attr, batch,
           edge_W0, edge_b0, W1_0, b1_0, W2_0, b2_0,
           edge_W1, edge_b1, W1_1, b1_1, W2_1, b2_1,
           edge_W2, edge_b2, W1_2, b1_2, W2_2, b2_2,
           jk_W, jk_b, bn_gamma, bn_beta, fc2_W, fc2_b):
    src = edge_index[0]
    dst = edge_index[1]
    eW = jnp.stack([edge_W0, edge_W1, edge_W2])
    perm = jnp.argsort(dst).astype(jnp.int32)
    dsts = dst[perm]
    srcs = src[perm]
    prev = jnp.repeat(dsts[jnp.arange(1, 32, dtype=jnp.int32) * _EPT - 1], _EPT)
    lead = jnp.concatenate(
        [jnp.zeros((_EPT,), jnp.bool_), dsts[_EPT:] == prev])
    dst_p0 = jnp.where(lead, N, dsts)
    dst_p1 = jnp.where(lead, dsts, N)
    C = _edge_linear(edge_attr[perm], eW)
    zeros = jnp.zeros((_ZR, D), jnp.float32)
    layer_params = [(edge_b0, W1_0, b1_0, W2_0, b2_0),
                    (edge_b1, W1_1, b1_1, W2_1, b2_1),
                    (edge_b2, W1_2, b1_2, W2_2, b2_2)]
    h = x
    hs = []
    for l in range(L):
        eb, W1, b1, W2, b2 = layer_params[l]
        parts = _edge_pass(h, C[l], srcs, dst_p0, dst_p1,
                           eb.reshape(1, D), zeros)
        h = _node_mlp(h, parts, W1, b1.reshape(1, D), W2, b2.reshape(1, D))
        hs.append(h)
    out = _head(hs[0], hs[1], hs[2],
                jk_W.reshape(L, D, D), jk_b.reshape(1, D),
                batch.reshape(_NH, 1, _BH),
                bn_gamma.reshape(1, D), bn_beta.reshape(1, D),
                fc2_W, fc2_b.reshape(1, 1))
    return out.reshape(G)

# --- scband reference (transcript-rebuilt; emitter-appended) ---
"""Pipeline reference for scband-gnnregressor-88424786690448 (READ-ONLY COPY).

The authoritative reference and input builder live on the scoring server;
editing this copy changes nothing except your own understanding.
"""

import jax, jax.numpy as jnp
import numpy as np

N = 10000
E = 320000
D = 128
DE = 16
L = 3
G = 128

def setup_inputs(seed: int = 0):
    key = jax.random.key(seed)
    k = lambda i: jax.random.fold_in(key, i)
    inp = {}
    inp["x"] = jax.random.normal(k(0), (N, D), dtype=jnp.float32)
    inp["edge_index"] = jax.random.randint(k(1), (2, E), 0, N, dtype=jnp.int32)
    inp["edge_attr"] = jax.random.normal(k(2), (E, DE), dtype=jnp.float32)
    inp["batch"] = jnp.sort(jax.random.randint(k(3), (N,), 0, G, dtype=jnp.int32))
    for l in range(L):
        inp["edge_W%d" % l] = jax.random.normal(k(10 + 6 * l), (DE, D), dtype=jnp.float32) * 0.05
        inp["edge_b%d" % l] = jnp.zeros((D,), dtype=jnp.float32)
        inp["W1_%d" % l] = jax.random.normal(k(11 + 6 * l), (D, D), dtype=jnp.float32) * 0.05
        inp["b1_%d" % l] = jnp.zeros((D,), dtype=jnp.float32)
        inp["W2_%d" % l] = jax.random.normal(k(12 + 6 * l), (D, D), dtype=jnp.float32) * 0.05
        inp["b2_%d" % l] = jnp.zeros((D,), dtype=jnp.float32)
    inp["jk_W"] = jax.random.normal(k(30), (L * D, D), dtype=jnp.float32) * 0.05
    inp["jk_b"] = jnp.zeros((D,), dtype=jnp.float32)
    inp["bn_gamma"] = jnp.ones((D,), dtype=jnp.float32)
    inp["bn_beta"] = jnp.zeros((D,), dtype=jnp.float32)
    inp["fc2_W"] = jax.random.normal(k(31), (D, 1), dtype=jnp.float32) * 0.05
    inp["fc2_b"] = jnp.zeros((1,), dtype=jnp.float32)
    return inp

def _forward(x, edge_attr, layer_params, jk_W, jk_b, bn_gamma, bn_beta, fc2_W, fc2_b, edge_index, batch):
    src = edge_index[0]
    dst = edge_index[1]
    h = x
    xs = []
    for (eW, eb, W1, b1, W2, b2) in layer_params:
        # GINEConv: message = relu(x_j + lin_edge(edge_attr)); sum-aggregate to dst
        msg = jax.nn.relu(h[src] + edge_attr @ eW + eb)
        aggr = jax.ops.segment_sum(msg, dst, num_segments=N)
        z = h + aggr  # (1 + eps) * x_i + aggr, eps = 0
        z = jax.nn.relu(z @ W1 + b1)
        z = z @ W2 + b2
        h = jax.nn.relu(z)  # BasicGNN inter-layer activation (applied to all layers when jk='cat')
        xs.append(h)
    hcat = jnp.concatenate(xs, axis=1) @ jk_W + jk_b  # JumpingKnowledge 'cat' + output lin
    # global_mean_pool
    sums = jax.ops.segment_sum(hcat, batch, num_segments=G)
    counts = jax.ops.segment_sum(jnp.ones((x.shape[0], 1), dtype=hcat.dtype), batch, num_segments=G)
    pooled = sums / jnp.maximum(counts, 1.0)
    # BatchNorm1d with track_running_stats=False -> batch statistics (biased var)
    mean = jnp.mean(pooled, axis=0)
    var = jnp.var(pooled, axis=0)
    t = (pooled - mean) / jnp.sqrt(var + 1e-05) * bn_gamma + bn_beta
    # LeakyReLU (default negative_slope=0.01)
    t = jnp.where(t >= 0, t, 0.01 * t)
    out = t @ fc2_W + fc2_b
    return out.squeeze(1)

def reference(x, edge_index, edge_attr, batch, edge_W0, edge_b0, W1_0, b1_0, W2_0, b2_0, edge_W1, edge_b1, W1_1, b1_1, W2_1, b2_1, edge_W2, edge_b2, W1_2, b1_2, W2_2, b2_2, jk_W, jk_b, bn_gamma, bn_beta, fc2_W, fc2_b):
    lp = [(edge_W0, edge_b0, W1_0, b1_0, W2_0, b2_0), (edge_W1, edge_b1, W1_1, b1_1, W2_1, b2_1), (edge_W2, edge_b2, W1_2, b1_2, W2_2, b2_2)]
    return _forward(x, edge_attr, lp, jk_W, jk_b, bn_gamma, bn_beta, fc2_W, fc2_b, edge_index, batch)

if __name__ == "__main__":
    import jax
    _d = setup_inputs()
    print(jax.jit(kernel)(*tuple(_d.values())))

</pallas_src>

<mosaic_0001>
#map = affine_map<(d0, d1) -> (0, 0)>
#map1 = affine_map<(d0, d1) -> (0)>
#map2 = affine_map<(d0, d1) -> (0, 0, 0)>
module attributes {stable_mosaic.version = 14 : i64} {
  func.func @_edge_pass_body(%arg0: i32, %arg1: i32, %arg2: memref<10000x128xf32, #tpu.memory_space<hbm>>, %arg3: memref<320000x128xf32, #tpu.memory_space<hbm>>, %arg4: memref<320000xi32, #tpu.memory_space<hbm>>, %arg5: memref<320000xi32, #tpu.memory_space<hbm>>, %arg6: memref<320000xi32, #tpu.memory_space<hbm>>, %arg7: memref<1x128xf32, #tpu.memory_space<hbm>>, %arg8: memref<632x128xf32, #tpu.memory_space<hbm>>, %arg9: memref<2x10000x128xf32, #tpu.memory_space<hbm>>, %arg10: memref<80xi32, #tpu.memory_space<vmem>>, %arg11: memref<80xi32, #tpu.memory_space<vmem>>, %arg12: memref<80x128xf32, #tpu.memory_space<vmem>>, %arg13: memref<80x128xf32, #tpu.memory_space<vmem>>, %arg14: memref<1x128xf32, #tpu.memory_space<vmem>>, %arg15: memref<10008x128xf32, #tpu.memory_space<vmem_shared>>, %arg16: memref<!tpu.dma_semaphore, #tpu.memory_space<semaphore_mem>>, %arg17: memref<!tpu.dma_semaphore, #tpu.memory_space<semaphore_mem>>) attributes {dimension_semantics = [#tpu.dimension_semantics<core_parallel>, #tpu.dimension_semantics<subcore_parallel>], iteration_bounds = array<i64: 2, 16>, scalar_prefetch = 0 : i64, scratch_operands = 8 : i64, tpu.core_type = #tpu.core_type<sc_vector_subcore>, window_params = [{transform_indices = #map}, {transform_indices = #map}, {transform_indices = #map1}, {transform_indices = #map1}, {transform_indices = #map1}, {transform_indices = #map}, {transform_indices = #map}, {transform_indices = #map2}]} {
    %mul3A = arith.constant 16 : i32
    %mul3A_0 = arith.muli %arg0, %mul3A : i32
    %add3A = arith.addi %mul3A_0, %arg1 : i32
    %lt3A = arith.constant 15 : i32
    %lt3A_1 = arith.cmpi slt, %arg1, %lt3A : i32
    %convert_element_type3A = arith.extui %lt3A_1 : i1 to i32
    %cond3A = arith.constant 0 : i32
    %cond3A_2 = arith.cmpi ne, %convert_element_type3A, %cond3A : i32
    scf.if %cond3A_2 {
      %mul3A_30 = arith.constant 632 : i32
      %mul3A_31 = arith.muli %arg1, %mul3A_30 : i32
      "tpu.region"() ({
        %run_scoped3A = tpu.sem_alloc : memref<!tpu.dma_semaphore, #tpu.memory_space<semaphore_mem>>
        %dma_start3A = arith.constant 0 : i32
        %dma_start3A_32 = tpu.memref_slice %arg15[%mul3A_31, %dma_start3A] : memref<10008x128xf32, #tpu.memory_space<vmem_shared>> -> memref<632x128xf32, #tpu.memory_space<vmem_shared>>
        tpu.enqueue_dma source(%arg8 : memref<632x128xf32, #tpu.memory_space<hbm>>) target(%dma_start3A_32 : memref<632x128xf32, #tpu.memory_space<vmem_shared>>) target_semaphore(%run_scoped3A : memref<!tpu.dma_semaphore, #tpu.memory_space<semaphore_mem>>)
        %dma_wait3A = arith.constant 0 : i32
        %dma_wait3A_33 = tpu.memref_slice %arg15[%mul3A_31, %dma_wait3A] : memref<10008x128xf32, #tpu.memory_space<vmem_shared>> -> memref<632x128xf32, #tpu.memory_space<vmem_shared>>
        tpu.wait_dma2 semaphore(%run_scoped3A : memref<!tpu.dma_semaphore, #tpu.memory_space<semaphore_mem>>) src(%arg8 : memref<632x128xf32, #tpu.memory_space<hbm>>) dst(%dma_wait3A_33 : memref<632x128xf32, #tpu.memory_space<vmem_shared>>)
        tpu.yield
      }) : () -> ()
    } else {
    }
    %eq3A = arith.constant 15 : i32
    %eq3A_3 = arith.cmpi eq, %arg1, %eq3A : i32
    %convert_element_type3A_4 = arith.extui %eq3A_3 : i1 to i32
    %cond3A_5 = arith.constant 0 : i32
    %cond3A_6 = arith.cmpi ne, %convert_element_type3A_4, %cond3A_5 : i32
    scf.if %cond3A_6 {
      "tpu.region"() ({
        %run_scoped3A = tpu.sem_alloc : memref<!tpu.dma_semaphore, #tpu.memory_space<semaphore_mem>>
        %dma_start3A = arith.constant 9480 : i32
        %dma_start3A_30 = arith.constant 0 : i32
        %dma_start3A_31 = tpu.memref_slice %arg15[%dma_start3A, %dma_start3A_30] : memref<10008x128xf32, #tpu.memory_space<vmem_shared>> -> memref<528x128xf32, #tpu.memory_space<vmem_shared>>
        %dma_start3A_32 = arith.constant 0 : i32
        %dma_start3A_33 = arith.constant 0 : i32
        %dma_start3A_34 = tpu.memref_slice %arg8[%dma_start3A_32, %dma_start3A_33] : memref<632x128xf32, #tpu.memory_space<hbm>> -> memref<528x128xf32, #tpu.memory_space<hbm>>
        tpu.enqueue_dma source(%dma_start3A_34 : memref<528x128xf32, #tpu.memory_space<hbm>>) target(%dma_start3A_31 : memref<528x128xf32, #tpu.memory_space<vmem_shared>>) target_semaphore(%run_scoped3A : memref<!tpu.dma_semaphore, #tpu.memory_space<semaphore_mem>>)
        %dma_wait3A = arith.constant 9480 : i32
        %dma_wait3A_35 = arith.constant 0 : i32
        %dma_wait3A_36 = tpu.memref_slice %arg15[%dma_wait3A, %dma_wait3A_35] : memref<10008x128xf32, #tpu.memory_space<vmem_shared>> -> memref<528x128xf32, #tpu.memory_space<vmem_shared>>
        %dma_wait3A_37 = arith.constant 0 : i32
        %dma_wait3A_38 = arith.constant 0 : i32
        %dma_wait3A_39 = tpu.memref_slice %arg8[%dma_wait3A_37, %dma_wait3A_38] : memref<632x128xf32, #tpu.memory_space<hbm>> -> memref<528x128xf32, #tpu.memory_space<hbm>>
        tpu.wait_dma2 semaphore(%run_scoped3A : memref<!tpu.dma_semaphore, #tpu.memory_space<semaphore_mem>>) src(%dma_wait3A_39 : memref<528x128xf32, #tpu.memory_space<hbm>>) dst(%dma_wait3A_36 : memref<528x128xf32, #tpu.memory_space<vmem_shared>>)
        tpu.yield
      }) : () -> ()
    } else {
    }
    "tpu.region"() ({
      %run_scoped3A = tpu.sem_alloc : memref<!tpu.dma_semaphore, #tpu.memory_space<semaphore_mem>>
      tpu.enqueue_dma source(%arg7 : memref<1x128xf32, #tpu.memory_space<hbm>>) target(%arg14 : memref<1x128xf32, #tpu.memory_space<vmem>>) target_semaphore(%run_scoped3A : memref<!tpu.dma_semaphore, #tpu.memory_space<semaphore_mem>>)
      tpu.wait_dma2 semaphore(%run_scoped3A : memref<!tpu.dma_semaphore, #tpu.memory_space<semaphore_mem>>) src(%arg7 : memref<1x128xf32, #tpu.memory_space<hbm>>) dst(%arg14 : memref<1x128xf32, #tpu.memory_space<vmem>>)
      tpu.yield
    }) : () -> ()
    %barrier3A = arith.constant 0 : index
    tpu.barrier barrier_id(%barrier3A)
    %scan3A = arith.constant 0 : i32
    %scan3A_7 = arith.constant 0 : i32
    %scan3A_8 = arith.constant 125 : i32
    %scan3A_9 = arith.addi %scan3A_7, %scan3A_8 : i32
    %scan3A_10 = arith.constant 1 : i32
    scf.for %scan3A_30 = %scan3A_7 to %scan3A_9 step %scan3A_10  : i32 {
      %mul3A_31 = arith.constant 10000 : i32
      %mul3A_32 = arith.muli %add3A, %mul3A_31 : i32
      %mul3A_33 = arith.constant 80 : i32
      %mul3A_34 = arith.muli %scan3A_30, %mul3A_33 : i32
      %add3A_35 = arith.addi %mul3A_32, %mul3A_34 : i32
      "tpu.region"() ({
        %run_scoped3A = tpu.sem_alloc : memref<!tpu.dma_semaphore, #tpu.memory_space<semaphore_mem>>
        %dma_start3A_54 = tpu.memref_slice %arg5[%add3A_35] : memref<320000xi32, #tpu.memory_space<hbm>> -> memref<80xi32, #tpu.memory_space<hbm>>
        %dma_start3A_55 = tpu.memref_slice %arg5[%add3A_35] : memref<320000xi32, #tpu.memory_space<hbm>> -> memref<80xi32, #tpu.memory_space<hbm>>
        tpu.enqueue_dma source(%dma_start3A_55 : memref<80xi32, #tpu.memory_space<hbm>>) target(%arg11 : memref<80xi32, #tpu.memory_space<vmem>>) target_semaphore(%run_scoped3A : memref<!tpu.dma_semaphore, #tpu.memory_space<semaphore_mem>>)
        %dma_wait3A_56 = tpu.memref_slice %arg5[%add3A_35] : memref<320000xi32, #tpu.memory_space<hbm>> -> memref<80xi32, #tpu.memory_space<hbm>>
        %dma_wait3A_57 = tpu.memref_slice %arg5[%add3A_35] : memref<320000xi32, #tpu.memory_space<hbm>> -> memref<80xi32, #tpu.memory_space<hbm>>
        tpu.wait_dma2 semaphore(%run_scoped3A : memref<!tpu.dma_semaphore, #tpu.memory_space<semaphore_mem>>) src(%dma_wait3A_57 : memref<80xi32, #tpu.memory_space<hbm>>) dst(%arg11 : memref<80xi32, #tpu.memory_space<vmem>>)
        tpu.yield
      }) : () -> ()
      "tpu.region"() ({
        %run_scoped3A = tpu.sem_alloc : memref<!tpu.dma_semaphore, #tpu.memory_space<semaphore_mem>>
        %dma_start3A_54 = tpu.memref_slice %arg4[%add3A_35] : memref<320000xi32, #tpu.memory_space<hbm>> -> memref<80xi32, #tpu.memory_space<hbm>>
        %dma_start3A_55 = tpu.memref_slice %arg4[%add3A_35] : memref<320000xi32, #tpu.memory_space<hbm>> -> memref<80xi32, #tpu.memory_space<hbm>>
        tpu.enqueue_dma source(%dma_start3A_55 : memref<80xi32, #tpu.memory_space<hbm>>) target(%arg10 : memref<80xi32, #tpu.memory_space<vmem>>) target_semaphore(%run_scoped3A : memref<!tpu.dma_semaphore, #tpu.memory_space<semaphore_mem>>)
        %dma_wait3A_56 = tpu.memref_slice %arg4[%add3A_35] : memref<320000xi32, #tpu.memory_space<hbm>> -> memref<80xi32, #tpu.memory_space<hbm>>
        %dma_wait3A_57 = tpu.memref_slice %arg4[%add3A_35] : memref<320000xi32, #tpu.memory_space<hbm>> -> memref<80xi32, #tpu.memory_space<hbm>>
        tpu.wait_dma2 semaphore(%run_scoped3A : memref<!tpu.dma_semaphore, #tpu.memory_space<semaphore_mem>>) src(%dma_wait3A_57 : memref<80xi32, #tpu.memory_space<hbm>>) dst(%arg10 : memref<80xi32, #tpu.memory_space<vmem>>)
        tpu.yield
      }) : () -> ()
      %dma_start3A = arith.constant 0 : i32
      %dma_start3A_36 = tpu.memref_slice %arg3[%add3A_35, %dma_start3A] : memref<320000x128xf32, #tpu.memory_space<hbm>> -> memref<80x128xf32, #tpu.memory_space<hbm>>
      %dma_start3A_37 = arith.constant 0 : i32
      %dma_start3A_38 = tpu.memref_slice %arg3[%add3A_35, %dma_start3A_37] : memref<320000x128xf32, #tpu.memory_space<hbm>> -> memref<80x128xf32, #tpu.memory_space<hbm>>
      tpu.enqueue_dma source(%dma_start3A_38 : memref<80x128xf32, #tpu.memory_space<hbm>>) target(%arg13 : memref<80x128xf32, #tpu.memory_space<vmem>>) target_semaphore(%arg17 : memref<!tpu.dma_semaphore, #tpu.memory_space<semaphore_mem>>)
      %dma_start3A_39 = arith.constant 0 : i32
      %dma_start3A_40 = arith.constant 0 : i32
      %dma_start3A_41 = tpu.memref_slice %arg2[%dma_start3A_39, %dma_start3A_40] : memref<10000x128xf32, #tpu.memory_space<hbm>> -> memref<10000x128xf32, #tpu.memory_space<hbm>>
      tpu.enqueue_indirect_dma source(%dma_start3A_41 : memref<10000x128xf32, #tpu.memory_space<hbm>>) target(%arg12 : memref<80x128xf32, #tpu.memory_space<vmem>>) offsets(%arg10 : memref<80xi32, #tpu.memory_space<vmem>>) semaphore(%arg16 : memref<!tpu.dma_semaphore, #tpu.memory_space<semaphore_mem>>)
      %dma_wait3A = arith.constant 0 : i32
      %dma_wait3A_42 = arith.constant 0 : i32
      %dma_wait3A_43 = tpu.memref_slice %arg2[%dma_wait3A, %dma_wait3A_42] : memref<10000x128xf32, #tpu.memory_space<hbm>> -> memref<10000x128xf32, #tpu.memory_space<hbm>>
      tpu.wait_indirect_dma semaphore(%arg16 : memref<!tpu.dma_semaphore, #tpu.memory_space<semaphore_mem>>) src(%dma_wait3A_43 : memref<10000x128xf32, #tpu.memory_space<hbm>>) dst(%arg12 : memref<80x128xf32, #tpu.memory_space<vmem>>)
      %dma_wait3A_44 = arith.constant 0 : i32
      %dma_wait3A_45 = tpu.memref_slice %arg3[%add3A_35, %dma_wait3A_44] : memref<320000x128xf32, #tpu.memory_space<hbm>> -> memref<80x128xf32, #tpu.memory_space<hbm>>
      %dma_wait3A_46 = arith.constant 0 : i32
      %dma_wait3A_47 = tpu.memref_slice %arg3[%add3A_35, %dma_wait3A_46] : memref<320000x128xf32, #tpu.memory_space<hbm>> -> memref<80x128xf32, #tpu.memory_space<hbm>>
      tpu.wait_dma2 semaphore(%arg17 : memref<!tpu.dma_semaphore, #tpu.memory_space<semaphore_mem>>) src(%dma_wait3A_47 : memref<80x128xf32, #tpu.memory_space<hbm>>) dst(%arg13 : memref<80x128xf32, #tpu.memory_space<vmem>>)
      %scan3A_48 = arith.constant 0 : i32
      %scan3A_49 = arith.constant 0 : i32
      %scan3A_50 = arith.constant 80 : i32
      %scan3A_51 = arith.addi %scan3A_49, %scan3A_50 : i32
      %scan3A_52 = arith.constant 1 : i32
      scf.for %scan3A_54 = %scan3A_49 to %scan3A_51 step %scan3A_52  : i32 {
        %get3A = arith.index_cast %scan3A_54 : i32 to index
        %get3A_55 = arith.constant 0 : index
        %get3A_56 = tpu.vector_load %arg12[%get3A, %get3A_55] {strides = array<i32>} : memref<80x128xf32, #tpu.memory_space<vmem>>, vector<1x16xf32>,
        %get3A_57 = vector.shape_cast %get3A_56 : vector<1x16xf32> to vector<16xf32>
        %get3A_58 = arith.index_cast %scan3A_54 : i32 to index
        %get3A_59 = arith.constant 0 : index
        %get3A_60 = tpu.vector_load %arg13[%get3A_58, %get3A_59] {strides = array<i32>} : memref<80x128xf32, #tpu.memory_space<vmem>>, vector<1x16xf32>,
        %get3A_61 = vector.shape_cast %get3A_60 : vector<1x16xf32> to vector<16xf32>
        %add3A_62 = arith.addf %get3A_57, %get3A_61 : vector<16xf32>
        %get3A_63 = arith.constant 0 : i32
        %get3A_64 = arith.index_cast %get3A_63 : i32 to index
        %get3A_65 = arith.constant 0 : index
        %get3A_66 = tpu.vector_load %arg14[%get3A_64, %get3A_65] {strides = array<i32>} : memref<1x128xf32, #tpu.memory_space<vmem>>, vector<1x16xf32>,
        %get3A_67 = vector.shape_cast %get3A_66 : vector<1x16xf32> to vector<16xf32>
        %add3A_68 = arith.addf %add3A_62, %get3A_67 : vector<16xf32>
        %max3A = arith.constant 0.000000e+00 : f32
        %max3A_69 = vector.broadcast %max3A : f32 to vector<16xf32>
        %max3A_70 = arith.maximumf %add3A_68, %max3A_69 : vector<16xf32>
        %swap3A = arith.index_cast %scan3A_54 : i32 to index
        %swap3A_71 = arith.constant 0 : index
        %swap3A_72 = tpu.vector_load %arg12[%swap3A, %swap3A_71] {strides = array<i32>} : memref<80x128xf32, #tpu.memory_space<vmem>>, vector<1x16xf32>,
        %swap3A_73 = vector.shape_cast %swap3A_72 : vector<1x16xf32> to vector<16xf32>
        %swap3A_74 = vector.shape_cast %max3A_70 : vector<16xf32> to vector<1x16xf32>
        tpu.vector_store %arg12[%swap3A, %swap3A_71], %swap3A_74 {strides = array<i32>} : memref<80x128xf32, #tpu.memory_space<vmem>>, vector<1x16xf32>,
        %get3A_75 = arith.index_cast %scan3A_54 : i32 to index
        %get3A_76 = arith.constant 16 : index
        %get3A_77 = tpu.vector_load %arg12[%get3A_75, %get3A_76] {strides = array<i32>} : memref<80x128xf32, #tpu.memory_space<vmem>>, vector<1x16xf32>,
        %get3A_78 = vector.shape_cast %get3A_77 : vector<1x16xf32> to vector<16xf32>
        %get3A_79 = arith.index_cast %scan3A_54 : i32 to index
        %get3A_80 = arith.constant 16 : index
        %get3A_81 = tpu.vector_load %arg13[%get3A_79, %get3A_80] {strides = array<i32>} : memref<80x128xf32, #tpu.memory_space<vmem>>, vector<1x16xf32>,
        %get3A_82 = vector.shape_cast %get3A_81 : vector<1x16xf32> to vector<16xf32>
        %add3A_83 = arith.addf %get3A_78, %get3A_82 : vector<16xf32>
        %get3A_84 = arith.constant 0 : i32
        %get3A_85 = arith.index_cast %get3A_84 : i32 to index
        %get3A_86 = arith.constant 16 : index
        %get3A_87 = tpu.vector_load %arg14[%get3A_85, %get3A_86] {strides = array<i32>} : memref<1x128xf32, #tpu.memory_space<vmem>>, vector<1x16xf32>,
        %get3A_88 = vector.shape_cast %get3A_87 : vector<1x16xf32> to vector<16xf32>
        %add3A_89 = arith.addf %add3A_83, %get3A_88 : vector<16xf32>
        %max3A_90 = arith.constant 0.000000e+00 : f32
        %max3A_91 = vector.broadcast %max3A_90 : f32 to vector<16xf32>
        %max3A_92 = arith.maximumf %add3A_89, %max3A_91 : vector<16xf32>
        %swap3A_93 = arith.index_cast %scan3A_54 : i32 to index
        %swap3A_94 = arith.constant 16 : index
        %swap3A_95 = tpu.vector_load %arg12[%swap3A_93, %swap3A_94] {strides = array<i32>} : memref<80x128xf32, #tpu.memory_space<vmem>>, vector<1x16xf32>,
        %swap3A_96 = vector.shape_cast %swap3A_95 : vector<1x16xf32> to vector<16xf32>
        %swap3A_97 = vector.shape_cast %max3A_92 : vector<16xf32> to vector<1x16xf32>
        tpu.vector_store %arg12[%swap3A_93, %swap3A_94], %swap3A_97 {strides = array<i32>} : memref<80x128xf32, #tpu.memory_space<vmem>>, vector<1x16xf32>,
        %get3A_98 = arith.index_cast %scan3A_54 : i32 to index
        %get3A_99 = arith.constant 32 : index
        %get3A_100 = tpu.vector_load %arg12[%get3A_98, %get3A_99] {strides = array<i32>} : memref<80x128xf32, #tpu.memory_space<vmem>>, vector<1x16xf32>,
        %get3A_101 = vector.shape_cast %get3A_100 : vector<1x16xf32> to vector<16xf32>
        %get3A_102 = arith.index_cast %scan3A_54 : i32 to index
        %get3A_103 = arith.constant 32 : index
        %get3A_104 = tpu.vector_load %arg13[%get3A_102, %get3A_103] {strides = array<i32>} : memref<80x128xf32, #tpu.memory_space<vmem>>, vector<1x16xf32>,
        %get3A_105 = vector.shape_cast %get3A_104 : vector<1x16xf32> to vector<16xf32>
        %add3A_106 = arith.addf %get3A_101, %get3A_105 : vector<16xf32>
        %get3A_107 = arith.constant 0 : i32
        %get3A_108 = arith.index_cast %get3A_107 : i32 to index
        %get3A_109 = arith.constant 32 : index
        %get3A_110 = tpu.vector_load %arg14[%get3A_108, %get3A_109] {strides = array<i32>} : memref<1x128xf32, #tpu.memory_space<vmem>>, vector<1x16xf32>,
        %get3A_111 = vector.shape_cast %get3A_110 : vector<1x16xf32> to vector<16xf32>
        %add3A_112 = arith.addf %add3A_106, %get3A_111 : vector<16xf32>
        %max3A_113 = arith.constant 0.000000e+00 : f32
        %max3A_114 = vector.broadcast %max3A_113 : f32 to vector<16xf32>
        %max3A_115 = arith.maximumf %add3A_112, %max3A_114 : vector<16xf32>
        %swap3A_116 = arith.index_cast %scan3A_54 : i32 to index
        %swap3A_117 = arith.constant 32 : index
        %swap3A_118 = tpu.vector_load %arg12[%swap3A_116, %swap3A_117] {strides = array<i32>} : memref<80x128xf32, #tpu.memory_space<vmem>>, vector<1x16xf32>,
        %swap3A_119 = vector.shape_cast %swap3A_118 : vector<1x16xf32> to vector<16xf32>
        %swap3A_120 = vector.shape_cast %max3A_115 : vector<16xf32> to vector<1x16xf32>
        tpu.vector_store %arg12[%swap3A_116, %swap3A_117], %swap3A_120 {strides = array<i32>} : memref<80x128xf32, #tpu.memory_space<vmem>>, vector<1x16xf32>,
        %get3A_121 = arith.index_cast %scan3A_54 : i32 to index
        %get3A_122 = arith.constant 48 : index
        %get3A_123 = tpu.vector_load %arg12[%get3A_121, %get3A_122] {strides = array<i32>} : memref<80x128xf32, #tpu.memory_space<vmem>>, vector<1x16xf32>,
        %get3A_124 = vector.shape_cast %get3A_123 : vector<1x16xf32> to vector<16xf32>
        %get3A_125 = arith.index_cast %scan3A_54 : i32 to index
        %get3A_126 = arith.constant 48 : index
        %get3A_127 = tpu.vector_load %arg13[%get3A_125, %get3A_126] {strides = array<i32>} : memref<80x128xf32, #tpu.memory_space<vmem>>, vector<1x16xf32>,
        %get3A_128 = vector.shape_cast %get3A_127 : vector<1x16xf32> to vector<16xf32>
        %add3A_129 = arith.addf %get3A_124, %get3A_128 : vector<16xf32>
        %get3A_130 = arith.constant 0 : i32
        %get3A_131 = arith.index_cast %get3A_130 : i32 to index
        %get3A_132 = arith.constant 48 : index
        %get3A_133 = tpu.vector_load %arg14[%get3A_131, %get3A_132] {strides = array<i32>} : memref<1x128xf32, #tpu.memory_space<vmem>>, vector<1x16xf32>,
        %get3A_134 = vector.shape_cast %get3A_133 : vector<1x16xf32> to vector<16xf32>
        %add3A_135 = arith.addf %add3A_129, %get3A_134 : vector<16xf32>
        %max3A_136 = arith.constant 0.000000e+00 : f32
        %max3A_137 = vector.broadcast %max3A_136 : f32 to vector<16xf32>
        %max3A_138 = arith.maximumf %add3A_135, %max3A_137 : vector<16xf32>
        %swap3A_139 = arith.index_cast %scan3A_54 : i32 to index
        %swap3A_140 = arith.constant 48 : index
        %swap3A_141 = tpu.vector_load %arg12[%swap3A_139, %swap3A_140] {strides = array<i32>} : memref<80x128xf32, #tpu.memory_space<vmem>>, vector<1x16xf32>,
        %swap3A_142 = vector.shape_cast %swap3A_141 : vector<1x16xf32> to vector<16xf32>
        %swap3A_143 = vector.shape_cast %max3A_138 : vector<16xf32> to vector<1x16xf32>
        tpu.vector_store %arg12[%swap3A_139, %swap3A_140], %swap3A_143 {strides = array<i32>} : memref<80x128xf32, #tpu.memory_space<vmem>>, vector<1x16xf32>,
        %get3A_144 = arith.index_cast %scan3A_54 : i32 to index
        %get3A_145 = arith.constant 64 : index
        %get3A_146 = tpu.vector_load %arg12[%get3A_144, %get3A_145] {strides = array<i32>} : memref<80x128xf32, #tpu.memory_space<vmem>>, vector<1x16xf32>,
        %get3A_147 = vector.shape_cast %get3A_146 : vector<1x16xf32> to vector<16xf32>
        %get3A_148 = arith.index_cast %scan3A_54 : i32 to index
        %get3A_149 = arith.constant 64 : index
        %get3A_150 = tpu.vector_load %arg13[%get3A_148, %get3A_149] {strides = array<i32>} : memref<80x128xf32, #tpu.memory_space<vmem>>, vector<1x16xf32>,
        %get3A_151 = vector.shape_cast %get3A_150 : vector<1x16xf32> to vector<16xf32>
        %add3A_152 = arith.addf %get3A_147, %get3A_151 : vector<16xf32>
        %get3A_153 = arith.constant 0 : i32
        %get3A_154 = arith.index_cast %get3A_153 : i32 to index
        %get3A_155 = arith.constant 64 : index
        %get3A_156 = tpu.vector_load %arg14[%get3A_154, %get3A_155] {strides = array<i32>} : memref<1x128xf32, #tpu.memory_space<vmem>>, vector<1x16xf32>,
        %get3A_157 = vector.shape_cast %get3A_156 : vector<1x16xf32> to vector<16xf32>
        %add3A_158 = arith.addf %add3A_152, %get3A_157 : vector<16xf32>
        %max3A_159 = arith.constant 0.000000e+00 : f32
        %max3A_160 = vector.broadcast %max3A_159 : f32 to vector<16xf32>
        %max3A_161 = arith.maximumf %add3A_158, %max3A_160 : vector<16xf32>
        %swap3A_162 = arith.index_cast %scan3A_54 : i32 to index
        %swap3A_163 = arith.constant 64 : index
        %swap3A_164 = tpu.vector_load %arg12[%swap3A_162, %swap3A_163] {strides = array<i32>} : memref<80x128xf32, #tpu.memory_space<vmem>>, vector<1x16xf32>,
        %swap3A_165 = vector.shape_cast %swap3A_164 : vector<1x16xf32> to vector<16xf32>
        %swap3A_166 = vector.shape_cast %max3A_161 : vector<16xf32> to vector<1x16xf32>
        tpu.vector_store %arg12[%swap3A_162, %swap3A_163], %swap3A_166 {strides = array<i32>} : memref<80x128xf32, #tpu.memory_space<vmem>>, vector<1x16xf32>,
        %get3A_167 = arith.index_cast %scan3A_54 : i32 to index
        %get3A_168 = arith.constant 80 : index
        %get3A_169 = tpu.vector_load %arg12[%get3A_167, %get3A_168] {strides = array<i32>} : memref<80x128xf32, #tpu.memory_space<vmem>>, vector<1x16xf32>,
        %get3A_170 = vector.shape_cast %get3A_169 : vector<1x16xf32> to vector<16xf32>
        %get3A_171 = arith.index_cast %scan3A_54 : i32 to index
        %get3A_172 = arith.constant 80 : index
        %get3A_173 = tpu.vector_load %arg13[%get3A_171, %get3A_172] {strides = array<i32>} : memref<80x128xf32, #tpu.memory_space<vmem>>, vector<1x16xf32>,
        %get3A_174 = vector.shape_cast %get3A_173 : vector<1x16xf32> to vector<16xf32>
        %add3A_175 = arith.addf %get3A_170, %get3A_174 : vector<16xf32>
        %get3A_176 = arith.constant 0 : i32
        %get3A_177 = arith.index_cast %get3A_176 : i32 to index
        %get3A_178 = arith.constant 80 : index
        %get3A_179 = tpu.vector_load %arg14[%get3A_177, %get3A_178] {strides = array<i32>} : memref<1x128xf32, #tpu.memory_space<vmem>>, vector<1x16xf32>,
        %get3A_180 = vector.shape_cast %get3A_179 : vector<1x16xf32> to vector<16xf32>
        %add3A_181 = arith.addf %add3A_175, %get3A_180 : vector<16xf32>
        %max3A_182 = arith.constant 0.000000e+00 : f32
        %max3A_183 = vector.broadcast %max3A_182 : f32 to vector<16xf32>
        %max3A_184 = arith.maximumf %add3A_181, %max3A_183 : vector<16xf32>
        %swap3A_185 = arith.index_cast %scan3A_54 : i32 to index
        %swap3A_186 = arith.constant 80 : index
        %swap3A_187 = tpu.vector_load %arg12[%swap3A_185, %swap3A_186] {strides = array<i32>} : memref<80x128xf32, #tpu.memory_space<vmem>>, vector<1x16xf32>,
        %swap3A_188 = vector.shape_cast %swap3A_187 : vector<1x16xf32> to vector<16xf32>
        %swap3A_189 = vector.shape_cast %max3A_184 : vector<16xf32> to vector<1x16xf32>
        tpu.vector_store %arg12[%swap3A_185, %swap3A_186], %swap3A_189 {strides = array<i32>} : memref<80x128xf32, #tpu.memory_space<vmem>>, vector<1x16xf32>,
        %get3A_190 = arith.index_cast %scan3A_54 : i32 to index
        %get3A_191 = arith.constant 96 : index
        %get3A_192 = tpu.vector_load %arg12[%get3A_190, %get3A_191] {strides = array<i32>} : memref<80x128xf32, #tpu.memory_space<vmem>>, vector<1x16xf32>,
        %get3A_193 = vector.shape_cast %get3A_192 : vector<1x16xf32> to vector<16xf32>
        %get3A_194 = arith.index_cast %scan3A_54 : i32 to index
        %get3A_195 = arith.constant 96 : index
        %get3A_196 = tpu.vector_load %arg13[%get3A_194, %get3A_195] {strides = array<i32>} : memref<80x128xf32, #tpu.memory_space<vmem>>, vector<1x16xf32>,
        %get3A_197 = vector.shape_cast %get3A_196 : vector<1x16xf32> to vector<16xf32>
        %add3A_198 = arith.addf %get3A_193, %get3A_197 : vector<16xf32>
        %get3A_199 = arith.constant 0 : i32
        %get3A_200 = arith.index_cast %get3A_199 : i32 to index
        %get3A_201 = arith.constant 96 : index
        %get3A_202 = tpu.vector_load %arg14[%get3A_200, %get3A_201] {strides = array<i32>} : memref<1x128xf32, #tpu.memory_space<vmem>>, vector<1x16xf32>,
        %get3A_203 = vector.shape_cast %get3A_202 : vector<1x16xf32> to vector<16xf32>
        %add3A_204 = arith.addf %add3A_198, %get3A_203 : vector<16xf32>
        %max3A_205 = arith.constant 0.000000e+00 : f32
        %max3A_206 = vector.broadcast %max3A_205 : f32 to vector<16xf32>
        %max3A_207 = arith.maximumf %add3A_204, %max3A_206 : vector<16xf32>
        %swap3A_208 = arith.index_cast %scan3A_54 : i32 to index
        %swap3A_209 = arith.constant 96 : index
        %swap3A_210 = tpu.vector_load %arg12[%swap3A_208, %swap3A_209] {strides = array<i32>} : memref<80x128xf32, #tpu.memory_space<vmem>>, vector<1x16xf32>,
        %swap3A_211 = vector.shape_cast %swap3A_210 : vector<1x16xf32> to vector<16xf32>
        %swap3A_212 = vector.shape_cast %max3A_207 : vector<16xf32> to vector<1x16xf32>
        tpu.vector_store %arg12[%swap3A_208, %swap3A_209], %swap3A_212 {strides = array<i32>} : memref<80x128xf32, #tpu.memory_space<vmem>>, vector<1x16xf32>,
        %get3A_213 = arith.index_cast %scan3A_54 : i32 to index
        %get3A_214 = arith.constant 112 : index
        %get3A_215 = tpu.vector_load %arg12[%get3A_213, %get3A_214] {strides = array<i32>} : memref<80x128xf32, #tpu.memory_space<vmem>>, vector<1x16xf32>,
        %get3A_216 = vector.shape_cast %get3A_215 : vector<1x16xf32> to vector<16xf32>
        %get3A_217 = arith.index_cast %scan3A_54 : i32 to index
        %get3A_218 = arith.constant 112 : index
        %get3A_219 = tpu.vector_load %arg13[%get3A_217, %get3A_218] {strides = array<i32>} : memref<80x128xf32, #tpu.memory_space<vmem>>, vector<1x16xf32>,
        %get3A_220 = vector.shape_cast %get3A_219 : vector<1x16xf32> to vector<16xf32>
        %add3A_221 = arith.addf %get3A_216, %get3A_220 : vector<16xf32>
        %get3A_222 = arith.constant 0 : i32
        %get3A_223 = arith.index_cast %get3A_222 : i32 to index
        %get3A_224 = arith.constant 112 : index
        %get3A_225 = tpu.vector_load %arg14[%get3A_223, %get3A_224] {strides = array<i32>} : memref<1x128xf32, #tpu.memory_space<vmem>>, vector<1x16xf32>,
        %get3A_226 = vector.shape_cast %get3A_225 : vector<1x16xf32> to vector<16xf32>
        %add3A_227 = arith.addf %add3A_221, %get3A_226 : vector<16xf32>
        %max3A_228 = arith.constant 0.000000e+00 : f32
        %max3A_229 = vector.broadcast %max3A_228 : f32 to vector<16xf32>
        %max3A_230 = arith.maximumf %add3A_227, %max3A_229 : vector<16xf32>
        %swap3A_231 = arith.index_cast %scan3A_54 : i32 to index
        %swap3A_232 = arith.constant 112 : index
        %swap3A_233 = tpu.vector_load %arg12[%swap3A_231, %swap3A_232] {strides = array<i32>} : memref<80x128xf32, #tpu.memory_space<vmem>>, vector<1x16xf32>,
        %swap3A_234 = vector.shape_cast %swap3A_233 : vector<1x16xf32> to vector<16xf32>
        %swap3A_235 = vector.shape_cast %max3A_230 : vector<16xf32> to vector<1x16xf32>
        tpu.vector_store %arg12[%swap3A_231, %swap3A_232], %swap3A_235 {strides = array<i32>} : memref<80x128xf32, #tpu.memory_space<vmem>>, vector<1x16xf32>,
      }
      %scan3A_53 = arith.constant 80 : i32
      "tpu.region"() ({
        %run_scoped3A = tpu.sem_alloc : memref<!tpu.dma_semaphore, #tpu.memory_space<semaphore_mem>>
        %dma_start3A_54 = arith.constant 0 : i32
        %dma_start3A_55 = arith.constant 0 : i32
        %dma_start3A_56 = tpu.memref_slice %arg15[%dma_start3A_54, %dma_start3A_55] : memref<10008x128xf32, #tpu.memory_space<vmem_shared>> -> memref<10008x128xf32, #tpu.memory_space<vmem_shared>>
        tpu.enqueue_indirect_dma source(%arg12 : memref<80x128xf32, #tpu.memory_space<vmem>>) target(%dma_start3A_56 : memref<10008x128xf32, #tpu.memory_space<vmem_shared>>) offsets(%arg11 : memref<80xi32, #tpu.memory_space<vmem>>) semaphore(%run_scoped3A : memref<!tpu.dma_semaphore, #tpu.memory_space<semaphore_mem>>) {add = true}
        %dma_wait3A_57 = arith.constant 0 : i32
        %dma_wait3A_58 = arith.constant 0 : i32
        %dma_wait3A_59 = tpu.memref_slice %arg15[%dma_wait3A_57, %dma_wait3A_58] : memref<10008x128xf32, #tpu.memory_space<vmem_shared>> -> memref<10008x128xf32, #tpu.memory_space<vmem_shared>>
        tpu.wait_indirect_dma semaphore(%run_scoped3A : memref<!tpu.dma_semaphore, #tpu.memory_space<semaphore_mem>>) src(%arg12 : memref<80x128xf32, #tpu.memory_space<vmem>>) dst(%dma_wait3A_59 : memref<10008x128xf32, #tpu.memory_space<vmem_shared>>)
        tpu.yield
      }) : () -> ()
    }
    %scan3A_11 = arith.constant 125 : i32
    %barrier3A_12 = arith.constant 0 : index
    tpu.barrier barrier_id(%barrier3A_12)
    %scan3A_13 = arith.constant 0 : i32
    %scan3A_14 = arith.constant 0 : i32
    %scan3A_15 = arith.constant 13 : i32
    %scan3A_16 = arith.addi %scan3A_14, %scan3A_15 : i32
    %scan3A_17 = arith.constant 1 : i32
    scf.for %scan3A_30 = %scan3A_14 to %scan3A_16 step %scan3A_17  : i32 {
      %mul3A_31 = arith.constant 10000 : i32
      %mul3A_32 = arith.muli %add3A, %mul3A_31 : i32
      %mul3A_33 = arith.constant 80 : i32
      %mul3A_34 = arith.muli %scan3A_30, %mul3A_33 : i32
      %add3A_35 = arith.addi %mul3A_32, %mul3A_34 : i32
      "tpu.region"() ({
        %run_scoped3A = tpu.sem_alloc : memref<!tpu.dma_semaphore, #tpu.memory_space<semaphore_mem>>
        %dma_start3A_54 = tpu.memref_slice %arg6[%add3A_35] : memref<320000xi32, #tpu.memory_space<hbm>> -> memref<80xi32, #tpu.memory_space<hbm>>
        %dma_start3A_55 = tpu.memref_slice %arg6[%add3A_35] : memref<320000xi32, #tpu.memory_space<hbm>> -> memref<80xi32, #tpu.memory_space<hbm>>
        tpu.enqueue_dma source(%dma_start3A_55 : memref<80xi32, #tpu.memory_space<hbm>>) target(%arg11 : memref<80xi32, #tpu.memory_space<vmem>>) target_semaphore(%run_scoped3A : memref<!tpu.dma_semaphore, #tpu.memory_space<semaphore_mem>>)
        %dma_wait3A_56 = tpu.memref_slice %arg6[%add3A_35] : memref<320000xi32, #tpu.memory_space<hbm>> -> memref<80xi32, #tpu.memory_space<hbm>>
        %dma_wait3A_57 = tpu.memref_slice %arg6[%add3A_35] : memref<320000xi32, #tpu.memory_space<hbm>> -> memref<80xi32, #tpu.memory_space<hbm>>
        tpu.wait_dma2 semaphore(%run_scoped3A : memref<!tpu.dma_semaphore, #tpu.memory_space<semaphore_mem>>) src(%dma_wait3A_57 : memref<80xi32, #tpu.memory_space<hbm>>) dst(%arg11 : memref<80xi32, #tpu.memory_space<vmem>>)
        tpu.yield
      }) : () -> ()
      "tpu.region"() ({
        %run_scoped3A = tpu.sem_alloc : memref<!tpu.dma_semaphore, #tpu.memory_space<semaphore_mem>>
        %dma_start3A_54 = tpu.memref_slice %arg4[%add3A_35] : memref<320000xi32, #tpu.memory_space<hbm>> -> memref<80xi32, #tpu.memory_space<hbm>>
        %dma_start3A_55 = tpu.memref_slice %arg4[%add3A_35] : memref<320000xi32, #tpu.memory_space<hbm>> -> memref<80xi32, #tpu.memory_space<hbm>>
        tpu.enqueue_dma source(%dma_start3A_55 : memref<80xi32, #tpu.memory_space<hbm>>) target(%arg10 : memref<80xi32, #tpu.memory_space<vmem>>) target_semaphore(%run_scoped3A : memref<!tpu.dma_semaphore, #tpu.memory_space<semaphore_mem>>)
        %dma_wait3A_56 = tpu.memref_slice %arg4[%add3A_35] : memref<320000xi32, #tpu.memory_space<hbm>> -> memref<80xi32, #tpu.memory_space<hbm>>
        %dma_wait3A_57 = tpu.memref_slice %arg4[%add3A_35] : memref<320000xi32, #tpu.memory_space<hbm>> -> memref<80xi32, #tpu.memory_space<hbm>>
        tpu.wait_dma2 semaphore(%run_scoped3A : memref<!tpu.dma_semaphore, #tpu.memory_space<semaphore_mem>>) src(%dma_wait3A_57 : memref<80xi32, #tpu.memory_space<hbm>>) dst(%arg10 : memref<80xi32, #tpu.memory_space<vmem>>)
        tpu.yield
      }) : () -> ()
      %dma_start3A = arith.constant 0 : i32
      %dma_start3A_36 = tpu.memref_slice %arg3[%add3A_35, %dma_start3A] : memref<320000x128xf32, #tpu.memory_space<hbm>> -> memref<80x128xf32, #tpu.memory_space<hbm>>
      %dma_start3A_37 = arith.constant 0 : i32
      %dma_start3A_38 = tpu.memref_slice %arg3[%add3A_35, %dma_start3A_37] : memref<320000x128xf32, #tpu.memory_space<hbm>> -> memref<80x128xf32, #tpu.memory_space<hbm>>
      tpu.enqueue_dma source(%dma_start3A_38 : memref<80x128xf32, #tpu.memory_space<hbm>>) target(%arg13 : memref<80x128xf32, #tpu.memory_space<vmem>>) target_semaphore(%arg17 : memref<!tpu.dma_semaphore, #tpu.memory_space<semaphore_mem>>)
      %dma_start3A_39 = arith.constant 0 : i32
      %dma_start3A_40 = arith.constant 0 : i32
      %dma_start3A_41 = tpu.memref_slice %arg2[%dma_start3A_39, %dma_start3A_40] : memref<10000x128xf32, #tpu.memory_space<hbm>> -> memref<10000x128xf32, #tpu.memory_space<hbm>>
      tpu.enqueue_indirect_dma source(%dma_start3A_41 : memref<10000x128xf32, #tpu.memory_space<hbm>>) target(%arg12 : memref<80x128xf32, #tpu.memory_space<vmem>>) offsets(%arg10 : memref<80xi32, #tpu.memory_space<vmem>>) semaphore(%arg16 : memref<!tpu.dma_semaphore, #tpu.memory_space<semaphore_mem>>)
      %dma_wait3A = arith.constant 0 : i32
      %dma_wait3A_42 = arith.constant 0 : i32
      %dma_wait3A_43 = tpu.memref_slice %arg2[%dma_wait3A, %dma_wait3A_42] : memref<10000x128xf32, #tpu.memory_space<hbm>> -> memref<10000x128xf32, #tpu.memory_space<hbm>>
      tpu.wait_indirect_dma semaphore(%arg16 : memref<!tpu.dma_semaphore, #tpu.memory_space<semaphore_mem>>) src(%dma_wait3A_43 : memref<10000x128xf32, #tpu.memory_space<hbm>>) dst(%arg12 : memref<80x128xf32, #tpu.memory_space<vmem>>)
      %dma_wait3A_44 = arith.constant 0 : i32
      %dma_wait3A_45 = tpu.memref_slice %arg3[%add3A_35, %dma_wait3A_44] : memref<320000x128xf32, #tpu.memory_space<hbm>> -> memref<80x128xf32, #tpu.memory_space<hbm>>
      %dma_wait3A_46 = arith.constant 0 : i32
      %dma_wait3A_47 = tpu.memref_slice %arg3[%add3A_35, %dma_wait3A_46] : memref<320000x128xf32, #tpu.memory_space<hbm>> -> memref<80x128xf32, #tpu.memory_space<hbm>>
      tpu.wait_dma2 semaphore(%arg17 : memref<!tpu.dma_semaphore, #tpu.memory_space<semaphore_mem>>) src(%dma_wait3A_47 : memref<80x128xf32, #tpu.memory_space<hbm>>) dst(%arg13 : memref<80x128xf32, #tpu.memory_space<vmem>>)
      %scan3A_48 = arith.constant 0 : i32
      %scan3A_49 = arith.constant 0 : i32
      %scan3A_50 = arith.constant 80 : i32
      %scan3A_51 = arith.addi %scan3A_49, %scan3A_50 : i32
      %scan3A_52 = arith.constant 1 : i32
      scf.for %scan3A_54 = %scan3A_49 to %scan3A_51 step %scan3A_52  : i32 {
        %get3A = arith.index_cast %scan3A_54 : i32 to index
        %get3A_55 = arith.constant 0 : index
        %get3A_56 = tpu.vector_load %arg12[%get3A, %get3A_55] {strides = array<i32>} : memref<80x128xf32, #tpu.memory_space<vmem>>, vector<1x16xf32>,
        %get3A_57 = vector.shape_cast %get3A_56 : vector<1x16xf32> to vector<16xf32>
        %get3A_58 = arith.index_cast %scan3A_54 : i32 to index
        %get3A_59 = arith.constant 0 : index
        %get3A_60 = tpu.vector_load %arg13[%get3A_58, %get3A_59] {strides = array<i32>} : memref<80x128xf32, #tpu.memory_space<vmem>>, vector<1x16xf32>,
        %get3A_61 = vector.shape_cast %get3A_60 : vector<1x16xf32> to vector<16xf32>
        %add3A_62 = arith.addf %get3A_57, %get3A_61 : vector<16xf32>
        %get3A_63 = arith.constant 0 : i32
        %get3A_64 = arith.index_cast %get3A_63 : i32 to index
        %get3A_65 = arith.constant 0 : index
        %get3A_66 = tpu.vector_load %arg14[%get3A_64, %get3A_65] {strides = array<i32>} : memref<1x128xf32, #tpu.memory_space<vmem>>, vector<1x16xf32>,
        %get3A_67 = vector.shape_cast %get3A_66 : vector<1x16xf32> to vector<16xf32>
        %add3A_68 = arith.addf %add3A_62, %get3A_67 : vector<16xf32>
        %max3A = arith.constant 0.000000e+00 : f32
        %max3A_69 = vector.broadcast %max3A : f32 to vector<16xf32>
        %max3A_70 = arith.maximumf %add3A_68, %max3A_69 : vector<16xf32>
        %swap3A = arith.index_cast %scan3A_54 : i32 to index
        %swap3A_71 = arith.constant 0 : index
        %swap3A_72 = tpu.vector_load %arg12[%swap3A, %swap3A_71] {strides = array<i32>} : memref<80x128xf32, #tpu.memory_space<vmem>>, vector<1x16xf32>,
        %swap3A_73 = vector.shape_cast %swap3A_72 : vector<1x16xf32> to vector<16xf32>
        %swap3A_74 = vector.shape_cast %max3A_70 : vector<16xf32> to vector<1x16xf32>
        tpu.vector_store %arg12[%swap3A, %swap3A_71], %swap3A_74 {strides = array<i32>} : memref<80x128xf32, #tpu.memory_space<vmem>>, vector<1x16xf32>,
        %get3A_75 = arith.index_cast %scan3A_54 : i32 to index
        %get3A_76 = arith.constant 16 : index
        %get3A_77 = tpu.vector_load %arg12[%get3A_75, %get3A_76] {strides = array<i32>} : memref<80x128xf32, #tpu.memory_space<vmem>>, vector<1x16xf32>,
        %get3A_78 = vector.shape_cast %get3A_77 : vector<1x16xf32> to vector<16xf32>
        %get3A_79 = arith.index_cast %scan3A_54 : i32 to index
        %get3A_80 = arith.constant 16 : index
        %get3A_81 = tpu.vector_load %arg13[%get3A_79, %get3A_80] {strides = array<i32>} : memref<80x128xf32, #tpu.memory_space<vmem>>, vector<1x16xf32>,
        %get3A_82 = vector.shape_cast %get3A_81 : vector<1x16xf32> to vector<16xf32>
        %add3A_83 = arith.addf %get3A_78, %get3A_82 : vector<16xf32>
        %get3A_84 = arith.constant 0 : i32
        %get3A_85 = arith.index_cast %get3A_84 : i32 to index
        %get3A_86 = arith.constant 16 : index
        %get3A_87 = tpu.vector_load %arg14[%get3A_85, %get3A_86] {strides = array<i32>} : memref<1x128xf32, #tpu.memory_space<vmem>>, vector<1x16xf32>,
        %get3A_88 = vector.shape_cast %get3A_87 : vector<1x16xf32> to vector<16xf32>
        %add3A_89 = arith.addf %add3A_83, %get3A_88 : vector<16xf32>
        %max3A_90 = arith.constant 0.000000e+00 : f32
        %max3A_91 = vector.broadcast %max3A_90 : f32 to vector<16xf32>
        %max3A_92 = arith.maximumf %add3A_89, %max3A_91 : vector<16xf32>
        %swap3A_93 = arith.index_cast %scan3A_54 : i32 to index
        %swap3A_94 = arith.constant 16 : index
        %swap3A_95 = tpu.vector_load %arg12[%swap3A_93, %swap3A_94] {strides = array<i32>} : memref<80x128xf32, #tpu.memory_space<vmem>>, vector<1x16xf32>,
        %swap3A_96 = vector.shape_cast %swap3A_95 : vector<1x16xf32> to vector<16xf32>
        %swap3A_97 = vector.shape_cast %max3A_92 : vector<16xf32> to vector<1x16xf32>
        tpu.vector_store %arg12[%swap3A_93, %swap3A_94], %swap3A_97 {strides = array<i32>} : memref<80x128xf32, #tpu.memory_space<vmem>>, vector<1x16xf32>,
        %get3A_98 = arith.index_cast %scan3A_54 : i32 to index
        %get3A_99 = arith.constant 32 : index
        %get3A_100 = tpu.vector_load %arg12[%get3A_98, %get3A_99] {strides = array<i32>} : memref<80x128xf32, #tpu.memory_space<vmem>>, vector<1x16xf32>,
        %get3A_101 = vector.shape_cast %get3A_100 : vector<1x16xf32> to vector<16xf32>
        %get3A_102 = arith.index_cast %scan3A_54 : i32 to index
        %get3A_103 = arith.constant 32 : index
        %get3A_104 = tpu.vector_load %arg13[%get3A_102, %get3A_103] {strides = array<i32>} : memref<80x128xf32, #tpu.memory_space<vmem>>, vector<1x16xf32>,
        %get3A_105 = vector.shape_cast %get3A_104 : vector<1x16xf32> to vector<16xf32>
        %add3A_106 = arith.addf %get3A_101, %get3A_105 : vector<16xf32>
        %get3A_107 = arith.constant 0 : i32
        %get3A_108 = arith.index_cast %get3A_107 : i32 to index
        %get3A_109 = arith.constant 32 : index
        %get3A_110 = tpu.vector_load %arg14[%get3A_108, %get3A_109] {strides = array<i32>} : memref<1x128xf32, #tpu.memory_space<vmem>>, vector<1x16xf32>,
        %get3A_111 = vector.shape_cast %get3A_110 : vector<1x16xf32> to vector<16xf32>
        %add3A_112 = arith.addf %add3A_106, %get3A_111 : vector<16xf32>
        %max3A_113 = arith.constant 0.000000e+00 : f32
        %max3A_114 = vector.broadcast %max3A_113 : f32 to vector<16xf32>
        %max3A_115 = arith.maximumf %add3A_112, %max3A_114 : vector<16xf32>
        %swap3A_116 = arith.index_cast %scan3A_54 : i32 to index
        %swap3A_117 = arith.constant 32 : index
        %swap3A_118 = tpu.vector_load %arg12[%swap3A_116, %swap3A_117] {strides = array<i32>} : memref<80x128xf32, #tpu.memory_space<vmem>>, vector<1x16xf32>,
        %swap3A_119 = vector.shape_cast %swap3A_118 : vector<1x16xf32> to vector<16xf32>
        %swap3A_120 = vector.shape_cast %max3A_115 : vector<16xf32> to vector<1x16xf32>
        tpu.vector_store %arg12[%swap3A_116, %swap3A_117], %swap3A_120 {strides = array<i32>} : memref<80x128xf32, #tpu.memory_space<vmem>>, vector<1x16xf32>,
        %get3A_121 = arith.index_cast %scan3A_54 : i32 to index
        %get3A_122 = arith.constant 48 : index
        %get3A_123 = tpu.vector_load %arg12[%get3A_121, %get3A_122] {strides = array<i32>} : memref<80x128xf32, #tpu.memory_space<vmem>>, vector<1x16xf32>,
        %get3A_124 = vector.shape_cast %get3A_123 : vector<1x16xf32> to vector<16xf32>
        %get3A_125 = arith.index_cast %scan3A_54 : i32 to index
        %get3A_126 = arith.constant 48 : index
        %get3A_127 = tpu.vector_load %arg13[%get3A_125, %get3A_126] {strides = array<i32>} : memref<80x128xf32, #tpu.memory_space<vmem>>, vector<1x16xf32>,
        %get3A_128 = vector.shape_cast %get3A_127 : vector<1x16xf32> to vector<16xf32>
        %add3A_129 = arith.addf %get3A_124, %get3A_128 : vector<16xf32>
        %get3A_130 = arith.constant 0 : i32
        %get3A_131 = arith.index_cast %get3A_130 : i32 to index
        %get3A_132 = arith.constant 48 : index
        %get3A_133 = tpu.vector_load %arg14[%get3A_131, %get3A_132] {strides = array<i32>} : memref<1x128xf32, #tpu.memory_space<vmem>>, vector<1x16xf32>,
        %get3A_134 = vector.shape_cast %get3A_133 : vector<1x16xf32> to vector<16xf32>
        %add3A_135 = arith.addf %add3A_129, %get3A_134 : vector<16xf32>
        %max3A_136 = arith.constant 0.000000e+00 : f32
        %max3A_137 = vector.broadcast %max3A_136 : f32 to vector<16xf32>
        %max3A_138 = arith.maximumf %add3A_135, %max3A_137 : vector<16xf32>
        %swap3A_139 = arith.index_cast %scan3A_54 : i32 to index
        %swap3A_140 = arith.constant 48 : index
        %swap3A_141 = tpu.vector_load %arg12[%swap3A_139, %swap3A_140] {strides = array<i32>} : memref<80x128xf32, #tpu.memory_space<vmem>>, vector<1x16xf32>,
        %swap3A_142 = vector.shape_cast %swap3A_141 : vector<1x16xf32> to vector<16xf32>
        %swap3A_143 = vector.shape_cast %max3A_138 : vector<16xf32> to vector<1x16xf32>
        tpu.vector_store %arg12[%swap3A_139, %swap3A_140], %swap3A_143 {strides = array<i32>} : memref<80x128xf32, #tpu.memory_space<vmem>>, vector<1x16xf32>,
        %get3A_144 = arith.index_cast %scan3A_54 : i32 to index
        %get3A_145 = arith.constant 64 : index
        %get3A_146 = tpu.vector_load %arg12[%get3A_144, %get3A_145] {strides = array<i32>} : memref<80x128xf32, #tpu.memory_space<vmem>>, vector<1x16xf32>,
        %get3A_147 = vector.shape_cast %get3A_146 : vector<1x16xf32> to vector<16xf32>
        %get3A_148 = arith.index_cast %scan3A_54 : i32 to index
        %get3A_149 = arith.constant 64 : index
        %get3A_150 = tpu.vector_load %arg13[%get3A_148, %get3A_149] {strides = array<i32>} : memref<80x128xf32, #tpu.memory_space<vmem>>, vector<1x16xf32>,
        %get3A_151 = vector.shape_cast %get3A_150 : vector<1x16xf32> to vector<16xf32>
        %add3A_152 = arith.addf %get3A_147, %get3A_151 : vector<16xf32>
        %get3A_153 = arith.constant 0 : i32
        %get3A_154 = arith.index_cast %get3A_153 : i32 to index
        %get3A_155 = arith.constant 64 : index
        %get3A_156 = tpu.vector_load %arg14[%get3A_154, %get3A_155] {strides = array<i32>} : memref<1x128xf32, #tpu.memory_space<vmem>>, vector<1x16xf32>,
        %get3A_157 = vector.shape_cast %get3A_156 : vector<1x16xf32> to vector<16xf32>
        %add3A_158 = arith.addf %add3A_152, %get3A_157 : vector<16xf32>
        %max3A_159 = arith.constant 0.000000e+00 : f32
        %max3A_160 = vector.broadcast %max3A_159 : f32 to vector<16xf32>
        %max3A_161 = arith.maximumf %add3A_158, %max3A_160 : vector<16xf32>
        %swap3A_162 = arith.index_cast %scan3A_54 : i32 to index
        %swap3A_163 = arith.constant 64 : index
        %swap3A_164 = tpu.vector_load %arg12[%swap3A_162, %swap3A_163] {strides = array<i32>} : memref<80x128xf32, #tpu.memory_space<vmem>>, vector<1x16xf32>,
        %swap3A_165 = vector.shape_cast %swap3A_164 : vector<1x16xf32> to vector<16xf32>
        %swap3A_166 = vector.shape_cast %max3A_161 : vector<16xf32> to vector<1x16xf32>
        tpu.vector_store %arg12[%swap3A_162, %swap3A_163], %swap3A_166 {strides = array<i32>} : memref<80x128xf32, #tpu.memory_space<vmem>>, vector<1x16xf32>,
        %get3A_167 = arith.index_cast %scan3A_54 : i32 to index
        %get3A_168 = arith.constant 80 : index
        %get3A_169 = tpu.vector_load %arg12[%get3A_167, %get3A_168] {strides = array<i32>} : memref<80x128xf32, #tpu.memory_space<vmem>>, vector<1x16xf32>,
        %get3A_170 = vector.shape_cast %get3A_169 : vector<1x16xf32> to vector<16xf32>
        %get3A_171 = arith.index_cast %scan3A_54 : i32 to index
        %get3A_172 = arith.constant 80 : index
        %get3A_173 = tpu.vector_load %arg13[%get3A_171, %get3A_172] {strides = array<i32>} : memref<80x128xf32, #tpu.memory_space<vmem>>, vector<1x16xf32>,
        %get3A_174 = vector.shape_cast %get3A_173 : vector<1x16xf32> to vector<16xf32>
        %add3A_175 = arith.addf %get3A_170, %get3A_174 : vector<16xf32>
        %get3A_176 = arith.constant 0 : i32
        %get3A_177 = arith.index_cast %get3A_176 : i32 to index
        %get3A_178 = arith.constant 80 : index
        %get3A_179 = tpu.vector_load %arg14[%get3A_177, %get3A_178] {strides = array<i32>} : memref<1x128xf32, #tpu.memory_space<vmem>>, vector<1x16xf32>,
        %get3A_180 = vector.shape_cast %get3A_179 : vector<1x16xf32> to vector<16xf32>
        %add3A_181 = arith.addf %add3A_175, %get3A_180 : vector<16xf32>
        %max3A_182 = arith.constant 0.000000e+00 : f32
        %max3A_183 = vector.broadcast %max3A_182 : f32 to vector<16xf32>
        %max3A_184 = arith.maximumf %add3A_181, %max3A_183 : vector<16xf32>
        %swap3A_185 = arith.index_cast %scan3A_54 : i32 to index
        %swap3A_186 = arith.constant 80 : index
        %swap3A_187 = tpu.vector_load %arg12[%swap3A_185, %swap3A_186] {strides = array<i32>} : memref<80x128xf32, #tpu.memory_space<vmem>>, vector<1x16xf32>,
        %swap3A_188 = vector.shape_cast %swap3A_187 : vector<1x16xf32> to vector<16xf32>
        %swap3A_189 = vector.shape_cast %max3A_184 : vector<16xf32> to vector<1x16xf32>
        tpu.vector_store %arg12[%swap3A_185, %swap3A_186], %swap3A_189 {strides = array<i32>} : memref<80x128xf32, #tpu.memory_space<vmem>>, vector<1x16xf32>,
        %get3A_190 = arith.index_cast %scan3A_54 : i32 to index
        %get3A_191 = arith.constant 96 : index
        %get3A_192 = tpu.vector_load %arg12[%get3A_190, %get3A_191] {strides = array<i32>} : memref<80x128xf32, #tpu.memory_space<vmem>>, vector<1x16xf32>,
        %get3A_193 = vector.shape_cast %get3A_192 : vector<1x16xf32> to vector<16xf32>
        %get3A_194 = arith.index_cast %scan3A_54 : i32 to index
        %get3A_195 = arith.constant 96 : index
        %get3A_196 = tpu.vector_load %arg13[%get3A_194, %get3A_195] {strides = array<i32>} : memref<80x128xf32, #tpu.memory_space<vmem>>, vector<1x16xf32>,
        %get3A_197 = vector.shape_cast %get3A_196 : vector<1x16xf32> to vector<16xf32>
        %add3A_198 = arith.addf %get3A_193, %get3A_197 : vector<16xf32>
        %get3A_199 = arith.constant 0 : i32
        %get3A_200 = arith.index_cast %get3A_199 : i32 to index
        %get3A_201 = arith.constant 96 : index
        %get3A_202 = tpu.vector_load %arg14[%get3A_200, %get3A_201] {strides = array<i32>} : memref<1x128xf32, #tpu.memory_space<vmem>>, vector<1x16xf32>,
        %get3A_203 = vector.shape_cast %get3A_202 : vector<1x16xf32> to vector<16xf32>
        %add3A_204 = arith.addf %add3A_198, %get3A_203 : vector<16xf32>
        %max3A_205 = arith.constant 0.000000e+00 : f32
        %max3A_206 = vector.broadcast %max3A_205 : f32 to vector<16xf32>
        %max3A_207 = arith.maximumf %add3A_204, %max3A_206 : vector<16xf32>
        %swap3A_208 = arith.index_cast %scan3A_54 : i32 to index
        %swap3A_209 = arith.constant 96 : index
        %swap3A_210 = tpu.vector_load %arg12[%swap3A_208, %swap3A_209] {strides = array<i32>} : memref<80x128xf32, #tpu.memory_space<vmem>>, vector<1x16xf32>,
        %swap3A_211 = vector.shape_cast %swap3A_210 : vector<1x16xf32> to vector<16xf32>
        %swap3A_212 = vector.shape_cast %max3A_207 : vector<16xf32> to vector<1x16xf32>
        tpu.vector_store %arg12[%swap3A_208, %swap3A_209], %swap3A_212 {strides = array<i32>} : memref<80x128xf32, #tpu.memory_space<vmem>>, vector<1x16xf32>,
        %get3A_213 = arith.index_cast %scan3A_54 : i32 to index
        %get3A_214 = arith.constant 112 : index
        %get3A_215 = tpu.vector_load %arg12[%get3A_213, %get3A_214] {strides = array<i32>} : memref<80x128xf32, #tpu.memory_space<vmem>>, vector<1x16xf32>,
        %get3A_216 = vector.shape_cast %get3A_215 : vector<1x16xf32> to vector<16xf32>
        %get3A_217 = arith.index_cast %scan3A_54 : i32 to index
        %get3A_218 = arith.constant 112 : index
        %get3A_219 = tpu.vector_load %arg13[%get3A_217, %get3A_218] {strides = array<i32>} : memref<80x128xf32, #tpu.memory_space<vmem>>, vector<1x16xf32>,
        %get3A_220 = vector.shape_cast %get3A_219 : vector<1x16xf32> to vector<16xf32>
        %add3A_221 = arith.addf %get3A_216, %get3A_220 : vector<16xf32>
        %get3A_222 = arith.constant 0 : i32
        %get3A_223 = arith.index_cast %get3A_222 : i32 to index
        %get3A_224 = arith.constant 112 : index
        %get3A_225 = tpu.vector_load %arg14[%get3A_223, %get3A_224] {strides = array<i32>} : memref<1x128xf32, #tpu.memory_space<vmem>>, vector<1x16xf32>,
        %get3A_226 = vector.shape_cast %get3A_225 : vector<1x16xf32> to vector<16xf32>
        %add3A_227 = arith.addf %add3A_221, %get3A_226 : vector<16xf32>
        %max3A_228 = arith.constant 0.000000e+00 : f32
        %max3A_229 = vector.broadcast %max3A_228 : f32 to vector<16xf32>
        %max3A_230 = arith.maximumf %add3A_227, %max3A_229 : vector<16xf32>
        %swap3A_231 = arith.index_cast %scan3A_54 : i32 to index
        %swap3A_232 = arith.constant 112 : index
        %swap3A_233 = tpu.vector_load %arg12[%swap3A_231, %swap3A_232] {strides = array<i32>} : memref<80x128xf32, #tpu.memory_space<vmem>>, vector<1x16xf32>,
        %swap3A_234 = vector.shape_cast %swap3A_233 : vector<1x16xf32> to vector<16xf32>
        %swap3A_235 = vector.shape_cast %max3A_230 : vector<16xf32> to vector<1x16xf32>
        tpu.vector_store %arg12[%swap3A_231, %swap3A_232], %swap3A_235 {strides = array<i32>} : memref<80x128xf32, #tpu.memory_space<vmem>>, vector<1x16xf32>,
      }
      %scan3A_53 = arith.constant 80 : i32
      "tpu.region"() ({
        %run_scoped3A = tpu.sem_alloc : memref<!tpu.dma_semaphore, #tpu.memory_space<semaphore_mem>>
        %dma_start3A_54 = arith.constant 0 : i32
        %dma_start3A_55 = arith.constant 0 : i32
        %dma_start3A_56 = tpu.memref_slice %arg15[%dma_start3A_54, %dma_start3A_55] : memref<10008x128xf32, #tpu.memory_space<vmem_shared>> -> memref<10008x128xf32, #tpu.memory_space<vmem_shared>>
        tpu.enqueue_indirect_dma source(%arg12 : memref<80x128xf32, #tpu.memory_space<vmem>>) target(%dma_start3A_56 : memref<10008x128xf32, #tpu.memory_space<vmem_shared>>) offsets(%arg11 : memref<80xi32, #tpu.memory_space<vmem>>) semaphore(%run_scoped3A : memref<!tpu.dma_semaphore, #tpu.memory_space<semaphore_mem>>) {add = true}
        %dma_wait3A_57 = arith.constant 0 : i32
        %dma_wait3A_58 = arith.constant 0 : i32
        %dma_wait3A_59 = tpu.memref_slice %arg15[%dma_wait3A_57, %dma_wait3A_58] : memref<10008x128xf32, #tpu.memory_space<vmem_shared>> -> memref<10008x128xf32, #tpu.memory_space<vmem_shared>>
        tpu.wait_indirect_dma semaphore(%run_scoped3A : memref<!tpu.dma_semaphore, #tpu.memory_space<semaphore_mem>>) src(%arg12 : memref<80x128xf32, #tpu.memory_space<vmem>>) dst(%dma_wait3A_59 : memref<10008x128xf32, #tpu.memory_space<vmem_shared>>)
        tpu.yield
      }) : () -> ()
    }
    %scan3A_18 = arith.constant 13 : i32
    %barrier3A_19 = arith.constant 0 : index
    tpu.barrier barrier_id(%barrier3A_19)
    %lt3A_20 = arith.constant 15 : i32
    %lt3A_21 = arith.cmpi slt, %arg1, %lt3A_20 : i32
    %convert_element_type3A_22 = arith.extui %lt3A_21 : i1 to i32
    %cond3A_23 = arith.constant 0 : i32
    %cond3A_24 = arith.cmpi ne, %convert_element_type3A_22, %cond3A_23 : i32
    scf.if %cond3A_24 {
      %mul3A_30 = arith.constant 632 : i32
      %mul3A_31 = arith.muli %arg1, %mul3A_30 : i32
      %mul3A_32 = arith.constant 632 : i32
      %mul3A_33 = arith.muli %arg1, %mul3A_32 : i32
      "tpu.region"() ({
        %run_scoped3A = tpu.sem_alloc : memref<!tpu.dma_semaphore, #tpu.memory_space<semaphore_mem>>
        %dma_start3A = arith.constant 0 : i32
        %dma_start3A_34 = arith.constant 0 : i32
        %dma_start3A_35 = tpu.memref_slice %arg9[%arg0, %dma_start3A, %dma_start3A_34] : memref<2x10000x128xf32, #tpu.memory_space<hbm>> -> memref<1x10000x128xf32, #tpu.memory_space<hbm>>
        %dma_start3A_36 = tpu.memref_squeeze %dma_start3A_35 : memref<1x10000x128xf32, #tpu.memory_space<hbm>> -> memref<10000x128xf32, #tpu.memory_space<hbm>>
        %dma_start3A_37 = arith.constant 0 : i32
        %dma_start3A_38 = tpu.memref_slice %dma_start3A_36[%mul3A_33, %dma_start3A_37] : memref<10000x128xf32, #tpu.memory_space<hbm>> -> memref<632x128xf32, #tpu.memory_space<hbm>>
        %dma_start3A_39 = arith.constant 0 : i32
        %dma_start3A_40 = tpu.memref_slice %arg15[%mul3A_31, %dma_start3A_39] : memref<10008x128xf32, #tpu.memory_space<vmem_shared>> -> memref<632x128xf32, #tpu.memory_space<vmem_shared>>
        tpu.enqueue_dma source(%dma_start3A_40 : memref<632x128xf32, #tpu.memory_space<vmem_shared>>) target(%dma_start3A_38 : memref<632x128xf32, #tpu.memory_space<hbm>>) target_semaphore(%run_scoped3A : memref<!tpu.dma_semaphore, #tpu.memory_space<semaphore_mem>>)
        %dma_wait3A = arith.constant 0 : i32
        %dma_wait3A_41 = arith.constant 0 : i32
        %dma_wait3A_42 = tpu.memref_slice %arg9[%arg0, %dma_wait3A, %dma_wait3A_41] : memref<2x10000x128xf32, #tpu.memory_space<hbm>> -> memref<1x10000x128xf32, #tpu.memory_space<hbm>>
        %dma_wait3A_43 = tpu.memref_squeeze %dma_wait3A_42 : memref<1x10000x128xf32, #tpu.memory_space<hbm>> -> memref<10000x128xf32, #tpu.memory_space<hbm>>
        %dma_wait3A_44 = arith.constant 0 : i32
        %dma_wait3A_45 = tpu.memref_slice %dma_wait3A_43[%mul3A_33, %dma_wait3A_44] : memref<10000x128xf32, #tpu.memory_space<hbm>> -> memref<632x128xf32, #tpu.memory_space<hbm>>
        %dma_wait3A_46 = arith.constant 0 : i32
        %dma_wait3A_47 = tpu.memref_slice %arg15[%mul3A_31, %dma_wait3A_46] : memref<10008x128xf32, #tpu.memory_space<vmem_shared>> -> memref<632x128xf32, #tpu.memory_space<vmem_shared>>
        tpu.wait_dma2 semaphore(%run_scoped3A : memref<!tpu.dma_semaphore, #tpu.memory_space<semaphore_mem>>) src(%dma_wait3A_47 : memref<632x128xf32, #tpu.memory_space<vmem_shared>>) dst(%dma_wait3A_45 : memref<632x128xf32, #tpu.memory_space<hbm>>)
        tpu.yield
      }) : () -> ()
    } else {
    }
    %eq3A_25 = arith.constant 15 : i32
    %eq3A_26 = arith.cmpi eq, %arg1, %eq3A_25 : i32
    %convert_element_type3A_27 = arith.extui %eq3A_26 : i1 to i32
    %cond3A_28 = arith.constant 0 : i32
    %cond3A_29 = arith.cmpi ne, %convert_element_type3A_27, %cond3A_28 : i32
    scf.if %cond3A_29 {
      "tpu.region"() ({
        %run_scoped3A = tpu.sem_alloc : memref<!tpu.dma_semaphore, #tpu.memory_space<semaphore_mem>>
        %dma_start3A = arith.constant 0 : i32
        %dma_start3A_30 = arith.constant 0 : i32
        %dma_start3A_31 = tpu.memref_slice %arg9[%arg0, %dma_start3A, %dma_start3A_30] : memref<2x10000x128xf32, #tpu.memory_space<hbm>> -> memref<1x10000x128xf32, #tpu.memory_space<hbm>>
        %dma_start3A_32 = tpu.memref_squeeze %dma_start3A_31 : memref<1x10000x128xf32, #tpu.memory_space<hbm>> -> memref<10000x128xf32, #tpu.memory_space<hbm>>
        %dma_start3A_33 = arith.constant 9480 : i32
        %dma_start3A_34 = arith.constant 0 : i32
        %dma_start3A_35 = tpu.memref_slice %dma_start3A_32[%dma_start3A_33, %dma_start3A_34] : memref<10000x128xf32, #tpu.memory_space<hbm>> -> memref<520x128xf32, #tpu.memory_space<hbm>>
        %dma_start3A_36 = arith.constant 9480 : i32
        %dma_start3A_37 = arith.constant 0 : i32
        %dma_start3A_38 = tpu.memref_slice %arg15[%dma_start3A_36, %dma_start3A_37] : memref<10008x128xf32, #tpu.memory_space<vmem_shared>> -> memref<520x128xf32, #tpu.memory_space<vmem_shared>>
        tpu.enqueue_dma source(%dma_start3A_38 : memref<520x128xf32, #tpu.memory_space<vmem_shared>>) target(%dma_start3A_35 : memref<520x128xf32, #tpu.memory_space<hbm>>) target_semaphore(%run_scoped3A : memref<!tpu.dma_semaphore, #tpu.memory_space<semaphore_mem>>)
        %dma_wait3A = arith.constant 0 : i32
        %dma_wait3A_39 = arith.constant 0 : i32
        %dma_wait3A_40 = tpu.memref_slice %arg9[%arg0, %dma_wait3A, %dma_wait3A_39] : memref<2x10000x128xf32, #tpu.memory_space<hbm>> -> memref<1x10000x128xf32, #tpu.memory_space<hbm>>
        %dma_wait3A_41 = tpu.memref_squeeze %dma_wait3A_40 : memref<1x10000x128xf32, #tpu.memory_space<hbm>> -> memref<10000x128xf32, #tpu.memory_space<hbm>>
        %dma_wait3A_42 = arith.constant 9480 : i32
        %dma_wait3A_43 = arith.constant 0 : i32
        %dma_wait3A_44 = tpu.memref_slice %dma_wait3A_41[%dma_wait3A_42, %dma_wait3A_43] : memref<10000x128xf32, #tpu.memory_space<hbm>> -> memref<520x128xf32, #tpu.memory_space<hbm>>
        %dma_wait3A_45 = arith.constant 9480 : i32
        %dma_wait3A_46 = arith.constant 0 : i32
        %dma_wait3A_47 = tpu.memref_slice %arg15[%dma_wait3A_45, %dma_wait3A_46] : memref<10008x128xf32, #tpu.memory_space<vmem_shared>> -> memref<520x128xf32, #tpu.memory_space<vmem_shared>>
        tpu.wait_dma2 semaphore(%run_scoped3A : memref<!tpu.dma_semaphore, #tpu.memory_space<semaphore_mem>>) src(%dma_wait3A_47 : memref<520x128xf32, #tpu.memory_space<vmem_shared>>) dst(%dma_wait3A_44 : memref<520x128xf32, #tpu.memory_space<hbm>>)
        tpu.yield
      }) : () -> ()
    } else {
    }
    return
  }
}

#map = affine_map<(d0, d1) -> (0, 0)>
#map1 = affine_map<(d0, d1) -> (0)>
#map2 = affine_map<(d0, d1) -> (0, 0, 0)>
module attributes {stable_mosaic.version = 14 : i64} {
  func.func @_edge_pass_body(%arg0: i32, %arg1: i32, %arg2: memref<10000x128xf32, #tpu.memory_space<hbm>>, %arg3: memref<320000x128xf32, #tpu.memory_space<hbm>>, %arg4: memref<320000xi32, #tpu.memory_space<hbm>>, %arg5: memref<320000xi32, #tpu.memory_space<hbm>>, %arg6: memref<320000xi32, #tpu.memory_space<hbm>>, %arg7: memref<1x128xf32, #tpu.memory_space<hbm>>, %arg8: memref<632x128xf32, #tpu.memory_space<hbm>>, %arg9: memref<2x10000x128xf32, #tpu.memory_space<hbm>>, %arg10: memref<80xi32, #tpu.memory_space<vmem>>, %arg11: memref<80xi32, #tpu.memory_space<vmem>>, %arg12: memref<80x128xf32, #tpu.memory_space<vmem>>, %arg13: memref<80x128xf32, #tpu.memory_space<vmem>>, %arg14: memref<1x128xf32, #tpu.memory_space<vmem>>, %arg15: memref<10008x128xf32, #tpu.memory_space<vmem_shared>>, %arg16: memref<!tpu.dma_semaphore, #tpu.memory_space<semaphore_mem>>, %arg17: memref<!tpu.dma_semaphore, #tpu.memory_space<semaphore_mem>>) attributes {dimension_semantics = [#tpu.dimension_semantics<core_parallel>, #tpu.dimension_semantics<subcore_parallel>], iteration_bounds = array<i64: 2, 16>, scalar_prefetch = 0 : i64, scratch_operands = 8 : i64, tpu.core_type = #tpu.core_type<sc_vector_subcore>, window_params = [{transform_indices = #map}, {transform_indices = #map}, {transform_indices = #map1}, {transform_indices = #map1}, {transform_indices = #map1}, {transform_indices = #map}, {transform_indices = #map}, {transform_indices = #map2}]} {
    %mul3A = arith.constant 16 : i32
    %mul3A_0 = arith.muli %arg0, %mul3A : i32
    %add3A = arith.addi %mul3A_0, %arg1 : i32
    %lt3A = arith.constant 15 : i32
    %lt3A_1 = arith.cmpi slt, %arg1, %lt3A : i32
    %convert_element_type3A = arith.extui %lt3A_1 : i1 to i32
    %cond3A = arith.constant 0 : i32
    %cond3A_2 = arith.cmpi ne, %convert_element_type3A, %cond3A : i32
    scf.if %cond3A_2 {
      %mul3A_30 = arith.constant 632 : i32
      %mul3A_31 = arith.muli %arg1, %mul3A_30 : i32
      "tpu.region"() ({
        %run_scoped3A = tpu.sem_alloc : memref<!tpu.dma_semaphore, #tpu.memory_space<semaphore_mem>>
        %dma_start3A = arith.constant 0 : i32
        %dma_start3A_32 = tpu.memref_slice %arg15[%mul3A_31, %dma_start3A] : memref<10008x128xf32, #tpu.memory_space<vmem_shared>> -> memref<632x128xf32, #tpu.memory_space<vmem_shared>>
        tpu.enqueue_dma source(%arg8 : memref<632x128xf32, #tpu.memory_space<hbm>>) target(%dma_start3A_32 : memref<632x128xf32, #tpu.memory_space<vmem_shared>>) target_semaphore(%run_scoped3A : memref<!tpu.dma_semaphore, #tpu.memory_space<semaphore_mem>>)
        %dma_wait3A = arith.constant 0 : i32
        %dma_wait3A_33 = tpu.memref_slice %arg15[%mul3A_31, %dma_wait3A] : memref<10008x128xf32, #tpu.memory_space<vmem_shared>> -> memref<632x128xf32, #tpu.memory_space<vmem_shared>>
        tpu.wait_dma2 semaphore(%run_scoped3A : memref<!tpu.dma_semaphore, #tpu.memory_space<semaphore_mem>>) src(%arg8 : memref<632x128xf32, #tpu.memory_space<hbm>>) dst(%dma_wait3A_33 : memref<632x128xf32, #tpu.memory_space<vmem_shared>>)
        tpu.yield
      }) : () -> ()
    } else {
    }
    %eq3A = arith.constant 15 : i32
    %eq3A_3 = arith.cmpi eq, %arg1, %eq3A : i32
    %convert_element_type3A_4 = arith.extui %eq3A_3 : i1 to i32
    %cond3A_5 = arith.constant 0 : i32
    %cond3A_6 = arith.cmpi ne, %convert_element_type3A_4, %cond3A_5 : i32
    scf.if %cond3A_6 {
      "tpu.region"() ({
        %run_scoped3A = tpu.sem_alloc : memref<!tpu.dma_semaphore, #tpu.memory_space<semaphore_mem>>
        %dma_start3A = arith.constant 9480 : i32
        %dma_start3A_30 = arith.constant 0 : i32
        %dma_start3A_31 = tpu.memref_slice %arg15[%dma_start3A, %dma_start3A_30] : memref<10008x128xf32, #tpu.memory_space<vmem_shared>> -> memref<528x128xf32, #tpu.memory_space<vmem_shared>>
        %dma_start3A_32 = arith.constant 0 : i32
        %dma_start3A_33 = arith.constant 0 : i32
        %dma_start3A_34 = tpu.memref_slice %arg8[%dma_start3A_32, %dma_start3A_33] : memref<632x128xf32, #tpu.memory_space<hbm>> -> memref<528x128xf32, #tpu.memory_space<hbm>>
        tpu.enqueue_dma source(%dma_start3A_34 : memref<528x128xf32, #tpu.memory_space<hbm>>) target(%dma_start3A_31 : memref<528x128xf32, #tpu.memory_space<vmem_shared>>) target_semaphore(%run_scoped3A : memref<!tpu.dma_semaphore, #tpu.memory_space<semaphore_mem>>)
        %dma_wait3A = arith.constant 9480 : i32
        %dma_wait3A_35 = arith.constant 0 : i32
        %dma_wait3A_36 = tpu.memref_slice %arg15[%dma_wait3A, %dma_wait3A_35] : memref<10008x128xf32, #tpu.memory_space<vmem_shared>> -> memref<528x128xf32, #tpu.memory_space<vmem_shared>>
        %dma_wait3A_37 = arith.constant 0 : i32
        %dma_wait3A_38 = arith.constant 0 : i32
        %dma_wait3A_39 = tpu.memref_slice %arg8[%dma_wait3A_37, %dma_wait3A_38] : memref<632x128xf32, #tpu.memory_space<hbm>> -> memref<528x128xf32, #tpu.memory_space<hbm>>
        tpu.wait_dma2 semaphore(%run_scoped3A : memref<!tpu.dma_semaphore, #tpu.memory_space<semaphore_mem>>) src(%dma_wait3A_39 : memref<528x128xf32, #tpu.memory_space<hbm>>) dst(%dma_wait3A_36 : memref<528x128xf32, #tpu.memory_space<vmem_shared>>)
        tpu.yield
      }) : () -> ()
    } else {
    }
    "tpu.region"() ({
      %run_scoped3A = tpu.sem_alloc : memref<!tpu.dma_semaphore, #tpu.memory_space<semaphore_mem>>
      tpu.enqueue_dma source(%arg7 : memref<1x128xf32, #tpu.memory_space<hbm>>) target(%arg14 : memref<1x128xf32, #tpu.memory_space<vmem>>) target_semaphore(%run_scoped3A : memref<!tpu.dma_semaphore, #tpu.memory_space<semaphore_mem>>)
      tpu.wait_dma2 semaphore(%run_scoped3A : memref<!tpu.dma_semaphore, #tpu.memory_space<semaphore_mem>>) src(%arg7 : memref<1x128xf32, #tpu.memory_space<hbm>>) dst(%arg14 : memref<1x128xf32, #tpu.memory_space<vmem>>)
      tpu.yield
    }) : () -> ()
    %barrier3A = arith.constant 0 : index
    tpu.barrier barrier_id(%barrier3A)
    %scan3A = arith.constant 0 : i32
    %scan3A_7 = arith.constant 0 : i32
    %scan3A_8 = arith.constant 125 : i32
    %scan3A_9 = arith.addi %scan3A_7, %scan3A_8 : i32
    %scan3A_10 = arith.constant 1 : i32
    scf.for %scan3A_30 = %scan3A_7 to %scan3A_9 step %scan3A_10  : i32 {
      %mul3A_31 = arith.constant 10000 : i32
      %mul3A_32 = arith.muli %add3A, %mul3A_31 : i32
      %mul3A_33 = arith.constant 80 : i32
      %mul3A_34 = arith.muli %scan3A_30, %mul3A_33 : i32
      %add3A_35 = arith.addi %mul3A_32, %mul3A_34 : i32
      "tpu.region"() ({
        %run_scoped3A = tpu.sem_alloc : memref<!tpu.dma_semaphore, #tpu.memory_space<semaphore_mem>>
        %dma_start3A_54 = tpu.memref_slice %arg5[%add3A_35] : memref<320000xi32, #tpu.memory_space<hbm>> -> memref<80xi32, #tpu.memory_space<hbm>>
        %dma_start3A_55 = tpu.memref_slice %arg5[%add3A_35] : memref<320000xi32, #tpu.memory_space<hbm>> -> memref<80xi32, #tpu.memory_space<hbm>>
        tpu.enqueue_dma source(%dma_start3A_55 : memref<80xi32, #tpu.memory_space<hbm>>) target(%arg11 : memref<80xi32, #tpu.memory_space<vmem>>) target_semaphore(%run_scoped3A : memref<!tpu.dma_semaphore, #tpu.memory_space<semaphore_mem>>)
        %dma_wait3A_56 = tpu.memref_slice %arg5[%add3A_35] : memref<320000xi32, #tpu.memory_space<hbm>> -> memref<80xi32, #tpu.memory_space<hbm>>
        %dma_wait3A_57 = tpu.memref_slice %arg5[%add3A_35] : memref<320000xi32, #tpu.memory_space<hbm>> -> memref<80xi32, #tpu.memory_space<hbm>>
        tpu.wait_dma2 semaphore(%run_scoped3A : memref<!tpu.dma_semaphore, #tpu.memory_space<semaphore_mem>>) src(%dma_wait3A_57 : memref<80xi32, #tpu.memory_space<hbm>>) dst(%arg11 : memref<80xi32, #tpu.memory_space<vmem>>)
        tpu.yield
      }) : () -> ()
      "tpu.region"() ({
        %run_scoped3A = tpu.sem_alloc : memref<!tpu.dma_semaphore, #tpu.memory_space<semaphore_mem>>
        %dma_start3A_54 = tpu.memref_slice %arg4[%add3A_35] : memref<320000xi32, #tpu.memory_space<hbm>> -> memref<80xi32, #tpu.memory_space<hbm>>
        %dma_start3A_55 = tpu.memref_slice %arg4[%add3A_35] : memref<320000xi32, #tpu.memory_space<hbm>> -> memref<80xi32, #tpu.memory_space<hbm>>
        tpu.enqueue_dma source(%dma_start3A_55 : memref<80xi32, #tpu.memory_space<hbm>>) target(%arg10 : memref<80xi32, #tpu.memory_space<vmem>>) target_semaphore(%run_scoped3A : memref<!tpu.dma_semaphore, #tpu.memory_space<semaphore_mem>>)
        %dma_wait3A_56 = tpu.memref_slice %arg4[%add3A_35] : memref<320000xi32, #tpu.memory_space<hbm>> -> memref<80xi32, #tpu.memory_space<hbm>>
        %dma_wait3A_57 = tpu.memref_slice %arg4[%add3A_35] : memref<320000xi32, #tpu.memory_space<hbm>> -> memref<80xi32, #tpu.memory_space<hbm>>
        tpu.wait_dma2 semaphore(%run_scoped3A : memref<!tpu.dma_semaphore, #tpu.memory_space<semaphore_mem>>) src(%dma_wait3A_57 : memref<80xi32, #tpu.memory_space<hbm>>) dst(%arg10 : memref<80xi32, #tpu.memory_space<vmem>>)
        tpu.yield
      }) : () -> ()
      %dma_start3A = arith.constant 0 : i32
      %dma_start3A_36 = tpu.memref_slice %arg3[%add3A_35, %dma_start3A] : memref<320000x128xf32, #tpu.memory_space<hbm>> -> memref<80x128xf32, #tpu.memory_space<hbm>>
      %dma_start3A_37 = arith.constant 0 : i32
      %dma_start3A_38 = tpu.memref_slice %arg3[%add3A_35, %dma_start3A_37] : memref<320000x128xf32, #tpu.memory_space<hbm>> -> memref<80x128xf32, #tpu.memory_space<hbm>>
      tpu.enqueue_dma source(%dma_start3A_38 : memref<80x128xf32, #tpu.memory_space<hbm>>) target(%arg13 : memref<80x128xf32, #tpu.memory_space<vmem>>) target_semaphore(%arg17 : memref<!tpu.dma_semaphore, #tpu.memory_space<semaphore_mem>>)
      %dma_start3A_39 = arith.constant 0 : i32
      %dma_start3A_40 = arith.constant 0 : i32
      %dma_start3A_41 = tpu.memref_slice %arg2[%dma_start3A_39, %dma_start3A_40] : memref<10000x128xf32, #tpu.memory_space<hbm>> -> memref<10000x128xf32, #tpu.memory_space<hbm>>
      tpu.enqueue_indirect_dma source(%dma_start3A_41 : memref<10000x128xf32, #tpu.memory_space<hbm>>) target(%arg12 : memref<80x128xf32, #tpu.memory_space<vmem>>) offsets(%arg10 : memref<80xi32, #tpu.memory_space<vmem>>) semaphore(%arg16 : memref<!tpu.dma_semaphore, #tpu.memory_space<semaphore_mem>>)
      %dma_wait3A = arith.constant 0 : i32
      %dma_wait3A_42 = arith.constant 0 : i32
      %dma_wait3A_43 = tpu.memref_slice %arg2[%dma_wait3A, %dma_wait3A_42] : memref<10000x128xf32, #tpu.memory_space<hbm>> -> memref<10000x128xf32, #tpu.memory_space<hbm>>
      tpu.wait_indirect_dma semaphore(%arg16 : memref<!tpu.dma_semaphore, #tpu.memory_space<semaphore_mem>>) src(%dma_wait3A_43 : memref<10000x128xf32, #tpu.memory_space<hbm>>) dst(%arg12 : memref<80x128xf32, #tpu.memory_space<vmem>>)
      %dma_wait3A_44 = arith.constant 0 : i32
      %dma_wait3A_45 = tpu.memref_slice %arg3[%add3A_35, %dma_wait3A_44] : memref<320000x128xf32, #tpu.memory_space<hbm>> -> memref<80x128xf32, #tpu.memory_space<hbm>>
      %dma_wait3A_46 = arith.constant 0 : i32
      %dma_wait3A_47 = tpu.memref_slice %arg3[%add3A_35, %dma_wait3A_46] : memref<320000x128xf32, #tpu.memory_space<hbm>> -> memref<80x128xf32, #tpu.memory_space<hbm>>
      tpu.wait_dma2 semaphore(%arg17 : memref<!tpu.dma_semaphore, #tpu.memory_space<semaphore_mem>>) src(%dma_wait3A_47 : memref<80x128xf32, #tpu.memory_space<hbm>>) dst(%arg13 : memref<80x128xf32, #tpu.memory_space<vmem>>)
      %scan3A_48 = arith.constant 0 : i32
      %scan3A_49 = arith.constant 0 : i32
      %scan3A_50 = arith.constant 80 : i32
      %scan3A_51 = arith.addi %scan3A_49, %scan3A_50 : i32
      %scan3A_52 = arith.constant 1 : i32
      scf.for %scan3A_54 = %scan3A_49 to %scan3A_51 step %scan3A_52  : i32 {
        %get3A = arith.index_cast %scan3A_54 : i32 to index
        %get3A_55 = arith.constant 0 : index
        %get3A_56 = tpu.vector_load %arg12[%get3A, %get3A_55] {strides = array<i32>} : memref<80x128xf32, #tpu.memory_space<vmem>>, vector<1x16xf32>,
        %get3A_57 = vector.shape_cast %get3A_56 : vector<1x16xf32> to vector<16xf32>
        %get3A_58 = arith.index_cast %scan3A_54 : i32 to index
        %get3A_59 = arith.constant 0 : index
        %get3A_60 = tpu.vector_load %arg13[%get3A_58, %get3A_59] {strides = array<i32>} : memref<80x128xf32, #tpu.memory_space<vmem>>, vector<1x16xf32>,
        %get3A_61 = vector.shape_cast %get3A_60 : vector<1x16xf32> to vector<16xf32>
        %add3A_62 = arith.addf %get3A_57, %get3A_61 : vector<16xf32>
        %get3A_63 = arith.constant 0 : i32
        %get3A_64 = arith.index_cast %get3A_63 : i32 to index
        %get3A_65 = arith.constant 0 : index
        %get3A_66 = tpu.vector_load %arg14[%get3A_64, %get3A_65] {strides = array<i32>} : memref<1x128xf32, #tpu.memory_space<vmem>>, vector<1x16xf32>,
        %get3A_67 = vector.shape_cast %get3A_66 : vector<1x16xf32> to vector<16xf32>
        %add3A_68 = arith.addf %add3A_62, %get3A_67 : vector<16xf32>
        %max3A = arith.constant 0.000000e+00 : f32
        %max3A_69 = vector.broadcast %max3A : f32 to vector<16xf32>
        %max3A_70 = arith.maximumf %add3A_68, %max3A_69 : vector<16xf32>
        %swap3A = arith.index_cast %scan3A_54 : i32 to index
        %swap3A_71 = arith.constant 0 : index
        %swap3A_72 = tpu.vector_load %arg12[%swap3A, %swap3A_71] {strides = array<i32>} : memref<80x128xf32, #tpu.memory_space<vmem>>, vector<1x16xf32>,
        %swap3A_73 = vector.shape_cast %swap3A_72 : vector<1x16xf32> to vector<16xf32>
        %swap3A_74 = vector.shape_cast %max3A_70 : vector<16xf32> to vector<1x16xf32>
        tpu.vector_store %arg12[%swap3A, %swap3A_71], %swap3A_74 {strides = array<i32>} : memref<80x128xf32, #tpu.memory_space<vmem>>, vector<1x16xf32>,
        %get3A_75 = arith.index_cast %scan3A_54 : i32 to index
        %get3A_76 = arith.constant 16 : index
        %get3A_77 = tpu.vector_load %arg12[%get3A_75, %get3A_76] {strides = array<i32>} : memref<80x128xf32, #tpu.memory_space<vmem>>, vector<1x16xf32>,
        %get3A_78 = vector.shape_cast %get3A_77 : vector<1x16xf32> to vector<16xf32>
        %get3A_79 = arith.index_cast %scan3A_54 : i32 to index
        %get3A_80 = arith.constant 16 : index
        %get3A_81 = tpu.vector_load %arg13[%get3A_79, %get3A_80] {strides = array<i32>} : memref<80x128xf32, #tpu.memory_space<vmem>>, vector<1x16xf32>,
        %get3A_82 = vector.shape_cast %get3A_81 : vector<1x16xf32> to vector<16xf32>
        %add3A_83 = arith.addf %get3A_78, %get3A_82 : vector<16xf32>
        %get3A_84 = arith.constant 0 : i32
        %get3A_85 = arith.index_cast %get3A_84 : i32 to index
        %get3A_86 = arith.constant 16 : index
        %get3A_87 = tpu.vector_load %arg14[%get3A_85, %get3A_86] {strides = array<i32>} : memref<1x128xf32, #tpu.memory_space<vmem>>, vector<1x16xf32>,
        %get3A_88 = vector.shape_cast %get3A_87 : vector<1x16xf32> to vector<16xf32>
        %add3A_89 = arith.addf %add3A_83, %get3A_88 : vector<16xf32>
        %max3A_90 = arith.constant 0.000000e+00 : f32
        %max3A_91 = vector.broadcast %max3A_90 : f32 to vector<16xf32>
        %max3A_92 = arith.maximumf %add3A_89, %max3A_91 : vector<16xf32>
        %swap3A_93 = arith.index_cast %scan3A_54 : i32 to index
        %swap3A_94 = arith.constant 16 : index
        %swap3A_95 = tpu.vector_load %arg12[%swap3A_93, %swap3A_94] {strides = array<i32>} : memref<80x128xf32, #tpu.memory_space<vmem>>, vector<1x16xf32>,
        %swap3A_96 = vector.shape_cast %swap3A_95 : vector<1x16xf32> to vector<16xf32>
        %swap3A_97 = vector.shape_cast %max3A_92 : vector<16xf32> to vector<1x16xf32>
        tpu.vector_store %arg12[%swap3A_93, %swap3A_94], %swap3A_97 {strides = array<i32>} : memref<80x128xf32, #tpu.memory_space<vmem>>, vector<1x16xf32>,
        %get3A_98 = arith.index_cast %scan3A_54 : i32 to index
        %get3A_99 = arith.constant 32 : index
        %get3A_100 = tpu.vector_load %arg12[%get3A_98, %get3A_99] {strides = array<i32>} : memref<80x128xf32, #tpu.memory_space<vmem>>, vector<1x16xf32>,
        %get3A_101 = vector.shape_cast %get3A_100 : vector<1x16xf32> to vector<16xf32>
        %get3A_102 = arith.index_cast %scan3A_54 : i32 to index
        %get3A_103 = arith.constant 32 : index
        %get3A_104 = tpu.vector_load %arg13[%get3A_102, %get3A_103] {strides = array<i32>} : memref<80x128xf32, #tpu.memory_space<vmem>>, vector<1x16xf32>,
        %get3A_105 = vector.shape_cast %get3A_104 : vector<1x16xf32> to vector<16xf32>
        %add3A_106 = arith.addf %get3A_101, %get3A_105 : vector<16xf32>
        %get3A_107 = arith.constant 0 : i32
        %get3A_108 = arith.index_cast %get3A_107 : i32 to index
        %get3A_109 = arith.constant 32 : index
        %get3A_110 = tpu.vector_load %arg14[%get3A_108, %get3A_109] {strides = array<i32>} : memref<1x128xf32, #tpu.memory_space<vmem>>, vector<1x16xf32>,
        %get3A_111 = vector.shape_cast %get3A_110 : vector<1x16xf32> to vector<16xf32>
        %add3A_112 = arith.addf %add3A_106, %get3A_111 : vector<16xf32>
        %max3A_113 = arith.constant 0.000000e+00 : f32
        %max3A_114 = vector.broadcast %max3A_113 : f32 to vector<16xf32>
        %max3A_115 = arith.maximumf %add3A_112, %max3A_114 : vector<16xf32>
        %swap3A_116 = arith.index_cast %scan3A_54 : i32 to index
        %swap3A_117 = arith.constant 32 : index
        %swap3A_118 = tpu.vector_load %arg12[%swap3A_116, %swap3A_117] {strides = array<i32>} : memref<80x128xf32, #tpu.memory_space<vmem>>, vector<1x16xf32>,
        %swap3A_119 = vector.shape_cast %swap3A_118 : vector<1x16xf32> to vector<16xf32>
        %swap3A_120 = vector.shape_cast %max3A_115 : vector<16xf32> to vector<1x16xf32>
        tpu.vector_store %arg12[%swap3A_116, %swap3A_117], %swap3A_120 {strides = array<i32>} : memref<80x128xf32, #tpu.memory_space<vmem>>, vector<1x16xf32>,
        %get3A_121 = arith.index_cast %scan3A_54 : i32 to index
        %get3A_122 = arith.constant 48 : index
        %get3A_123 = tpu.vector_load %arg12[%get3A_121, %get3A_122] {strides = array<i32>} : memref<80x128xf32, #tpu.memory_space<vmem>>, vector<1x16xf32>,
        %get3A_124 = vector.shape_cast %get3A_123 : vector<1x16xf32> to vector<16xf32>
        %get3A_125 = arith.index_cast %scan3A_54 : i32 to index
        %get3A_126 = arith.constant 48 : index
        %get3A_127 = tpu.vector_load %arg13[%get3A_125, %get3A_126] {strides = array<i32>} : memref<80x128xf32, #tpu.memory_space<vmem>>, vector<1x16xf32>,
        %get3A_128 = vector.shape_cast %get3A_127 : vector<1x16xf32> to vector<16xf32>
        %add3A_129 = arith.addf %get3A_124, %get3A_128 : vector<16xf32>
        %get3A_130 = arith.constant 0 : i32
        %get3A_131 = arith.index_cast %get3A_130 : i32 to index
        %get3A_132 = arith.constant 48 : index
        %get3A_133 = tpu.vector_load %arg14[%get3A_131, %get3A_132] {strides = array<i32>} : memref<1x128xf32, #tpu.memory_space<vmem>>, vector<1x16xf32>,
        %get3A_134 = vector.shape_cast %get3A_133 : vector<1x16xf32> to vector<16xf32>
        %add3A_135 = arith.addf %add3A_129, %get3A_134 : vector<16xf32>
        %max3A_136 = arith.constant 0.000000e+00 : f32
        %max3A_137 = vector.broadcast %max3A_136 : f32 to vector<16xf32>
        %max3A_138 = arith.maximumf %add3A_135, %max3A_137 : vector<16xf32>
        %swap3A_139 = arith.index_cast %scan3A_54 : i32 to index
        %swap3A_140 = arith.constant 48 : index
        %swap3A_141 = tpu.vector_load %arg12[%swap3A_139, %swap3A_140] {strides = array<i32>} : memref<80x128xf32, #tpu.memory_space<vmem>>, vector<1x16xf32>,
        %swap3A_142 = vector.shape_cast %swap3A_141 : vector<1x16xf32> to vector<16xf32>
        %swap3A_143 = vector.shape_cast %max3A_138 : vector<16xf32> to vector<1x16xf32>
        tpu.vector_store %arg12[%swap3A_139, %swap3A_140], %swap3A_143 {strides = array<i32>} : memref<80x128xf32, #tpu.memory_space<vmem>>, vector<1x16xf32>,
        %get3A_144 = arith.index_cast %scan3A_54 : i32 to index
        %get3A_145 = arith.constant 64 : index
        %get3A_146 = tpu.vector_load %arg12[%get3A_144, %get3A_145] {strides = array<i32>} : memref<80x128xf32, #tpu.memory_space<vmem>>, vector<1x16xf32>,
        %get3A_147 = vector.shape_cast %get3A_146 : vector<1x16xf32> to vector<16xf32>
        %get3A_148 = arith.index_cast %scan3A_54 : i32 to index
        %get3A_149 = arith.constant 64 : index
        %get3A_150 = tpu.vector_load %arg13[%get3A_148, %get3A_149] {strides = array<i32>} : memref<80x128xf32, #tpu.memory_space<vmem>>, vector<1x16xf32>,
        %get3A_151 = vector.shape_cast %get3A_150 : vector<1x16xf32> to vector<16xf32>
        %add3A_152 = arith.addf %get3A_147, %get3A_151 : vector<16xf32>
        %get3A_153 = arith.constant 0 : i32
        %get3A_154 = arith.index_cast %get3A_153 : i32 to index
        %get3A_155 = arith.constant 64 : index
        %get3A_156 = tpu.vector_load %arg14[%get3A_154, %get3A_155] {strides = array<i32>} : memref<1x128xf32, #tpu.memory_space<vmem>>, vector<1x16xf32>,
        %get3A_157 = vector.shape_cast %get3A_156 : vector<1x16xf32> to vector<16xf32>
        %add3A_158 = arith.addf %add3A_152, %get3A_157 : vector<16xf32>
        %max3A_159 = arith.constant 0.000000e+00 : f32
        %max3A_160 = vector.broadcast %max3A_159 : f32 to vector<16xf32>
        %max3A_161 = arith.maximumf %add3A_158, %max3A_160 : vector<16xf32>
        %swap3A_162 = arith.index_cast %scan3A_54 : i32 to index
        %swap3A_163 = arith.constant 64 : index
        %swap3A_164 = tpu.vector_load %arg12[%swap3A_162, %swap3A_163] {strides = array<i32>} : memref<80x128xf32, #tpu.memory_space<vmem>>, vector<1x16xf32>,
        %swap3A_165 = vector.shape_cast %swap3A_164 : vector<1x16xf32> to vector<16xf32>
        %swap3A_166 = vector.shape_cast %max3A_161 : vector<16xf32> to vector<1x16xf32>
        tpu.vector_store %arg12[%swap3A_162, %swap3A_163], %swap3A_166 {strides = array<i32>} : memref<80x128xf32, #tpu.memory_space<vmem>>, vector<1x16xf32>,
        %get3A_167 = arith.index_cast %scan3A_54 : i32 to index
        %get3A_168 = arith.constant 80 : index
        %get3A_169 = tpu.vector_load %arg12[%get3A_167, %get3A_168] {strides = array<i32>} : memref<80x128xf32, #tpu.memory_space<vmem>>, vector<1x16xf32>,
        %get3A_170 = vector.shape_cast %get3A_169 : vector<1x16xf32> to vector<16xf32>
        %get3A_171 = arith.index_cast %scan3A_54 : i32 to index
        %get3A_172 = arith.constant 80 : index
        %get3A_173 = tpu.vector_load %arg13[%get3A_171, %get3A_172] {strides = array<i32>} : memref<80x128xf32, #tpu.memory_space<vmem>>, vector<1x16xf32>,
        %get3A_174 = vector.shape_cast %get3A_173 : vector<1x16xf32> to vector<16xf32>
        %add3A_175 = arith.addf %get3A_170, %get3A_174 : vector<16xf32>
        %get3A_176 = arith.constant 0 : i32
        %get3A_177 = arith.index_cast %get3A_176 : i32 to index
        %get3A_178 = arith.constant 80 : index
        %get3A_179 = tpu.vector_load %arg14[%get3A_177, %get3A_178] {strides = array<i32>} : memref<1x128xf32, #tpu.memory_space<vmem>>, vector<1x16xf32>,
        %get3A_180 = vector.shape_cast %get3A_179 : vector<1x16xf32> to vector<16xf32>
        %add3A_181 = arith.addf %add3A_175, %get3A_180 : vector<16xf32>
        %max3A_182 = arith.constant 0.000000e+00 : f32
        %max3A_183 = vector.broadcast %max3A_182 : f32 to vector<16xf32>
        %max3A_184 = arith.maximumf %add3A_181, %max3A_183 : vector<16xf32>
        %swap3A_185 = arith.index_cast %scan3A_54 : i32 to index
        %swap3A_186 = arith.constant 80 : index
        %swap3A_187 = tpu.vector_load %arg12[%swap3A_185, %swap3A_186] {strides = array<i32>} : memref<80x128xf32, #tpu.memory_space<vmem>>, vector<1x16xf32>,
        %swap3A_188 = vector.shape_cast %swap3A_187 : vector<1x16xf32> to vector<16xf32>
        %swap3A_189 = vector.shape_cast %max3A_184 : vector<16xf32> to vector<1x16xf32>
        tpu.vector_store %arg12[%swap3A_185, %swap3A_186], %swap3A_189 {strides = array<i32>} : memref<80x128xf32, #tpu.memory_space<vmem>>, vector<1x16xf32>,
        %get3A_190 = arith.index_cast %scan3A_54 : i32 to index
        %get3A_191 = arith.constant 96 : index
        %get3A_192 = tpu.vector_load %arg12[%get3A_190, %get3A_191] {strides = array<i32>} : memref<80x128xf32, #tpu.memory_space<vmem>>, vector<1x16xf32>,
        %get3A_193 = vector.shape_cast %get3A_192 : vector<1x16xf32> to vector<16xf32>
        %get3A_194 = arith.index_cast %scan3A_54 : i32 to index
        %get3A_195 = arith.constant 96 : index
        %get3A_196 = tpu.vector_load %arg13[%get3A_194, %get3A_195] {strides = array<i32>} : memref<80x128xf32, #tpu.memory_space<vmem>>, vector<1x16xf32>,
        %get3A_197 = vector.shape_cast %get3A_196 : vector<1x16xf32> to vector<16xf32>
        %add3A_198 = arith.addf %get3A_193, %get3A_197 : vector<16xf32>
        %get3A_199 = arith.constant 0 : i32
        %get3A_200 = arith.index_cast %get3A_199 : i32 to index
        %get3A_201 = arith.constant 96 : index
        %get3A_202 = tpu.vector_load %arg14[%get3A_200, %get3A_201] {strides = array<i32>} : memref<1x128xf32, #tpu.memory_space<vmem>>, vector<1x16xf32>,
        %get3A_203 = vector.shape_cast %get3A_202 : vector<1x16xf32> to vector<16xf32>
        %add3A_204 = arith.addf %add3A_198, %get3A_203 : vector<16xf32>
        %max3A_205 = arith.constant 0.000000e+00 : f32
        %max3A_206 = vector.broadcast %max3A_205 : f32 to vector<16xf32>
        %max3A_207 = arith.maximumf %add3A_204, %max3A_206 : vector<16xf32>
        %swap3A_208 = arith.index_cast %scan3A_54 : i32 to index
        %swap3A_209 = arith.constant 96 : index
        %swap3A_210 = tpu.vector_load %arg12[%swap3A_208, %swap3A_209] {strides = array<i32>} : memref<80x128xf32, #tpu.memory_space<vmem>>, vector<1x16xf32>,
        %swap3A_211 = vector.shape_cast %swap3A_210 : vector<1x16xf32> to vector<16xf32>
        %swap3A_212 = vector.shape_cast %max3A_207 : vector<16xf32> to vector<1x16xf32>
        tpu.vector_store %arg12[%swap3A_208, %swap3A_209], %swap3A_212 {strides = array<i32>} : memref<80x128xf32, #tpu.memory_space<vmem>>, vector<1x16xf32>,
        %get3A_213 = arith.index_cast %scan3A_54 : i32 to index
        %get3A_214 = arith.constant 112 : index
        %get3A_215 = tpu.vector_load %arg12[%get3A_213, %get3A_214] {strides = array<i32>} : memref<80x128xf32, #tpu.memory_space<vmem>>, vector<1x16xf32>,
        %get3A_216 = vector.shape_cast %get3A_215 : vector<1x16xf32> to vector<16xf32>
        %get3A_217 = arith.index_cast %scan3A_54 : i32 to index
        %get3A_218 = arith.constant 112 : index
        %get3A_219 = tpu.vector_load %arg13[%get3A_217, %get3A_218] {strides = array<i32>} : memref<80x128xf32, #tpu.memory_space<vmem>>, vector<1x16xf32>,
        %get3A_220 = vector.shape_cast %get3A_219 : vector<1x16xf32> to vector<16xf32>
        %add3A_221 = arith.addf %get3A_216, %get3A_220 : vector<16xf32>
        %get3A_222 = arith.constant 0 : i32
        %get3A_223 = arith.index_cast %get3A_222 : i32 to index
        %get3A_224 = arith.constant 112 : index
        %get3A_225 = tpu.vector_load %arg14[%get3A_223, %get3A_224] {strides = array<i32>} : memref<1x128xf32, #tpu.memory_space<vmem>>, vector<1x16xf32>,
        %get3A_226 = vector.shape_cast %get3A_225 : vector<1x16xf32> to vector<16xf32>
        %add3A_227 = arith.addf %add3A_221, %get3A_226 : vector<16xf32>
        %max3A_228 = arith.constant 0.000000e+00 : f32
        %max3A_229 = vector.broadcast %max3A_228 : f32 to vector<16xf32>
        %max3A_230 = arith.maximumf %add3A_227, %max3A_229 : vector<16xf32>
        %swap3A_231 = arith.index_cast %scan3A_54 : i32 to index
        %swap3A_232 = arith.constant 112 : index
        %swap3A_233 = tpu.vector_load %arg12[%swap3A_231, %swap3A_232] {strides = array<i32>} : memref<80x128xf32, #tpu.memory_space<vmem>>, vector<1x16xf32>,
        %swap3A_234 = vector.shape_cast %swap3A_233 : vector<1x16xf32> to vector<16xf32>
        %swap3A_235 = vector.shape_cast %max3A_230 : vector<16xf32> to vector<1x16xf32>
        tpu.vector_store %arg12[%swap3A_231, %swap3A_232], %swap3A_235 {strides = array<i32>} : memref<80x128xf32, #tpu.memory_space<vmem>>, vector<1x16xf32>,
      }
      %scan3A_53 = arith.constant 80 : i32
      "tpu.region"() ({
        %run_scoped3A = tpu.sem_alloc : memref<!tpu.dma_semaphore, #tpu.memory_space<semaphore_mem>>
        %dma_start3A_54 = arith.constant 0 : i32
        %dma_start3A_55 = arith.constant 0 : i32
        %dma_start3A_56 = tpu.memref_slice %arg15[%dma_start3A_54, %dma_start3A_55] : memref<10008x128xf32, #tpu.memory_space<vmem_shared>> -> memref<10008x128xf32, #tpu.memory_space<vmem_shared>>
        tpu.enqueue_indirect_dma source(%arg12 : memref<80x128xf32, #tpu.memory_space<vmem>>) target(%dma_start3A_56 : memref<10008x128xf32, #tpu.memory_space<vmem_shared>>) offsets(%arg11 : memref<80xi32, #tpu.memory_space<vmem>>) semaphore(%run_scoped3A : memref<!tpu.dma_semaphore, #tpu.memory_space<semaphore_mem>>) {add = true}
        %dma_wait3A_57 = arith.constant 0 : i32
        %dma_wait3A_58 = arith.constant 0 : i32
        %dma_wait3A_59 = tpu.memref_slice %arg15[%dma_wait3A_57, %dma_wait3A_58] : memref<10008x128xf32, #tpu.memory_space<vmem_shared>> -> memref<10008x128xf32, #tpu.memory_space<vmem_shared>>
        tpu.wait_indirect_dma semaphore(%run_scoped3A : memref<!tpu.dma_semaphore, #tpu.memory_space<semaphore_mem>>) src(%arg12 : memref<80x128xf32, #tpu.memory_space<vmem>>) dst(%dma_wait3A_59 : memref<10008x128xf32, #tpu.memory_space<vmem_shared>>)
        tpu.yield
      }) : () -> ()
    }
    %scan3A_11 = arith.constant 125 : i32
    %barrier3A_12 = arith.constant 0 : index
    tpu.barrier barrier_id(%barrier3A_12)
    %scan3A_13 = arith.constant 0 : i32
    %scan3A_14 = arith.constant 0 : i32
    %scan3A_15 = arith.constant 13 : i32
    %scan3A_16 = arith.addi %scan3A_14, %scan3A_15 : i32
    %scan3A_17 = arith.constant 1 : i32
    scf.for %scan3A_30 = %scan3A_14 to %scan3A_16 step %scan3A_17  : i32 {
      %mul3A_31 = arith.constant 10000 : i32
      %mul3A_32 = arith.muli %add3A, %mul3A_31 : i32
      %mul3A_33 = arith.constant 80 : i32
      %mul3A_34 = arith.muli %scan3A_30, %mul3A_33 : i32
      %add3A_35 = arith.addi %mul3A_32, %mul3A_34 : i32
      "tpu.region"() ({
        %run_scoped3A = tpu.sem_alloc : memref<!tpu.dma_semaphore, #tpu.memory_space<semaphore_mem>>
        %dma_start3A_54 = tpu.memref_slice %arg6[%add3A_35] : memref<320000xi32, #tpu.memory_space<hbm>> -> memref<80xi32, #tpu.memory_space<hbm>>
        %dma_start3A_55 = tpu.memref_slice %arg6[%add3A_35] : memref<320000xi32, #tpu.memory_space<hbm>> -> memref<80xi32, #tpu.memory_space<hbm>>
        tpu.enqueue_dma source(%dma_start3A_55 : memref<80xi32, #tpu.memory_space<hbm>>) target(%arg11 : memref<80xi32, #tpu.memory_space<vmem>>) target_semaphore(%run_scoped3A : memref<!tpu.dma_semaphore, #tpu.memory_space<semaphore_mem>>)
        %dma_wait3A_56 = tpu.memref_slice %arg6[%add3A_35] : memref<320000xi32, #tpu.memory_space<hbm>> -> memref<80xi32, #tpu.memory_space<hbm>>
        %dma_wait3A_57 = tpu.memref_slice %arg6[%add3A_35] : memref<320000xi32, #tpu.memory_space<hbm>> -> memref<80xi32, #tpu.memory_space<hbm>>
        tpu.wait_dma2 semaphore(%run_scoped3A : memref<!tpu.dma_semaphore, #tpu.memory_space<semaphore_mem>>) src(%dma_wait3A_57 : memref<80xi32, #tpu.memory_space<hbm>>) dst(%arg11 : memref<80xi32, #tpu.memory_space<vmem>>)
        tpu.yield
      }) : () -> ()
      "tpu.region"() ({
        %run_scoped3A = tpu.sem_alloc : memref<!tpu.dma_semaphore, #tpu.memory_space<semaphore_mem>>
        %dma_start3A_54 = tpu.memref_slice %arg4[%add3A_35] : memref<320000xi32, #tpu.memory_space<hbm>> -> memref<80xi32, #tpu.memory_space<hbm>>
        %dma_start3A_55 = tpu.memref_slice %arg4[%add3A_35] : memref<320000xi32, #tpu.memory_space<hbm>> -> memref<80xi32, #tpu.memory_space<hbm>>
        tpu.enqueue_dma source(%dma_start3A_55 : memref<80xi32, #tpu.memory_space<hbm>>) target(%arg10 : memref<80xi32, #tpu.memory_space<vmem>>) target_semaphore(%run_scoped3A : memref<!tpu.dma_semaphore, #tpu.memory_space<semaphore_mem>>)
        %dma_wait3A_56 = tpu.memref_slice %arg4[%add3A_35] : memref<320000xi32, #tpu.memory_space<hbm>> -> memref<80xi32, #tpu.memory_space<hbm>>
        %dma_wait3A_57 = tpu.memref_slice %arg4[%add3A_35] : memref<320000xi32, #tpu.memory_space<hbm>> -> memref<80xi32, #tpu.memory_space<hbm>>
        tpu.wait_dma2 semaphore(%run_scoped3A : memref<!tpu.dma_semaphore, #tpu.memory_space<semaphore_mem>>) src(%dma_wait3A_57 : memref<80xi32, #tpu.memory_space<hbm>>) dst(%arg10 : memref<80xi32, #tpu.memory_space<vmem>>)
        tpu.yield
      }) : () -> ()
      %dma_start3A = arith.constant 0 : i32
      %dma_start3A_36 = tpu.memref_slice %arg3[%add3A_35, %dma_start3A] : memref<320000x128xf32, #tpu.memory_space<hbm>> -> memref<80x128xf32, #tpu.memory_space<hbm>>
      %dma_start3A_37 = arith.constant 0 : i32
      %dma_start3A_38 = tpu.memref_slice %arg3[%add3A_35, %dma_start3A_37] : memref<320000x128xf32, #tpu.memory_space<hbm>> -> memref<80x128xf32, #tpu.memory_space<hbm>>
      tpu.enqueue_dma source(%dma_start3A_38 : memref<80x128xf32, #tpu.memory_space<hbm>>) target(%arg13 : memref<80x128xf32, #tpu.memory_space<vmem>>) target_semaphore(%arg17 : memref<!tpu.dma_semaphore, #tpu.memory_space<semaphore_mem>>)
      %dma_start3A_39 = arith.constant 0 : i32
      %dma_start3A_40 = arith.constant 0 : i32
      %dma_start3A_41 = tpu.memref_slice %arg2[%dma_start3A_39, %dma_start3A_40] : memref<10000x128xf32, #tpu.memory_space<hbm>> -> memref<10000x128xf32, #tpu.memory_space<hbm>>
      tpu.enqueue_indirect_dma source(%dma_start3A_41 : memref<10000x128xf32, #tpu.memory_space<hbm>>) target(%arg12 : memref<80x128xf32, #tpu.memory_space<vmem>>) offsets(%arg10 : memref<80xi32, #tpu.memory_space<vmem>>) semaphore(%arg16 : memref<!tpu.dma_semaphore, #tpu.memory_space<semaphore_mem>>)
      %dma_wait3A = arith.constant 0 : i32
      %dma_wait3A_42 = arith.constant 0 : i32
      %dma_wait3A_43 = tpu.memref_slice %arg2[%dma_wait3A, %dma_wait3A_42] : memref<10000x128xf32, #tpu.memory_space<hbm>> -> memref<10000x128xf32, #tpu.memory_space<hbm>>
      tpu.wait_indirect_dma semaphore(%arg16 : memref<!tpu.dma_semaphore, #tpu.memory_space<semaphore_mem>>) src(%dma_wait3A_43 : memref<10000x128xf32, #tpu.memory_space<hbm>>) dst(%arg12 : memref<80x128xf32, #tpu.memory_space<vmem>>)
      %dma_wait3A_44 = arith.constant 0 : i32
      %dma_wait3A_45 = tpu.memref_slice %arg3[%add3A_35, %dma_wait3A_44] : memref<320000x128xf32, #tpu.memory_space<hbm>> -> memref<80x128xf32, #tpu.memory_space<hbm>>
      %dma_wait3A_46 = arith.constant 0 : i32
      %dma_wait3A_47 = tpu.memref_slice %arg3[%add3A_35, %dma_wait3A_46] : memref<320000x128xf32, #tpu.memory_space<hbm>> -> memref<80x128xf32, #tpu.memory_space<hbm>>
      tpu.wait_dma2 semaphore(%arg17 : memref<!tpu.dma_semaphore, #tpu.memory_space<semaphore_mem>>) src(%dma_wait3A_47 : memref<80x128xf32, #tpu.memory_space<hbm>>) dst(%arg13 : memref<80x128xf32, #tpu.memory_space<vmem>>)
      %scan3A_48 = arith.constant 0 : i32
      %scan3A_49 = arith.constant 0 : i32
      %scan3A_50 = arith.constant 80 : i32
      %scan3A_51 = arith.addi %scan3A_49, %scan3A_50 : i32
      %scan3A_52 = arith.constant 1 : i32
      scf.for %scan3A_54 = %scan3A_49 to %scan3A_51 step %scan3A_52  : i32 {
        %get3A = arith.index_cast %scan3A_54 : i32 to index
        %get3A_55 = arith.constant 0 : index
        %get3A_56 = tpu.vector_load %arg12[%get3A, %get3A_55] {strides = array<i32>} : memref<80x128xf32, #tpu.memory_space<vmem>>, vector<1x16xf32>,
        %get3A_57 = vector.shape_cast %get3A_56 : vector<1x16xf32> to vector<16xf32>
        %get3A_58 = arith.index_cast %scan3A_54 : i32 to index
        %get3A_59 = arith.constant 0 : index
        %get3A_60 = tpu.vector_load %arg13[%get3A_58, %get3A_59] {strides = array<i32>} : memref<80x128xf32, #tpu.memory_space<vmem>>, vector<1x16xf32>,
        %get3A_61 = vector.shape_cast %get3A_60 : vector<1x16xf32> to vector<16xf32>
        %add3A_62 = arith.addf %get3A_57, %get3A_61 : vector<16xf32>
        %get3A_63 = arith.constant 0 : i32
        %get3A_64 = arith.index_cast %get3A_63 : i32 to index
        %get3A_65 = arith.constant 0 : index
        %get3A_66 = tpu.vector_load %arg14[%get3A_64, %get3A_65] {strides = array<i32>} : memref<1x128xf32, #tpu.memory_space<vmem>>, vector<1x16xf32>,
        %get3A_67 = vector.shape_cast %get3A_66 : vector<1x16xf32> to vector<16xf32>
        %add3A_68 = arith.addf %add3A_62, %get3A_67 : vector<16xf32>
        %max3A = arith.constant 0.000000e+00 : f32
        %max3A_69 = vector.broadcast %max3A : f32 to vector<16xf32>
        %max3A_70 = arith.maximumf %add3A_68, %max3A_69 : vector<16xf32>
        %swap3A = arith.index_cast %scan3A_54 : i32 to index
        %swap3A_71 = arith.constant 0 : index
        %swap3A_72 = tpu.vector_load %arg12[%swap3A, %swap3A_71] {strides = array<i32>} : memref<80x128xf32, #tpu.memory_space<vmem>>, vector<1x16xf32>,
        %swap3A_73 = vector.shape_cast %swap3A_72 : vector<1x16xf32> to vector<16xf32>
        %swap3A_74 = vector.shape_cast %max3A_70 : vector<16xf32> to vector<1x16xf32>
        tpu.vector_store %arg12[%swap3A, %swap3A_71], %swap3A_74 {strides = array<i32>} : memref<80x128xf32, #tpu.memory_space<vmem>>, vector<1x16xf32>,
        %get3A_75 = arith.index_cast %scan3A_54 : i32 to index
        %get3A_76 = arith.constant 16 : index
        %get3A_77 = tpu.vector_load %arg12[%get3A_75, %get3A_76] {strides = array<i32>} : memref<80x128xf32, #tpu.memory_space<vmem>>, vector<1x16xf32>,
        %get3A_78 = vector.shape_cast %get3A_77 : vector<1x16xf32> to vector<16xf32>
        %get3A_79 = arith.index_cast %scan3A_54 : i32 to index
        %get3A_80 = arith.constant 16 : index
        %get3A_81 = tpu.vector_load %arg13[%get3A_79, %get3A_80] {strides = array<i32>} : memref<80x128xf32, #tpu.memory_space<vmem>>, vector<1x16xf32>,
        %get3A_82 = vector.shape_cast %get3A_81 : vector<1x16xf32> to vector<16xf32>
        %add3A_83 = arith.addf %get3A_78, %get3A_82 : vector<16xf32>
        %get3A_84 = arith.constant 0 : i32
        %get3A_85 = arith.index_cast %get3A_84 : i32 to index
        %get3A_86 = arith.constant 16 : index
        %get3A_87 = tpu.vector_load %arg14[%get3A_85, %get3A_86] {strides = array<i32>} : memref<1x128xf32, #tpu.memory_space<vmem>>, vector<1x16xf32>,
        %get3A_88 = vector.shape_cast %get3A_87 : vector<1x16xf32> to vector<16xf32>
        %add3A_89 = arith.addf %add3A_83, %get3A_88 : vector<16xf32>
        %max3A_90 = arith.constant 0.000000e+00 : f32
        %max3A_91 = vector.broadcast %max3A_90 : f32 to vector<16xf32>
        %max3A_92 = arith.maximumf %add3A_89, %max3A_91 : vector<16xf32>
        %swap3A_93 = arith.index_cast %scan3A_54 : i32 to index
        %swap3A_94 = arith.constant 16 : index
        %swap3A_95 = tpu.vector_load %arg12[%swap3A_93, %swap3A_94] {strides = array<i32>} : memref<80x128xf32, #tpu.memory_space<vmem>>, vector<1x16xf32>,
        %swap3A_96 = vector.shape_cast %swap3A_95 : vector<1x16xf32> to vector<16xf32>
        %swap3A_97 = vector.shape_cast %max3A_92 : vector<16xf32> to vector<1x16xf32>
        tpu.vector_store %arg12[%swap3A_93, %swap3A_94], %swap3A_97 {strides = array<i32>} : memref<80x128xf32, #tpu.memory_space<vmem>>, vector<1x16xf32>,
        %get3A_98 = arith.index_cast %scan3A_54 : i32 to index
        %get3A_99 = arith.constant 32 : index
        %get3A_100 = tpu.vector_load %arg12[%get3A_98, %get3A_99] {strides = array<i32>} : memref<80x128xf32, #tpu.memory_space<vmem>>, vector<1x16xf32>,
        %get3A_101 = vector.shape_cast %get3A_100 : vector<1x16xf32> to vector<16xf32>
        %get3A_102 = arith.index_cast %scan3A_54 : i32 to index
        %get3A_103 = arith.constant 32 : index
        %get3A_104 = tpu.vector_load %arg13[%get3A_102, %get3A_103] {strides = array<i32>} : memref<80x128xf32, #tpu.memory_space<vmem>>, vector<1x16xf32>,
        %get3A_105 = vector.shape_cast %get3A_104 : vector<1x16xf32> to vector<16xf32>
        %add3A_106 = arith.addf %get3A_101, %get3A_105 : vector<16xf32>
        %get3A_107 = arith.constant 0 : i32
        %get3A_108 = arith.index_cast %get3A_107 : i32 to index
        %get3A_109 = arith.constant 32 : index
        %get3A_110 = tpu.vector_load %arg14[%get3A_108, %get3A_109] {strides = array<i32>} : memref<1x128xf32, #tpu.memory_space<vmem>>, vector<1x16xf32>,
        %get3A_111 = vector.shape_cast %get3A_110 : vector<1x16xf32> to vector<16xf32>
        %add3A_112 = arith.addf %add3A_106, %get3A_111 : vector<16xf32>
        %max3A_113 = arith.constant 0.000000e+00 : f32
        %max3A_114 = vector.broadcast %max3A_113 : f32 to vector<16xf32>
        %max3A_115 = arith.maximumf %add3A_112, %max3A_114 : vector<16xf32>
        %swap3A_116 = arith.index_cast %scan3A_54 : i32 to index
        %swap3A_117 = arith.constant 32 : index
        %swap3A_118 = tpu.vector_load %arg12[%swap3A_116, %swap3A_117] {strides = array<i32>} : memref<80x128xf32, #tpu.memory_space<vmem>>, vector<1x16xf32>,
        %swap3A_119 = vector.shape_cast %swap3A_118 : vector<1x16xf32> to vector<16xf32>
        %swap3A_120 = vector.shape_cast %max3A_115 : vector<16xf32> to vector<1x16xf32>
        tpu.vector_store %arg12[%swap3A_116, %swap3A_117], %swap3A_120 {strides = array<i32>} : memref<80x128xf32, #tpu.memory_space<vmem>>, vector<1x16xf32>,
        %get3A_121 = arith.index_cast %scan3A_54 : i32 to index
        %get3A_122 = arith.constant 48 : index
        %get3A_123 = tpu.vector_load %arg12[%get3A_121, %get3A_122] {strides = array<i32>} : memref<80x128xf32, #tpu.memory_space<vmem>>, vector<1x16xf32>,
        %get3A_124 = vector.shape_cast %get3A_123 : vector<1x16xf32> to vector<16xf32>
        %get3A_125 = arith.index_cast %scan3A_54 : i32 to index
        %get3A_126 = arith.constant 48 : index
        %get3A_127 = tpu.vector_load %arg13[%get3A_125, %get3A_126] {strides = array<i32>} : memref<80x128xf32, #tpu.memory_space<vmem>>, vector<1x16xf32>,
        %get3A_128 = vector.shape_cast %get3A_127 : vector<1x16xf32> to vector<16xf32>
        %add3A_129 = arith.addf %get3A_124, %get3A_128 : vector<16xf32>
        %get3A_130 = arith.constant 0 : i32
        %get3A_131 = arith.index_cast %get3A_130 : i32 to index
        %get3A_132 = arith.constant 48 : index
        %get3A_133 = tpu.vector_load %arg14[%get3A_131, %get3A_132] {strides = array<i32>} : memref<1x128xf32, #tpu.memory_space<vmem>>, vector<1x16xf32>,
        %get3A_134 = vector.shape_cast %get3A_133 : vector<1x16xf32> to vector<16xf32>
        %add3A_135 = arith.addf %add3A_129, %get3A_134 : vector<16xf32>
        %max3A_136 = arith.constant 0.000000e+00 : f32
        %max3A_137 = vector.broadcast %max3A_136 : f32 to vector<16xf32>
        %max3A_138 = arith.maximumf %add3A_135, %max3A_137 : vector<16xf32>
        %swap3A_139 = arith.index_cast %scan3A_54 : i32 to index
        %swap3A_140 = arith.constant 48 : index
        %swap3A_141 = tpu.vector_load %arg12[%swap3A_139, %swap3A_140] {strides = array<i32>} : memref<80x128xf32, #tpu.memory_space<vmem>>, vector<1x16xf32>,
        %swap3A_142 = vector.shape_cast %swap3A_141 : vector<1x16xf32> to vector<16xf32>
        %swap3A_143 = vector.shape_cast %max3A_138 : vector<16xf32> to vector<1x16xf32>
        tpu.vector_store %arg12[%swap3A_139, %swap3A_140], %swap3A_143 {strides = array<i32>} : memref<80x128xf32, #tpu.memory_space<vmem>>, vector<1x16xf32>,
        %get3A_144 = arith.index_cast %scan3A_54 : i32 to index
        %get3A_145 = arith.constant 64 : index
        %get3A_146 = tpu.vector_load %arg12[%get3A_144, %get3A_145] {strides = array<i32>} : memref<80x128xf32, #tpu.memory_space<vmem>>, vector<1x16xf32>,
        %get3A_147 = vector.shape_cast %get3A_146 : vector<1x16xf32> to vector<16xf32>
        %get3A_148 = arith.index_cast %scan3A_54 : i32 to index
        %get3A_149 = arith.constant 64 : index
        %get3A_150 = tpu.vector_load %arg13[%get3A_148, %get3A_149] {strides = array<i32>} : memref<80x128xf32, #tpu.memory_space<vmem>>, vector<1x16xf32>,
        %get3A_151 = vector.shape_cast %get3A_150 : vector<1x16xf32> to vector<16xf32>
        %add3A_152 = arith.addf %get3A_147, %get3A_151 : vector<16xf32>
        %get3A_153 = arith.constant 0 : i32
        %get3A_154 = arith.index_cast %get3A_153 : i32 to index
        %get3A_155 = arith.constant 64 : index
        %get3A_156 = tpu.vector_load %arg14[%get3A_154, %get3A_155] {strides = array<i32>} : memref<1x128xf32, #tpu.memory_space<vmem>>, vector<1x16xf32>,
        %get3A_157 = vector.shape_cast %get3A_156 : vector<1x16xf32> to vector<16xf32>
        %add3A_158 = arith.addf %add3A_152, %get3A_157 : vector<16xf32>
        %max3A_159 = arith.constant 0.000000e+00 : f32
        %max3A_160 = vector.broadcast %max3A_159 : f32 to vector<16xf32>
        %max3A_161 = arith.maximumf %add3A_158, %max3A_160 : vector<16xf32>
        %swap3A_162 = arith.index_cast %scan3A_54 : i32 to index
        %swap3A_163 = arith.constant 64 : index
        %swap3A_164 = tpu.vector_load %arg12[%swap3A_162, %swap3A_163] {strides = array<i32>} : memref<80x128xf32, #tpu.memory_space<vmem>>, vector<1x16xf32>,
        %swap3A_165 = vector.shape_cast %swap3A_164 : vector<1x16xf32> to vector<16xf32>
        %swap3A_166 = vector.shape_cast %max3A_161 : vector<16xf32> to vector<1x16xf32>
        tpu.vector_store %arg12[%swap3A_162, %swap3A_163], %swap3A_166 {strides = array<i32>} : memref<80x128xf32, #tpu.memory_space<vmem>>, vector<1x16xf32>,
        %get3A_167 = arith.index_cast %scan3A_54 : i32 to index
        %get3A_168 = arith.constant 80 : index
        %get3A_169 = tpu.vector_load %arg12[%get3A_167, %get3A_168] {strides = array<i32>} : memref<80x128xf32, #tpu.memory_space<vmem>>, vector<1x16xf32>,
        %get3A_170 = vector.shape_cast %get3A_169 : vector<1x16xf32> to vector<16xf32>
        %get3A_171 = arith.index_cast %scan3A_54 : i32 to index
        %get3A_172 = arith.constant 80 : index
        %get3A_173 = tpu.vector_load %arg13[%get3A_171, %get3A_172] {strides = array<i32>} : memref<80x128xf32, #tpu.memory_space<vmem>>, vector<1x16xf32>,
        %get3A_174 = vector.shape_cast %get3A_173 : vector<1x16xf32> to vector<16xf32>
        %add3A_175 = arith.addf %get3A_170, %get3A_174 : vector<16xf32>
        %get3A_176 = arith.constant 0 : i32
        %get3A_177 = arith.index_cast %get3A_176 : i32 to index
        %get3A_178 = arith.constant 80 : index
        %get3A_179 = tpu.vector_load %arg14[%get3A_177, %get3A_178] {strides = array<i32>} : memref<1x128xf32, #tpu.memory_space<vmem>>, vector<1x16xf32>,
        %get3A_180 = vector.shape_cast %get3A_179 : vector<1x16xf32> to vector<16xf32>
        %add3A_181 = arith.addf %add3A_175, %get3A_180 : vector<16xf32>
        %max3A_182 = arith.constant 0.000000e+00 : f32
        %max3A_183 = vector.broadcast %max3A_182 : f32 to vector<16xf32>
        %max3A_184 = arith.maximumf %add3A_181, %max3A_183 : vector<16xf32>
        %swap3A_185 = arith.index_cast %scan3A_54 : i32 to index
        %swap3A_186 = arith.constant 80 : index
        %swap3A_187 = tpu.vector_load %arg12[%swap3A_185, %swap3A_186] {strides = array<i32>} : memref<80x128xf32, #tpu.memory_space<vmem>>, vector<1x16xf32>,
        %swap3A_188 = vector.shape_cast %swap3A_187 : vector<1x16xf32> to vector<16xf32>
        %swap3A_189 = vector.shape_cast %max3A_184 : vector<16xf32> to vector<1x16xf32>
        tpu.vector_store %arg12[%swap3A_185, %swap3A_186], %swap3A_189 {strides = array<i32>} : memref<80x128xf32, #tpu.memory_space<vmem>>, vector<1x16xf32>,
        %get3A_190 = arith.index_cast %scan3A_54 : i32 to index
        %get3A_191 = arith.constant 96 : index
        %get3A_192 = tpu.vector_load %arg12[%get3A_190, %get3A_191] {strides = array<i32>} : memref<80x128xf32, #tpu.memory_space<vmem>>, vector<1x16xf32>,
        %get3A_193 = vector.shape_cast %get3A_192 : vector<1x16xf32> to vector<16xf32>
        %get3A_194 = arith.index_cast %scan3A_54 : i32 to index
        %get3A_195 = arith.constant 96 : index
        %get3A_196 = tpu.vector_load %arg13[%get3A_194, %get3A_195] {strides = array<i32>} : memref<80x128xf32, #tpu.memory_space<vmem>>, vector<1x16xf32>,
        %get3A_197 = vector.shape_cast %get3A_196 : vector<1x16xf32> to vector<16xf32>
        %add3A_198 = arith.addf %get3A_193, %get3A_197 : vector<16xf32>
        %get3A_199 = arith.constant 0 : i32
        %get3A_200 = arith.index_cast %get3A_199 : i32 to index
        %get3A_201 = arith.constant 96 : index
        %get3A_202 = tpu.vector_load %arg14[%get3A_200, %get3A_201] {strides = array<i32>} : memref<1x128xf32, #tpu.memory_space<vmem>>, vector<1x16xf32>,
        %get3A_203 = vector.shape_cast %get3A_202 : vector<1x16xf32> to vector<16xf32>
        %add3A_204 = arith.addf %add3A_198, %get3A_203 : vector<16xf32>
        %max3A_205 = arith.constant 0.000000e+00 : f32
        %max3A_206 = vector.broadcast %max3A_205 : f32 to vector<16xf32>
        %max3A_207 = arith.maximumf %add3A_204, %max3A_206 : vector<16xf32>
        %swap3A_208 = arith.index_cast %scan3A_54 : i32 to index
        %swap3A_209 = arith.constant 96 : index
        %swap3A_210 = tpu.vector_load %arg12[%swap3A_208, %swap3A_209] {strides = array<i32>} : memref<80x128xf32, #tpu.memory_space<vmem>>, vector<1x16xf32>,
        %swap3A_211 = vector.shape_cast %swap3A_210 : vector<1x16xf32> to vector<16xf32>
        %swap3A_212 = vector.shape_cast %max3A_207 : vector<16xf32> to vector<1x16xf32>
        tpu.vector_store %arg12[%swap3A_208, %swap3A_209], %swap3A_212 {strides = array<i32>} : memref<80x128xf32, #tpu.memory_space<vmem>>, vector<1x16xf32>,
        %get3A_213 = arith.index_cast %scan3A_54 : i32 to index
        %get3A_214 = arith.constant 112 : index
        %get3A_215 = tpu.vector_load %arg12[%get3A_213, %get3A_214] {strides = array<i32>} : memref<80x128xf32, #tpu.memory_space<vmem>>, vector<1x16xf32>,
        %get3A_216 = vector.shape_cast %get3A_215 : vector<1x16xf32> to vector<16xf32>
        %get3A_217 = arith.index_cast %scan3A_54 : i32 to index
        %get3A_218 = arith.constant 112 : index
        %get3A_219 = tpu.vector_load %arg13[%get3A_217, %get3A_218] {strides = array<i32>} : memref<80x128xf32, #tpu.memory_space<vmem>>, vector<1x16xf32>,
        %get3A_220 = vector.shape_cast %get3A_219 : vector<1x16xf32> to vector<16xf32>
        %add3A_221 = arith.addf %get3A_216, %get3A_220 : vector<16xf32>
        %get3A_222 = arith.constant 0 : i32
        %get3A_223 = arith.index_cast %get3A_222 : i32 to index
        %get3A_224 = arith.constant 112 : index
        %get3A_225 = tpu.vector_load %arg14[%get3A_223, %get3A_224] {strides = array<i32>} : memref<1x128xf32, #tpu.memory_space<vmem>>, vector<1x16xf32>,
        %get3A_226 = vector.shape_cast %get3A_225 : vector<1x16xf32> to vector<16xf32>
        %add3A_227 = arith.addf %add3A_221, %get3A_226 : vector<16xf32>
        %max3A_228 = arith.constant 0.000000e+00 : f32
        %max3A_229 = vector.broadcast %max3A_228 : f32 to vector<16xf32>
        %max3A_230 = arith.maximumf %add3A_227, %max3A_229 : vector<16xf32>
        %swap3A_231 = arith.index_cast %scan3A_54 : i32 to index
        %swap3A_232 = arith.constant 112 : index
        %swap3A_233 = tpu.vector_load %arg12[%swap3A_231, %swap3A_232] {strides = array<i32>} : memref<80x128xf32, #tpu.memory_space<vmem>>, vector<1x16xf32>,
        %swap3A_234 = vector.shape_cast %swap3A_233 : vector<1x16xf32> to vector<16xf32>
        %swap3A_235 = vector.shape_cast %max3A_230 : vector<16xf32> to vector<1x16xf32>
        tpu.vector_store %arg12[%swap3A_231, %swap3A_232], %swap3A_235 {strides = array<i32>} : memref<80x128xf32, #tpu.memory_space<vmem>>, vector<1x16xf32>,
      }
      %scan3A_53 = arith.constant 80 : i32
      "tpu.region"() ({
        %run_scoped3A = tpu.sem_alloc : memref<!tpu.dma_semaphore, #tpu.memory_space<semaphore_mem>>
        %dma_start3A_54 = arith.constant 0 : i32
        %dma_start3A_55 = arith.constant 0 : i32
        %dma_start3A_56 = tpu.memref_slice %arg15[%dma_start3A_54, %dma_start3A_55] : memref<10008x128xf32, #tpu.memory_space<vmem_shared>> -> memref<10008x128xf32, #tpu.memory_space<vmem_shared>>
        tpu.enqueue_indirect_dma source(%arg12 : memref<80x128xf32, #tpu.memory_space<vmem>>) target(%dma_start3A_56 : memref<10008x128xf32, #tpu.memory_space<vmem_shared>>) offsets(%arg11 : memref<80xi32, #tpu.memory_space<vmem>>) semaphore(%run_scoped3A : memref<!tpu.dma_semaphore, #tpu.memory_space<semaphore_mem>>) {add = true}
        %dma_wait3A_57 = arith.constant 0 : i32
        %dma_wait3A_58 = arith.constant 0 : i32
        %dma_wait3A_59 = tpu.memref_slice %arg15[%dma_wait3A_57, %dma_wait3A_58] : memref<10008x128xf32, #tpu.memory_space<vmem_shared>> -> memref<10008x128xf32, #tpu.memory_space<vmem_shared>>
        tpu.wait_indirect_dma semaphore(%run_scoped3A : memref<!tpu.dma_semaphore, #tpu.memory_space<semaphore_mem>>) src(%arg12 : memref<80x128xf32, #tpu.memory_space<vmem>>) dst(%dma_wait3A_59 : memref<10008x128xf32, #tpu.memory_space<vmem_shared>>)
        tpu.yield
      }) : () -> ()
    }
    %scan3A_18 = arith.constant 13 : i32
    %barrier3A_19 = arith.constant 0 : index
    tpu.barrier barrier_id(%barrier3A_19)
    %lt3A_20 = arith.constant 15 : i32
    %lt3A_21 = arith.cmpi slt, %arg1, %lt3A_20 : i32
    %convert_element_type3A_22 = arith.extui %lt3A_21 : i1 to i32
    %cond3A_23 = arith.constant 0 : i32
    %cond3A_24 = arith.cmpi ne, %convert_element_type3A_22, %cond3A_23 : i32
    scf.if %cond3A_24 {
      %mul3A_30 = arith.constant 632 : i32
      %mul3A_31 = arith.muli %arg1, %mul3A_30 : i32
      %mul3A_32 = arith.constant 632 : i32
      %mul3A_33 = arith.muli %arg1, %mul3A_32 : i32
      "tpu.region"() ({
        %run_scoped3A = tpu.sem_alloc : memref<!tpu.dma_semaphore, #tpu.memory_space<semaphore_mem>>
        %dma_start3A = arith.constant 0 : i32
        %dma_start3A_34 = arith.constant 0 : i32
        %dma_start3A_35 = tpu.memref_slice %arg9[%arg0, %dma_start3A, %dma_start3A_34] : memref<2x10000x128xf32, #tpu.memory_space<hbm>> -> memref<1x10000x128xf32, #tpu.memory_space<hbm>>
        %dma_start3A_36 = tpu.memref_squeeze %dma_start3A_35 : memref<1x10000x128xf32, #tpu.memory_space<hbm>> -> memref<10000x128xf32, #tpu.memory_space<hbm>>
        %dma_start3A_37 = arith.constant 0 : i32
        %dma_start3A_38 = tpu.memref_slice %dma_start3A_36[%mul3A_33, %dma_start3A_37] : memref<10000x128xf32, #tpu.memory_space<hbm>> -> memref<632x128xf32, #tpu.memory_space<hbm>>
        %dma_start3A_39 = arith.constant 0 : i32
        %dma_start3A_40 = tpu.memref_slice %arg15[%mul3A_31, %dma_start3A_39] : memref<10008x128xf32, #tpu.memory_space<vmem_shared>> -> memref<632x128xf32, #tpu.memory_space<vmem_shared>>
        tpu.enqueue_dma source(%dma_start3A_40 : memref<632x128xf32, #tpu.memory_space<vmem_shared>>) target(%dma_start3A_38 : memref<632x128xf32, #tpu.memory_space<hbm>>) target_semaphore(%run_scoped3A : memref<!tpu.dma_semaphore, #tpu.memory_space<semaphore_mem>>)
        %dma_wait3A = arith.constant 0 : i32
        %dma_wait3A_41 = arith.constant 0 : i32
        %dma_wait3A_42 = tpu.memref_slice %arg9[%arg0, %dma_wait3A, %dma_wait3A_41] : memref<2x10000x128xf32, #tpu.memory_space<hbm>> -> memref<1x10000x128xf32, #tpu.memory_space<hbm>>
        %dma_wait3A_43 = tpu.memref_squeeze %dma_wait3A_42 : memref<1x10000x128xf32, #tpu.memory_space<hbm>> -> memref<10000x128xf32, #tpu.memory_space<hbm>>
        %dma_wait3A_44 = arith.constant 0 : i32
        %dma_wait3A_45 = tpu.memref_slice %dma_wait3A_43[%mul3A_33, %dma_wait3A_44] : memref<10000x128xf32, #tpu.memory_space<hbm>> -> memref<632x128xf32, #tpu.memory_space<hbm>>
        %dma_wait3A_46 = arith.constant 0 : i32
        %dma_wait3A_47 = tpu.memref_slice %arg15[%mul3A_31, %dma_wait3A_46] : memref<10008x128xf32, #tpu.memory_space<vmem_shared>> -> memref<632x128xf32, #tpu.memory_space<vmem_shared>>
        tpu.wait_dma2 semaphore(%run_scoped3A : memref<!tpu.dma_semaphore, #tpu.memory_space<semaphore_mem>>) src(%dma_wait3A_47 : memref<632x128xf32, #tpu.memory_space<vmem_shared>>) dst(%dma_wait3A_45 : memref<632x128xf32, #tpu.memory_space<hbm>>)
        tpu.yield
      }) : () -> ()
    } else {
    }
    %eq3A_25 = arith.constant 15 : i32
    %eq3A_26 = arith.cmpi eq, %arg1, %eq3A_25 : i32
    %convert_element_type3A_27 = arith.extui %eq3A_26 : i1 to i32
    %cond3A_28 = arith.constant 0 : i32
    %cond3A_29 = arith.cmpi ne, %convert_element_type3A_27, %cond3A_28 : i32
    scf.if %cond3A_29 {
      "tpu.region"() ({
        %run_scoped3A = tpu.sem_alloc : memref<!tpu.dma_semaphore, #tpu.memory_space<semaphore_mem>>
        %dma_start3A = arith.constant 0 : i32
        %dma_start3A_30 = arith.constant 0 : i32
        %dma_start3A_31 = tpu.memref_slice %arg9[%arg0, %dma_start3A, %dma_start3A_30] : memref<2x10000x128xf32, #tpu.memory_space<hbm>> -> memref<1x10000x128xf32, #tpu.memory_space<hbm>>
        %dma_start3A_32 = tpu.memref_squeeze %dma_start3A_31 : memref<1x10000x128xf32, #tpu.memory_space<hbm>> -> memref<10000x128xf32, #tpu.memory_space<hbm>>
        %dma_start3A_33 = arith.constant 9480 : i32
        %dma_start3A_34 = arith.constant 0 : i32
        %dma_start3A_35 = tpu.memref_slice %dma_start3A_32[%dma_start3A_33, %dma_start3A_34] : memref<10000x128xf32, #tpu.memory_space<hbm>> -> memref<520x128xf32, #tpu.memory_space<hbm>>
        %dma_start3A_36 = arith.constant 9480 : i32
        %dma_start3A_37 = arith.constant 0 : i32
        %dma_start3A_38 = tpu.memref_slice %arg15[%dma_start3A_36, %dma_start3A_37] : memref<10008x128xf32, #tpu.memory_space<vmem_shared>> -> memref<520x128xf32, #tpu.memory_space<vmem_shared>>
        tpu.enqueue_dma source(%dma_start3A_38 : memref<520x128xf32, #tpu.memory_space<vmem_shared>>) target(%dma_start3A_35 : memref<520x128xf32, #tpu.memory_space<hbm>>) target_semaphore(%run_scoped3A : memref<!tpu.dma_semaphore, #tpu.memory_space<semaphore_mem>>)
        %dma_wait3A = arith.constant 0 : i32
        %dma_wait3A_39 = arith.constant 0 : i32
        %dma_wait3A_40 = tpu.memref_slice %arg9[%arg0, %dma_wait3A, %dma_wait3A_39] : memref<2x10000x128xf32, #tpu.memory_space<hbm>> -> memref<1x10000x128xf32, #tpu.memory_space<hbm>>
        %dma_wait3A_41 = tpu.memref_squeeze %dma_wait3A_40 : memref<1x10000x128xf32, #tpu.memory_space<hbm>> -> memref<10000x128xf32, #tpu.memory_space<hbm>>
        %dma_wait3A_42 = arith.constant 9480 : i32
        %dma_wait3A_43 = arith.constant 0 : i32
        %dma_wait3A_44 = tpu.memref_slice %dma_wait3A_41[%dma_wait3A_42, %dma_wait3A_43] : memref<10000x128xf32, #tpu.memory_space<hbm>> -> memref<520x128xf32, #tpu.memory_space<hbm>>
        %dma_wait3A_45 = arith.constant 9480 : i32
        %dma_wait3A_46 = arith.constant 0 : i32
        %dma_wait3A_47 = tpu.memref_slice %arg15[%dma_wait3A_45, %dma_wait3A_46] : memref<10008x128xf32, #tpu.memory_space<vmem_shared>> -> memref<520x128xf32, #tpu.memory_space<vmem_shared>>
        tpu.wait_dma2 semaphore(%run_scoped3A : memref<!tpu.dma_semaphore, #tpu.memory_space<semaphore_mem>>) src(%dma_wait3A_47 : memref<520x128xf32, #tpu.memory_space<vmem_shared>>) dst(%dma_wait3A_44 : memref<520x128xf32, #tpu.memory_space<hbm>>)
        tpu.yield
      }) : () -> ()
    } else {
    }
    return
  }
}

#map = affine_map<(d0, d1) -> (0, 0)>
#map1 = affine_map<(d0, d1) -> (0)>
#map2 = affine_map<(d0, d1) -> (0, 0, 0)>
module attributes {stable_mosaic.version = 14 : i64} {
  func.func @_edge_pass_body(%arg0: i32, %arg1: i32, %arg2: memref<10000x128xf32, #tpu.memory_space<hbm>>, %arg3: memref<320000x128xf32, #tpu.memory_space<hbm>>, %arg4: memref<320000xi32, #tpu.memory_space<hbm>>, %arg5: memref<320000xi32, #tpu.memory_space<hbm>>, %arg6: memref<320000xi32, #tpu.memory_space<hbm>>, %arg7: memref<1x128xf32, #tpu.memory_space<hbm>>, %arg8: memref<632x128xf32, #tpu.memory_space<hbm>>, %arg9: memref<2x10000x128xf32, #tpu.memory_space<hbm>>, %arg10: memref<80xi32, #tpu.memory_space<vmem>>, %arg11: memref<80xi32, #tpu.memory_space<vmem>>, %arg12: memref<80x128xf32, #tpu.memory_space<vmem>>, %arg13: memref<80x128xf32, #tpu.memory_space<vmem>>, %arg14: memref<1x128xf32, #tpu.memory_space<vmem>>, %arg15: memref<10008x128xf32, #tpu.memory_space<vmem_shared>>, %arg16: memref<!tpu.dma_semaphore, #tpu.memory_space<semaphore_mem>>, %arg17: memref<!tpu.dma_semaphore, #tpu.memory_space<semaphore_mem>>) attributes {dimension_semantics = [#tpu.dimension_semantics<core_parallel>, #tpu.dimension_semantics<subcore_parallel>], iteration_bounds = array<i64: 2, 16>, scalar_prefetch = 0 : i64, scratch_operands = 8 : i64, tpu.core_type = #tpu.core_type<sc_vector_subcore>, window_params = [{transform_indices = #map}, {transform_indices = #map}, {transform_indices = #map1}, {transform_indices = #map1}, {transform_indices = #map1}, {transform_indices = #map}, {transform_indices = #map}, {transform_indices = #map2}]} {
    %mul3A = arith.constant 16 : i32
    %mul3A_0 = arith.muli %arg0, %mul3A : i32
    %add3A = arith.addi %mul3A_0, %arg1 : i32
    %lt3A = arith.constant 15 : i32
    %lt3A_1 = arith.cmpi slt, %arg1, %lt3A : i32
    %convert_element_type3A = arith.extui %lt3A_1 : i1 to i32
    %cond3A = arith.constant 0 : i32
    %cond3A_2 = arith.cmpi ne, %convert_element_type3A, %cond3A : i32
    scf.if %cond3A_2 {
      %mul3A_30 = arith.constant 632 : i32
      %mul3A_31 = arith.muli %arg1, %mul3A_30 : i32
      "tpu.region"() ({
        %run_scoped3A = tpu.sem_alloc : memref<!tpu.dma_semaphore, #tpu.memory_space<semaphore_mem>>
        %dma_start3A = arith.constant 0 : i32
        %dma_start3A_32 = tpu.memref_slice %arg15[%mul3A_31, %dma_start3A] : memref<10008x128xf32, #tpu.memory_space<vmem_shared>> -> memref<632x128xf32, #tpu.memory_space<vmem_shared>>
        tpu.enqueue_dma source(%arg8 : memref<632x128xf32, #tpu.memory_space<hbm>>) target(%dma_start3A_32 : memref<632x128xf32, #tpu.memory_space<vmem_shared>>) target_semaphore(%run_scoped3A : memref<!tpu.dma_semaphore, #tpu.memory_space<semaphore_mem>>)
        %dma_wait3A = arith.constant 0 : i32
        %dma_wait3A_33 = tpu.memref_slice %arg15[%mul3A_31, %dma_wait3A] : memref<10008x128xf32, #tpu.memory_space<vmem_shared>> -> memref<632x128xf32, #tpu.memory_space<vmem_shared>>
        tpu.wait_dma2 semaphore(%run_scoped3A : memref<!tpu.dma_semaphore, #tpu.memory_space<semaphore_mem>>) src(%arg8 : memref<632x128xf32, #tpu.memory_space<hbm>>) dst(%dma_wait3A_33 : memref<632x128xf32, #tpu.memory_space<vmem_shared>>)
        tpu.yield
      }) : () -> ()
    } else {
    }
    %eq3A = arith.constant 15 : i32
    %eq3A_3 = arith.cmpi eq, %arg1, %eq3A : i32
    %convert_element_type3A_4 = arith.extui %eq3A_3 : i1 to i32
    %cond3A_5 = arith.constant 0 : i32
    %cond3A_6 = arith.cmpi ne, %convert_element_type3A_4, %cond3A_5 : i32
    scf.if %cond3A_6 {
      "tpu.region"() ({
        %run_scoped3A = tpu.sem_alloc : memref<!tpu.dma_semaphore, #tpu.memory_space<semaphore_mem>>
        %dma_start3A = arith.constant 9480 : i32
        %dma_start3A_30 = arith.constant 0 : i32
        %dma_start3A_31 = tpu.memref_slice %arg15[%dma_start3A, %dma_start3A_30] : memref<10008x128xf32, #tpu.memory_space<vmem_shared>> -> memref<528x128xf32, #tpu.memory_space<vmem_shared>>
        %dma_start3A_32 = arith.constant 0 : i32
        %dma_start3A_33 = arith.constant 0 : i32
        %dma_start3A_34 = tpu.memref_slice %arg8[%dma_start3A_32, %dma_start3A_33] : memref<632x128xf32, #tpu.memory_space<hbm>> -> memref<528x128xf32, #tpu.memory_space<hbm>>
        tpu.enqueue_dma source(%dma_start3A_34 : memref<528x128xf32, #tpu.memory_space<hbm>>) target(%dma_start3A_31 : memref<528x128xf32, #tpu.memory_space<vmem_shared>>) target_semaphore(%run_scoped3A : memref<!tpu.dma_semaphore, #tpu.memory_space<semaphore_mem>>)
        %dma_wait3A = arith.constant 9480 : i32
        %dma_wait3A_35 = arith.constant 0 : i32
        %dma_wait3A_36 = tpu.memref_slice %arg15[%dma_wait3A, %dma_wait3A_35] : memref<10008x128xf32, #tpu.memory_space<vmem_shared>> -> memref<528x128xf32, #tpu.memory_space<vmem_shared>>
        %dma_wait3A_37 = arith.constant 0 : i32
        %dma_wait3A_38 = arith.constant 0 : i32
        %dma_wait3A_39 = tpu.memref_slice %arg8[%dma_wait3A_37, %dma_wait3A_38] : memref<632x128xf32, #tpu.memory_space<hbm>> -> memref<528x128xf32, #tpu.memory_space<hbm>>
        tpu.wait_dma2 semaphore(%run_scoped3A : memref<!tpu.dma_semaphore, #tpu.memory_space<semaphore_mem>>) src(%dma_wait3A_39 : memref<528x128xf32, #tpu.memory_space<hbm>>) dst(%dma_wait3A_36 : memref<528x128xf32, #tpu.memory_space<vmem_shared>>)
        tpu.yield
      }) : () -> ()
    } else {
    }
    "tpu.region"() ({
      %run_scoped3A = tpu.sem_alloc : memref<!tpu.dma_semaphore, #tpu.memory_space<semaphore_mem>>
      tpu.enqueue_dma source(%arg7 : memref<1x128xf32, #tpu.memory_space<hbm>>) target(%arg14 : memref<1x128xf32, #tpu.memory_space<vmem>>) target_semaphore(%run_scoped3A : memref<!tpu.dma_semaphore, #tpu.memory_space<semaphore_mem>>)
      tpu.wait_dma2 semaphore(%run_scoped3A : memref<!tpu.dma_semaphore, #tpu.memory_space<semaphore_mem>>) src(%arg7 : memref<1x128xf32, #tpu.memory_space<hbm>>) dst(%arg14 : memref<1x128xf32, #tpu.memory_space<vmem>>)
      tpu.yield
    }) : () -> ()
    %barrier3A = arith.constant 0 : index
    tpu.barrier barrier_id(%barrier3A)
    %scan3A = arith.constant 0 : i32
    %scan3A_7 = arith.constant 0 : i32
    %scan3A_8 = arith.constant 125 : i32
    %scan3A_9 = arith.addi %scan3A_7, %scan3A_8 : i32
    %scan3A_10 = arith.constant 1 : i32
    scf.for %scan3A_30 = %scan3A_7 to %scan3A_9 step %scan3A_10  : i32 {
      %mul3A_31 = arith.constant 10000 : i32
      %mul3A_32 = arith.muli %add3A, %mul3A_31 : i32
      %mul3A_33 = arith.constant 80 : i32
      %mul3A_34 = arith.muli %scan3A_30, %mul3A_33 : i32
      %add3A_35 = arith.addi %mul3A_32, %mul3A_34 : i32
      "tpu.region"() ({
        %run_scoped3A = tpu.sem_alloc : memref<!tpu.dma_semaphore, #tpu.memory_space<semaphore_mem>>
        %dma_start3A_54 = tpu.memref_slice %arg5[%add3A_35] : memref<320000xi32, #tpu.memory_space<hbm>> -> memref<80xi32, #tpu.memory_space<hbm>>
        %dma_start3A_55 = tpu.memref_slice %arg5[%add3A_35] : memref<320000xi32, #tpu.memory_space<hbm>> -> memref<80xi32, #tpu.memory_space<hbm>>
        tpu.enqueue_dma source(%dma_start3A_55 : memref<80xi32, #tpu.memory_space<hbm>>) target(%arg11 : memref<80xi32, #tpu.memory_space<vmem>>) target_semaphore(%run_scoped3A : memref<!tpu.dma_semaphore, #tpu.memory_space<semaphore_mem>>)
        %dma_wait3A_56 = tpu.memref_slice %arg5[%add3A_35] : memref<320000xi32, #tpu.memory_space<hbm>> -> memref<80xi32, #tpu.memory_space<hbm>>
        %dma_wait3A_57 = tpu.memref_slice %arg5[%add3A_35] : memref<320000xi32, #tpu.memory_space<hbm>> -> memref<80xi32, #tpu.memory_space<hbm>>
        tpu.wait_dma2 semaphore(%run_scoped3A : memref<!tpu.dma_semaphore, #tpu.memory_space<semaphore_mem>>) src(%dma_wait3A_57 : memref<80xi32, #tpu.memory_space<hbm>>) dst(%arg11 : memref<80xi32, #tpu.memory_space<vmem>>)
        tpu.yield
      }) : () -> ()
      "tpu.region"() ({
        %run_scoped3A = tpu.sem_alloc : memref<!tpu.dma_semaphore, #tpu.memory_space<semaphore_mem>>
        %dma_start3A_54 = tpu.memref_slice %arg4[%add3A_35] : memref<320000xi32, #tpu.memory_space<hbm>> -> memref<80xi32, #tpu.memory_space<hbm>>
        %dma_start3A_55 = tpu.memref_slice %arg4[%add3A_35] : memref<320000xi32, #tpu.memory_space<hbm>> -> memref<80xi32, #tpu.memory_space<hbm>>
        tpu.enqueue_dma source(%dma_start3A_55 : memref<80xi32, #tpu.memory_space<hbm>>) target(%arg10 : memref<80xi32, #tpu.memory_space<vmem>>) target_semaphore(%run_scoped3A : memref<!tpu.dma_semaphore, #tpu.memory_space<semaphore_mem>>)
        %dma_wait3A_56 = tpu.memref_slice %arg4[%add3A_35] : memref<320000xi32, #tpu.memory_space<hbm>> -> memref<80xi32, #tpu.memory_space<hbm>>
        %dma_wait3A_57 = tpu.memref_slice %arg4[%add3A_35] : memref<320000xi32, #tpu.memory_space<hbm>> -> memref<80xi32, #tpu.memory_space<hbm>>
        tpu.wait_dma2 semaphore(%run_scoped3A : memref<!tpu.dma_semaphore, #tpu.memory_space<semaphore_mem>>) src(%dma_wait3A_57 : memref<80xi32, #tpu.memory_space<hbm>>) dst(%arg10 : memref<80xi32, #tpu.memory_space<vmem>>)
        tpu.yield
      }) : () -> ()
      %dma_start3A = arith.constant 0 : i32
      %dma_start3A_36 = tpu.memref_slice %arg3[%add3A_35, %dma_start3A] : memref<320000x128xf32, #tpu.memory_space<hbm>> -> memref<80x128xf32, #tpu.memory_space<hbm>>
      %dma_start3A_37 = arith.constant 0 : i32
      %dma_start3A_38 = tpu.memref_slice %arg3[%add3A_35, %dma_start3A_37] : memref<320000x128xf32, #tpu.memory_space<hbm>> -> memref<80x128xf32, #tpu.memory_space<hbm>>
      tpu.enqueue_dma source(%dma_start3A_38 : memref<80x128xf32, #tpu.memory_space<hbm>>) target(%arg13 : memref<80x128xf32, #tpu.memory_space<vmem>>) target_semaphore(%arg17 : memref<!tpu.dma_semaphore, #tpu.memory_space<semaphore_mem>>)
      %dma_start3A_39 = arith.constant 0 : i32
      %dma_start3A_40 = arith.constant 0 : i32
      %dma_start3A_41 = tpu.memref_slice %arg2[%dma_start3A_39, %dma_start3A_40] : memref<10000x128xf32, #tpu.memory_space<hbm>> -> memref<10000x128xf32, #tpu.memory_space<hbm>>
      tpu.enqueue_indirect_dma source(%dma_start3A_41 : memref<10000x128xf32, #tpu.memory_space<hbm>>) target(%arg12 : memref<80x128xf32, #tpu.memory_space<vmem>>) offsets(%arg10 : memref<80xi32, #tpu.memory_space<vmem>>) semaphore(%arg16 : memref<!tpu.dma_semaphore, #tpu.memory_space<semaphore_mem>>)
      %dma_wait3A = arith.constant 0 : i32
      %dma_wait3A_42 = arith.constant 0 : i32
      %dma_wait3A_43 = tpu.memref_slice %arg2[%dma_wait3A, %dma_wait3A_42] : memref<10000x128xf32, #tpu.memory_space<hbm>> -> memref<10000x128xf32, #tpu.memory_space<hbm>>
      tpu.wait_indirect_dma semaphore(%arg16 : memref<!tpu.dma_semaphore, #tpu.memory_space<semaphore_mem>>) src(%dma_wait3A_43 : memref<10000x128xf32, #tpu.memory_space<hbm>>) dst(%arg12 : memref<80x128xf32, #tpu.memory_space<vmem>>)
      %dma_wait3A_44 = arith.constant 0 : i32
      %dma_wait3A_45 = tpu.memref_slice %arg3[%add3A_35, %dma_wait3A_44] : memref<320000x128xf32, #tpu.memory_space<hbm>> -> memref<80x128xf32, #tpu.memory_space<hbm>>
      %dma_wait3A_46 = arith.constant 0 : i32
      %dma_wait3A_47 = tpu.memref_slice %arg3[%add3A_35, %dma_wait3A_46] : memref<320000x128xf32, #tpu.memory_space<hbm>> -> memref<80x128xf32, #tpu.memory_space<hbm>>
      tpu.wait_dma2 semaphore(%arg17 : memref<!tpu.dma_semaphore, #tpu.memory_space<semaphore_mem>>) src(%dma_wait3A_47 : memref<80x128xf32, #tpu.memory_space<hbm>>) dst(%arg13 : memref<80x128xf32, #tpu.memory_space<vmem>>)
      %scan3A_48 = arith.constant 0 : i32
      %scan3A_49 = arith.constant 0 : i32
      %scan3A_50 = arith.constant 80 : i32
      %scan3A_51 = arith.addi %scan3A_49, %scan3A_50 : i32
      %scan3A_52 = arith.constant 1 : i32
      scf.for %scan3A_54 = %scan3A_49 to %scan3A_51 step %scan3A_52  : i32 {
        %get3A = arith.index_cast %scan3A_54 : i32 to index
        %get3A_55 = arith.constant 0 : index
        %get3A_56 = tpu.vector_load %arg12[%get3A, %get3A_55] {strides = array<i32>} : memref<80x128xf32, #tpu.memory_space<vmem>>, vector<1x16xf32>,
        %get3A_57 = vector.shape_cast %get3A_56 : vector<1x16xf32> to vector<16xf32>
        %get3A_58 = arith.index_cast %scan3A_54 : i32 to index
        %get3A_59 = arith.constant 0 : index
        %get3A_60 = tpu.vector_load %arg13[%get3A_58, %get3A_59] {strides = array<i32>} : memref<80x128xf32, #tpu.memory_space<vmem>>, vector<1x16xf32>,
        %get3A_61 = vector.shape_cast %get3A_60 : vector<1x16xf32> to vector<16xf32>
        %add3A_62 = arith.addf %get3A_57, %get3A_61 : vector<16xf32>
        %get3A_63 = arith.constant 0 : i32
        %get3A_64 = arith.index_cast %get3A_63 : i32 to index
        %get3A_65 = arith.constant 0 : index
        %get3A_66 = tpu.vector_load %arg14[%get3A_64, %get3A_65] {strides = array<i32>} : memref<1x128xf32, #tpu.memory_space<vmem>>, vector<1x16xf32>,
        %get3A_67 = vector.shape_cast %get3A_66 : vector<1x16xf32> to vector<16xf32>
        %add3A_68 = arith.addf %add3A_62, %get3A_67 : vector<16xf32>
        %max3A = arith.constant 0.000000e+00 : f32
        %max3A_69 = vector.broadcast %max3A : f32 to vector<16xf32>
        %max3A_70 = arith.maximumf %add3A_68, %max3A_69 : vector<16xf32>
        %swap3A = arith.index_cast %scan3A_54 : i32 to index
        %swap3A_71 = arith.constant 0 : index
        %swap3A_72 = tpu.vector_load %arg12[%swap3A, %swap3A_71] {strides = array<i32>} : memref<80x128xf32, #tpu.memory_space<vmem>>, vector<1x16xf32>,
        %swap3A_73 = vector.shape_cast %swap3A_72 : vector<1x16xf32> to vector<16xf32>
        %swap3A_74 = vector.shape_cast %max3A_70 : vector<16xf32> to vector<1x16xf32>
        tpu.vector_store %arg12[%swap3A, %swap3A_71], %swap3A_74 {strides = array<i32>} : memref<80x128xf32, #tpu.memory_space<vmem>>, vector<1x16xf32>,
        %get3A_75 = arith.index_cast %scan3A_54 : i32 to index
        %get3A_76 = arith.constant 16 : index
        %get3A_77 = tpu.vector_load %arg12[%get3A_75, %get3A_76] {strides = array<i32>} : memref<80x128xf32, #tpu.memory_space<vmem>>, vector<1x16xf32>,
        %get3A_78 = vector.shape_cast %get3A_77 : vector<1x16xf32> to vector<16xf32>
        %get3A_79 = arith.index_cast %scan3A_54 : i32 to index
        %get3A_80 = arith.constant 16 : index
        %get3A_81 = tpu.vector_load %arg13[%get3A_79, %get3A_80] {strides = array<i32>} : memref<80x128xf32, #tpu.memory_space<vmem>>, vector<1x16xf32>,
        %get3A_82 = vector.shape_cast %get3A_81 : vector<1x16xf32> to vector<16xf32>
        %add3A_83 = arith.addf %get3A_78, %get3A_82 : vector<16xf32>
        %get3A_84 = arith.constant 0 : i32
        %get3A_85 = arith.index_cast %get3A_84 : i32 to index
        %get3A_86 = arith.constant 16 : index
        %get3A_87 = tpu.vector_load %arg14[%get3A_85, %get3A_86] {strides = array<i32>} : memref<1x128xf32, #tpu.memory_space<vmem>>, vector<1x16xf32>,
        %get3A_88 = vector.shape_cast %get3A_87 : vector<1x16xf32> to vector<16xf32>
        %add3A_89 = arith.addf %add3A_83, %get3A_88 : vector<16xf32>
        %max3A_90 = arith.constant 0.000000e+00 : f32
        %max3A_91 = vector.broadcast %max3A_90 : f32 to vector<16xf32>
        %max3A_92 = arith.maximumf %add3A_89, %max3A_91 : vector<16xf32>
        %swap3A_93 = arith.index_cast %scan3A_54 : i32 to index
        %swap3A_94 = arith.constant 16 : index
        %swap3A_95 = tpu.vector_load %arg12[%swap3A_93, %swap3A_94] {strides = array<i32>} : memref<80x128xf32, #tpu.memory_space<vmem>>, vector<1x16xf32>,
        %swap3A_96 = vector.shape_cast %swap3A_95 : vector<1x16xf32> to vector<16xf32>
        %swap3A_97 = vector.shape_cast %max3A_92 : vector<16xf32> to vector<1x16xf32>
        tpu.vector_store %arg12[%swap3A_93, %swap3A_94], %swap3A_97 {strides = array<i32>} : memref<80x128xf32, #tpu.memory_space<vmem>>, vector<1x16xf32>,
        %get3A_98 = arith.index_cast %scan3A_54 : i32 to index
        %get3A_99 = arith.constant 32 : index
        %get3A_100 = tpu.vector_load %arg12[%get3A_98, %get3A_99] {strides = array<i32>} : memref<80x128xf32, #tpu.memory_space<vmem>>, vector<1x16xf32>,
        %get3A_101 = vector.shape_cast %get3A_100 : vector<1x16xf32> to vector<16xf32>
        %get3A_102 = arith.index_cast %scan3A_54 : i32 to index
        %get3A_103 = arith.constant 32 : index
        %get3A_104 = tpu.vector_load %arg13[%get3A_102, %get3A_103] {strides = array<i32>} : memref<80x128xf32, #tpu.memory_space<vmem>>, vector<1x16xf32>,
        %get3A_105 = vector.shape_cast %get3A_104 : vector<1x16xf32> to vector<16xf32>
        %add3A_106 = arith.addf %get3A_101, %get3A_105 : vector<16xf32>
        %get3A_107 = arith.constant 0 : i32
        %get3A_108 = arith.index_cast %get3A_107 : i32 to index
        %get3A_109 = arith.constant 32 : index
        %get3A_110 = tpu.vector_load %arg14[%get3A_108, %get3A_109] {strides = array<i32>} : memref<1x128xf32, #tpu.memory_space<vmem>>, vector<1x16xf32>,
        %get3A_111 = vector.shape_cast %get3A_110 : vector<1x16xf32> to vector<16xf32>
        %add3A_112 = arith.addf %add3A_106, %get3A_111 : vector<16xf32>
        %max3A_113 = arith.constant 0.000000e+00 : f32
        %max3A_114 = vector.broadcast %max3A_113 : f32 to vector<16xf32>
        %max3A_115 = arith.maximumf %add3A_112, %max3A_114 : vector<16xf32>
        %swap3A_116 = arith.index_cast %scan3A_54 : i32 to index
        %swap3A_117 = arith.constant 32 : index
        %swap3A_118 = tpu.vector_load %arg12[%swap3A_116, %swap3A_117] {strides = array<i32>} : memref<80x128xf32, #tpu.memory_space<vmem>>, vector<1x16xf32>,
        %swap3A_119 = vector.shape_cast %swap3A_118 : vector<1x16xf32> to vector<16xf32>
        %swap3A_120 = vector.shape_cast %max3A_115 : vector<16xf32> to vector<1x16xf32>
        tpu.vector_store %arg12[%swap3A_116, %swap3A_117], %swap3A_120 {strides = array<i32>} : memref<80x128xf32, #tpu.memory_space<vmem>>, vector<1x16xf32>,
        %get3A_121 = arith.index_cast %scan3A_54 : i32 to index
        %get3A_122 = arith.constant 48 : index
        %get3A_123 = tpu.vector_load %arg12[%get3A_121, %get3A_122] {strides = array<i32>} : memref<80x128xf32, #tpu.memory_space<vmem>>, vector<1x16xf32>,
        %get3A_124 = vector.shape_cast %get3A_123 : vector<1x16xf32> to vector<16xf32>
        %get3A_125 = arith.index_cast %scan3A_54 : i32 to index
        %get3A_126 = arith.constant 48 : index
        %get3A_127 = tpu.vector_load %arg13[%get3A_125, %get3A_126] {strides = array<i32>} : memref<80x128xf32, #tpu.memory_space<vmem>>, vector<1x16xf32>,
        %get3A_128 = vector.shape_cast %get3A_127 : vector<1x16xf32> to vector<16xf32>
        %add3A_129 = arith.addf %get3A_124, %get3A_128 : vector<16xf32>
        %get3A_130 = arith.constant 0 : i32
        %get3A_131 = arith.index_cast %get3A_130 : i32 to index
        %get3A_132 = arith.constant 48 : index
        %get3A_133 = tpu.vector_load %arg14[%get3A_131, %get3A_132] {strides = array<i32>} : memref<1x128xf32, #tpu.memory_space<vmem>>, vector<1x16xf32>,
        %get3A_134 = vector.shape_cast %get3A_133 : vector<1x16xf32> to vector<16xf32>
        %add3A_135 = arith.addf %add3A_129, %get3A_134 : vector<16xf32>
        %max3A_136 = arith.constant 0.000000e+00 : f32
        %max3A_137 = vector.broadcast %max3A_136 : f32 to vector<16xf32>
        %max3A_138 = arith.maximumf %add3A_135, %max3A_137 : vector<16xf32>
        %swap3A_139 = arith.index_cast %scan3A_54 : i32 to index
        %swap3A_140 = arith.constant 48 : index
        %swap3A_141 = tpu.vector_load %arg12[%swap3A_139, %swap3A_140] {strides = array<i32>} : memref<80x128xf32, #tpu.memory_space<vmem>>, vector<1x16xf32>,
        %swap3A_142 = vector.shape_cast %swap3A_141 : vector<1x16xf32> to vector<16xf32>
        %swap3A_143 = vector.shape_cast %max3A_138 : vector<16xf32> to vector<1x16xf32>
        tpu.vector_store %arg12[%swap3A_139, %swap3A_140], %swap3A_143 {strides = array<i32>} : memref<80x128xf32, #tpu.memory_space<vmem>>, vector<1x16xf32>,
        %get3A_144 = arith.index_cast %scan3A_54 : i32 to index
        %get3A_145 = arith.constant 64 : index
        %get3A_146 = tpu.vector_load %arg12[%get3A_144, %get3A_145] {strides = array<i32>} : memref<80x128xf32, #tpu.memory_space<vmem>>, vector<1x16xf32>,
        %get3A_147 = vector.shape_cast %get3A_146 : vector<1x16xf32> to vector<16xf32>
        %get3A_148 = arith.index_cast %scan3A_54 : i32 to index
        %get3A_149 = arith.constant 64 : index
        %get3A_150 = tpu.vector_load %arg13[%get3A_148, %get3A_149] {strides = array<i32>} : memref<80x128xf32, #tpu.memory_space<vmem>>, vector<1x16xf32>,
        %get3A_151 = vector.shape_cast %get3A_150 : vector<1x16xf32> to vector<16xf32>
        %add3A_152 = arith.addf %get3A_147, %get3A_151 : vector<16xf32>
        %get3A_153 = arith.constant 0 : i32
        %get3A_154 = arith.index_cast %get3A_153 : i32 to index
        %get3A_155 = arith.constant 64 : index
        %get3A_156 = tpu.vector_load %arg14[%get3A_154, %get3A_155] {strides = array<i32>} : memref<1x128xf32, #tpu.memory_space<vmem>>, vector<1x16xf32>,
        %get3A_157 = vector.shape_cast %get3A_156 : vector<1x16xf32> to vector<16xf32>
        %add3A_158 = arith.addf %add3A_152, %get3A_157 : vector<16xf32>
        %max3A_159 = arith.constant 0.000000e+00 : f32
        %max3A_160 = vector.broadcast %max3A_159 : f32 to vector<16xf32>
        %max3A_161 = arith.maximumf %add3A_158, %max3A_160 : vector<16xf32>
        %swap3A_162 = arith.index_cast %scan3A_54 : i32 to index
        %swap3A_163 = arith.constant 64 : index
        %swap3A_164 = tpu.vector_load %arg12[%swap3A_162, %swap3A_163] {strides = array<i32>} : memref<80x128xf32, #tpu.memory_space<vmem>>, vector<1x16xf32>,
        %swap3A_165 = vector.shape_cast %swap3A_164 : vector<1x16xf32> to vector<16xf32>
        %swap3A_166 = vector.shape_cast %max3A_161 : vector<16xf32> to vector<1x16xf32>
        tpu.vector_store %arg12[%swap3A_162, %swap3A_163], %swap3A_166 {strides = array<i32>} : memref<80x128xf32, #tpu.memory_space<vmem>>, vector<1x16xf32>,
        %get3A_167 = arith.index_cast %scan3A_54 : i32 to index
        %get3A_168 = arith.constant 80 : index
        %get3A_169 = tpu.vector_load %arg12[%get3A_167, %get3A_168] {strides = array<i32>} : memref<80x128xf32, #tpu.memory_space<vmem>>, vector<1x16xf32>,
        %get3A_170 = vector.shape_cast %get3A_169 : vector<1x16xf32> to vector<16xf32>
        %get3A_171 = arith.index_cast %scan3A_54 : i32 to index
        %get3A_172 = arith.constant 80 : index
        %get3A_173 = tpu.vector_load %arg13[%get3A_171, %get3A_172] {strides = array<i32>} : memref<80x128xf32, #tpu.memory_space<vmem>>, vector<1x16xf32>,
        %get3A_174 = vector.shape_cast %get3A_173 : vector<1x16xf32> to vector<16xf32>
        %add3A_175 = arith.addf %get3A_170, %get3A_174 : vector<16xf32>
        %get3A_176 = arith.constant 0 : i32
        %get3A_177 = arith.index_cast %get3A_176 : i32 to index
        %get3A_178 = arith.constant 80 : index
        %get3A_179 = tpu.vector_load %arg14[%get3A_177, %get3A_178] {strides = array<i32>} : memref<1x128xf32, #tpu.memory_space<vmem>>, vector<1x16xf32>,
        %get3A_180 = vector.shape_cast %get3A_179 : vector<1x16xf32> to vector<16xf32>
        %add3A_181 = arith.addf %add3A_175, %get3A_180 : vector<16xf32>
        %max3A_182 = arith.constant 0.000000e+00 : f32
        %max3A_183 = vector.broadcast %max3A_182 : f32 to vector<16xf32>
        %max3A_184 = arith.maximumf %add3A_181, %max3A_183 : vector<16xf32>
        %swap3A_185 = arith.index_cast %scan3A_54 : i32 to index
        %swap3A_186 = arith.constant 80 : index
        %swap3A_187 = tpu.vector_load %arg12[%swap3A_185, %swap3A_186] {strides = array<i32>} : memref<80x128xf32, #tpu.memory_space<vmem>>, vector<1x16xf32>,
        %swap3A_188 = vector.shape_cast %swap3A_187 : vector<1x16xf32> to vector<16xf32>
        %swap3A_189 = vector.shape_cast %max3A_184 : vector<16xf32> to vector<1x16xf32>
        tpu.vector_store %arg12[%swap3A_185, %swap3A_186], %swap3A_189 {strides = array<i32>} : memref<80x128xf32, #tpu.memory_space<vmem>>, vector<1x16xf32>,
        %get3A_190 = arith.index_cast %scan3A_54 : i32 to index
        %get3A_191 = arith.constant 96 : index
        %get3A_192 = tpu.vector_load %arg12[%get3A_190, %get3A_191] {strides = array<i32>} : memref<80x128xf32, #tpu.memory_space<vmem>>, vector<1x16xf32>,
        %get3A_193 = vector.shape_cast %get3A_192 : vector<1x16xf32> to vector<16xf32>
        %get3A_194 = arith.index_cast %scan3A_54 : i32 to index
        %get3A_195 = arith.constant 96 : index
        %get3A_196 = tpu.vector_load %arg13[%get3A_194, %get3A_195] {strides = array<i32>} : memref<80x128xf32, #tpu.memory_space<vmem>>, vector<1x16xf32>,
        %get3A_197 = vector.shape_cast %get3A_196 : vector<1x16xf32> to vector<16xf32>
        %add3A_198 = arith.addf %get3A_193, %get3A_197 : vector<16xf32>
        %get3A_199 = arith.constant 0 : i32
        %get3A_200 = arith.index_cast %get3A_199 : i32 to index
        %get3A_201 = arith.constant 96 : index
        %get3A_202 = tpu.vector_load %arg14[%get3A_200, %get3A_201] {strides = array<i32>} : memref<1x128xf32, #tpu.memory_space<vmem>>, vector<1x16xf32>,
        %get3A_203 = vector.shape_cast %get3A_202 : vector<1x16xf32> to vector<16xf32>
        %add3A_204 = arith.addf %add3A_198, %get3A_203 : vector<16xf32>
        %max3A_205 = arith.constant 0.000000e+00 : f32
        %max3A_206 = vector.broadcast %max3A_205 : f32 to vector<16xf32>
        %max3A_207 = arith.maximumf %add3A_204, %max3A_206 : vector<16xf32>
        %swap3A_208 = arith.index_cast %scan3A_54 : i32 to index
        %swap3A_209 = arith.constant 96 : index
        %swap3A_210 = tpu.vector_load %arg12[%swap3A_208, %swap3A_209] {strides = array<i32>} : memref<80x128xf32, #tpu.memory_space<vmem>>, vector<1x16xf32>,
        %swap3A_211 = vector.shape_cast %swap3A_210 : vector<1x16xf32> to vector<16xf32>
        %swap3A_212 = vector.shape_cast %max3A_207 : vector<16xf32> to vector<1x16xf32>
        tpu.vector_store %arg12[%swap3A_208, %swap3A_209], %swap3A_212 {strides = array<i32>} : memref<80x128xf32, #tpu.memory_space<vmem>>, vector<1x16xf32>,
        %get3A_213 = arith.index_cast %scan3A_54 : i32 to index
        %get3A_214 = arith.constant 112 : index
        %get3A_215 = tpu.vector_load %arg12[%get3A_213, %get3A_214] {strides = array<i32>} : memref<80x128xf32, #tpu.memory_space<vmem>>, vector<1x16xf32>,
        %get3A_216 = vector.shape_cast %get3A_215 : vector<1x16xf32> to vector<16xf32>
        %get3A_217 = arith.index_cast %scan3A_54 : i32 to index
        %get3A_218 = arith.constant 112 : index
        %get3A_219 = tpu.vector_load %arg13[%get3A_217, %get3A_218] {strides = array<i32>} : memref<80x128xf32, #tpu.memory_space<vmem>>, vector<1x16xf32>,
        %get3A_220 = vector.shape_cast %get3A_219 : vector<1x16xf32> to vector<16xf32>
        %add3A_221 = arith.addf %get3A_216, %get3A_220 : vector<16xf32>
        %get3A_222 = arith.constant 0 : i32
        %get3A_223 = arith.index_cast %get3A_222 : i32 to index
        %get3A_224 = arith.constant 112 : index
        %get3A_225 = tpu.vector_load %arg14[%get3A_223, %get3A_224] {strides = array<i32>} : memref<1x128xf32, #tpu.memory_space<vmem>>, vector<1x16xf32>,
        %get3A_226 = vector.shape_cast %get3A_225 : vector<1x16xf32> to vector<16xf32>
        %add3A_227 = arith.addf %add3A_221, %get3A_226 : vector<16xf32>
        %max3A_228 = arith.constant 0.000000e+00 : f32
        %max3A_229 = vector.broadcast %max3A_228 : f32 to vector<16xf32>
        %max3A_230 = arith.maximumf %add3A_227, %max3A_229 : vector<16xf32>
        %swap3A_231 = arith.index_cast %scan3A_54 : i32 to index
        %swap3A_232 = arith.constant 112 : index
        %swap3A_233 = tpu.vector_load %arg12[%swap3A_231, %swap3A_232] {strides = array<i32>} : memref<80x128xf32, #tpu.memory_space<vmem>>, vector<1x16xf32>,
        %swap3A_234 = vector.shape_cast %swap3A_233 : vector<1x16xf32> to vector<16xf32>
        %swap3A_235 = vector.shape_cast %max3A_230 : vector<16xf32> to vector<1x16xf32>
        tpu.vector_store %arg12[%swap3A_231, %swap3A_232], %swap3A_235 {strides = array<i32>} : memref<80x128xf32, #tpu.memory_space<vmem>>, vector<1x16xf32>,
      }
      %scan3A_53 = arith.constant 80 : i32
      "tpu.region"() ({
        %run_scoped3A = tpu.sem_alloc : memref<!tpu.dma_semaphore, #tpu.memory_space<semaphore_mem>>
        %dma_start3A_54 = arith.constant 0 : i32
        %dma_start3A_55 = arith.constant 0 : i32
        %dma_start3A_56 = tpu.memref_slice %arg15[%dma_start3A_54, %dma_start3A_55] : memref<10008x128xf32, #tpu.memory_space<vmem_shared>> -> memref<10008x128xf32, #tpu.memory_space<vmem_shared>>
        tpu.enqueue_indirect_dma source(%arg12 : memref<80x128xf32, #tpu.memory_space<vmem>>) target(%dma_start3A_56 : memref<10008x128xf32, #tpu.memory_space<vmem_shared>>) offsets(%arg11 : memref<80xi32, #tpu.memory_space<vmem>>) semaphore(%run_scoped3A : memref<!tpu.dma_semaphore, #tpu.memory_space<semaphore_mem>>) {add = true}
        %dma_wait3A_57 = arith.constant 0 : i32
        %dma_wait3A_58 = arith.constant 0 : i32
        %dma_wait3A_59 = tpu.memref_slice %arg15[%dma_wait3A_57, %dma_wait3A_58] : memref<10008x128xf32, #tpu.memory_space<vmem_shared>> -> memref<10008x128xf32, #tpu.memory_space<vmem_shared>>
        tpu.wait_indirect_dma semaphore(%run_scoped3A : memref<!tpu.dma_semaphore, #tpu.memory_space<semaphore_mem>>) src(%arg12 : memref<80x128xf32, #tpu.memory_space<vmem>>) dst(%dma_wait3A_59 : memref<10008x128xf32, #tpu.memory_space<vmem_shared>>)
        tpu.yield
      }) : () -> ()
    }
    %scan3A_11 = arith.constant 125 : i32
    %barrier3A_12 = arith.constant 0 : index
    tpu.barrier barrier_id(%barrier3A_12)
    %scan3A_13 = arith.constant 0 : i32
    %scan3A_14 = arith.constant 0 : i32
    %scan3A_15 = arith.constant 13 : i32
    %scan3A_16 = arith.addi %scan3A_14, %scan3A_15 : i32
    %scan3A_17 = arith.constant 1 : i32
    scf.for %scan3A_30 = %scan3A_14 to %scan3A_16 step %scan3A_17  : i32 {
      %mul3A_31 = arith.constant 10000 : i32
      %mul3A_32 = arith.muli %add3A, %mul3A_31 : i32
      %mul3A_33 = arith.constant 80 : i32
      %mul3A_34 = arith.muli %scan3A_30, %mul3A_33 : i32
      %add3A_35 = arith.addi %mul3A_32, %mul3A_34 : i32
      "tpu.region"() ({
        %run_scoped3A = tpu.sem_alloc : memref<!tpu.dma_semaphore, #tpu.memory_space<semaphore_mem>>
        %dma_start3A_54 = tpu.memref_slice %arg6[%add3A_35] : memref<320000xi32, #tpu.memory_space<hbm>> -> memref<80xi32, #tpu.memory_space<hbm>>
        %dma_start3A_55 = tpu.memref_slice %arg6[%add3A_35] : memref<320000xi32, #tpu.memory_space<hbm>> -> memref<80xi32, #tpu.memory_space<hbm>>
        tpu.enqueue_dma source(%dma_start3A_55 : memref<80xi32, #tpu.memory_space<hbm>>) target(%arg11 : memref<80xi32, #tpu.memory_space<vmem>>) target_semaphore(%run_scoped3A : memref<!tpu.dma_semaphore, #tpu.memory_space<semaphore_mem>>)
        %dma_wait3A_56 = tpu.memref_slice %arg6[%add3A_35] : memref<320000xi32, #tpu.memory_space<hbm>> -> memref<80xi32, #tpu.memory_space<hbm>>
        %dma_wait3A_57 = tpu.memref_slice %arg6[%add3A_35] : memref<320000xi32, #tpu.memory_space<hbm>> -> memref<80xi32, #tpu.memory_space<hbm>>
        tpu.wait_dma2 semaphore(%run_scoped3A : memref<!tpu.dma_semaphore, #tpu.memory_space<semaphore_mem>>) src(%dma_wait3A_57 : memref<80xi32, #tpu.memory_space<hbm>>) dst(%arg11 : memref<80xi32, #tpu.memory_space<vmem>>)
        tpu.yield
      }) : () -> ()
      "tpu.region"() ({
        %run_scoped3A = tpu.sem_alloc : memref<!tpu.dma_semaphore, #tpu.memory_space<semaphore_mem>>
        %dma_start3A_54 = tpu.memref_slice %arg4[%add3A_35] : memref<320000xi32, #tpu.memory_space<hbm>> -> memref<80xi32, #tpu.memory_space<hbm>>
        %dma_start3A_55 = tpu.memref_slice %arg4[%add3A_35] : memref<320000xi32, #tpu.memory_space<hbm>> -> memref<80xi32, #tpu.memory_space<hbm>>
        tpu.enqueue_dma source(%dma_start3A_55 : memref<80xi32, #tpu.memory_space<hbm>>) target(%arg10 : memref<80xi32, #tpu.memory_space<vmem>>) target_semaphore(%run_scoped3A : memref<!tpu.dma_semaphore, #tpu.memory_space<semaphore_mem>>)
        %dma_wait3A_56 = tpu.memref_slice %arg4[%add3A_35] : memref<320000xi32, #tpu.memory_space<hbm>> -> memref<80xi32, #tpu.memory_space<hbm>>
        %dma_wait3A_57 = tpu.memref_slice %arg4[%add3A_35] : memref<320000xi32, #tpu.memory_space<hbm>> -> memref<80xi32, #tpu.memory_space<hbm>>
        tpu.wait_dma2 semaphore(%run_scoped3A : memref<!tpu.dma_semaphore, #tpu.memory_space<semaphore_mem>>) src(%dma_wait3A_57 : memref<80xi32, #tpu.memory_space<hbm>>) dst(%arg10 : memref<80xi32, #tpu.memory_space<vmem>>)
        tpu.yield
      }) : () -> ()
      %dma_start3A = arith.constant 0 : i32
      %dma_start3A_36 = tpu.memref_slice %arg3[%add3A_35, %dma_start3A] : memref<320000x128xf32, #tpu.memory_space<hbm>> -> memref<80x128xf32, #tpu.memory_space<hbm>>
      %dma_start3A_37 = arith.constant 0 : i32
      %dma_start3A_38 = tpu.memref_slice %arg3[%add3A_35, %dma_start3A_37] : memref<320000x128xf32, #tpu.memory_space<hbm>> -> memref<80x128xf32, #tpu.memory_space<hbm>>
      tpu.enqueue_dma source(%dma_start3A_38 : memref<80x128xf32, #tpu.memory_space<hbm>>) target(%arg13 : memref<80x128xf32, #tpu.memory_space<vmem>>) target_semaphore(%arg17 : memref<!tpu.dma_semaphore, #tpu.memory_space<semaphore_mem>>)
      %dma_start3A_39 = arith.constant 0 : i32
      %dma_start3A_40 = arith.constant 0 : i32
      %dma_start3A_41 = tpu.memref_slice %arg2[%dma_start3A_39, %dma_start3A_40] : memref<10000x128xf32, #tpu.memory_space<hbm>> -> memref<10000x128xf32, #tpu.memory_space<hbm>>
      tpu.enqueue_indirect_dma source(%dma_start3A_41 : memref<10000x128xf32, #tpu.memory_space<hbm>>) target(%arg12 : memref<80x128xf32, #tpu.memory_space<vmem>>) offsets(%arg10 : memref<80xi32, #tpu.memory_space<vmem>>) semaphore(%arg16 : memref<!tpu.dma_semaphore, #tpu.memory_space<semaphore_mem>>)
      %dma_wait3A = arith.constant 0 : i32
      %dma_wait3A_42 = arith.constant 0 : i32
      %dma_wait3A_43 = tpu.memref_slice %arg2[%dma_wait3A, %dma_wait3A_42] : memref<10000x128xf32, #tpu.memory_space<hbm>> -> memref<10000x128xf32, #tpu.memory_space<hbm>>
      tpu.wait_indirect_dma semaphore(%arg16 : memref<!tpu.dma_semaphore, #tpu.memory_space<semaphore_mem>>) src(%dma_wait3A_43 : memref<10000x128xf32, #tpu.memory_space<hbm>>) dst(%arg12 : memref<80x128xf32, #tpu.memory_space<vmem>>)
      %dma_wait3A_44 = arith.constant 0 : i32
      %dma_wait3A_45 = tpu.memref_slice %arg3[%add3A_35, %dma_wait3A_44] : memref<320000x128xf32, #tpu.memory_space<hbm>> -> memref<80x128xf32, #tpu.memory_space<hbm>>
      %dma_wait3A_46 = arith.constant 0 : i32
      %dma_wait3A_47 = tpu.memref_slice %arg3[%add3A_35, %dma_wait3A_46] : memref<320000x128xf32, #tpu.memory_space<hbm>> -> memref<80x128xf32, #tpu.memory_space<hbm>>
      tpu.wait_dma2 semaphore(%arg17 : memref<!tpu.dma_semaphore, #tpu.memory_space<semaphore_mem>>) src(%dma_wait3A_47 : memref<80x128xf32, #tpu.memory_space<hbm>>) dst(%arg13 : memref<80x128xf32, #tpu.memory_space<vmem>>)
      %scan3A_48 = arith.constant 0 : i32
      %scan3A_49 = arith.constant 0 : i32
      %scan3A_50 = arith.constant 80 : i32
      %scan3A_51 = arith.addi %scan3A_49, %scan3A_50 : i32
      %scan3A_52 = arith.constant 1 : i32
      scf.for %scan3A_54 = %scan3A_49 to %scan3A_51 step %scan3A_52  : i32 {
        %get3A = arith.index_cast %scan3A_54 : i32 to index
        %get3A_55 = arith.constant 0 : index
        %get3A_56 = tpu.vector_load %arg12[%get3A, %get3A_55] {strides = array<i32>} : memref<80x128xf32, #tpu.memory_space<vmem>>, vector<1x16xf32>,
        %get3A_57 = vector.shape_cast %get3A_56 : vector<1x16xf32> to vector<16xf32>
        %get3A_58 = arith.index_cast %scan3A_54 : i32 to index
        %get3A_59 = arith.constant 0 : index
        %get3A_60 = tpu.vector_load %arg13[%get3A_58, %get3A_59] {strides = array<i32>} : memref<80x128xf32, #tpu.memory_space<vmem>>, vector<1x16xf32>,
        %get3A_61 = vector.shape_cast %get3A_60 : vector<1x16xf32> to vector<16xf32>
        %add3A_62 = arith.addf %get3A_57, %get3A_61 : vector<16xf32>
        %get3A_63 = arith.constant 0 : i32
        %get3A_64 = arith.index_cast %get3A_63 : i32 to index
        %get3A_65 = arith.constant 0 : index
        %get3A_66 = tpu.vector_load %arg14[%get3A_64, %get3A_65] {strides = array<i32>} : memref<1x128xf32, #tpu.memory_space<vmem>>, vector<1x16xf32>,
        %get3A_67 = vector.shape_cast %get3A_66 : vector<1x16xf32> to vector<16xf32>
        %add3A_68 = arith.addf %add3A_62, %get3A_67 : vector<16xf32>
        %max3A = arith.constant 0.000000e+00 : f32
        %max3A_69 = vector.broadcast %max3A : f32 to vector<16xf32>
        %max3A_70 = arith.maximumf %add3A_68, %max3A_69 : vector<16xf32>
        %swap3A = arith.index_cast %scan3A_54 : i32 to index
        %swap3A_71 = arith.constant 0 : index
        %swap3A_72 = tpu.vector_load %arg12[%swap3A, %swap3A_71] {strides = array<i32>} : memref<80x128xf32, #tpu.memory_space<vmem>>, vector<1x16xf32>,
        %swap3A_73 = vector.shape_cast %swap3A_72 : vector<1x16xf32> to vector<16xf32>
        %swap3A_74 = vector.shape_cast %max3A_70 : vector<16xf32> to vector<1x16xf32>
        tpu.vector_store %arg12[%swap3A, %swap3A_71], %swap3A_74 {strides = array<i32>} : memref<80x128xf32, #tpu.memory_space<vmem>>, vector<1x16xf32>,
        %get3A_75 = arith.index_cast %scan3A_54 : i32 to index
        %get3A_76 = arith.constant 16 : index
        %get3A_77 = tpu.vector_load %arg12[%get3A_75, %get3A_76] {strides = array<i32>} : memref<80x128xf32, #tpu.memory_space<vmem>>, vector<1x16xf32>,
        %get3A_78 = vector.shape_cast %get3A_77 : vector<1x16xf32> to vector<16xf32>
        %get3A_79 = arith.index_cast %scan3A_54 : i32 to index
        %get3A_80 = arith.constant 16 : index
        %get3A_81 = tpu.vector_load %arg13[%get3A_79, %get3A_80] {strides = array<i32>} : memref<80x128xf32, #tpu.memory_space<vmem>>, vector<1x16xf32>,
        %get3A_82 = vector.shape_cast %get3A_81 : vector<1x16xf32> to vector<16xf32>
        %add3A_83 = arith.addf %get3A_78, %get3A_82 : vector<16xf32>
        %get3A_84 = arith.constant 0 : i32
        %get3A_85 = arith.index_cast %get3A_84 : i32 to index
        %get3A_86 = arith.constant 16 : index
        %get3A_87 = tpu.vector_load %arg14[%get3A_85, %get3A_86] {strides = array<i32>} : memref<1x128xf32, #tpu.memory_space<vmem>>, vector<1x16xf32>,
        %get3A_88 = vector.shape_cast %get3A_87 : vector<1x16xf32> to vector<16xf32>
        %add3A_89 = arith.addf %add3A_83, %get3A_88 : vector<16xf32>
        %max3A_90 = arith.constant 0.000000e+00 : f32
        %max3A_91 = vector.broadcast %max3A_90 : f32 to vector<16xf32>
        %max3A_92 = arith.maximumf %add3A_89, %max3A_91 : vector<16xf32>
        %swap3A_93 = arith.index_cast %scan3A_54 : i32 to index
        %swap3A_94 = arith.constant 16 : index
        %swap3A_95 = tpu.vector_load %arg12[%swap3A_93, %swap3A_94] {strides = array<i32>} : memref<80x128xf32, #tpu.memory_space<vmem>>, vector<1x16xf32>,
        %swap3A_96 = vector.shape_cast %swap3A_95 : vector<1x16xf32> to vector<16xf32>
        %swap3A_97 = vector.shape_cast %max3A_92 : vector<16xf32> to vector<1x16xf32>
        tpu.vector_store %arg12[%swap3A_93, %swap3A_94], %swap3A_97 {strides = array<i32>} : memref<80x128xf32, #tpu.memory_space<vmem>>, vector<1x16xf32>,
        %get3A_98 = arith.index_cast %scan3A_54 : i32 to index
        %get3A_99 = arith.constant 32 : index
        %get3A_100 = tpu.vector_load %arg12[%get3A_98, %get3A_99] {strides = array<i32>} : memref<80x128xf32, #tpu.memory_space<vmem>>, vector<1x16xf32>,
        %get3A_101 = vector.shape_cast %get3A_100 : vector<1x16xf32> to vector<16xf32>
        %get3A_102 = arith.index_cast %scan3A_54 : i32 to index
        %get3A_103 = arith.constant 32 : index
        %get3A_104 = tpu.vector_load %arg13[%get3A_102, %get3A_103] {strides = array<i32>} : memref<80x128xf32, #tpu.memory_space<vmem>>, vector<1x16xf32>,
        %get3A_105 = vector.shape_cast %get3A_104 : vector<1x16xf32> to vector<16xf32>
        %add3A_106 = arith.addf %get3A_101, %get3A_105 : vector<16xf32>
        %get3A_107 = arith.constant 0 : i32
        %get3A_108 = arith.index_cast %get3A_107 : i32 to index
        %get3A_109 = arith.constant 32 : index
        %get3A_110 = tpu.vector_load %arg14[%get3A_108, %get3A_109] {strides = array<i32>} : memref<1x128xf32, #tpu.memory_space<vmem>>, vector<1x16xf32>,
        %get3A_111 = vector.shape_cast %get3A_110 : vector<1x16xf32> to vector<16xf32>
        %add3A_112 = arith.addf %add3A_106, %get3A_111 : vector<16xf32>
        %max3A_113 = arith.constant 0.000000e+00 : f32
        %max3A_114 = vector.broadcast %max3A_113 : f32 to vector<16xf32>
        %max3A_115 = arith.maximumf %add3A_112, %max3A_114 : vector<16xf32>
        %swap3A_116 = arith.index_cast %scan3A_54 : i32 to index
        %swap3A_117 = arith.constant 32 : index
        %swap3A_118 = tpu.vector_load %arg12[%swap3A_116, %swap3A_117] {strides = array<i32>} : memref<80x128xf32, #tpu.memory_space<vmem>>, vector<1x16xf32>,
        %swap3A_119 = vector.shape_cast %swap3A_118 : vector<1x16xf32> to vector<16xf32>
        %swap3A_120 = vector.shape_cast %max3A_115 : vector<16xf32> to vector<1x16xf32>
        tpu.vector_store %arg12[%swap3A_116, %swap3A_117], %swap3A_120 {strides = array<i32>} : memref<80x128xf32, #tpu.memory_space<vmem>>, vector<1x16xf32>,
        %get3A_121 = arith.index_cast %scan3A_54 : i32 to index
        %get3A_122 = arith.constant 48 : index
        %get3A_123 = tpu.vector_load %arg12[%get3A_121, %get3A_122] {strides = array<i32>} : memref<80x128xf32, #tpu.memory_space<vmem>>, vector<1x16xf32>,
        %get3A_124 = vector.shape_cast %get3A_123 : vector<1x16xf32> to vector<16xf32>
        %get3A_125 = arith.index_cast %scan3A_54 : i32 to index
        %get3A_126 = arith.constant 48 : index
        %get3A_127 = tpu.vector_load %arg13[%get3A_125, %get3A_126] {strides = array<i32>} : memref<80x128xf32, #tpu.memory_space<vmem>>, vector<1x16xf32>,
        %get3A_128 = vector.shape_cast %get3A_127 : vector<1x16xf32> to vector<16xf32>
        %add3A_129 = arith.addf %get3A_124, %get3A_128 : vector<16xf32>
        %get3A_130 = arith.constant 0 : i32
        %get3A_131 = arith.index_cast %get3A_130 : i32 to index
        %get3A_132 = arith.constant 48 : index
        %get3A_133 = tpu.vector_load %arg14[%get3A_131, %get3A_132] {strides = array<i32>} : memref<1x128xf32, #tpu.memory_space<vmem>>, vector<1x16xf32>,
        %get3A_134 = vector.shape_cast %get3A_133 : vector<1x16xf32> to vector<16xf32>
        %add3A_135 = arith.addf %add3A_129, %get3A_134 : vector<16xf32>
        %max3A_136 = arith.constant 0.000000e+00 : f32
        %max3A_137 = vector.broadcast %max3A_136 : f32 to vector<16xf32>
        %max3A_138 = arith.maximumf %add3A_135, %max3A_137 : vector<16xf32>
        %swap3A_139 = arith.index_cast %scan3A_54 : i32 to index
        %swap3A_140 = arith.constant 48 : index
        %swap3A_141 = tpu.vector_load %arg12[%swap3A_139, %swap3A_140] {strides = array<i32>} : memref<80x128xf32, #tpu.memory_space<vmem>>, vector<1x16xf32>,
        %swap3A_142 = vector.shape_cast %swap3A_141 : vector<1x16xf32> to vector<16xf32>
        %swap3A_143 = vector.shape_cast %max3A_138 : vector<16xf32> to vector<1x16xf32>
        tpu.vector_store %arg12[%swap3A_139, %swap3A_140], %swap3A_143 {strides = array<i32>} : memref<80x128xf32, #tpu.memory_space<vmem>>, vector<1x16xf32>,
        %get3A_144 = arith.index_cast %scan3A_54 : i32 to index
        %get3A_145 = arith.constant 64 : index
        %get3A_146 = tpu.vector_load %arg12[%get3A_144, %get3A_145] {strides = array<i32>} : memref<80x128xf32, #tpu.memory_space<vmem>>, vector<1x16xf32>,
        %get3A_147 = vector.shape_cast %get3A_146 : vector<1x16xf32> to vector<16xf32>
        %get3A_148 = arith.index_cast %scan3A_54 : i32 to index
        %get3A_149 = arith.constant 64 : index
        %get3A_150 = tpu.vector_load %arg13[%get3A_148, %get3A_149] {strides = array<i32>} : memref<80x128xf32, #tpu.memory_space<vmem>>, vector<1x16xf32>,
        %get3A_151 = vector.shape_cast %get3A_150 : vector<1x16xf32> to vector<16xf32>
        %add3A_152 = arith.addf %get3A_147, %get3A_151 : vector<16xf32>
        %get3A_153 = arith.constant 0 : i32
        %get3A_154 = arith.index_cast %get3A_153 : i32 to index
        %get3A_155 = arith.constant 64 : index
        %get3A_156 = tpu.vector_load %arg14[%get3A_154, %get3A_155] {strides = array<i32>} : memref<1x128xf32, #tpu.memory_space<vmem>>, vector<1x16xf32>,
        %get3A_157 = vector.shape_cast %get3A_156 : vector<1x16xf32> to vector<16xf32>
        %add3A_158 = arith.addf %add3A_152, %get3A_157 : vector<16xf32>
        %max3A_159 = arith.constant 0.000000e+00 : f32
        %max3A_160 = vector.broadcast %max3A_159 : f32 to vector<16xf32>
        %max3A_161 = arith.maximumf %add3A_158, %max3A_160 : vector<16xf32>
        %swap3A_162 = arith.index_cast %scan3A_54 : i32 to index
        %swap3A_163 = arith.constant 64 : index
        %swap3A_164 = tpu.vector_load %arg12[%swap3A_162, %swap3A_163] {strides = array<i32>} : memref<80x128xf32, #tpu.memory_space<vmem>>, vector<1x16xf32>,
        %swap3A_165 = vector.shape_cast %swap3A_164 : vector<1x16xf32> to vector<16xf32>
        %swap3A_166 = vector.shape_cast %max3A_161 : vector<16xf32> to vector<1x16xf32>
        tpu.vector_store %arg12[%swap3A_162, %swap3A_163], %swap3A_166 {strides = array<i32>} : memref<80x128xf32, #tpu.memory_space<vmem>>, vector<1x16xf32>,
        %get3A_167 = arith.index_cast %scan3A_54 : i32 to index
        %get3A_168 = arith.constant 80 : index
        %get3A_169 = tpu.vector_load %arg12[%get3A_167, %get3A_168] {strides = array<i32>} : memref<80x128xf32, #tpu.memory_space<vmem>>, vector<1x16xf32>,
        %get3A_170 = vector.shape_cast %get3A_169 : vector<1x16xf32> to vector<16xf32>
        %get3A_171 = arith.index_cast %scan3A_54 : i32 to index
        %get3A_172 = arith.constant 80 : index
        %get3A_173 = tpu.vector_load %arg13[%get3A_171, %get3A_172] {strides = array<i32>} : memref<80x128xf32, #tpu.memory_space<vmem>>, vector<1x16xf32>,
        %get3A_174 = vector.shape_cast %get3A_173 : vector<1x16xf32> to vector<16xf32>
        %add3A_175 = arith.addf %get3A_170, %get3A_174 : vector<16xf32>
        %get3A_176 = arith.constant 0 : i32
        %get3A_177 = arith.index_cast %get3A_176 : i32 to index
        %get3A_178 = arith.constant 80 : index
        %get3A_179 = tpu.vector_load %arg14[%get3A_177, %get3A_178] {strides = array<i32>} : memref<1x128xf32, #tpu.memory_space<vmem>>, vector<1x16xf32>,
        %get3A_180 = vector.shape_cast %get3A_179 : vector<1x16xf32> to vector<16xf32>
        %add3A_181 = arith.addf %add3A_175, %get3A_180 : vector<16xf32>
        %max3A_182 = arith.constant 0.000000e+00 : f32
        %max3A_183 = vector.broadcast %max3A_182 : f32 to vector<16xf32>
        %max3A_184 = arith.maximumf %add3A_181, %max3A_183 : vector<16xf32>
        %swap3A_185 = arith.index_cast %scan3A_54 : i32 to index
        %swap3A_186 = arith.constant 80 : index
        %swap3A_187 = tpu.vector_load %arg12[%swap3A_185, %swap3A_186] {strides = array<i32>} : memref<80x128xf32, #tpu.memory_space<vmem>>, vector<1x16xf32>,
        %swap3A_188 = vector.shape_cast %swap3A_187 : vector<1x16xf32> to vector<16xf32>
        %swap3A_189 = vector.shape_cast %max3A_184 : vector<16xf32> to vector<1x16xf32>
        tpu.vector_store %arg12[%swap3A_185, %swap3A_186], %swap3A_189 {strides = array<i32>} : memref<80x128xf32, #tpu.memory_space<vmem>>, vector<1x16xf32>,
        %get3A_190 = arith.index_cast %scan3A_54 : i32 to index
        %get3A_191 = arith.constant 96 : index
        %get3A_192 = tpu.vector_load %arg12[%get3A_190, %get3A_191] {strides = array<i32>} : memref<80x128xf32, #tpu.memory_space<vmem>>, vector<1x16xf32>,
        %get3A_193 = vector.shape_cast %get3A_192 : vector<1x16xf32> to vector<16xf32>
        %get3A_194 = arith.index_cast %scan3A_54 : i32 to index
        %get3A_195 = arith.constant 96 : index
        %get3A_196 = tpu.vector_load %arg13[%get3A_194, %get3A_195] {strides = array<i32>} : memref<80x128xf32, #tpu.memory_space<vmem>>, vector<1x16xf32>,
        %get3A_197 = vector.shape_cast %get3A_196 : vector<1x16xf32> to vector<16xf32>
        %add3A_198 = arith.addf %get3A_193, %get3A_197 : vector<16xf32>
        %get3A_199 = arith.constant 0 : i32
        %get3A_200 = arith.index_cast %get3A_199 : i32 to index
        %get3A_201 = arith.constant 96 : index
        %get3A_202 = tpu.vector_load %arg14[%get3A_200, %get3A_201] {strides = array<i32>} : memref<1x128xf32, #tpu.memory_space<vmem>>, vector<1x16xf32>,
        %get3A_203 = vector.shape_cast %get3A_202 : vector<1x16xf32> to vector<16xf32>
        %add3A_204 = arith.addf %add3A_198, %get3A_203 : vector<16xf32>
        %max3A_205 = arith.constant 0.000000e+00 : f32
        %max3A_206 = vector.broadcast %max3A_205 : f32 to vector<16xf32>
        %max3A_207 = arith.maximumf %add3A_204, %max3A_206 : vector<16xf32>
        %swap3A_208 = arith.index_cast %scan3A_54 : i32 to index
        %swap3A_209 = arith.constant 96 : index
        %swap3A_210 = tpu.vector_load %arg12[%swap3A_208, %swap3A_209] {strides = array<i32>} : memref<80x128xf32, #tpu.memory_space<vmem>>, vector<1x16xf32>,
        %swap3A_211 = vector.shape_cast %swap3A_210 : vector<1x16xf32> to vector<16xf32>
        %swap3A_212 = vector.shape_cast %max3A_207 : vector<16xf32> to vector<1x16xf32>
        tpu.vector_store %arg12[%swap3A_208, %swap3A_209], %swap3A_212 {strides = array<i32>} : memref<80x128xf32, #tpu.memory_space<vmem>>, vector<1x16xf32>,
        %get3A_213 = arith.index_cast %scan3A_54 : i32 to index
        %get3A_214 = arith.constant 112 : index
        %get3A_215 = tpu.vector_load %arg12[%get3A_213, %get3A_214] {strides = array<i32>} : memref<80x128xf32, #tpu.memory_space<vmem>>, vector<1x16xf32>,
        %get3A_216 = vector.shape_cast %get3A_215 : vector<1x16xf32> to vector<16xf32>
        %get3A_217 = arith.index_cast %scan3A_54 : i32 to index
        %get3A_218 = arith.constant 112 : index
        %get3A_219 = tpu.vector_load %arg13[%get3A_217, %get3A_218] {strides = array<i32>} : memref<80x128xf32, #tpu.memory_space<vmem>>, vector<1x16xf32>,
        %get3A_220 = vector.shape_cast %get3A_219 : vector<1x16xf32> to vector<16xf32>
        %add3A_221 = arith.addf %get3A_216, %get3A_220 : vector<16xf32>
        %get3A_222 = arith.constant 0 : i32
        %get3A_223 = arith.index_cast %get3A_222 : i32 to index
        %get3A_224 = arith.constant 112 : index
        %get3A_225 = tpu.vector_load %arg14[%get3A_223, %get3A_224] {strides = array<i32>} : memref<1x128xf32, #tpu.memory_space<vmem>>, vector<1x16xf32>,
        %get3A_226 = vector.shape_cast %get3A_225 : vector<1x16xf32> to vector<16xf32>
        %add3A_227 = arith.addf %add3A_221, %get3A_226 : vector<16xf32>
        %max3A_228 = arith.constant 0.000000e+00 : f32
        %max3A_229 = vector.broadcast %max3A_228 : f32 to vector<16xf32>
        %max3A_230 = arith.maximumf %add3A_227, %max3A_229 : vector<16xf32>
        %swap3A_231 = arith.index_cast %scan3A_54 : i32 to index
        %swap3A_232 = arith.constant 112 : index
        %swap3A_233 = tpu.vector_load %arg12[%swap3A_231, %swap3A_232] {strides = array<i32>} : memref<80x128xf32, #tpu.memory_space<vmem>>, vector<1x16xf32>,
        %swap3A_234 = vector.shape_cast %swap3A_233 : vector<1x16xf32> to vector<16xf32>
        %swap3A_235 = vector.shape_cast %max3A_230 : vector<16xf32> to vector<1x16xf32>
        tpu.vector_store %arg12[%swap3A_231, %swap3A_232], %swap3A_235 {strides = array<i32>} : memref<80x128xf32, #tpu.memory_space<vmem>>, vector<1x16xf32>,
      }
      %scan3A_53 = arith.constant 80 : i32
      "tpu.region"() ({
        %run_scoped3A = tpu.sem_alloc : memref<!tpu.dma_semaphore, #tpu.memory_space<semaphore_mem>>
        %dma_start3A_54 = arith.constant 0 : i32
        %dma_start3A_55 = arith.constant 0 : i32
        %dma_start3A_56 = tpu.memref_slice %arg15[%dma_start3A_54, %dma_start3A_55] : memref<10008x128xf32, #tpu.memory_space<vmem_shared>> -> memref<10008x128xf32, #tpu.memory_space<vmem_shared>>
        tpu.enqueue_indirect_dma source(%arg12 : memref<80x128xf32, #tpu.memory_space<vmem>>) target(%dma_start3A_56 : memref<10008x128xf32, #tpu.memory_space<vmem_shared>>) offsets(%arg11 : memref<80xi32, #tpu.memory_space<vmem>>) semaphore(%run_scoped3A : memref<!tpu.dma_semaphore, #tpu.memory_space<semaphore_mem>>) {add = true}
        %dma_wait3A_57 = arith.constant 0 : i32
        %dma_wait3A_58 = arith.constant 0 : i32
        %dma_wait3A_59 = tpu.memref_slice %arg15[%dma_wait3A_57, %dma_wait3A_58] : memref<10008x128xf32, #tpu.memory_space<vmem_shared>> -> memref<10008x128xf32, #tpu.memory_space<vmem_shared>>
        tpu.wait_indirect_dma semaphore(%run_scoped3A : memref<!tpu.dma_semaphore, #tpu.memory_space<semaphore_mem>>) src(%arg12 : memref<80x128xf32, #tpu.memory_space<vmem>>) dst(%dma_wait3A_59 : memref<10008x128xf32, #tpu.memory_space<vmem_shared>>)
        tpu.yield
      }) : () -> ()
    }
    %scan3A_18 = arith.constant 13 : i32
    %barrier3A_19 = arith.constant 0 : index
    tpu.barrier barrier_id(%barrier3A_19)
    %lt3A_20 = arith.constant 15 : i32
    %lt3A_21 = arith.cmpi slt, %arg1, %lt3A_20 : i32
    %convert_element_type3A_22 = arith.extui %lt3A_21 : i1 to i32
    %cond3A_23 = arith.constant 0 : i32
    %cond3A_24 = arith.cmpi ne, %convert_element_type3A_22, %cond3A_23 : i32
    scf.if %cond3A_24 {
      %mul3A_30 = arith.constant 632 : i32
      %mul3A_31 = arith.muli %arg1, %mul3A_30 : i32
      %mul3A_32 = arith.constant 632 : i32
      %mul3A_33 = arith.muli %arg1, %mul3A_32 : i32
      "tpu.region"() ({
        %run_scoped3A = tpu.sem_alloc : memref<!tpu.dma_semaphore, #tpu.memory_space<semaphore_mem>>
        %dma_start3A = arith.constant 0 : i32
        %dma_start3A_34 = arith.constant 0 : i32
        %dma_start3A_35 = tpu.memref_slice %arg9[%arg0, %dma_start3A, %dma_start3A_34] : memref<2x10000x128xf32, #tpu.memory_space<hbm>> -> memref<1x10000x128xf32, #tpu.memory_space<hbm>>
        %dma_start3A_36 = tpu.memref_squeeze %dma_start3A_35 : memref<1x10000x128xf32, #tpu.memory_space<hbm>> -> memref<10000x128xf32, #tpu.memory_space<hbm>>
        %dma_start3A_37 = arith.constant 0 : i32
        %dma_start3A_38 = tpu.memref_slice %dma_start3A_36[%mul3A_33, %dma_start3A_37] : memref<10000x128xf32, #tpu.memory_space<hbm>> -> memref<632x128xf32, #tpu.memory_space<hbm>>
        %dma_start3A_39 = arith.constant 0 : i32
        %dma_start3A_40 = tpu.memref_slice %arg15[%mul3A_31, %dma_start3A_39] : memref<10008x128xf32, #tpu.memory_space<vmem_shared>> -> memref<632x128xf32, #tpu.memory_space<vmem_shared>>
        tpu.enqueue_dma source(%dma_start3A_40 : memref<632x128xf32, #tpu.memory_space<vmem_shared>>) target(%dma_start3A_38 : memref<632x128xf32, #tpu.memory_space<hbm>>) target_semaphore(%run_scoped3A : memref<!tpu.dma_semaphore, #tpu.memory_space<semaphore_mem>>)
        %dma_wait3A = arith.constant 0 : i32
        %dma_wait3A_41 = arith.constant 0 : i32
        %dma_wait3A_42 = tpu.memref_slice %arg9[%arg0, %dma_wait3A, %dma_wait3A_41] : memref<2x10000x128xf32, #tpu.memory_space<hbm>> -> memref<1x10000x128xf32, #tpu.memory_space<hbm>>
        %dma_wait3A_43 = tpu.memref_squeeze %dma_wait3A_42 : memref<1x10000x128xf32, #tpu.memory_space<hbm>> -> memref<10000x128xf32, #tpu.memory_space<hbm>>
        %dma_wait3A_44 = arith.constant 0 : i32
        %dma_wait3A_45 = tpu.memref_slice %dma_wait3A_43[%mul3A_33, %dma_wait3A_44] : memref<10000x128xf32, #tpu.memory_space<hbm>> -> memref<632x128xf32, #tpu.memory_space<hbm>>
        %dma_wait3A_46 = arith.constant 0 : i32
        %dma_wait3A_47 = tpu.memref_slice %arg15[%mul3A_31, %dma_wait3A_46] : memref<10008x128xf32, #tpu.memory_space<vmem_shared>> -> memref<632x128xf32, #tpu.memory_space<vmem_shared>>
        tpu.wait_dma2 semaphore(%run_scoped3A : memref<!tpu.dma_semaphore, #tpu.memory_space<semaphore_mem>>) src(%dma_wait3A_47 : memref<632x128xf32, #tpu.memory_space<vmem_shared>>) dst(%dma_wait3A_45 : memref<632x128xf32, #tpu.memory_space<hbm>>)
        tpu.yield
      }) : () -> ()
    } else {
    }
    %eq3A_25 = arith.constant 15 : i32
    %eq3A_26 = arith.cmpi eq, %arg1, %eq3A_25 : i32
    %convert_element_type3A_27 = arith.extui %eq3A_26 : i1 to i32
    %cond3A_28 = arith.constant 0 : i32
    %cond3A_29 = arith.cmpi ne, %convert_element_type3A_27, %cond3A_28 : i32
    scf.if %cond3A_29 {
      "tpu.region"() ({
        %run_scoped3A = tpu.sem_alloc : memref<!tpu.dma_semaphore, #tpu.memory_space<semaphore_mem>>
        %dma_start3A = arith.constant 0 : i32
        %dma_start3A_30 = arith.constant 0 : i32
        %dma_start3A_31 = tpu.memref_slice %arg9[%arg0, %dma_start3A, %dma_start3A_30] : memref<2x10000x128xf32, #tpu.memory_space<hbm>> -> memref<1x10000x128xf32, #tpu.memory_space<hbm>>
        %dma_start3A_32 = tpu.memref_squeeze %dma_start3A_31 : memref<1x10000x128xf32, #tpu.memory_space<hbm>> -> memref<10000x128xf32, #tpu.memory_space<hbm>>
        %dma_start3A_33 = arith.constant 9480 : i32
        %dma_start3A_34 = arith.constant 0 : i32
        %dma_start3A_35 = tpu.memref_slice %dma_start3A_32[%dma_start3A_33, %dma_start3A_34] : memref<10000x128xf32, #tpu.memory_space<hbm>> -> memref<520x128xf32, #tpu.memory_space<hbm>>
        %dma_start3A_36 = arith.constant 9480 : i32
        %dma_start3A_37 = arith.constant 0 : i32
        %dma_start3A_38 = tpu.memref_slice %arg15[%dma_start3A_36, %dma_start3A_37] : memref<10008x128xf32, #tpu.memory_space<vmem_shared>> -> memref<520x128xf32, #tpu.memory_space<vmem_shared>>
        tpu.enqueue_dma source(%dma_start3A_38 : memref<520x128xf32, #tpu.memory_space<vmem_shared>>) target(%dma_start3A_35 : memref<520x128xf32, #tpu.memory_space<hbm>>) target_semaphore(%run_scoped3A : memref<!tpu.dma_semaphore, #tpu.memory_space<semaphore_mem>>)
        %dma_wait3A = arith.constant 0 : i32
        %dma_wait3A_39 = arith.constant 0 : i32
        %dma_wait3A_40 = tpu.memref_slice %arg9[%arg0, %dma_wait3A, %dma_wait3A_39] : memref<2x10000x128xf32, #tpu.memory_space<hbm>> -> memref<1x10000x128xf32, #tpu.memory_space<hbm>>
        %dma_wait3A_41 = tpu.memref_squeeze %dma_wait3A_40 : memref<1x10000x128xf32, #tpu.memory_space<hbm>> -> memref<10000x128xf32, #tpu.memory_space<hbm>>
        %dma_wait3A_42 = arith.constant 9480 : i32
        %dma_wait3A_43 = arith.constant 0 : i32
        %dma_wait3A_44 = tpu.memref_slice %dma_wait3A_41[%dma_wait3A_42, %dma_wait3A_43] : memref<10000x128xf32, #tpu.memory_space<hbm>> -> memref<520x128xf32, #tpu.memory_space<hbm>>
        %dma_wait3A_45 = arith.constant 9480 : i32
        %dma_wait3A_46 = arith.constant 0 : i32
        %dma_wait3A_47 = tpu.memref_slice %arg15[%dma_wait3A_45, %dma_wait3A_46] : memref<10008x128xf32, #tpu.memory_space<vmem_shared>> -> memref<520x128xf32, #tpu.memory_space<vmem_shared>>
        tpu.wait_dma2 semaphore(%run_scoped3A : memref<!tpu.dma_semaphore, #tpu.memory_space<semaphore_mem>>) src(%dma_wait3A_47 : memref<520x128xf32, #tpu.memory_space<vmem_shared>>) dst(%dma_wait3A_44 : memref<520x128xf32, #tpu.memory_space<hbm>>)
        tpu.yield
      }) : () -> ()
    } else {
    }
    return
  }
}

module attributes {stable_mosaic.version = 14 : i64} {
  func.func @_edge_linear_body(%arg0: i32, %arg1: i32, %arg2: memref<4000x16xf32, #tpu.memory_space<vmem>>, %arg3: memref<1x16x128xf32, #tpu.memory_space<vmem>>, %arg4: memref<1x4000x128xf32, #tpu.memory_space<vmem>>) attributes {dimension_semantics = [#tpu.dimension_semantics<arbitrary>, #tpu.dimension_semantics<arbitrary>], iteration_bounds = array<i64: 3, 80>, scalar_prefetch = 0 : i64, scratch_operands = 0 : i64, tpu.core_type = #tpu.core_type<tc>, window_params = [{transform_indices = @transform_0, window_bounds = array<i64: 4000, 16>}, {transform_indices = @transform_1, window_bounds = array<i64: 1, 16, 128>}, {transform_indices = @transform_2, window_bounds = array<i64: 1, 4000, 128>}]} {
    %get3A = arith.constant 0 : index
    %get3A_0 = arith.constant 0 : index
    %get3A_1 = vector.load %arg2[%get3A, %get3A_0] : memref<4000x16xf32, #tpu.memory_space<vmem>>, vector<4000x16xf32>
    %get3A_2 = arith.constant 0 : index
    %get3A_3 = arith.constant 0 : index
    %get3A_4 = arith.constant 0 : index
    %get3A_5 = vector.load %arg3[%get3A_2, %get3A_3, %get3A_4] : memref<1x16x128xf32, #tpu.memory_space<vmem>>, vector<1x16x128xf32>
    %get3A_6 = vector.shape_cast %get3A_5 : vector<1x16x128xf32> to vector<16x128xf32>
    %dot_general3A = arith.constant dense<0.000000e+00> : vector<4000x128xf32>
    %dot_general3A_7 = tpu.matmul %get3A_1, %get3A_6, %dot_general3A {dimension_numbers = #tpu.dot_dimension_numbers<[1], [0], [0], [1], [0, 0, 1, 1], [], []>, transpose_lhs_hint = false} : vector<4000x16xf32>, vector<16x128xf32>, vector<4000x128xf32> -> vector<4000x128xf32>
    %swap3A = arith.constant 0 : index
    %swap3A_8 = arith.constant 0 : index
    %swap3A_9 = arith.constant 0 : index
    %swap3A_10 = vector.load %arg4[%swap3A, %swap3A_8, %swap3A_9] : memref<1x4000x128xf32, #tpu.memory_space<vmem>>, vector<1x4000x128xf32>
    %swap3A_11 = vector.shape_cast %swap3A_10 : vector<1x4000x128xf32> to vector<4000x128xf32>
    %swap3A_12 = vector.shape_cast %dot_general3A_7 : vector<4000x128xf32> to vector<1x4000x128xf32>
    tpu.vector_store %arg4[%swap3A, %swap3A_8, %swap3A_9], %swap3A_12 {strides = array<i32>} : memref<1x4000x128xf32, #tpu.memory_space<vmem>>, vector<1x4000x128xf32>,
    return
  }
  func.func @transform_0(%arg0: i32, %arg1: i32) -> (i32, i32) {
    %c0_i32 = arith.constant 0 : i32
    %c0_i32_0 = arith.constant 0 : i32
    return %arg1, %c0_i32 : i32, i32
  }
  func.func @transform_1(%arg0: i32, %arg1: i32) -> (i32, i32, i32) {
    %c0_i32 = arith.constant 0 : i32
    %c0_i32_0 = arith.constant 0 : i32
    %c0_i32_1 = arith.constant 0 : i32
    return %arg0, %c0_i32, %c0_i32_0 : i32, i32, i32
  }
  func.func @transform_2(%arg0: i32, %arg1: i32) -> (i32, i32, i32) {
    %c0_i32 = arith.constant 0 : i32
    %c0_i32_0 = arith.constant 0 : i32
    return %arg0, %arg1, %c0_i32 : i32, i32, i32
  }
}

module attributes {stable_mosaic.version = 14 : i64} {
  func.func @_node_mlp_body(%arg0: i32, %arg1: memref<2000x128xf32, #tpu.memory_space<vmem>>, %arg2: memref<2x2000x128xf32, #tpu.memory_space<vmem>>, %arg3: memref<128x128xf32, #tpu.memory_space<vmem>>, %arg4: memref<1x128xf32, #tpu.memory_space<vmem>>, %arg5: memref<128x128xf32, #tpu.memory_space<vmem>>, %arg6: memref<1x128xf32, #tpu.memory_space<vmem>>, %arg7: memref<2000x128xf32, #tpu.memory_space<vmem>>) attributes {dimension_semantics = [#tpu.dimension_semantics<arbitrary>], iteration_bounds = array<i64: 5>, scalar_prefetch = 0 : i64, scratch_operands = 0 : i64, tpu.core_type = #tpu.core_type<tc>, window_params = [{transform_indices = @transform_0, window_bounds = array<i64: 2000, 128>}, {transform_indices = @transform_1, window_bounds = array<i64: 2, 2000, 128>}, {pipeline_mode = #tpu.pipeline_mode<synchronous>, transform_indices = @transform_2, window_bounds = array<i64: 128, 128>}, {pipeline_mode = #tpu.pipeline_mode<synchronous>, transform_indices = @transform_3, window_bounds = array<i64: 1, 128>}, {pipeline_mode = #tpu.pipeline_mode<synchronous>, transform_indices = @transform_4, window_bounds = array<i64: 128, 128>}, {pipeline_mode = #tpu.pipeline_mode<synchronous>, transform_indices = @transform_5, window_bounds = array<i64: 1, 128>}, {transform_indices = @transform_6, window_bounds = array<i64: 2000, 128>}]} {
    %get3A = arith.constant 0 : index
    %get3A_0 = arith.constant 0 : index
    %get3A_1 = vector.load %arg1[%get3A, %get3A_0] : memref<2000x128xf32, #tpu.memory_space<vmem>>, vector<2000x128xf32>
    %get3A_2 = arith.constant 0 : index
    %get3A_3 = arith.constant 0 : index
    %get3A_4 = arith.constant 0 : index
    %get3A_5 = vector.load %arg2[%get3A_2, %get3A_3, %get3A_4] : memref<2x2000x128xf32, #tpu.memory_space<vmem>>, vector<1x2000x128xf32>
    %get3A_6 = vector.shape_cast %get3A_5 : vector<1x2000x128xf32> to vector<2000x128xf32>
    %add3A = arith.addf %get3A_1, %get3A_6 : vector<2000x128xf32>
    %get3A_7 = arith.constant 1 : index
    %get3A_8 = arith.constant 0 : index
    %get3A_9 = arith.constant 0 : index
    %get3A_10 = vector.load %arg2[%get3A_7, %get3A_8, %get3A_9] : memref<2x2000x128xf32, #tpu.memory_space<vmem>>, vector<1x2000x128xf32>
    %get3A_11 = vector.shape_cast %get3A_10 : vector<1x2000x128xf32> to vector<2000x128xf32>
    %add3A_12 = arith.addf %add3A, %get3A_11 : vector<2000x128xf32>
    %get3A_13 = arith.constant 0 : index
    %get3A_14 = arith.constant 0 : index
    %get3A_15 = vector.load %arg3[%get3A_13, %get3A_14] : memref<128x128xf32, #tpu.memory_space<vmem>>, vector<128x128xf32>
    %dot_general3A = arith.constant dense<0.000000e+00> : vector<2000x128xf32>
    %dot_general3A_16 = tpu.matmul %add3A_12, %get3A_15, %dot_general3A {dimension_numbers = #tpu.dot_dimension_numbers<[1], [0], [0], [1], [0, 0, 1, 1], [], []>, transpose_lhs_hint = false} : vector<2000x128xf32>, vector<128x128xf32>, vector<2000x128xf32> -> vector<2000x128xf32>
    %get3A_17 = arith.constant 0 : index
    %get3A_18 = arith.constant 0 : index
    %get3A_19 = vector.load %arg4[%get3A_17, %get3A_18] : memref<1x128xf32, #tpu.memory_space<vmem>>, vector<1x128xf32>
    %add3A_20 = vector.broadcast %get3A_19 : vector<1x128xf32> to vector<2000x128xf32>
    %add3A_21 = arith.addf %dot_general3A_16, %add3A_20 : vector<2000x128xf32>
    %max3A = arith.constant 0.000000e+00 : f32
    %max3A_22 = vector.broadcast %max3A : f32 to vector<2000x128xf32>
    %max3A_23 = arith.maximumf %add3A_21, %max3A_22 : vector<2000x128xf32>
    %get3A_24 = arith.constant 0 : index
    %get3A_25 = arith.constant 0 : index
    %get3A_26 = vector.load %arg5[%get3A_24, %get3A_25] : memref<128x128xf32, #tpu.memory_space<vmem>>, vector<128x128xf32>
    %dot_general3A_27 = arith.constant dense<0.000000e+00> : vector<2000x128xf32>
    %dot_general3A_28 = tpu.matmul %max3A_23, %get3A_26, %dot_general3A_27 {dimension_numbers = #tpu.dot_dimension_numbers<[1], [0], [0], [1], [0, 0, 1, 1], [], []>, transpose_lhs_hint = false} : vector<2000x128xf32>, vector<128x128xf32>, vector<2000x128xf32> -> vector<2000x128xf32>
    %get3A_29 = arith.constant 0 : index
    %get3A_30 = arith.constant 0 : index
    %get3A_31 = vector.load %arg6[%get3A_29, %get3A_30] : memref<1x128xf32, #tpu.memory_space<vmem>>, vector<1x128xf32>
    %add3A_32 = vector.broadcast %get3A_31 : vector<1x128xf32> to vector<2000x128xf32>
    %add3A_33 = arith.addf %dot_general3A_28, %add3A_32 : vector<2000x128xf32>
    %max3A_34 = arith.constant 0.000000e+00 : f32
    %max3A_35 = vector.broadcast %max3A_34 : f32 to vector<2000x128xf32>
    %max3A_36 = arith.maximumf %add3A_33, %max3A_35 : vector<2000x128xf32>
    %swap3A = arith.constant 0 : index
    %swap3A_37 = arith.constant 0 : index
    %swap3A_38 = vector.load %arg7[%swap3A, %swap3A_37] : memref<2000x128xf32, #tpu.memory_space<vmem>>, vector<2000x128xf32>
    tpu.vector_store %arg7[%swap3A, %swap3A_37], %max3A_36 {strides = array<i32>} : memref<2000x128xf32, #tpu.memory_space<vmem>>, vector<2000x128xf32>,
    return
  }
  func.func @transform_0(%arg0: i32) -> (i32, i32) {
    %c0_i32 = arith.constant 0 : i32
    %c0_i32_0 = arith.constant 0 : i32
    return %arg0, %c0_i32 : i32, i32
  }
  func.func @transform_1(%arg0: i32) -> (i32, i32, i32) {
    %c0_i32 = arith.constant 0 : i32
    %c0_i32_0 = arith.constant 0 : i32
    %c0_i32_1 = arith.constant 0 : i32
    return %c0_i32, %arg0, %c0_i32_0 : i32, i32, i32
  }
  func.func @transform_2(%arg0: i32) -> (i32, i32) {
    %c0_i32 = arith.constant 0 : i32
    %c0_i32_0 = arith.constant 0 : i32
    %c0_i32_1 = arith.constant 0 : i32
    return %c0_i32, %c0_i32_0 : i32, i32
  }
  func.func @transform_3(%arg0: i32) -> (i32, i32) {
    %c0_i32 = arith.constant 0 : i32
    %c0_i32_0 = arith.constant 0 : i32
    %c0_i32_1 = arith.constant 0 : i32
    return %c0_i32, %c0_i32_0 : i32, i32
  }
  func.func @transform_4(%arg0: i32) -> (i32, i32) {
    %c0_i32 = arith.constant 0 : i32
    %c0_i32_0 = arith.constant 0 : i32
    %c0_i32_1 = arith.constant 0 : i32
    return %c0_i32, %c0_i32_0 : i32, i32
  }
  func.func @transform_5(%arg0: i32) -> (i32, i32) {
    %c0_i32 = arith.constant 0 : i32
    %c0_i32_0 = arith.constant 0 : i32
    %c0_i32_1 = arith.constant 0 : i32
    return %c0_i32, %c0_i32_0 : i32, i32
  }
  func.func @transform_6(%arg0: i32) -> (i32, i32) {
    %c0_i32 = arith.constant 0 : i32
    %c0_i32_0 = arith.constant 0 : i32
    return %arg0, %c0_i32 : i32, i32
  }
}

module attributes {stable_mosaic.version = 14 : i64} {
  func.func @_head_body(%arg0: i32, %arg1: memref<2000x128xf32, #tpu.memory_space<vmem>>, %arg2: memref<2000x128xf32, #tpu.memory_space<vmem>>, %arg3: memref<2000x128xf32, #tpu.memory_space<vmem>>, %arg4: memref<3x128x128xf32, #tpu.memory_space<vmem>>, %arg5: memref<1x128xf32, #tpu.memory_space<vmem>>, %arg6: memref<1x1x2000xi32, #tpu.memory_space<vmem>>, %arg7: memref<1x128xf32, #tpu.memory_space<vmem>>, %arg8: memref<1x128xf32, #tpu.memory_space<vmem>>, %arg9: memref<128x1xf32, #tpu.memory_space<vmem>>, %arg10: memref<1x1xf32, #tpu.memory_space<vmem>>, %arg11: memref<1x128xf32, #tpu.memory_space<vmem>>, %arg12: memref<128x128xf32, #tpu.memory_space<vmem>>, %arg13: memref<128x128xf32, #tpu.memory_space<vmem>>) attributes {dimension_semantics = [#tpu.dimension_semantics<arbitrary>], iteration_bounds = array<i64: 5>, scalar_prefetch = 0 : i64, scratch_operands = 2 : i64, tpu.core_type = #tpu.core_type<tc>, window_params = [{transform_indices = @transform_0, window_bounds = array<i64: 2000, 128>}, {transform_indices = @transform_1, window_bounds = array<i64: 2000, 128>}, {transform_indices = @transform_2, window_bounds = array<i64: 2000, 128>}, {pipeline_mode = #tpu.pipeline_mode<synchronous>, transform_indices = @transform_3, window_bounds = array<i64: 3, 128, 128>}, {pipeline_mode = #tpu.pipeline_mode<synchronous>, transform_indices = @transform_4, window_bounds = array<i64: 1, 128>}, {transform_indices = @transform_5, window_bounds = array<i64: 1, 1, 2000>}, {pipeline_mode = #tpu.pipeline_mode<synchronous>, transform_indices = @transform_6, window_bounds = array<i64: 1, 128>}, {pipeline_mode = #tpu.pipeline_mode<synchronous>, transform_indices = @transform_7, window_bounds = array<i64: 1, 128>}, {pipeline_mode = #tpu.pipeline_mode<synchronous>, transform_indices = @transform_8, window_bounds = array<i64: 128, 1>}, {pipeline_mode = #tpu.pipeline_mode<synchronous>, transform_indices = @transform_9, window_bounds = array<i64: 1, 1>}, {pipeline_mode = #tpu.pipeline_mode<synchronous>, transform_indices = @transform_10, window_bounds = array<i64: 1, 128>}]} {
    %eq3A = arith.constant 0 : i32
    %eq3A_0 = arith.cmpi eq, %arg0, %eq3A : i32
    %convert_element_type3A = arith.extui %eq3A_0 : i1 to i32
    %cond3A = arith.constant 0 : i32
    %cond3A_1 = arith.cmpi ne, %convert_element_type3A, %cond3A : i32
    scf.if %cond3A_1 {
      %broadcast_in_dim3A_69 = arith.constant 0.000000e+00 : f32
      %broadcast_in_dim3A_70 = vector.broadcast %broadcast_in_dim3A_69 : f32 to vector<128x128xf32>
      %swap3A_71 = arith.constant 0 : index
      %swap3A_72 = arith.constant 0 : index
      %swap3A_73 = vector.load %arg12[%swap3A_71, %swap3A_72] : memref<128x128xf32, #tpu.memory_space<vmem>>, vector<128x128xf32>
      tpu.vector_store %arg12[%swap3A_71, %swap3A_72], %broadcast_in_dim3A_70 {strides = array<i32>} : memref<128x128xf32, #tpu.memory_space<vmem>>, vector<128x128xf32>,
      %broadcast_in_dim3A_74 = arith.constant 0.000000e+00 : f32
      %broadcast_in_dim3A_75 = vector.broadcast %broadcast_in_dim3A_74 : f32 to vector<128x128xf32>
      %swap3A_76 = arith.constant 0 : index
      %swap3A_77 = arith.constant 0 : index
      %swap3A_78 = vector.load %arg13[%swap3A_76, %swap3A_77] : memref<128x128xf32, #tpu.memory_space<vmem>>, vector<128x128xf32>
      tpu.vector_store %arg13[%swap3A_76, %swap3A_77], %broadcast_in_dim3A_75 {strides = array<i32>} : memref<128x128xf32, #tpu.memory_space<vmem>>, vector<128x128xf32>,
    } else {
    }
    %get3A = arith.constant 0 : index
    %get3A_2 = arith.constant 0 : index
    %get3A_3 = vector.load %arg1[%get3A, %get3A_2] : memref<2000x128xf32, #tpu.memory_space<vmem>>, vector<2000x128xf32>
    %get3A_4 = arith.constant 0 : index
    %get3A_5 = arith.constant 0 : index
    %get3A_6 = arith.constant 0 : index
    %get3A_7 = vector.load %arg4[%get3A_4, %get3A_5, %get3A_6] : memref<3x128x128xf32, #tpu.memory_space<vmem>>, vector<1x128x128xf32>
    %get3A_8 = vector.shape_cast %get3A_7 : vector<1x128x128xf32> to vector<128x128xf32>
    %dot_general3A = arith.constant dense<0.000000e+00> : vector<2000x128xf32>
    %dot_general3A_9 = tpu.matmul %get3A_3, %get3A_8, %dot_general3A {dimension_numbers = #tpu.dot_dimension_numbers<[1], [0], [0], [1], [0, 0, 1, 1], [], []>, transpose_lhs_hint = false} : vector<2000x128xf32>, vector<128x128xf32>, vector<2000x128xf32> -> vector<2000x128xf32>
    %get3A_10 = arith.constant 0 : index
    %get3A_11 = arith.constant 0 : index
    %get3A_12 = vector.load %arg2[%get3A_10, %get3A_11] : memref<2000x128xf32, #tpu.memory_space<vmem>>, vector<2000x128xf32>
    %get3A_13 = arith.constant 1 : index
    %get3A_14 = arith.constant 0 : index
    %get3A_15 = arith.constant 0 : index
    %get3A_16 = vector.load %arg4[%get3A_13, %get3A_14, %get3A_15] : memref<3x128x128xf32, #tpu.memory_space<vmem>>, vector<1x128x128xf32>
    %get3A_17 = vector.shape_cast %get3A_16 : vector<1x128x128xf32> to vector<128x128xf32>
    %dot_general3A_18 = arith.constant dense<0.000000e+00> : vector<2000x128xf32>
    %dot_general3A_19 = tpu.matmul %get3A_12, %get3A_17, %dot_general3A_18 {dimension_numbers = #tpu.dot_dimension_numbers<[1], [0], [0], [1], [0, 0, 1, 1], [], []>, transpose_lhs_hint = false} : vector<2000x128xf32>, vector<128x128xf32>, vector<2000x128xf32> -> vector<2000x128xf32>
    %add3A = arith.addf %dot_general3A_9, %dot_general3A_19 : vector<2000x128xf32>
    %get3A_20 = arith.constant 0 : index
    %get3A_21 = arith.constant 0 : index
    %get3A_22 = vector.load %arg3[%get3A_20, %get3A_21] : memref<2000x128xf32, #tpu.memory_space<vmem>>, vector<2000x128xf32>
    %get3A_23 = arith.constant 2 : index
    %get3A_24 = arith.constant 0 : index
    %get3A_25 = arith.constant 0 : index
    %get3A_26 = vector.load %arg4[%get3A_23, %get3A_24, %get3A_25] : memref<3x128x128xf32, #tpu.memory_space<vmem>>, vector<1x128x128xf32>
    %get3A_27 = vector.shape_cast %get3A_26 : vector<1x128x128xf32> to vector<128x128xf32>
    %dot_general3A_28 = arith.constant dense<0.000000e+00> : vector<2000x128xf32>
    %dot_general3A_29 = tpu.matmul %get3A_22, %get3A_27, %dot_general3A_28 {dimension_numbers = #tpu.dot_dimension_numbers<[1], [0], [0], [1], [0, 0, 1, 1], [], []>, transpose_lhs_hint = false} : vector<2000x128xf32>, vector<128x128xf32>, vector<2000x128xf32> -> vector<2000x128xf32>
    %add3A_30 = arith.addf %add3A, %dot_general3A_29 : vector<2000x128xf32>
    %get3A_31 = arith.constant 0 : index
    %get3A_32 = arith.constant 0 : index
    %get3A_33 = vector.load %arg5[%get3A_31, %get3A_32] : memref<1x128xf32, #tpu.memory_space<vmem>>, vector<1x128xf32>
    %add3A_34 = vector.broadcast %get3A_33 : vector<1x128xf32> to vector<2000x128xf32>
    %add3A_35 = arith.addf %add3A_30, %add3A_34 : vector<2000x128xf32>
    %get3A_36 = arith.constant 0 : index
    %get3A_37 = arith.constant 0 : index
    %get3A_38 = arith.constant 0 : index
    %get3A_39 = vector.load %arg6[%get3A_36, %get3A_37, %get3A_38] : memref<1x1x2000xi32, #tpu.memory_space<vmem>>, vector<1x1x2000xi32>
    %get3A_40 = vector.shape_cast %get3A_39 : vector<1x1x2000xi32> to vector<2000xi32>
    %broadcast_in_dim3A = vector.shape_cast %get3A_40 : vector<2000xi32> to vector<2000x1xi32>
    %iota3A = tpu.iota {dimensions = array<i32: 1>} : vector<2000x128xi32>
    %eq3A_41 = vector.broadcast %broadcast_in_dim3A : vector<2000x1xi32> to vector<2000x128xi32>
    %eq3A_42 = arith.cmpi eq, %eq3A_41, %iota3A : vector<2000x128xi32>
    %convert_element_type3A_43 = arith.extui %eq3A_42 : vector<2000x128xi1> to vector<2000x128xi32>
    %convert_element_type3A_44 = arith.sitofp %convert_element_type3A_43 : vector<2000x128xi32> to vector<2000x128xf32>
    %get3A_45 = arith.constant 0 : index
    %get3A_46 = arith.constant 0 : index
    %get3A_47 = vector.load %arg12[%get3A_45, %get3A_46] : memref<128x128xf32, #tpu.memory_space<vmem>>, vector<128x128xf32>
    %dot_general3A_48 = arith.constant dense<0.000000e+00> : vector<128x128xf32>
    %dot_general3A_49 = tpu.matmul %convert_element_type3A_44, %add3A_35, %dot_general3A_48 {dimension_numbers = #tpu.dot_dimension_numbers<[0], [0], [1], [1], [0, 1, 1, 1], [], []>, precision = #tpu.contract_precision<fp32>, transpose_lhs_hint = false} : vector<2000x128xf32>, vector<2000x128xf32>, vector<128x128xf32> -> vector<128x128xf32>
    %add3A_50 = arith.addf %get3A_47, %dot_general3A_49 : vector<128x128xf32>
    %swap3A = arith.constant 0 : index
    %swap3A_51 = arith.constant 0 : index
    %swap3A_52 = vector.load %arg12[%swap3A, %swap3A_51] : memref<128x128xf32, #tpu.memory_space<vmem>>, vector<128x128xf32>
    tpu.vector_store %arg12[%swap3A, %swap3A_51], %add3A_50 {strides = array<i32>} : memref<128x128xf32, #tpu.memory_space<vmem>>, vector<128x128xf32>,
    %get3A_53 = arith.constant 0 : index
    %get3A_54 = arith.constant 0 : index
    %get3A_55 = vector.load %arg13[%get3A_53, %get3A_54] : memref<128x128xf32, #tpu.memory_space<vmem>>, vector<128x128xf32>
    %broadcast_in_dim3A_56 = arith.constant 1.000000e+00 : f32
    %broadcast_in_dim3A_57 = vector.broadcast %broadcast_in_dim3A_56 : f32 to vector<2000x128xf32>
    %dot_general3A_58 = arith.constant dense<0.000000e+00> : vector<128x128xf32>
    %dot_general3A_59 = tpu.matmul %convert_element_type3A_44, %broadcast_in_dim3A_57, %dot_general3A_58 {dimension_numbers = #tpu.dot_dimension_numbers<[0], [0], [1], [1], [0, 1, 1, 1], [], []>, precision = #tpu.contract_precision<fp32>, transpose_lhs_hint = false} : vector<2000x128xf32>, vector<2000x128xf32>, vector<128x128xf32> -> vector<128x128xf32>
    %add3A_60 = arith.addf %get3A_55, %dot_general3A_59 : vector<128x128xf32>
    %swap3A_61 = arith.constant 0 : index
    %swap3A_62 = arith.constant 0 : index
    %swap3A_63 = vector.load %arg13[%swap3A_61, %swap3A_62] : memref<128x128xf32, #tpu.memory_space<vmem>>, vector<128x128xf32>
    tpu.vector_store %arg13[%swap3A_61, %swap3A_62], %add3A_60 {strides = array<i32>} : memref<128x128xf32, #tpu.memory_space<vmem>>, vector<128x128xf32>,
    %eq3A_64 = arith.constant 4 : i32
    %eq3A_65 = arith.cmpi eq, %arg0, %eq3A_64 : i32
    %convert_element_type3A_66 = arith.extui %eq3A_65 : i1 to i32
    %cond3A_67 = arith.constant 0 : i32
    %cond3A_68 = arith.cmpi ne, %convert_element_type3A_66, %cond3A_67 : i32
    scf.if %cond3A_68 {
      %get3A_69 = arith.constant 0 : index
      %get3A_70 = arith.constant 0 : index
      %get3A_71 = vector.load %arg12[%get3A_69, %get3A_70] : memref<128x128xf32, #tpu.memory_space<vmem>>, vector<128x128xf32>
      %get3A_72 = arith.constant 0 : index
      %get3A_73 = arith.constant 0 : index
      %get3A_74 = vector.load %arg13[%get3A_72, %get3A_73] : memref<128x128xf32, #tpu.memory_space<vmem>>, vector<128x128xf32>
      %max3A = arith.constant 1.000000e+00 : f32
      %max3A_75 = vector.broadcast %max3A : f32 to vector<128x128xf32>
      %max3A_76 = arith.maximumf %get3A_74, %max3A_75 : vector<128x128xf32>
      %div3A = arith.divf %get3A_71, %max3A_76 : vector<128x128xf32>
      %reduce_sum3A = arith.constant dense<0.000000e+00> : vector<128xf32>
      %reduce_sum3A_77 = vector.multi_reduction <add>, %div3A, %reduce_sum3A [0] : vector<128x128xf32> to vector<128xf32>
      %broadcast_in_dim3A_78 = vector.shape_cast %reduce_sum3A_77 : vector<128xf32> to vector<1x128xf32>
      %div3A_79 = arith.constant 1.280000e+02 : f32
      %div3A_80 = vector.broadcast %div3A_79 : f32 to vector<1x128xf32>
      %div3A_81 = arith.divf %broadcast_in_dim3A_78, %div3A_80 : vector<1x128xf32>
      %sub3A = vector.broadcast %div3A_81 : vector<1x128xf32> to vector<128x128xf32>
      %sub3A_82 = arith.subf %div3A, %sub3A : vector<128x128xf32>
      %integer_pow3A = arith.mulf %sub3A_82, %sub3A_82 : vector<128x128xf32>
      %reduce_sum3A_83 = arith.constant dense<0.000000e+00> : vector<128xf32>
      %reduce_sum3A_84 = vector.multi_reduction <add>, %integer_pow3A, %reduce_sum3A_83 [0] : vector<128x128xf32> to vector<128xf32>
      %broadcast_in_dim3A_85 = vector.shape_cast %reduce_sum3A_84 : vector<128xf32> to vector<1x128xf32>
      %div3A_86 = arith.constant 1.280000e+02 : f32
      %div3A_87 = vector.broadcast %div3A_86 : f32 to vector<1x128xf32>
      %div3A_88 = arith.divf %broadcast_in_dim3A_85, %div3A_87 : vector<1x128xf32>
      %sub3A_89 = vector.broadcast %div3A_81 : vector<1x128xf32> to vector<128x128xf32>
      %sub3A_90 = arith.subf %div3A, %sub3A_89 : vector<128x128xf32>
      %add3A_91 = arith.constant 9.99999974E-6 : f32
      %add3A_92 = vector.broadcast %add3A_91 : f32 to vector<1x128xf32>
      %add3A_93 = arith.addf %div3A_88, %add3A_92 : vector<1x128xf32>
      %sqrt3A = math.sqrt %add3A_93 : vector<1x128xf32>
      %div3A_94 = vector.broadcast %sqrt3A : vector<1x128xf32> to vector<128x128xf32>
      %div3A_95 = arith.divf %sub3A_90, %div3A_94 : vector<128x128xf32>
      %get3A_96 = arith.constant 0 : index
      %get3A_97 = arith.constant 0 : index
      %get3A_98 = vector.load %arg7[%get3A_96, %get3A_97] : memref<1x128xf32, #tpu.memory_space<vmem>>, vector<1x128xf32>
      %mul3A = vector.broadcast %get3A_98 : vector<1x128xf32> to vector<128x128xf32>
      %mul3A_99 = arith.mulf %div3A_95, %mul3A : vector<128x128xf32>
      %get3A_100 = arith.constant 0 : index
      %get3A_101 = arith.constant 0 : index
      %get3A_102 = vector.load %arg8[%get3A_100, %get3A_101] : memref<1x128xf32, #tpu.memory_space<vmem>>, vector<1x128xf32>
      %add3A_103 = vector.broadcast %get3A_102 : vector<1x128xf32> to vector<128x128xf32>
      %add3A_104 = arith.addf %mul3A_99, %add3A_103 : vector<128x128xf32>
      %ge3A = arith.constant 0.000000e+00 : f32
      %ge3A_105 = vector.broadcast %ge3A : f32 to vector<128x128xf32>
      %ge3A_106 = arith.cmpf oge, %add3A_104, %ge3A_105 : vector<128x128xf32>
      %mul3A_107 = arith.constant 0.00999999977 : f32
      %mul3A_108 = vector.broadcast %mul3A_107 : f32 to vector<128x128xf32>
      %mul3A_109 = arith.mulf %mul3A_108, %add3A_104 : vector<128x128xf32>
      %select_n3A = arith.select %ge3A_106, %add3A_104, %mul3A_109 : vector<128x128xi1>, vector<128x128xf32>
      %get3A_110 = arith.constant 0 : index
      %get3A_111 = arith.constant 0 : index
      %get3A_112 = vector.load %arg9[%get3A_110, %get3A_111] : memref<128x1xf32, #tpu.memory_space<vmem>>, vector<128x1xf32>
      %dot_general3A_113 = arith.constant dense<0.000000e+00> : vector<1x128xf32>
      %dot_general3A_114 = tpu.matmul %get3A_112, %select_n3A, %dot_general3A_113 {dimension_numbers = #tpu.dot_dimension_numbers<[0], [1], [1], [0], [0, 1, 1, 0], [], []>, transpose_lhs_hint = false} : vector<128x1xf32>, vector<128x128xf32>, vector<1x128xf32> -> vector<1x128xf32>
      %get3A_115 = arith.constant 0 : index
      %get3A_116 = arith.constant 0 : index
      %get3A_117 = vector.load %arg10[%get3A_115, %get3A_116] : memref<1x1xf32, #tpu.memory_space<vmem>>, vector<1x1xf32>
      %add3A_118 = vector.broadcast %get3A_117 : vector<1x1xf32> to vector<1x128xf32>
      %add3A_119 = arith.addf %dot_general3A_114, %add3A_118 : vector<1x128xf32>
      %swap3A_120 = arith.constant 0 : index
      %swap3A_121 = arith.constant 0 : index
      %swap3A_122 = vector.load %arg11[%swap3A_120, %swap3A_121] : memref<1x128xf32, #tpu.memory_space<vmem>>, vector<1x128xf32>
      tpu.vector_store %arg11[%swap3A_120, %swap3A_121], %add3A_119 {strides = array<i32>} : memref<1x128xf32, #tpu.memory_space<vmem>>, vector<1x128xf32>,
    } else {
    }
    return
  }
  func.func @transform_0(%arg0: i32) -> (i32, i32) {
    %c0_i32 = arith.constant 0 : i32
    %c0_i32_0 = arith.constant 0 : i32
    return %arg0, %c0_i32 : i32, i32
  }
  func.func @transform_1(%arg0: i32) -> (i32, i32) {
    %c0_i32 = arith.constant 0 : i32
    %c0_i32_0 = arith.constant 0 : i32
    return %arg0, %c0_i32 : i32, i32
  }
  func.func @transform_2(%arg0: i32) -> (i32, i32) {
    %c0_i32 = arith.constant 0 : i32
    %c0_i32_0 = arith.constant 0 : i32
    return %arg0, %c0_i32 : i32, i32
  }
  func.func @transform_3(%arg0: i32) -> (i32, i32, i32) {
    %c0_i32 = arith.constant 0 : i32
    %c0_i32_0 = arith.constant 0 : i32
    %c0_i32_1 = arith.constant 0 : i32
    %c0_i32_2 = arith.constant 0 : i32
    return %c0_i32, %c0_i32_0, %c0_i32_1 : i32, i32, i32
  }
  func.func @transform_4(%arg0: i32) -> (i32, i32) {
    %c0_i32 = arith.constant 0 : i32
    %c0_i32_0 = arith.constant 0 : i32
    %c0_i32_1 = arith.constant 0 : i32
    return %c0_i32, %c0_i32_0 : i32, i32
  }
  func.func @transform_5(%arg0: i32) -> (i32, i32, i32) {
    %c0_i32 = arith.constant 0 : i32
    %c0_i32_0 = arith.constant 0 : i32
    %c0_i32_1 = arith.constant 0 : i32
    return %arg0, %c0_i32, %c0_i32_0 : i32, i32, i32
  }
  func.func @transform_6(%arg0: i32) -> (i32, i32) {
    %c0_i32 = arith.constant 0 : i32
    %c0_i32_0 = arith.constant 0 : i32
    %c0_i32_1 = arith.constant 0 : i32
    return %c0_i32, %c0_i32_0 : i32, i32
  }
  func.func @transform_7(%arg0: i32) -> (i32, i32) {
    %c0_i32 = arith.constant 0 : i32
    %c0_i32_0 = arith.constant 0 : i32
    %c0_i32_1 = arith.constant 0 : i32
    return %c0_i32, %c0_i32_0 : i32, i32
  }
  func.func @transform_8(%arg0: i32) -> (i32, i32) {
    %c0_i32 = arith.constant 0 : i32
    %c0_i32_0 = arith.constant 0 : i32
    %c0_i32_1 = arith.constant 0 : i32
    return %c0_i32, %c0_i32_0 : i32, i32
  }
  func.func @transform_9(%arg0: i32) -> (i32, i32) {
    %c0_i32 = arith.constant 0 : i32
    %c0_i32_0 = arith.constant 0 : i32
    %c0_i32_1 = arith.constant 0 : i32
    return %c0_i32, %c0_i32_0 : i32, i32
  }
  func.func @transform_10(%arg0: i32) -> (i32, i32) {
    %c0_i32 = arith.constant 0 : i32
    %c0_i32_0 = arith.constant 0 : i32
    %c0_i32_1 = arith.constant 0 : i32
    return %c0_i32, %c0_i32_0 : i32, i32
  }
}

</mosaic_0001>

<sc_bundles>
// kernel: gather_offload_async_start.1
scs
__scs_entry_jumppad:
0x0: {  	(pc) =	sbr.rel $0x88, $3  }
0x1: {  	(tag) =	ssettag $0x0;
	lr =	simm.s32 $0x1  }
0x2: {  	[smem:$0x3F85] =	sst lr;
	_ =	strace $0xD0000000  }
0x3: {  	_ = 	snop  }
0x4: {  	_ = 	snop  }
0x5: {  	_ = 	snop  }
0x6: {  	_ = 	snop  }
0x7: {  	_ = 	snop  }
__scs_overlays_trampoline_lowered:
0x8: {  	[smem:$0x3F94] =	sst s0  }
0x9: {  	[smem:$0x3F95] =	sst s1  }
0xa: {  	[smem:$0x3F96] =	sst s2  }
0xb: {  	[smem:$0x3F97] =	sst s3  }
0xc: {  	[smem:$0x3F98] =	sst s4  }
0xd: {  	[smem:$0x3F99] =	sst s5  }
0xe: {  	[smem:$0x3F9A] =	sst s6  }
0xf: {  	[smem:$0x3F9B] =	sst s7  }
0x10: {  	[smem:$0x3F9C] =	sst s8  }
0x11: {  	[smem:$0x3F9D] =	sst s9;
	s0 =	simm.s32 @!p0 $0x0  }
0x12: {  	s1 =	sld [smem:$0x3F83];
	s0 =	simm.s32 @p0 $0x1  }
0x13: {  	[smem:$0x3F9E] =	sst s0;
	s0 =	simm.s32 @!p1 $0x0  }
0x14: {  	s2 =	sld [smem:$0x3F82];
	s0 =	simm.s32 @p1 $0x1  }
0x15: {  	[smem:$0x3F9F] =	sst s0;
	s0 =	simm.s32 @!p2 $0x0  }
0x16: {  	s3 =	sld [smem:$0x3FDB];
	s0 =	simm.s32 @p2 $0x1  }
0x17: {  	s4 =	simm.s32 $0x1BF5;
	[smem:$0x3FA1] =	sst s0  }
0x18: {  	s0 =	sld [smem:$0x3F84];
	_ =	swait.ge [sflag:s4], $0x0  }
0x19: {  	s7 =	sld [smem:$0x3F85]  }
0x1a: {  	s8 =	sadd.s32 $0xFFFFE003, lr  }
0x1b: {  	s9 =	sadd.s32 $0xFFFFFEF7, lr;
	s5 =	simm.s32 $0xFFFFFFFF;
	p2 =	slt.u32 s8, $0xFFFFF086  }
0x1c: {  	p1 =	slt.u32 s9, $0xF7A;
	s5 =	simm.s32 @!p2 $0x0  }
0x1d: {  	s5 =	simm.s32 @p1 $0x1;
	p0 =	seq.s32 s7, s2  }
0x1e: {  	s7 =	smul.u32 @!p0 $0xF7A, s2;
	p2 =	seq.s32 @!p0 s5, $0x0  }
0x1f: {  	s9 =	smul.u32 $0xF7A, s1;
	s8 =	simm.s32 @!p0 $0x1BF5;
	p2 =	por !p2, p0  }
0x20: {  	[sflag:s8] =	ssyncset.s32 @!p0 $0xFFFFF086;
	s6 =	sadd.s32 @!p0 s3, s7;
	s7 =	simm.s32 @!p0 $0x108  }
0x21: {  	s3 =	sadd.s32 s3, s9;
	s6 =	sadd.s32 @!p0 $0x88, s6;
	s7 =	simm.s32 @p2 $0x1082  }
0x22: {  	[simem:s7], [sflag:s8] =	dma.local @!p0 [hbm:s6], $0xF7A  }
0x23: {  	s9 =	sor.u32 $0xD0000000, s2;
	s6 =	simm.s32 $0x108;
	_ =	swait.ge @!p0 [sflag:s8], $0x0  }
0x24: {  	s3 =	sadd.s32 $0x88, s3;
	s6 =	simm.s32 @!p1 $0x1082;
	[sflag:s4] =	ssyncset.s32 $0xFFFFF086  }
0x25: {  	[simem:s6], [sflag:s4] =	dma.local [hbm:s3], $0xF7A  }
0x26: {  	[smem:$0x3F85] =	sst s1;
	(tag) =	ssettag s2;
	_ =	strace s9  }
0x27: {  	s1 =	sld [smem:$0x3F95]  }
0x28: {  	s2 =	sld [smem:$0x3F96]  }
0x29: {  	s4 =	sld [smem:$0x3F98]  }
0x2a: {  	p0 =	seq.s32 s5, $0x0;
	s5 =	sld [smem:$0x3F99]  }
0x2b: {  	s6 =	sld [smem:$0x3F9A]  }
0x2c: {  	s7 =	sld [smem:$0x3F9B]  }
0x2d: {  	s3 =	simm.s32 $0x108;
	s8 =	sld [smem:$0x3F9C]  }
0x2e: {  	s3 =	simm.s32 @!p0 $0x1082;
	s9 =	sld [smem:$0x3F9D]  }
0x2f: {  	lr =	sadd.s32 s0, s3;
	s0 =	sld [smem:$0x3F94]  }
0x30: {  	s3 =	sld [smem:$0x3F97]  }
0x31: {  	[smem:$0x3FA0] =	sst s10  }
0x32: {  	s10 =	sld [smem:$0x3F9E];
	_ =	sdelay $0x3  }
0x33: {  	p0 =	seq.s32 s10, $0x1;
	s10 =	sld [smem:$0x3FA0];
	_ =	sdelay $0x3  }
0x34: {  	[smem:$0x3FA0] =	sst s10  }
0x35: {  	s10 =	sld [smem:$0x3F9F];
	_ =	sdelay $0x3  }
0x36: {  	p1 =	seq.s32 s10, $0x1;
	s10 =	sld [smem:$0x3FA0];
	_ =	sdelay $0x3  }
0x37: {  	[smem:$0x3FA0] =	sst s10  }
0x38: {  	s10 =	sld [smem:$0x3FA1]  }
0x39: {  	_ = 	snop;
	(pc) =	sbr.ind lr, $3  }
0x3a: {  	_ = 	snop  }
0x3b: {  	_ = 	snop  }
0x3c: {  	p2 =	seq.s32 s10, $0x1;
	s10 =	sld [smem:$0x3FA0]  }
0x3d: {  	_ =	shalt  }
0x3e: {  	_ =	shalt  }
0x3f: {  	_ =	shalt  }
0x40: {  	_ =	shalt  }
0x41: {  	_ =	shalt  }
0x42: {  	_ =	shalt  }
0x43: {  	_ =	shalt  }
0x44: {  	_ =	shalt  }
0x45: {  	_ =	shalt  }
0x46: {  	_ =	shalt  }
0x47: {  	_ =	shalt  }
0x48: {  	_ =	shalt  }
0x49: {  	_ =	shalt  }
0x4a: {  	_ =	shalt  }
0x4b: {  	_ =	shalt  }
0x4c: {  	_ =	shalt  }
0x4d: {  	_ =	shalt  }
0x4e: {  	_ =	shalt  }
0x4f: {  	_ =	shalt  }
0x50: {  	_ =	shalt  }
0x51: {  	_ =	shalt  }
0x52: {  	_ =	shalt  }
0x53: {  	_ =	shalt  }
0x54: {  	_ =	shalt  }
0x55: {  	_ =	shalt  }
0x56: {  	_ =	shalt  }
0x57: {  	_ =	shalt  }
0x58: {  	_ =	shalt  }
0x59: {  	_ =	shalt  }
0x5a: {  	_ =	shalt  }
0x5b: {  	_ =	shalt  }
0x5c: {  	_ =	shalt  }
0x5d: {  	_ =	shalt  }
0x5e: {  	_ =	shalt  }
0x5f: {  	_ =	shalt  }
0x60: {  	_ =	shalt  }
0x61: {  	_ =	shalt  }
0x62: {  	_ =	shalt  }
0x63: {  	_ =	shalt  }
0x64: {  	_ =	shalt  }
0x65: {  	_ =	shalt  }
0x66: {  	_ =	shalt  }
0x67: {  	_ =	shalt  }
0x68: {  	_ =	shalt  }
0x69: {  	_ =	shalt  }
0x6a: {  	_ =	shalt  }
0x6b: {  	_ =	shalt  }
0x6c: {  	_ =	shalt  }
0x6d: {  	_ =	shalt  }
0x6e: {  	_ =	shalt  }
0x6f: {  	_ =	shalt  }
0x70: {  	_ =	shalt  }
0x71: {  	_ =	shalt  }
0x72: {  	_ =	shalt  }
0x73: {  	_ =	shalt  }
0x74: {  	_ =	shalt  }
0x75: {  	_ =	shalt  }
0x76: {  	_ =	shalt  }
0x77: {  	_ =	shalt  }
0x78: {  	_ =	shalt  }
0x79: {  	_ =	shalt  }
0x7a: {  	_ =	shalt  }
0x7b: {  	_ =	shalt  }
0x7c: {  	_ =	shalt  }
0x7d: {  	_ =	shalt  }
0x7e: {  	_ =	shalt  }
0x7f: {  	_ =	shalt  }
0x80: {  	_ =	shalt  }
0x81: {  	_ =	shalt  }
0x82: {  	_ =	shalt  }
0x83: {  	_ =	shalt  }
0x84: {  	_ =	shalt  }
0x85: {  	_ =	shalt  }
0x86: {  	_ =	shalt  }
0x87: {  	_ =	shalt  }
.Lfunc_end0:
.L_simem_size_0:
called_computation.1_lowered:
.L_overlay_start_0:
0x88: {  	s2 =	sld [smem:$0x3FD9]  }
0x89: {  	s3 =	sld [smem:$0x3FFE];
	_ =	sdelay $0x1  }
0x8a: {  	s1 =	srdreg.scid  }
0x8b: {  	s0 =	sand.u32 $0x1, s1  }
0x8c: {  	s16 =	sshll.u32 s0, $0xA;
	s2 =	sadd.s32 s3, s2  }
0x8d: {  	s2 =	sadd.s32 s2, s16  }
0x8e: {  	[smem:$0x3FAC] =	sst s2  }
0x8f: {  	_ = 	snop  }
0x90: {  	(tm) =	ssettm $0x1  }
0x91: {  	s17 =	sld [smem:$0x3FFB];
	_ =	sdelay $0x3  }
0x92: {  	_ =	strace s17  }
0x93: {  	s2 =	sld [smem:$0x3FFC];
	_ =	sdelay $0x3  }
0x94: {  	_ =	strace s2  }
0x95: {  	s2 =	sld [smem:$0x3FFD];
	_ =	sdelay $0x3  }
0x96: {  	_ =	strace s2  }
0x97: {  	_ =	strace $0x8FFFFFFF  }
0x98: {  	s18 =	sld [smem:$0x3FDB];
	_ =	sdelay $0x1  }
0x99: {  	s19 =	simm.s32 $_scs_section_size  }
0x9a: {  	s4 =	simm.s32 $_size__tile_overlayer_lowered;
	s5 =	simm.s32 $_tile_overlayer_lowered  }
0x9b: {  	s22 =	simm.s32 $0x1BFF;
	s21 =	sshll.u32 s5, $0x1;
	s2 =	sadd.s32 s19, s18  }
0x9c: {  	s6 =	simm.s32 $0x0;
	s20 =	sshll.u32 s4, $0x1;
	s4 =	sadd.s32 s21, s2  }
0x9d: {  	[timem:s6], [sflag:s22] =	dma.local [hbm:s4], s20  }
0x9e: {  	_ =	swait.ge [sflag:s22], s20  }
0x9f: {  	s3 =	ssub.s32 $0x0, s20;
	[sflag:s22] =	ssyncset.done $0x0  }
0xa0: {  	[sflag:s22] =	ssyncadd.s32 s3;
	_ =	sdelay $0x1  }
0xa1: {  	s23 =	simm.s32 $0x1B8B  }
0xa2: {  	_ =	swait.ge [sflag:s23], $0x1  }
0xa3: {  	[sflag:s23] =	ssyncset.done $0x0  }
0xa4: {  	s25 =	simm.s32 $0x1B8E;
	s24 =	sld [smem:$0x3FFE];
	[sflag:s23] =	ssyncadd.s32 $0xFFFFFFFF  }
0xa5: {  	s26 =	simm.s32 $execute0_lowered;
	[smem:$0x3FD2] =	sst s25  }
0xa6: {  	s4 =	sshll.u32 s26, $0x1;
	_ =	strace $0x8000004C;
	[dreg:$0x1] =	wrdreg $0xFFFFFFFF  }
0xa7: {  	s28 =	simm.s32 $_size_execute0_lowered;
	s2 =	sadd.s32 s2, s4;
	[dreg:$0x0] =	wrdreg $0x0  }
0xa8: {  	s4 =	sshll.u32 s28, $0x1;
	[dreg:$0x2] =	wrdreg s2  }
0xa9: {  	[dreg:$0x3] =	wrdreg s4  }
0xaa: {  	[dreg:$0x4] =	wrdreg $0xC0  }
0xab: {  	_ =	task [dreg:s6], $0x5FFFF  }
0xac: {  	[dreg:$0x1] =	wrdreg $0xFFFFFFFF  }
0xad: {  	[dreg:$0x0] =	wrdreg $0x60  }
0xae: {  	[dreg:$0x2] =	wrdreg s24  }
0xaf: {  	[dreg:$0x3] =	wrdreg $0x9  }
0xb0: {  	_ =	task.clear_ibuf [dreg:s6], $0x4FFFF;
	_ =	strace $0x9000004C  }
0xb1: {  	s29 =	simm.s32 $0x9;
	_ =	strace $0x8000004E  }
0xb2: {  	_ =	swait.ge [sflag:s29], $0x1  }
0xb3: {  	[sflag:s29] =	ssyncadd.s32 $0xFFFFFFFF  }
0xb4: {  	_ =	strace $0x9000004E  }
0xb5: {  	_ =	sfence  }
0xb6: {  	s30 =	sld [smem:$0x0];
	_ =	sdelay $0x2  }
0xb7: {  	s31 =	sshll.u32 s1, $0xD;
	s1 =	sshrl.u32 s1, $0x2  }
0xb8: {  	s3 =	sand.u32 $0x4000, s31;
	s1 =	sadd.s32 s1, s30  }
0xb9: {  	s0 =	sor.u32 s3, s0;
	s1 =	sshll.u32 s1, $0x11  }
0xba: {  	s0 =	sor.u32 s1, s0  }
0xbb: {  	s0 =	sadd.s32 $0x8F2B, s0  }
0xbc: {  	[sflag:s0] =	ssyncadd.remote.s32 $0x1  }
0xbd: {  	_ =	sfence.sel $0xFFFF  }
0xbe: {  	[dreg:$0x0] =	wrdreg $0xFFFFFFFF;
	(pc) =	sbr.abs _section_cstart, $3  }
0xbf: {  	[dreg:$0x1] =	wrdreg $0xFFFFFFFF  }
0xc0: {  	_ =	task.clear_ibuf [dreg:s6], $0x2FFFF;
	_ =	strace $0x9FFFFFFF  }
0xc1: {  	(tm) =	ssettm $0x7FFFFFFF  }
tec
execute0_lowered:
.L_overlay_start_1:
0x0: {  	(tag) =	ssettag $0x1  }
0x1: {  	s8 =	rddreg [dreg:$0x0]  }
0x2: {  	s0 =	rddreg [dreg:$0x1];
	_ =	strace $0x8000004D;
	s1 =	stileid.u32  }
0x3: {  	s3 =	srdreg.scid;
	s4 =	simm.s32 $0x1;
	s7 =	simm.s32 $0x1  }
0x4: {  	s9 =	simm.s32 $0x1;
	s10 =	simm.s32 $0x3;
	s13 =	simm.s32 $0x0  }
0x5: {  	s12 =	simm.s32 $0x0;
	s5 =	sand.u32 $0x1, s3;
	s6 =	sshll.u32 s1, $0x1  }
0x6: {  	s2 =	sadd.s32 $0x4A00, s8;
	s3 =	sadd.s32 $0x18600, s8;
	s5 =	sor.u32 s6, s5  }
.Ltmp0:
0x7: {  	[sflag:s4] =	ssyncpa.u1 $0x0;
	p0 =	slt.u32 s5, $0x9;
	(pc) =	sbr.rel .LBB2_1-.Ltmp0, $4  }
0x8: {  	s6 =	simm.s32 $0x2;
	s7 =	simm.s32 @!p0 $0x0;
	p0 =	sne.s32 s5, $0x8  }
0x9: {  	[sflag:s6] =	ssyncpa.u1 $0x0;
	s5 =	smul.u32 $0x1F40, s5;
	s9 =	simm.s32 @!p0 $0x0  }
0xa: {  	s8 =	sadd.s32 $0x2C200, s8;
	[sflag:s10] =	ssyncpa.u1 $0x0;
	s7 =	sadd.s32 s9, s7  }
0xb: {  	vm0 =	vmmov $0xffff;
	s10 =	simm.s32 $0x0;
	s11 =	smov.u32 s5;
	s9 =	sadd.s32 $0x1, s7  }
.LBB2_4:
0xc: {  	v2 =	vnsel vm1, $0x0, v2  }
0xd: {  	vm1 =	vgt.s32 v0, $0x0;
	v2 =	vmin.u32 v2, $0x4E1FF  }
0xe: {  	v0 =	vnsel vm1, $0x0, v0  }
0xf: {  	v0 =	vmin.u32 v0, $0x4E1FF  }
0x10: {  	[tilespmem:s18], [sflag:$0x1] =	stream.indirect_vreg.gather [hbm4b:s2+s10], $0x1, v1, vm0, $0x4038;
	[tilespmem:$0x7D00] =	vst v63  }
0x11: {  	(ifvalue) =	ssetifvalue $0x7FFFFFFF  }
0x12: {  	[tilespmem:s15], [sflag:$0x1] =	stream.indirect_vreg.gather [hbm4b:s2+s10], $0x1, v2, vm0, $0x4038;
	[tilespmem:$0x7D00] =	vst v63  }
0x13: {  	s29 =	sadd.s32 $0x10, s15;
	(ifvalue) =	ssetifvalue $0x7FFFFFFF  }
0x14: {  	[tilespmem:s29], [sflag:$0x1] =	stream.indirect_vreg.gather [hbm4b:s2+s10], $0x1, v0, vm0, $0x4038;
	[tilespmem:$0x7D00] =	vst v63  }
0x15: {  	_ =	swait.ge [sflag:s4], $0x1F40  }
0x16: {  	s30 =	sshrl.u32 s13, $0x3;
	[sflag:s4] =	ssyncset.done $0x0  }
0x17: {  	s31 =	sand.u32 $0x7, s13;
	s15 =	sadd.s32 s8, s30;
	[sflag:s4] =	ssyncadd.s32 $0xFFFFE0C0  }
0x18: {  	[hbm4b:s15+s31] =	stream.linear.scatter [tilespmem:s14], [sflag:$0x3], $0x1F40, $0x38;
	[tilespmem:$0x7D00] =	vst v63  }
.LBB2_5:
0x19: {  	s15 =	sadd.s32 $0x3E800, s11  }
0x1a: {  	p1 =	sgt.s32 s15, $0x4E1FF  }
0x1b: {  	s15 =	smov.u32 @p1 s5;
	p1 =	sne.s32 s12, s9  }
.Ltmp1:
0x1c: {  	p0 =	slt.u32 s12, $0x2;
	(pc) =	sbr.rel @!p1 .LBB2_6-.Ltmp1, $4  }
0x1d: {  	s14 =	simm.s32 @!p0 $0x3  }
0x1e: {  	_ =	swait.ge @!p0 [sflag:s14], $0x1F40  }
0x1f: {  	s16 =	sadd.s32 $0x1, s12;
	s13 =	smov.u32 s11;
	[sflag:s14] =	ssyncset.done @!p0 $0x0  }
0x20: {  	s12 =	smov.u32 s16;
	s11 =	smov.u32 s15;
	[sflag:s14] =	ssyncadd.s32 @!p0 $0xFFFFE0C0  }
.LBB2_1:
0x21: {  	p0 =	sge.u32 s12, s7  }
0x22: {  	s14 =	sxor.u32 @!p0 $0x1, s12  }
0x23: {  	s14 =	smul.u32 @!p0 $0x7D00, s14  }
0x24: {  	s31 =	sadd.s32 $0xFFFFFFFF, s12;
	s15 =	sshrl.u32 @!p0 s11, $0x3  }
0x25: {  	s16 =	sand.u32 @!p0 $0x7, s11;
	s15 =	sadd.s32 @!p0 s3, s15;
	s14 =	sshra.s32 @!p0 s14, $0x2  }
0x26: {  	[tilespmem:s14], [sflag:$0x2] =	stream.linear.gather @!p0 [hbm4b:s15+s16], $0x1F40, $0x38;
	[tilespmem:$0x7D00] =	vst v63  }
0x27: {  	p0 =	sge.u32 s31, s7  }
.Ltmp2:
0x28: {  	_ = 	snop;
	(pc) =	sbr.rel @p0 .LBB2_5-.Ltmp2, $1  }
0x29: {  	_ =	sdelay $0x3  }
0x2a: {  	s14 =	sand.u32 $0x1, s12  }
0x2b: {  	_ =	swait.ge [sflag:s6], $0x1F40;
	p0 =	seq.s32 s14, $0x1;
	s14 =	simm.s32 $0x1F40  }
0x2c: {  	[sflag:s6] =	ssyncset.done $0x0;
	s14 =	simm.s32 @!p0 $0x0  }
0x2d: {  	[sflag:s6] =	ssyncadd.s32 $0xFFFFE0C0;
	(ifvalue) =	ssetifvalue $0x7FFFFFFF;
	v0 =	vld.msk [tilespmem:s14+$0x0 ss:$0x1], $0xffff;
	_ =	sdelay $0x4  }
0x2e: {  	s15 =	sadd.s32 $0x10, s14;
	vm1 =	vgt.s32 v0, $0x0  }
0x2f: {  	v2 =	vld.msk [tilespmem:s15+$0x0 ss:$0x1], $0xffff;
	v1 =	vnsel vm1, $0x0, v0  }
0x30: {  	v1 =	vmin.u32 v1, $0x4E1FF;
	_ =	sdelay $0x2  }
0x31: {  	s17 =	simm.s32 $0x20;
	s14 =	sadd.s32 $0x3E80, s14;
	s16 =	sadd.s32 $0x10, s15  }
0x32: {  	s15 =	sadd.s32 $0x10, s14;
	s18 =	smov.u32 s14;
	v0 =	vld.msk [tilespmem:s16+$0x0 ss:$0x1], $0xffff;
	vm1 =	vgt.s32 v2, $0x0;
	(ifvalue) =	ssetifvalue $0x7FFFFFFF  }
.LBB2_3:
0x33: {  	[tilespmem:s18], [sflag:$0x1] =	stream.indirect_vreg.gather [hbm4b:s2+s10], $0x1, v1, vm0, $0x4038;
	[tilespmem:$0x7D00] =	vst v63  }
0x34: {  	s17 =	sadd.s32 $0x10, s17  }
0x35: {  	v2 =	vnsel vm1, $0x0, v2;
	p0 =	slt.u32 s17, $0x1F30  }
.Ltmp3:
0x36: {  	s18 =	smov.u32 s15;
	v1 =	vmin.u32 v2, $0x4E1FF;
	(pc) =	sbr.rel @p0 .LBB2_3-.Ltmp3, $3  }
0x37: {  	_ =	sdelay $0x1  }
0x38: {  	s16 =	sadd.s32 $0x10, s16  }
0x39: {  	vm1 =	vgt.s32 v0, $0x0;
	s15 =	sadd.s32 $0x10, s15;
	v2 =	vmov v0;
	(ifvalue) =	ssetifvalue $0x7FFFFFFF;
	v0 =	vld.msk [tilespmem:s16+$0x0 ss:$0x1], $0xffff  }
.Ltmp4:
0x3a: {  	_ = 	snop;
	(pc) =	sbr.rel .LBB2_4-.Ltmp4, $1  }
0x3b: {  	_ =	sdelay $0x3  }
.LBB2_6:
0x3c: {  	_ =	sfence.sel $0x180000  }
0x3d: {  	s2 =	simm.s32 $0x2;
	[bflag:$0x0] =	sbarrier.arrive $0xFFFF  }
0x3e: {  	s30 =	simm.s32 $0x3;
	[sflag:s2] =	ssyncpa.u1 $0x1  }
0x3f: {  	s31 =	simm.s32 $0x1;
	[sflag:s30] =	ssyncpa.u1 $0x1  }
0x40: {  	[sflag:s31] =	ssyncpa.u1 $0x1  }
0x41: {  	p0 =	sne.s32 s1, $0x0;
	_ =	strace $0x9000004D  }
0x42: {  	s0 =	sadd.s32 @!p0 $0x100000, s0;
	[bflag:$0x2] =	sbarrier.arrive $0xFFFF  }
0x43: {  	[sflag:s0] =	ssyncadd.tile.s32 @!p0 $0x1;
	_ =	shalt  }
.Lfunc_end2:
_tile_overlayer_lowered:
.L_overlay_start_2:
0x44: {  	(tag) =	ssettag $0x2  }
0x45: {  	s0 =	rddreg [dreg:$0x0];
	s2 =	stileid.u32  }
0x46: {  	s1 =	rddreg [dreg:$0x1];
	p0 =	sne.s32 s2, $0x0  }
0x47: {  	s3 =	rddreg [dreg:$0x2];
	[bflag:$0x3] =	sbarrier.arrive $0xFFFF;
	s2 =	simm.s32 @!p0 $0x1C01  }
0x48: {  	[timem:s3], [sflag:s2] =	dma.local @!p0 [hbm:s0], s1  }
0x49: {  	s0 =	simm.s32 @!p0 $0x1  }
0x4a: {  	_ =	swait.ge @!p0 [sflag:s0], s1  }
0x4b: {  	s1 =	ssub.s32 @!p0 $0x0, s1;
	[sflag:s0] =	ssyncset.done @!p0 $0x0  }
0x4c: {  	[sflag:s0] =	ssyncadd.s32 @!p0 s1  }
0x4d: {  	[bflag:$0x3] =	sbarrier.arrive $0xFFFF  }
0x4e: {  	_ =	shalt  }

// kernel: gather_offload_async_start.2
scs
__scs_entry_jumppad:
0x0: {  	(pc) =	sbr.rel $0x88, $3  }
0x1: {  	(tag) =	ssettag $0x0;
	lr =	simm.s32 $0x1  }
0x2: {  	[smem:$0x3F85] =	sst lr;
	_ =	strace $0xD0000000  }
0x3: {  	_ = 	snop  }
0x4: {  	_ = 	snop  }
0x5: {  	_ = 	snop  }
0x6: {  	_ = 	snop  }
0x7: {  	_ = 	snop  }
__scs_overlays_trampoline_lowered:
0x8: {  	[smem:$0x3F94] =	sst s0  }
0x9: {  	[smem:$0x3F95] =	sst s1  }
0xa: {  	[smem:$0x3F96] =	sst s2  }
0xb: {  	[smem:$0x3F97] =	sst s3  }
0xc: {  	[smem:$0x3F98] =	sst s4  }
0xd: {  	[smem:$0x3F99] =	sst s5  }
0xe: {  	[smem:$0x3F9A] =	sst s6  }
0xf: {  	[smem:$0x3F9B] =	sst s7  }
0x10: {  	[smem:$0x3F9C] =	sst s8  }
0x11: {  	[smem:$0x3F9D] =	sst s9;
	s0 =	simm.s32 @!p0 $0x0  }
0x12: {  	s1 =	sld [smem:$0x3F83];
	s0 =	simm.s32 @p0 $0x1  }
0x13: {  	[smem:$0x3F9E] =	sst s0;
	s0 =	simm.s32 @!p1 $0x0  }
0x14: {  	s2 =	sld [smem:$0x3F82];
	s0 =	simm.s32 @p1 $0x1  }
0x15: {  	[smem:$0x3F9F] =	sst s0;
	s0 =	simm.s32 @!p2 $0x0  }
0x16: {  	s3 =	sld [smem:$0x3FDB];
	s0 =	simm.s32 @p2 $0x1  }
0x17: {  	s4 =	simm.s32 $0x1BF5;
	[smem:$0x3FA1] =	sst s0  }
0x18: {  	s0 =	sld [smem:$0x3F84];
	_ =	swait.ge [sflag:s4], $0x0  }
0x19: {  	s7 =	sld [smem:$0x3F85]  }
0x1a: {  	s8 =	sadd.s32 $0xFFFFE003, lr  }
0x1b: {  	s9 =	sadd.s32 $0xFFFFFEF7, lr;
	s5 =	simm.s32 $0xFFFFFFFF;
	p2 =	slt.u32 s8, $0xFFFFF086  }
0x1c: {  	p1 =	slt.u32 s9, $0xF7A;
	s5 =	simm.s32 @!p2 $0x0  }
0x1d: {  	s5 =	simm.s32 @p1 $0x1;
	p0 =	seq.s32 s7, s2  }
0x1e: {  	s7 =	smul.u32 @!p0 $0xF7A, s2;
	p2 =	seq.s32 @!p0 s5, $0x0  }
0x1f: {  	s9 =	smul.u32 $0xF7A, s1;
	s8 =	simm.s32 @!p0 $0x1BF5;
	p2 =	por !p2, p0  }
0x20: {  	[sflag:s8] =	ssyncset.s32 @!p0 $0xFFFFF086;
	s6 =	sadd.s32 @!p0 s3, s7;
	s7 =	simm.s32 @!p0 $0x108  }
0x21: {  	s3 =	sadd.s32 s3, s9;
	s6 =	sadd.s32 @!p0 $0x88, s6;
	s7 =	simm.s32 @p2 $0x1082  }
0x22: {  	[simem:s7], [sflag:s8] =	dma.local @!p0 [hbm:s6], $0xF7A  }
0x23: {  	s9 =	sor.u32 $0xD0000000, s2;
	s6 =	simm.s32 $0x108;
	_ =	swait.ge @!p0 [sflag:s8], $0x0  }
0x24: {  	s3 =	sadd.s32 $0x88, s3;
	s6 =	simm.s32 @!p1 $0x1082;
	[sflag:s4] =	ssyncset.s32 $0xFFFFF086  }
0x25: {  	[simem:s6], [sflag:s4] =	dma.local [hbm:s3], $0xF7A  }
0x26: {  	[smem:$0x3F85] =	sst s1;
	(tag) =	ssettag s2;
	_ =	strace s9  }
0x27: {  	s1 =	sld [smem:$0x3F95]  }
0x28: {  	s2 =	sld [smem:$0x3F96]  }
0x29: {  	s4 =	sld [smem:$0x3F98]  }
0x2a: {  	p0 =	seq.s32 s5, $0x0;
	s5 =	sld [smem:$0x3F99]  }
0x2b: {  	s6 =	sld [smem:$0x3F9A]  }
0x2c: {  	s7 =	sld [smem:$0x3F9B]  }
0x2d: {  	s3 =	simm.s32 $0x108;
	s8 =	sld [smem:$0x3F9C]  }
0x2e: {  	s3 =	simm.s32 @!p0 $0x1082;
	s9 =	sld [smem:$0x3F9D]  }
0x2f: {  	lr =	sadd.s32 s0, s3;
	s0 =	sld [smem:$0x3F94]  }
0x30: {  	s3 =	sld [smem:$0x3F97]  }
0x31: {  	[smem:$0x3FA0] =	sst s10  }
0x32: {  	s10 =	sld [smem:$0x3F9E];
	_ =	sdelay $0x3  }
0x33: {  	p0 =	seq.s32 s10, $0x1;
	s10 =	sld [smem:$0x3FA0];
	_ =	sdelay $0x3  }
0x34: {  	[smem:$0x3FA0] =	sst s10  }
0x35: {  	s10 =	sld [smem:$0x3F9F];
	_ =	sdelay $0x3  }
0x36: {  	p1 =	seq.s32 s10, $0x1;
	s10 =	sld [smem:$0x3FA0];
	_ =	sdelay $0x3  }
0x37: {  	[smem:$0x3FA0] =	sst s10  }
0x38: {  	s10 =	sld [smem:$0x3FA1]  }
0x39: {  	_ = 	snop;
	(pc) =	sbr.ind lr, $3  }
0x3a: {  	_ = 	snop  }
0x3b: {  	_ = 	snop  }
0x3c: {  	p2 =	seq.s32 s10, $0x1;
	s10 =	sld [smem:$0x3FA0]  }
0x3d: {  	_ =	shalt  }
0x3e: {  	_ =	shalt  }
0x3f: {  	_ =	shalt  }
0x40: {  	_ =	shalt  }
0x41: {  	_ =	shalt  }
0x42: {  	_ =	shalt  }
0x43: {  	_ =	shalt  }
0x44: {  	_ =	shalt  }
0x45: {  	_ =	shalt  }
0x46: {  	_ =	shalt  }
0x47: {  	_ =	shalt  }
0x48: {  	_ =	shalt  }
0x49: {  	_ =	shalt  }
0x4a: {  	_ =	shalt  }
0x4b: {  	_ =	shalt  }
0x4c: {  	_ =	shalt  }
0x4d: {  	_ =	shalt  }
0x4e: {  	_ =	shalt  }
0x4f: {  	_ =	shalt  }
0x50: {  	_ =	shalt  }
0x51: {  	_ =	shalt  }
0x52: {  	_ =	shalt  }
0x53: {  	_ =	shalt  }
0x54: {  	_ =	shalt  }
0x55: {  	_ =	shalt  }
0x56: {  	_ =	shalt  }
0x57: {  	_ =	shalt  }
0x58: {  	_ =	shalt  }
0x59: {  	_ =	shalt  }
0x5a: {  	_ =	shalt  }
0x5b: {  	_ =	shalt  }
0x5c: {  	_ =	shalt  }
0x5d: {  	_ =	shalt  }
0x5e: {  	_ =	shalt  }
0x5f: {  	_ =	shalt  }
0x60: {  	_ =	shalt  }
0x61: {  	_ =	shalt  }
0x62: {  	_ =	shalt  }
0x63: {  	_ =	shalt  }
0x64: {  	_ =	shalt  }
0x65: {  	_ =	shalt  }
0x66: {  	_ =	shalt  }
0x67: {  	_ =	shalt  }
0x68: {  	_ =	shalt  }
0x69: {  	_ =	shalt  }
0x6a: {  	_ =	shalt  }
0x6b: {  	_ =	shalt  }
0x6c: {  	_ =	shalt  }
0x6d: {  	_ =	shalt  }
0x6e: {  	_ =	shalt  }
0x6f: {  	_ =	shalt  }
0x70: {  	_ =	shalt  }
0x71: {  	_ =	shalt  }
0x72: {  	_ =	shalt  }
0x73: {  	_ =	shalt  }
0x74: {  	_ =	shalt  }
0x75: {  	_ =	shalt  }
0x76: {  	_ =	shalt  }
0x77: {  	_ =	shalt  }
0x78: {  	_ =	shalt  }
0x79: {  	_ =	shalt  }
0x7a: {  	_ =	shalt  }
0x7b: {  	_ =	shalt  }
0x7c: {  	_ =	shalt  }
0x7d: {  	_ =	shalt  }
0x7e: {  	_ =	shalt  }
0x7f: {  	_ =	shalt  }
0x80: {  	_ =	shalt  }
0x81: {  	_ =	shalt  }
0x82: {  	_ =	shalt  }
0x83: {  	_ =	shalt  }
0x84: {  	_ =	shalt  }
0x85: {  	_ =	shalt  }
0x86: {  	_ =	shalt  }
0x87: {  	_ =	shalt  }
.Lfunc_end0:
.L_simem_size_0:
called_computation.2_lowered:
.L_overlay_start_0:
0x88: {  	s2 =	sld [smem:$0x3FD9]  }
0x89: {  	s3 =	sld [smem:$0x3FFE];
	_ =	sdelay $0x1  }
0x8a: {  	s1 =	srdreg.scid  }
0x8b: {  	s0 =	sand.u32 $0x1, s1  }
0x8c: {  	s17 =	sshll.u32 s0, $0xA;
	s2 =	sadd.s32 s3, s2  }
0x8d: {  	s2 =	sadd.s32 s2, s17  }
0x8e: {  	[smem:$0x3FAC] =	sst s2  }
0x8f: {  	_ = 	snop  }
0x90: {  	s2 =	sld [smem:$0x3FC7];
	(tm) =	ssettm $0x1  }
0x91: {  	s18 =	sld [smem:$0x3FFB];
	_ =	sdelay $0x3  }
0x92: {  	_ =	strace s18  }
0x93: {  	s3 =	sld [smem:$0x3FFC];
	_ =	sdelay $0x3  }
0x94: {  	_ =	strace s3  }
0x95: {  	s3 =	sld [smem:$0x3FFD];
	_ =	sdelay $0x3  }
0x96: {  	_ =	strace s3  }
0x97: {  	_ =	strace $0x8FFFFFFF  }
0x98: {  	s19 =	sld [smem:$0x3FDB];
	_ =	sdelay $0x1  }
0x99: {  	s4 =	simm.s32 $_scs_section_size  }
0x9a: {  	s5 =	simm.s32 $_size__tile_overlayer_lowered;
	s6 =	simm.s32 $_tile_overlayer_lowered  }
0x9b: {  	s22 =	simm.s32 $0x1BFF;
	s21 =	sshll.u32 s6, $0x1;
	s3 =	sadd.s32 s4, s19  }
0x9c: {  	s7 =	simm.s32 $0x0;
	s20 =	sshll.u32 s5, $0x1;
	s5 =	sadd.s32 s21, s3  }
0x9d: {  	[timem:s7], [sflag:s22] =	dma.local [hbm:s5], s20  }
0x9e: {  	_ =	swait.ge [sflag:s22], s20  }
0x9f: {  	s4 =	ssub.s32 $0x0, s20;
	[sflag:s22] =	ssyncset.done $0x0  }
0xa0: {  	[sflag:s22] =	ssyncadd.s32 s4;
	_ =	sdelay $0x1  }
0xa1: {  	s23 =	simm.s32 $0x1B8B  }
0xa2: {  	_ =	swait.ge [sflag:s23], $0x1  }
0xa3: {  	[sflag:s23] =	ssyncset.done $0x0  }
0xa4: {  	s25 =	simm.s32 $0x1B8E;
	s24 =	sld [smem:$0x3FFE];
	[sflag:s23] =	ssyncadd.s32 $0xFFFFFFFF  }
0xa5: {  	s26 =	simm.s32 $execute0_lowered;
	[smem:$0x3FD2] =	sst s25  }
0xa6: {  	s5 =	sshll.u32 s26, $0x1;
	_ =	strace $0x80000049;
	[dreg:$0x1] =	wrdreg $0xFFFFFFFF  }
0xa7: {  	s28 =	simm.s32 $_size_execute0_lowered;
	s3 =	sadd.s32 s3, s5;
	[dreg:$0x0] =	wrdreg $0x0  }
0xa8: {  	s5 =	sshll.u32 s28, $0x1;
	[dreg:$0x2] =	wrdreg s3  }
0xa9: {  	[dreg:$0x3] =	wrdreg s5  }
0xaa: {  	[dreg:$0x4] =	wrdreg $0xC0  }
0xab: {  	_ =	task [dreg:s7], $0x5FFFF  }
0xac: {  	[dreg:$0x1] =	wrdreg $0xFFFFFFFF  }
0xad: {  	[dreg:$0x0] =	wrdreg $0x60  }
0xae: {  	[dreg:$0x2] =	wrdreg s2  }
0xaf: {  	[dreg:$0x3] =	wrdreg s24  }
0xb0: {  	[dreg:$0x4] =	wrdreg $0x9  }
0xb1: {  	_ =	task.clear_ibuf [dreg:s7], $0x5FFFF;
	_ =	strace $0x90000049  }
0xb2: {  	s29 =	simm.s32 $0x9;
	_ =	strace $0x8000004B  }
0xb3: {  	_ =	swait.ge [sflag:s29], $0x1  }
0xb4: {  	[sflag:s29] =	ssyncadd.s32 $0xFFFFFFFF  }
0xb5: {  	_ =	strace $0x9000004B  }
0xb6: {  	_ =	sfence  }
0xb7: {  	s30 =	sld [smem:$0x0];
	_ =	sdelay $0x2  }
0xb8: {  	s31 =	sshll.u32 s1, $0xD;
	s1 =	sshrl.u32 s1, $0x2  }
0xb9: {  	s3 =	sand.u32 $0x4000, s31;
	s1 =	sadd.s32 s1, s30  }
0xba: {  	s0 =	sor.u32 s3, s0;
	s1 =	sshll.u32 s1, $0x11  }
0xbb: {  	s0 =	sor.u32 s1, s0  }
0xbc: {  	s0 =	sadd.s32 $0x8F2B, s0  }
0xbd: {  	[sflag:s0] =	ssyncadd.remote.s32 $0x1  }
0xbe: {  	_ =	sfence.sel $0xFFFF  }
0xbf: {  	[dreg:$0x0] =	wrdreg $0xFFFFFFFF;
	(pc) =	sbr.abs _section_cstart, $3  }
0xc0: {  	[dreg:$0x1] =	wrdreg $0xFFFFFFFF  }
0xc1: {  	_ =	task.clear_ibuf [dreg:s7], $0x2FFFF;
	_ =	strace $0x9FFFFFFF  }
0xc2: {  	(tm) =	ssettm $0x7FFFFFFF  }
0xc3: {  	_ =	shalt  }
tec
execute0_lowered:
.L_overlay_start_1:
0x0: {  	(tag) =	ssettag $0x1  }
0x1: {  	s0 =	stileid.u32;
	s1 =	srdreg.scid  }
0x2: {  	s1 =	sand.u32 $0x1, s1;
	s2 =	sshll.u32 s0, $0x1  }
0x3: {  	s1 =	sor.u32 s2, s1  }
0x4: {  	s2 =	smul.u32 $0xC80, s1;
	_ =	sdelay $0x1  }
0x5: {  	s3 =	rddreg [dreg:$0x0];
	s7 =	ssub.s32 $0x4E200, s2  }
0x6: {  	s9 =	rddreg [dreg:$0x1];
	s4 =	smulhi.u32 $0xA3D71, s7  }
0x7: {  	s6 =	simm.s32 $0x2;
	s11 =	simm.s32 $0x3;
	s14 =	simm.s32 $0x0  }
0x8: {  	s13 =	simm.s32 $0x0;
	s5 =	sadd.s32 $0x18600, s9;
	s8 =	sshrl.u32 s4, $0x4  }
0x9: {  	s1 =	rddreg [dreg:$0x2];
	_ =	strace $0x8000004A;
	s10 =	smul.u32 $0x19000, s8  }
.Ltmp0:
0xa: {  	s12 =	smov.u32 s2;
	s4 =	simm.s32 $0x1;
	(pc) =	sbr.rel .LBB2_1-.Ltmp0, $4  }
0xb: {  	[sflag:s4] =	ssyncpa.u1 $0x0;
	p0 =	sne.s32 s7, s10;
	s10 =	simm.s32 $0x1  }
0xc: {  	[sflag:s6] =	ssyncpa.u1 $0x0;
	s7 =	sadd.s32 $0x2C800, s9;
	s10 =	simm.s32 @!p0 $0x0  }
0xd: {  	[sflag:s11] =	ssyncpa.u1 $0x0;
	s9 =	sadd.s32 $0x7AA00, s9;
	s8 =	sadd.s32 s10, s8  }
0xe: {  	vm0 =	vmmov $0xffff;
	v0 =	vlaneseq.u32;
	s11 =	simm.s32 $0x0;
	p0 =	por $0x0, $0x0;
	s10 =	sadd.s32 $0x1, s8  }
.LBB2_4:
0xf: {  	_ =	sdelay $0x1  }
0x10: {  	(ifvalue) =	ssetifvalue $0x7FFFFFFF  }
0x11: {  	s17 =	sshll.u32 s14, $0x3;
	(ifvalue) =	ssetifvalue $0x7FFFFFFF  }
0x12: {  	[tilespmem:s23], [sflag:$0x1] =	stream.indirect_vreg.gather [hbm4b:s3+s11], $0x1, v1, vm0, $0x4038;
	[tilespmem:$0x1A900] =	vst v63  }
0x13: {  	s30 =	sand.u32 $0x78, s14;
	s17 =	sand.u32 $0xFFFFFC00, s17  }
0x14: {  	_ =	swait.ge [sflag:s4], $0xC800;
	s14 =	sor.u32 s30, s17  }
0x15: {  	[sflag:s4] =	ssyncset.done $0x0;
	s14 =	sshrl.u32 s14, $0x3  }
0x16: {  	[sflag:s4] =	ssyncadd.s32 $0xFFFF3800;
	s31 =	sadd.s32 s7, s14  }
0x17: {  	[hbm:s31] =	stream.linear.scatter [tilespmem:s16], [sflag:$0x3], $0x6400, $0x38;
	[tilespmem:$0x1A900] =	vst v63  }
0x18: {  	s15 =	sadd.s32 $0x7D00, s15;
	s14 =	sadd.s32 s14, s9  }
0x19: {  	[hbm:s14] =	stream.linear.scatter [tilespmem:s15], [sflag:$0x3], $0x6400, $0x38;
	[tilespmem:$0x1A900] =	vst v63  }
.LBB2_5:
0x1a: {  	s16 =	sadd.s32 $0x19000, s12  }
0x1b: {  	p2 =	sgt.s32 s16, $0x4E1FF  }
0x1c: {  	s16 =	smov.u32 @p2 s2;
	p2 =	sne.s32 s13, s10  }
.Ltmp1:
0x1d: {  	p1 =	slt.u32 s13, $0x2;
	(pc) =	sbr.rel @!p2 .LBB2_6-.Ltmp1, $4  }
0x1e: {  	s15 =	simm.s32 @!p1 $0x3  }
0x1f: {  	s17 =	sadd.s32 $0x1, s13;
	_ =	swait.ge @!p1 [sflag:s15], $0xC800  }
0x20: {  	s14 =	smov.u32 s12;
	p0 =	por !p0, !p0;
	[sflag:s15] =	ssyncset.done @!p1 $0x0  }
0x21: {  	s13 =	smov.u32 s17;
	s12 =	smov.u32 s16;
	[sflag:s15] =	ssyncadd.s32 @!p1 $0xFFFF3800  }
.LBB2_1:
0x22: {  	p1 =	sge.u32 s13, s8  }
0x23: {  	s15 =	sxor.u32 @!p1 $0xFFFFFFFF, s13  }
0x24: {  	s15 =	sand.u32 @!p1 $0x1, s15  }
0x25: {  	s15 =	smul.u32 @!p1 $0x3200, s15  }
0x26: {  	s31 =	sadd.s32 $0xFFFFFFFF, s13;
	s16 =	sshrl.u32 @!p1 s12, $0x3  }
0x27: {  	s17 =	sand.u32 @!p1 $0x7, s12;
	s16 =	sadd.s32 @!p1 s5, s16;
	s15 =	sshrl.u32 @!p1 s15, $0x2  }
0x28: {  	[tilespmem:s15], [sflag:$0x2] =	stream.linear.gather @!p1 [hbm4b:s16+s17], $0xC80, $0x38;
	[tilespmem:$0x1A900] =	vst v63  }
0x29: {  	p1 =	sge.u32 s31, s8  }
.Ltmp2:
0x2a: {  	_ = 	snop;
	(pc) =	sbr.rel @p1 .LBB2_5-.Ltmp2, $1  }
0x2b: {  	_ =	sdelay $0x3  }
0x2c: {  	s15 =	simm.s32 $0x1  }
0x2d: {  	s15 =	simm.s32 @!p0 $0x0  }
0x2e: {  	_ =	swait.ge [sflag:s6], $0xC80;
	s15 =	smul.u32 $0x3200, s15  }
0x2f: {  	[sflag:s6] =	ssyncset.done $0x0  }
0x30: {  	[sflag:s6] =	ssyncadd.s32 $0xFFFFF380;
	s19 =	sshrl.u32 s15, $0x2  }
0x31: {  	v1 =	vld.msk [tilespmem:s19+$0x0 ss:$0x1], $0xffff;
	_ =	sdelay $0x2  }
0x32: {  	s20 =	ssub.s32 $0x4E200, s14  }
0x33: {  	p1 =	slt.s32 s20, $0xC80  }
0x34: {  	s20 =	simm.s32 @!p1 $0xC80;
	vm1 =	vgt.s32 v1, $0x0  }
0x35: {  	p1 =	sgt.s32 s20, $0x0;
	s15 =	smov.u32 s20;
	v1 =	vnsel vm1, $0x0, v1  }
0x36: {  	s15 =	simm.s32 @!p1 $0x0;
	v1 =	vmin.u32 v1, $0x4E1FF  }
0x37: {  	s15 =	smin.u32 s15, $0x10;
	v2 =	vshll.u32 v1, $0x3  }
0x38: {  	s16 =	sand.u32 $0x1, s13;
	v3 =	vmov s15;
	v1 =	vand.u32 $0x7F, v1;
	v2 =	vand.u32 $0x3FFC00, v2  }
0x39: {  	s26 =	smul.u32 $0x32000, s16;
	vm1 =	vgt.u32 v3, v0;
	v1 =	vor.u32 v1, v2  }
0x3a: {  	v2 =	vnsel vm1, $0x7FFFFFFF, v1  }
0x3b: {  	s18 =	simm.s32 $0x0;
	s15 =	sshrl.u32 s26, $0x2  }
0x3c: {  	s17 =	simm.s32 $0x0;
	s18 =	sand.u32 $0x7C00, s18;
	s16 =	sadd.s32 $0x1900, s15;
	v3 =	vor.u32 $0x80, v1  }
0x3d: {  	s21 =	sand.u32 $0x70, s17;
	(ifvalue) =	ssetifvalue $0x7FFFFFFF;
	s18 =	sadd.s32 s18, s16;
	v3 =	vnsel vm1, $0x7FFFFFFF, v3  }
0x3e: {  	(ifvalue) =	ssetifvalue $0x7FFFFFFF;
	s21 =	sadd.s32 s21, s18  }
0x3f: {  	v4 =	vor.u32 $0x100, v1;
	[tilespmem:s21], [sflag:$0x1] =	stream.indirect_vreg.gather [hbm4b:s3+s11], $0x1, v2, vm0, $0x4038;
	[tilespmem:$0x1A900] =	vst v63  }
0x40: {  	v2 =	vnsel vm1, $0x7FFFFFFF, v4;
	(ifvalue) =	ssetifvalue $0x7FFFFFFF  }
0x41: {  	s18 =	sadd.s32 $0x80, s21;
	(ifvalue) =	ssetifvalue $0x7FFFFFFF  }
0x42: {  	v52 =	vor.u32 $0x180, v1;
	[tilespmem:s18], [sflag:$0x1] =	stream.indirect_vreg.gather [hbm4b:s3+s11], $0x1, v3, vm0, $0x4038;
	[tilespmem:$0x1A900] =	vst v63  }
0x43: {  	v3 =	vnsel vm1, $0x7FFFFFFF, v52;
	(ifvalue) =	ssetifvalue $0x7FFFFFFF  }
0x44: {  	s28 =	sadd.s32 $0x100, s21;
	(ifvalue) =	ssetifvalue $0x7FFFFFFF  }
0x45: {  	v53 =	vor.u32 $0x200, v1;
	[tilespmem:s28], [sflag:$0x1] =	stream.indirect_vreg.gather [hbm4b:s3+s11], $0x1, v2, vm0, $0x4038;
	[tilespmem:$0x1A900] =	vst v63  }
0x46: {  	v2 =	vnsel vm1, $0x7FFFFFFF, v53;
	(ifvalue) =	ssetifvalue $0x7FFFFFFF  }
0x47: {  	s29 =	sadd.s32 $0x180, s21;
	(ifvalue) =	ssetifvalue $0x7FFFFFFF  }
0x48: {  	v54 =	vor.u32 $0x280, v1;
	[tilespmem:s29], [sflag:$0x1] =	stream.indirect_vreg.gather [hbm4b:s3+s11], $0x1, v3, vm0, $0x4038;
	[tilespmem:$0x1A900] =	vst v63  }
0x49: {  	v3 =	vnsel vm1, $0x7FFFFFFF, v54;
	(ifvalue) =	ssetifvalue $0x7FFFFFFF  }
0x4a: {  	s30 =	sadd.s32 $0x200, s21;
	(ifvalue) =	ssetifvalue $0x7FFFFFFF  }
0x4b: {  	v55 =	vor.u32 $0x300, v1;
	[tilespmem:s30], [sflag:$0x1] =	stream.indirect_vreg.gather [hbm4b:s3+s11], $0x1, v2, vm0, $0x4038;
	[tilespmem:$0x1A900] =	vst v63  }
0x4c: {  	v2 =	vnsel vm1, $0x7FFFFFFF, v55;
	(ifvalue) =	ssetifvalue $0x7FFFFFFF  }
0x4d: {  	s31 =	sand.u32 $0x7, s17;
	s22 =	sadd.s32 $0x280, s21;
	(ifvalue) =	ssetifvalue $0x7FFFFFFF  }
0x4e: {  	v56 =	vor.u32 $0x380, v1;
	[tilespmem:s22], [sflag:$0x1] =	stream.indirect_vreg.gather [hbm4b:s3+s11], $0x1, v3, vm0, $0x4038;
	[tilespmem:$0x1A900] =	vst v63  }
0x4f: {  	s18 =	sshll.u32 s31, $0x4;
	v3 =	vnsel vm1, $0x7FFFFFFF, v56;
	(ifvalue) =	ssetifvalue $0x7FFFFFFF  }
0x50: {  	s23 =	sadd.s32 $0x300, s21;
	s18 =	sadd.s32 $0x0, s18;
	(ifvalue) =	ssetifvalue $0x7FFFFFFF  }
0x51: {  	v57 =	vadd.s32 $0x271000, v1;
	[tilespmem:s23], [sflag:$0x1] =	stream.indirect_vreg.gather [hbm4b:s3+s11], $0x1, v2, vm0, $0x4038;
	[tilespmem:$0x1A900] =	vst v63  }
0x52: {  	s18 =	sor.u32 $0x380, s18;
	v2 =	vnsel vm1, $0x7FFFFFFF, v57;
	(ifvalue) =	ssetifvalue $0x7FFFFFFF  }
0x53: {  	s18 =	sadd.s32 s18, s16;
	(ifvalue) =	ssetifvalue $0x7FFFFFFF  }
0x54: {  	v58 =	vadd.s32 $0x271080, v1;
	[tilespmem:s18], [sflag:$0x1] =	stream.indirect_vreg.gather [hbm4b:s3+s11], $0x1, v3, vm0, $0x4038;
	[tilespmem:$0x1A900] =	vst v63  }
0x55: {  	v3 =	vnsel vm1, $0x7FFFFFFF, v58;
	(ifvalue) =	ssetifvalue $0x7FFFFFFF  }
0x56: {  	s24 =	sadd.s32 $0x6400, s21;
	(ifvalue) =	ssetifvalue $0x7FFFFFFF  }
0x57: {  	v59 =	vadd.s32 $0x271100, v1;
	[tilespmem:s24], [sflag:$0x1] =	stream.indirect_vreg.gather [hbm4b:s3+s11], $0x1, v2, vm0, $0x4038;
	[tilespmem:$0x1A900] =	vst v63  }
0x58: {  	v2 =	vnsel vm1, $0x7FFFFFFF, v59;
	(ifvalue) =	ssetifvalue $0x7FFFFFFF  }
0x59: {  	s25 =	sadd.s32 $0x6480, s21;
	(ifvalue) =	ssetifvalue $0x7FFFFFFF  }
0x5a: {  	v60 =	vadd.s32 $0x271180, v1;
	[tilespmem:s25], [sflag:$0x1] =	stream.indirect_vreg.gather [hbm4b:s3+s11], $0x1, v3, vm0, $0x4038;
	[tilespmem:$0x1A900] =	vst v63  }
0x5b: {  	v3 =	vnsel vm1, $0x7FFFFFFF, v60;
	(ifvalue) =	ssetifvalue $0x7FFFFFFF  }
0x5c: {  	s26 =	sadd.s32 $0x6500, s21;
	(ifvalue) =	ssetifvalue $0x7FFFFFFF  }
0x5d: {  	v61 =	vadd.s32 $0x271200, v1;
	[tilespmem:s26], [sflag:$0x1] =	stream.indirect_vreg.gather [hbm4b:s3+s11], $0x1, v2, vm0, $0x4038;
	[tilespmem:$0x1A900] =	vst v63  }
0x5e: {  	v2 =	vnsel vm1, $0x7FFFFFFF, v61;
	(ifvalue) =	ssetifvalue $0x7FFFFFFF  }
0x5f: {  	s28 =	sadd.s32 $0x6580, s21;
	(ifvalue) =	ssetifvalue $0x7FFFFFFF  }
0x60: {  	v62 =	vadd.s32 $0x271280, v1;
	[tilespmem:s28], [sflag:$0x1] =	stream.indirect_vreg.gather [hbm4b:s3+s11], $0x1, v3, vm0, $0x4038;
	[tilespmem:$0x1A900] =	vst v63  }
0x61: {  	v3 =	vnsel vm1, $0x7FFFFFFF, v62;
	(ifvalue) =	ssetifvalue $0x7FFFFFFF  }
0x62: {  	s29 =	sadd.s32 $0x6600, s21;
	(ifvalue) =	ssetifvalue $0x7FFFFFFF  }
0x63: {  	v63 =	vadd.s32 $0x271300, v1;
	[tilespmem:s29], [sflag:$0x1] =	stream.indirect_vreg.gather [hbm4b:s3+s11], $0x1, v2, vm0, $0x4038;
	[tilespmem:$0x1A900] =	vst v63  }
0x64: {  	s20 =	sadd.s32 $0xFFFFFFF0, s20;
	s19 =	sadd.s32 $0x10, s19;
	v2 =	vnsel vm1, $0x7FFFFFFF, v63;
	(ifvalue) =	ssetifvalue $0x7FFFFFFF  }
0x65: {  	s31 =	sadd.s32 $0x6700, s21;
	s30 =	sadd.s32 $0x6680, s21;
	(ifvalue) =	ssetifvalue $0x7FFFFFFF  }
0x66: {  	[tilespmem:s30], [sflag:$0x1] =	stream.indirect_vreg.gather [hbm4b:s3+s11], $0x1, v3, vm0, $0x4038;
	[tilespmem:$0x1A900] =	vst v63  }
0x67: {  	v1 =	vadd.s32 $0x271380, v1;
	s22 =	simm.s32 $0x0;
	s23 =	sadd.s32 $0x6780, s21;
	(ifvalue) =	ssetifvalue $0x7FFFFFFF  }
0x68: {  	v1 =	vnsel vm1, $0x7FFFFFFF, v1;
	s21 =	simm.s32 $0xFFFF9C80;
	s18 =	simm.s32 $0x10;
	(ifvalue) =	ssetifvalue $0x7FFFFFFF  }
0x69: {  	[tilespmem:s31], [sflag:$0x1] =	stream.indirect_vreg.gather [hbm4b:s3+s11], $0x1, v2, vm0, $0x4038;
	[tilespmem:$0x1A900] =	vst v63  }
.LBB2_3:
0x6a: {  	(ifvalue) =	ssetifvalue $0x7FFFFFFF  }
0x6b: {  	s17 =	sadd.s32 $0x80, s17;
	s22 =	sadd.s32 $0x1, s22;
	s24 =	smov.u32 s18  }
0x6c: {  	p1 =	sne.s32 s18, $0xC70;
	s18 =	sadd.s32 $0x10, s18;
	(ifvalue) =	ssetifvalue $0x7FFFFFFF  }
0x6d: {  	[tilespmem:s23], [sflag:$0x1] =	stream.indirect_vreg.gather [hbm4b:s3+s11], $0x1, v1, vm0, $0x4038;
	[tilespmem:$0x1A900] =	vst v63  }
0x6e: {  	v1 =	vld.msk [tilespmem:s19+$0x0 ss:$0x1], $0xffff;
	_ =	sdelay $0x4  }
0x6f: {  	p2 =	sgt.s32 s20, $0x0;
	s23 =	smov.u32 s20;
	vm1 =	vgt.s32 v1, $0x0  }
0x70: {  	s23 =	simm.s32 @!p2 $0x0;
	v1 =	vnsel vm1, $0x0, v1  }
0x71: {  	s23 =	smin.u32 s23, $0x10;
	v1 =	vmin.u32 v1, $0x4E1FF  }
0x72: {  	v2 =	vmov s23;
	v3 =	vshll.u32 v1, $0x3  }
0x73: {  	vm1 =	vgt.u32 v2, v0;
	v1 =	vand.u32 $0x7F, v1;
	v2 =	vand.u32 $0x3FFC00, v3  }
0x74: {  	v1 =	vor.u32 v1, v2  }
0x75: {  	s23 =	sadd.s32 $0x6400, s21;
	v2 =	vnsel vm1, $0x7FFFFFFF, v1  }
0x76: {  	s23 =	sand.u32 $0x7C00, s23;
	v3 =	vor.u32 $0x80, v1;
	v4 =	vor.u32 $0x100, v1;
	v5 =	vor.u32 $0x180, v1  }
0x77: {  	s24 =	sand.u32 $0x70, s24;
	s23 =	sadd.s32 s23, s16;
	v6 =	vor.u32 $0x200, v1;
	v3 =	vnsel vm1, $0x7FFFFFFF, v3;
	v4 =	vnsel vm1, $0x7FFFFFFF, v4;
	(ifvalue) =	ssetifvalue $0x7FFFFFFF  }
0x78: {  	s23 =	sadd.s32 s24, s23;
	v7 =	vor.u32 $0x280, v1;
	v8 =	vor.u32 $0x300, v1;
	v5 =	vnsel vm1, $0x7FFFFFFF, v5;
	(ifvalue) =	ssetifvalue $0x7FFFFFFF  }
0x79: {  	v9 =	vor.u32 $0x380, v1;
	v6 =	vnsel vm1, $0x7FFFFFFF, v6;
	v7 =	vnsel vm1, $0x7FFFFFFF, v7  }
0x7a: {  	v10 =	vadd.s32 $0x271000, v1;
	v11 =	vadd.s32 $0x271100, v1;
	v8 =	vnsel vm1, $0x7FFFFFFF, v8  }
0x7b: {  	[tilespmem:s23], [sflag:$0x1] =	stream.indirect_vreg.gather [hbm4b:s3+s11], $0x1, v2, vm0, $0x4038;
	v2 =	vnsel vm1, $0x7FFFFFFF, v9;
	v9 =	vnsel vm1, $0x7FFFFFFF, v10;
	v10 =	vadd.s32 $0x271080, v1;
	[tilespmem:$0x1A900] =	vst v63  }
0x7c: {  	v12 =	vadd.s32 $0x271180, v1;
	(ifvalue) =	ssetifvalue $0x7FFFFFFF;
	v10 =	vnsel vm1, $0x7FFFFFFF, v10  }
0x7d: {  	s24 =	sadd.s32 $0x80, s23;
	v13 =	vadd.s32 $0x271280, v1;
	v11 =	vnsel vm1, $0x7FFFFFFF, v11;
	(ifvalue) =	ssetifvalue $0x7FFFFFFF  }
0x7e: {  	[tilespmem:s24], [sflag:$0x1] =	stream.indirect_vreg.gather [hbm4b:s3+s11], $0x1, v3, vm0, $0x4038;
	v3 =	vnsel vm1, $0x7FFFFFFF, v12;
	v12 =	vadd.s32 $0x271200, v1;
	[tilespmem:$0x1A900] =	vst v63  }
0x7f: {  	v14 =	vadd.s32 $0x271300, v1;
	v13 =	vnsel vm1, $0x7FFFFFFF, v13;
	(ifvalue) =	ssetifvalue $0x7FFFFFFF;
	v12 =	vnsel vm1, $0x7FFFFFFF, v12  }
0x80: {  	v14 =	vnsel vm1, $0x7FFFFFFF, v14;
	s24 =	sadd.s32 $0x100, s23;
	v1 =	vadd.s32 $0x271380, v1;
	(ifvalue) =	ssetifvalue $0x7FFFFFFF  }
0x81: {  	v1 =	vnsel vm1, $0x7FFFFFFF, v1;
	[tilespmem:s24], [sflag:$0x1] =	stream.indirect_vreg.gather [hbm4b:s3+s11], $0x1, v4, vm0, $0x4038;
	[tilespmem:$0x1A900] =	vst v63  }
0x82: {  	(ifvalue) =	ssetifvalue $0x7FFFFFFF  }
0x83: {  	s24 =	sadd.s32 $0x180, s23;
	(ifvalue) =	ssetifvalue $0x7FFFFFFF  }
0x84: {  	[tilespmem:s24], [sflag:$0x1] =	stream.indirect_vreg.gather [hbm4b:s3+s11], $0x1, v5, vm0, $0x4038;
	[tilespmem:$0x1A900] =	vst v63  }
0x85: {  	(ifvalue) =	ssetifvalue $0x7FFFFFFF  }
0x86: {  	s24 =	sadd.s32 $0x200, s23;
	(ifvalue) =	ssetifvalue $0x7FFFFFFF  }
0x87: {  	[tilespmem:s24], [sflag:$0x1] =	stream.indirect_vreg.gather [hbm4b:s3+s11], $0x1, v6, vm0, $0x4038;
	[tilespmem:$0x1A900] =	vst v63  }
0x88: {  	(ifvalue) =	ssetifvalue $0x7FFFFFFF  }
0x89: {  	s25 =	sadd.s32 $0x280, s23;
	s24 =	sand.u32 $0x7, s22;
	(ifvalue) =	ssetifvalue $0x7FFFFFFF  }
0x8a: {  	[tilespmem:s25], [sflag:$0x1] =	stream.indirect_vreg.gather [hbm4b:s3+s11], $0x1, v7, vm0, $0x4038;
	[tilespmem:$0x1A900] =	vst v63  }
0x8b: {  	s24 =	sshll.u32 s24, $0x4;
	(ifvalue) =	ssetifvalue $0x7FFFFFFF  }
0x8c: {  	s24 =	sadd.s32 s24, s17;
	s25 =	sadd.s32 $0x300, s23;
	(ifvalue) =	ssetifvalue $0x7FFFFFFF  }
0x8d: {  	[tilespmem:s25], [sflag:$0x1] =	stream.indirect_vreg.gather [hbm4b:s3+s11], $0x1, v8, vm0, $0x4038;
	[tilespmem:$0x1A900] =	vst v63  }
0x8e: {  	s24 =	sor.u32 $0x380, s24;
	(ifvalue) =	ssetifvalue $0x7FFFFFFF  }
0x8f: {  	s24 =	sadd.s32 s24, s16;
	(ifvalue) =	ssetifvalue $0x7FFFFFFF  }
0x90: {  	[tilespmem:s24], [sflag:$0x1] =	stream.indirect_vreg.gather [hbm4b:s3+s11], $0x1, v2, vm0, $0x4038;
	[tilespmem:$0x1A900] =	vst v63  }
0x91: {  	(ifvalue) =	ssetifvalue $0x7FFFFFFF  }
0x92: {  	s24 =	sadd.s32 $0x6400, s23;
	(ifvalue) =	ssetifvalue $0x7FFFFFFF  }
0x93: {  	[tilespmem:s24], [sflag:$0x1] =	stream.indirect_vreg.gather [hbm4b:s3+s11], $0x1, v9, vm0, $0x4038;
	[tilespmem:$0x1A900] =	vst v63  }
0x94: {  	(ifvalue) =	ssetifvalue $0x7FFFFFFF  }
0x95: {  	s24 =	sadd.s32 $0x6480, s23;
	(ifvalue) =	ssetifvalue $0x7FFFFFFF  }
0x96: {  	[tilespmem:s24], [sflag:$0x1] =	stream.indirect_vreg.gather [hbm4b:s3+s11], $0x1, v10, vm0, $0x4038;
	[tilespmem:$0x1A900] =	vst v63  }
0x97: {  	(ifvalue) =	ssetifvalue $0x7FFFFFFF  }
0x98: {  	s24 =	sadd.s32 $0x6500, s23;
	(ifvalue) =	ssetifvalue $0x7FFFFFFF  }
0x99: {  	[tilespmem:s24], [sflag:$0x1] =	stream.indirect_vreg.gather [hbm4b:s3+s11], $0x1, v11, vm0, $0x4038;
	[tilespmem:$0x1A900] =	vst v63  }
0x9a: {  	(ifvalue) =	ssetifvalue $0x7FFFFFFF  }
0x9b: {  	s25 =	sadd.s32 $0x6600, s23;
	s24 =	sadd.s32 $0x6580, s23;
	(ifvalue) =	ssetifvalue $0x7FFFFFFF  }
0x9c: {  	[tilespmem:s24], [sflag:$0x1] =	stream.indirect_vreg.gather [hbm4b:s3+s11], $0x1, v3, vm0, $0x4038;
	[tilespmem:$0x1A900] =	vst v63  }
0x9d: {  	(ifvalue) =	ssetifvalue $0x7FFFFFFF  }
0x9e: {  	s24 =	sadd.s32 $0x6680, s23;
	(ifvalue) =	ssetifvalue $0x7FFFFFFF  }
0x9f: {  	[tilespmem:s25], [sflag:$0x1] =	stream.indirect_vreg.gather [hbm4b:s3+s11], $0x1, v12, vm0, $0x4038;
	[tilespmem:$0x1A900] =	vst v63  }
0xa0: {  	(ifvalue) =	ssetifvalue $0x7FFFFFFF  }
.Ltmp3:
0xa1: {  	s25 =	sadd.s32 $0x6700, s23;
	(ifvalue) =	ssetifvalue $0x7FFFFFFF;
	(pc) =	sbr.rel @p1 .LBB2_3-.Ltmp3, $4  }
0xa2: {  	[tilespmem:s24], [sflag:$0x1] =	stream.indirect_vreg.gather [hbm4b:s3+s11], $0x1, v13, vm0, $0x4038;
	[tilespmem:$0x1A900] =	vst v63  }
0xa3: {  	s20 =	sadd.s32 $0xFFFFFFF0, s20;
	s19 =	sadd.s32 $0x10, s19;
	(ifvalue) =	ssetifvalue $0x7FFFFFFF  }
0xa4: {  	s21 =	sadd.s32 $0x80, s21;
	s23 =	sadd.s32 $0x6780, s23;
	(ifvalue) =	ssetifvalue $0x7FFFFFFF  }
0xa5: {  	[tilespmem:s25], [sflag:$0x1] =	stream.indirect_vreg.gather [hbm4b:s3+s11], $0x1, v14, vm0, $0x4038;
	[tilespmem:$0x1A900] =	vst v63  }
.Ltmp4:
0xa6: {  	_ = 	snop;
	(pc) =	sbr.rel .LBB2_4-.Ltmp4, $1  }
0xa7: {  	_ =	sdelay $0x3  }
.LBB2_6:
0xa8: {  	_ =	sfence.sel $0x180000  }
0xa9: {  	s2 =	simm.s32 $0x2;
	[bflag:$0x0] =	sbarrier.arrive $0xFFFF  }
0xaa: {  	s30 =	simm.s32 $0x3;
	[sflag:s2] =	ssyncpa.u1 $0x1  }
0xab: {  	s31 =	simm.s32 $0x1;
	[sflag:s30] =	ssyncpa.u1 $0x1  }
0xac: {  	[sflag:s31] =	ssyncpa.u1 $0x1  }
0xad: {  	p0 =	sne.s32 s0, $0x0;
	_ =	strace $0x9000004A  }
0xae: {  	s0 =	sadd.s32 @!p0 $0x100000, s1;
	[bflag:$0x2] =	sbarrier.arrive $0xFFFF  }
0xaf: {  	[sflag:s0] =	ssyncadd.tile.s32 @!p0 $0x1;
	_ =	shalt  }
.Lfunc_end2:
_tile_overlayer_lowered:
.L_overlay_start_2:
0xb0: {  	(tag) =	ssettag $0x2  }
0xb1: {  	s0 =	rddreg [dreg:$0x0];
	s2 =	stileid.u32  }
0xb2: {  	s1 =	rddreg [dreg:$0x1];
	p0 =	sne.s32 s2, $0x0  }
0xb3: {  	s3 =	rddreg [dreg:$0x2];
	[bflag:$0x3] =	sbarrier.arrive $0xFFFF;
	s2 =	simm.s32 @!p0 $0x1C01  }
0xb4: {  	[timem:s3], [sflag:s2] =	dma.local @!p0 [hbm:s0], s1  }
0xb5: {  	s0 =	simm.s32 @!p0 $0x1  }
0xb6: {  	_ =	swait.ge @!p0 [sflag:s0], s1  }
0xb7: {  	s1 =	ssub.s32 @!p0 $0x0, s1;
	[sflag:s0] =	ssyncset.done @!p0 $0x0  }
0xb8: {  	[sflag:s0] =	ssyncadd.s32 @!p0 s1  }
0xb9: {  	[bflag:$0x3] =	sbarrier.arrive $0xFFFF  }
0xba: {  	_ =	shalt  }

// kernel: gather_offload_async_start
scs
__scs_entry_jumppad:
0x0: {  	(pc) =	sbr.rel $0x88, $3  }
0x1: {  	(tag) =	ssettag $0x0;
	lr =	simm.s32 $0x1  }
0x2: {  	[smem:$0x3F85] =	sst lr;
	_ =	strace $0xD0000000  }
0x3: {  	_ = 	snop  }
0x4: {  	_ = 	snop  }
0x5: {  	_ = 	snop  }
0x6: {  	_ = 	snop  }
0x7: {  	_ = 	snop  }
__scs_overlays_trampoline_lowered:
0x8: {  	[smem:$0x3F94] =	sst s0  }
0x9: {  	[smem:$0x3F95] =	sst s1  }
0xa: {  	[smem:$0x3F96] =	sst s2  }
0xb: {  	[smem:$0x3F97] =	sst s3  }
0xc: {  	[smem:$0x3F98] =	sst s4  }
0xd: {  	[smem:$0x3F99] =	sst s5  }
0xe: {  	[smem:$0x3F9A] =	sst s6  }
0xf: {  	[smem:$0x3F9B] =	sst s7  }
0x10: {  	[smem:$0x3F9C] =	sst s8  }
0x11: {  	[smem:$0x3F9D] =	sst s9;
	s0 =	simm.s32 @!p0 $0x0  }
0x12: {  	s1 =	sld [smem:$0x3F83];
	s0 =	simm.s32 @p0 $0x1  }
0x13: {  	[smem:$0x3F9E] =	sst s0;
	s0 =	simm.s32 @!p1 $0x0  }
0x14: {  	s2 =	sld [smem:$0x3F82];
	s0 =	simm.s32 @p1 $0x1  }
0x15: {  	[smem:$0x3F9F] =	sst s0;
	s0 =	simm.s32 @!p2 $0x0  }
0x16: {  	s3 =	sld [smem:$0x3FDB];
	s0 =	simm.s32 @p2 $0x1  }
0x17: {  	s4 =	simm.s32 $0x1BF5;
	[smem:$0x3FA1] =	sst s0  }
0x18: {  	s0 =	sld [smem:$0x3F84];
	_ =	swait.ge [sflag:s4], $0x0  }
0x19: {  	s7 =	sld [smem:$0x3F85]  }
0x1a: {  	s8 =	sadd.s32 $0xFFFFE003, lr  }
0x1b: {  	s9 =	sadd.s32 $0xFFFFFEF7, lr;
	s5 =	simm.s32 $0xFFFFFFFF;
	p2 =	slt.u32 s8, $0xFFFFF086  }
0x1c: {  	p1 =	slt.u32 s9, $0xF7A;
	s5 =	simm.s32 @!p2 $0x0  }
0x1d: {  	s5 =	simm.s32 @p1 $0x1;
	p0 =	seq.s32 s7, s2  }
0x1e: {  	s7 =	smul.u32 @!p0 $0xF7A, s2;
	p2 =	seq.s32 @!p0 s5, $0x0  }
0x1f: {  	s9 =	smul.u32 $0xF7A, s1;
	s8 =	simm.s32 @!p0 $0x1BF5;
	p2 =	por !p2, p0  }
0x20: {  	[sflag:s8] =	ssyncset.s32 @!p0 $0xFFFFF086;
	s6 =	sadd.s32 @!p0 s3, s7;
	s7 =	simm.s32 @!p0 $0x108  }
0x21: {  	s3 =	sadd.s32 s3, s9;
	s6 =	sadd.s32 @!p0 $0x88, s6;
	s7 =	simm.s32 @p2 $0x1082  }
0x22: {  	[simem:s7], [sflag:s8] =	dma.local @!p0 [hbm:s6], $0xF7A  }
0x23: {  	s9 =	sor.u32 $0xD0000000, s2;
	s6 =	simm.s32 $0x108;
	_ =	swait.ge @!p0 [sflag:s8], $0x0  }
0x24: {  	s3 =	sadd.s32 $0x88, s3;
	s6 =	simm.s32 @!p1 $0x1082;
	[sflag:s4] =	ssyncset.s32 $0xFFFFF086  }
0x25: {  	[simem:s6], [sflag:s4] =	dma.local [hbm:s3], $0xF7A  }
0x26: {  	[smem:$0x3F85] =	sst s1;
	(tag) =	ssettag s2;
	_ =	strace s9  }
0x27: {  	s1 =	sld [smem:$0x3F95]  }
0x28: {  	s2 =	sld [smem:$0x3F96]  }
0x29: {  	s4 =	sld [smem:$0x3F98]  }
0x2a: {  	p0 =	seq.s32 s5, $0x0;
	s5 =	sld [smem:$0x3F99]  }
0x2b: {  	s6 =	sld [smem:$0x3F9A]  }
0x2c: {  	s7 =	sld [smem:$0x3F9B]  }
0x2d: {  	s3 =	simm.s32 $0x108;
	s8 =	sld [smem:$0x3F9C]  }
0x2e: {  	s3 =	simm.s32 @!p0 $0x1082;
	s9 =	sld [smem:$0x3F9D]  }
0x2f: {  	lr =	sadd.s32 s0, s3;
	s0 =	sld [smem:$0x3F94]  }
0x30: {  	s3 =	sld [smem:$0x3F97]  }
0x31: {  	[smem:$0x3FA0] =	sst s10  }
0x32: {  	s10 =	sld [smem:$0x3F9E];
	_ =	sdelay $0x3  }
0x33: {  	p0 =	seq.s32 s10, $0x1;
	s10 =	sld [smem:$0x3FA0];
	_ =	sdelay $0x3  }
0x34: {  	[smem:$0x3FA0] =	sst s10  }
0x35: {  	s10 =	sld [smem:$0x3F9F];
	_ =	sdelay $0x3  }
0x36: {  	p1 =	seq.s32 s10, $0x1;
	s10 =	sld [smem:$0x3FA0];
	_ =	sdelay $0x3  }
0x37: {  	[smem:$0x3FA0] =	sst s10  }
0x38: {  	s10 =	sld [smem:$0x3FA1]  }
0x39: {  	_ = 	snop;
	(pc) =	sbr.ind lr, $3  }
0x3a: {  	_ = 	snop  }
0x3b: {  	_ = 	snop  }
0x3c: {  	p2 =	seq.s32 s10, $0x1;
	s10 =	sld [smem:$0x3FA0]  }
0x3d: {  	_ =	shalt  }
0x3e: {  	_ =	shalt  }
0x3f: {  	_ =	shalt  }
0x40: {  	_ =	shalt  }
0x41: {  	_ =	shalt  }
0x42: {  	_ =	shalt  }
0x43: {  	_ =	shalt  }
0x44: {  	_ =	shalt  }
0x45: {  	_ =	shalt  }
0x46: {  	_ =	shalt  }
0x47: {  	_ =	shalt  }
0x48: {  	_ =	shalt  }
0x49: {  	_ =	shalt  }
0x4a: {  	_ =	shalt  }
0x4b: {  	_ =	shalt  }
0x4c: {  	_ =	shalt  }
0x4d: {  	_ =	shalt  }
0x4e: {  	_ =	shalt  }
0x4f: {  	_ =	shalt  }
0x50: {  	_ =	shalt  }
0x51: {  	_ =	shalt  }
0x52: {  	_ =	shalt  }
0x53: {  	_ =	shalt  }
0x54: {  	_ =	shalt  }
0x55: {  	_ =	shalt  }
0x56: {  	_ =	shalt  }
0x57: {  	_ =	shalt  }
0x58: {  	_ =	shalt  }
0x59: {  	_ =	shalt  }
0x5a: {  	_ =	shalt  }
0x5b: {  	_ =	shalt  }
0x5c: {  	_ =	shalt  }
0x5d: {  	_ =	shalt  }
0x5e: {  	_ =	shalt  }
0x5f: {  	_ =	shalt  }
0x60: {  	_ =	shalt  }
0x61: {  	_ =	shalt  }
0x62: {  	_ =	shalt  }
0x63: {  	_ =	shalt  }
0x64: {  	_ =	shalt  }
0x65: {  	_ =	shalt  }
0x66: {  	_ =	shalt  }
0x67: {  	_ =	shalt  }
0x68: {  	_ =	shalt  }
0x69: {  	_ =	shalt  }
0x6a: {  	_ =	shalt  }
0x6b: {  	_ =	shalt  }
0x6c: {  	_ =	shalt  }
0x6d: {  	_ =	shalt  }
0x6e: {  	_ =	shalt  }
0x6f: {  	_ =	shalt  }
0x70: {  	_ =	shalt  }
0x71: {  	_ =	shalt  }
0x72: {  	_ =	shalt  }
0x73: {  	_ =	shalt  }
0x74: {  	_ =	shalt  }
0x75: {  	_ =	shalt  }
0x76: {  	_ =	shalt  }
0x77: {  	_ =	shalt  }
0x78: {  	_ =	shalt  }
0x79: {  	_ =	shalt  }
0x7a: {  	_ =	shalt  }
0x7b: {  	_ =	shalt  }
0x7c: {  	_ =	shalt  }
0x7d: {  	_ =	shalt  }
0x7e: {  	_ =	shalt  }
0x7f: {  	_ =	shalt  }
0x80: {  	_ =	shalt  }
0x81: {  	_ =	shalt  }
0x82: {  	_ =	shalt  }
0x83: {  	_ =	shalt  }
0x84: {  	_ =	shalt  }
0x85: {  	_ =	shalt  }
0x86: {  	_ =	shalt  }
0x87: {  	_ =	shalt  }
.Lfunc_end0:
.L_simem_size_0:
called_computation_lowered:
.L_overlay_start_0:
0x88: {  	s2 =	sld [smem:$0x3FD9]  }
0x89: {  	s3 =	sld [smem:$0x3FFE];
	_ =	sdelay $0x1  }
0x8a: {  	s1 =	srdreg.scid  }
0x8b: {  	s0 =	sand.u32 $0x1, s1  }
0x8c: {  	s16 =	sshll.u32 s0, $0xA;
	s2 =	sadd.s32 s3, s2  }
0x8d: {  	s2 =	sadd.s32 s2, s16  }
0x8e: {  	[smem:$0x3FAC] =	sst s2  }
0x8f: {  	_ = 	snop  }
0x90: {  	(tm) =	ssettm $0x1  }
0x91: {  	s17 =	sld [smem:$0x3FFB];
	_ =	sdelay $0x3  }
0x92: {  	_ =	strace s17  }
0x93: {  	s2 =	sld [smem:$0x3FFC];
	_ =	sdelay $0x3  }
0x94: {  	_ =	strace s2  }
0x95: {  	s2 =	sld [smem:$0x3FFD];
	_ =	sdelay $0x3  }
0x96: {  	_ =	strace s2  }
0x97: {  	_ =	strace $0x8FFFFFFF  }
0x98: {  	s18 =	sld [smem:$0x3FDB];
	_ =	sdelay $0x1  }
0x99: {  	s19 =	simm.s32 $_scs_section_size  }
0x9a: {  	s4 =	simm.s32 $_size__tile_overlayer_lowered;
	s5 =	simm.s32 $_tile_overlayer_lowered  }
0x9b: {  	s22 =	simm.s32 $0x1BFF;
	s21 =	sshll.u32 s5, $0x1;
	s2 =	sadd.s32 s19, s18  }
0x9c: {  	s6 =	simm.s32 $0x0;
	s20 =	sshll.u32 s4, $0x1;
	s4 =	sadd.s32 s21, s2  }
0x9d: {  	[timem:s6], [sflag:s22] =	dma.local [hbm:s4], s20  }
0x9e: {  	_ =	swait.ge [sflag:s22], s20  }
0x9f: {  	s3 =	ssub.s32 $0x0, s20;
	[sflag:s22] =	ssyncset.done $0x0  }
0xa0: {  	[sflag:s22] =	ssyncadd.s32 s3;
	_ =	sdelay $0x1  }
0xa1: {  	s23 =	simm.s32 $0x1B8B  }
0xa2: {  	_ =	swait.ge [sflag:s23], $0x1  }
0xa3: {  	[sflag:s23] =	ssyncset.done $0x0  }
0xa4: {  	s25 =	simm.s32 $0x1B8E;
	s24 =	sld [smem:$0x3FFE];
	[sflag:s23] =	ssyncadd.s32 $0xFFFFFFFF  }
0xa5: {  	s26 =	simm.s32 $execute0_lowered;
	[smem:$0x3FD2] =	sst s25  }
0xa6: {  	s4 =	sshll.u32 s26, $0x1;
	_ =	strace $0x80000046;
	[dreg:$0x1] =	wrdreg $0xFFFFFFFF  }
0xa7: {  	s28 =	simm.s32 $_size_execute0_lowered;
	s2 =	sadd.s32 s2, s4;
	[dreg:$0x0] =	wrdreg $0x0  }
0xa8: {  	s4 =	sshll.u32 s28, $0x1;
	[dreg:$0x2] =	wrdreg s2  }
0xa9: {  	[dreg:$0x3] =	wrdreg s4  }
0xaa: {  	[dreg:$0x4] =	wrdreg $0xC0  }
0xab: {  	_ =	task [dreg:s6], $0x5FFFF  }
0xac: {  	[dreg:$0x1] =	wrdreg $0xFFFFFFFF  }
0xad: {  	[dreg:$0x0] =	wrdreg $0x60  }
0xae: {  	[dreg:$0x2] =	wrdreg s24  }
0xaf: {  	[dreg:$0x3] =	wrdreg $0x9  }
0xb0: {  	_ =	task.clear_ibuf [dreg:s6], $0x4FFFF;
	_ =	strace $0x90000046  }
0xb1: {  	s29 =	simm.s32 $0x9;
	_ =	strace $0x80000048  }
0xb2: {  	_ =	swait.ge [sflag:s29], $0x1  }
0xb3: {  	[sflag:s29] =	ssyncadd.s32 $0xFFFFFFFF  }
0xb4: {  	_ =	strace $0x90000048  }
0xb5: {  	_ =	sfence  }
0xb6: {  	s30 =	sld [smem:$0x0];
	_ =	sdelay $0x2  }
0xb7: {  	s31 =	sshll.u32 s1, $0xD;
	s1 =	sshrl.u32 s1, $0x2  }
0xb8: {  	s3 =	sand.u32 $0x4000, s31;
	s1 =	sadd.s32 s1, s30  }
0xb9: {  	s0 =	sor.u32 s3, s0;
	s1 =	sshll.u32 s1, $0x11  }
0xba: {  	s0 =	sor.u32 s1, s0  }
0xbb: {  	s0 =	sadd.s32 $0x8F2B, s0  }
0xbc: {  	[sflag:s0] =	ssyncadd.remote.s32 $0x1  }
0xbd: {  	_ =	sfence.sel $0xFFFF  }
0xbe: {  	[dreg:$0x0] =	wrdreg $0xFFFFFFFF;
	(pc) =	sbr.abs _section_cstart, $3  }
0xbf: {  	[dreg:$0x1] =	wrdreg $0xFFFFFFFF  }
0xc0: {  	_ =	task.clear_ibuf [dreg:s6], $0x2FFFF;
	_ =	strace $0x9FFFFFFF  }
0xc1: {  	(tm) =	ssettm $0x7FFFFFFF  }
tec
execute0_lowered:
.L_overlay_start_1:
0x0: {  	(tag) =	ssettag $0x1  }
0x1: {  	s8 =	rddreg [dreg:$0x0]  }
0x2: {  	s0 =	rddreg [dreg:$0x1];
	_ =	strace $0x80000047;
	s1 =	stileid.u32  }
0x3: {  	s3 =	srdreg.scid;
	s4 =	simm.s32 $0x1;
	s7 =	simm.s32 $0x1  }
0x4: {  	s9 =	simm.s32 $0x1;
	s10 =	simm.s32 $0x3;
	s13 =	simm.s32 $0x0  }
0x5: {  	s12 =	simm.s32 $0x0;
	s5 =	sand.u32 $0x1, s3;
	s6 =	sshll.u32 s1, $0x1  }
0x6: {  	s2 =	sadd.s32 $0xE800, s8;
	s3 =	sadd.s32 $0x18600, s8;
	s5 =	sor.u32 s6, s5  }
.Ltmp0:
0x7: {  	[sflag:s4] =	ssyncpa.u1 $0x0;
	p0 =	slt.u32 s5, $0x9;
	(pc) =	sbr.rel .LBB2_1-.Ltmp0, $4  }
0x8: {  	s6 =	simm.s32 $0x2;
	s7 =	simm.s32 @!p0 $0x0;
	p0 =	sne.s32 s5, $0x8  }
0x9: {  	[sflag:s6] =	ssyncpa.u1 $0x0;
	s5 =	smul.u32 $0x1F40, s5;
	s9 =	simm.s32 @!p0 $0x0  }
0xa: {  	s8 =	sadd.s32 $0x22600, s8;
	[sflag:s10] =	ssyncpa.u1 $0x0;
	s7 =	sadd.s32 s9, s7  }
0xb: {  	vm0 =	vmmov $0xffff;
	s10 =	simm.s32 $0x0;
	s11 =	smov.u32 s5;
	s9 =	sadd.s32 $0x1, s7  }
.LBB2_4:
0xc: {  	v2 =	vnsel vm1, $0x0, v2  }
0xd: {  	vm1 =	vgt.s32 v0, $0x0;
	v2 =	vmin.u32 v2, $0x4E1FF  }
0xe: {  	v0 =	vnsel vm1, $0x0, v0  }
0xf: {  	v0 =	vmin.u32 v0, $0x4E1FF  }
0x10: {  	[tilespmem:s18], [sflag:$0x1] =	stream.indirect_vreg.gather [hbm4b:s2+s10], $0x1, v1, vm0, $0x4038;
	[tilespmem:$0x7D00] =	vst v63  }
0x11: {  	(ifvalue) =	ssetifvalue $0x7FFFFFFF  }
0x12: {  	[tilespmem:s15], [sflag:$0x1] =	stream.indirect_vreg.gather [hbm4b:s2+s10], $0x1, v2, vm0, $0x4038;
	[tilespmem:$0x7D00] =	vst v63  }
0x13: {  	s29 =	sadd.s32 $0x10, s15;
	(ifvalue) =	ssetifvalue $0x7FFFFFFF  }
0x14: {  	[tilespmem:s29], [sflag:$0x1] =	stream.indirect_vreg.gather [hbm4b:s2+s10], $0x1, v0, vm0, $0x4038;
	[tilespmem:$0x7D00] =	vst v63  }
0x15: {  	_ =	swait.ge [sflag:s4], $0x1F40  }
0x16: {  	s30 =	sshrl.u32 s13, $0x3;
	[sflag:s4] =	ssyncset.done $0x0  }
0x17: {  	s31 =	sand.u32 $0x7, s13;
	s15 =	sadd.s32 s8, s30;
	[sflag:s4] =	ssyncadd.s32 $0xFFFFE0C0  }
0x18: {  	[hbm4b:s15+s31] =	stream.linear.scatter [tilespmem:s14], [sflag:$0x3], $0x1F40, $0x38;
	[tilespmem:$0x7D00] =	vst v63  }
.LBB2_5:
0x19: {  	s15 =	sadd.s32 $0x3E800, s11  }
0x1a: {  	p1 =	sgt.s32 s15, $0x4E1FF  }
0x1b: {  	s15 =	smov.u32 @p1 s5;
	p1 =	sne.s32 s12, s9  }
.Ltmp1:
0x1c: {  	p0 =	slt.u32 s12, $0x2;
	(pc) =	sbr.rel @!p1 .LBB2_6-.Ltmp1, $4  }
0x1d: {  	s14 =	simm.s32 @!p0 $0x3  }
0x1e: {  	_ =	swait.ge @!p0 [sflag:s14], $0x1F40  }
0x1f: {  	s16 =	sadd.s32 $0x1, s12;
	s13 =	smov.u32 s11;
	[sflag:s14] =	ssyncset.done @!p0 $0x0  }
0x20: {  	s12 =	smov.u32 s16;
	s11 =	smov.u32 s15;
	[sflag:s14] =	ssyncadd.s32 @!p0 $0xFFFFE0C0  }
.LBB2_1:
0x21: {  	p0 =	sge.u32 s12, s7  }
0x22: {  	s14 =	sxor.u32 @!p0 $0x1, s12  }
0x23: {  	s14 =	smul.u32 @!p0 $0x7D00, s14  }
0x24: {  	s31 =	sadd.s32 $0xFFFFFFFF, s12;
	s15 =	sshrl.u32 @!p0 s11, $0x3  }
0x25: {  	s16 =	sand.u32 @!p0 $0x7, s11;
	s15 =	sadd.s32 @!p0 s3, s15;
	s14 =	sshra.s32 @!p0 s14, $0x2  }
0x26: {  	[tilespmem:s14], [sflag:$0x2] =	stream.linear.gather @!p0 [hbm4b:s15+s16], $0x1F40, $0x38;
	[tilespmem:$0x7D00] =	vst v63  }
0x27: {  	p0 =	sge.u32 s31, s7  }
.Ltmp2:
0x28: {  	_ = 	snop;
	(pc) =	sbr.rel @p0 .LBB2_5-.Ltmp2, $1  }
0x29: {  	_ =	sdelay $0x3  }
0x2a: {  	s14 =	sand.u32 $0x1, s12  }
0x2b: {  	_ =	swait.ge [sflag:s6], $0x1F40;
	p0 =	seq.s32 s14, $0x1;
	s14 =	simm.s32 $0x1F40  }
0x2c: {  	[sflag:s6] =	ssyncset.done $0x0;
	s14 =	simm.s32 @!p0 $0x0  }
0x2d: {  	[sflag:s6] =	ssyncadd.s32 $0xFFFFE0C0;
	(ifvalue) =	ssetifvalue $0x7FFFFFFF;
	v0 =	vld.msk [tilespmem:s14+$0x0 ss:$0x1], $0xffff;
	_ =	sdelay $0x4  }
0x2e: {  	s15 =	sadd.s32 $0x10, s14;
	vm1 =	vgt.s32 v0, $0x0  }
0x2f: {  	v2 =	vld.msk [tilespmem:s15+$0x0 ss:$0x1], $0xffff;
	v1 =	vnsel vm1, $0x0, v0  }
0x30: {  	v1 =	vmin.u32 v1, $0x4E1FF;
	_ =	sdelay $0x2  }
0x31: {  	s17 =	simm.s32 $0x20;
	s14 =	sadd.s32 $0x3E80, s14;
	s16 =	sadd.s32 $0x10, s15  }
0x32: {  	s15 =	sadd.s32 $0x10, s14;
	s18 =	smov.u32 s14;
	v0 =	vld.msk [tilespmem:s16+$0x0 ss:$0x1], $0xffff;
	vm1 =	vgt.s32 v2, $0x0;
	(ifvalue) =	ssetifvalue $0x7FFFFFFF  }
.LBB2_3:
0x33: {  	[tilespmem:s18], [sflag:$0x1] =	stream.indirect_vreg.gather [hbm4b:s2+s10], $0x1, v1, vm0, $0x4038;
	[tilespmem:$0x7D00] =	vst v63  }
0x34: {  	s17 =	sadd.s32 $0x10, s17  }
0x35: {  	v2 =	vnsel vm1, $0x0, v2;
	p0 =	slt.u32 s17, $0x1F30  }
.Ltmp3:
0x36: {  	s18 =	smov.u32 s15;
	v1 =	vmin.u32 v2, $0x4E1FF;
	(pc) =	sbr.rel @p0 .LBB2_3-.Ltmp3, $3  }
0x37: {  	_ =	sdelay $0x1  }
0x38: {  	s16 =	sadd.s32 $0x10, s16  }
0x39: {  	vm1 =	vgt.s32 v0, $0x0;
	s15 =	sadd.s32 $0x10, s15;
	v2 =	vmov v0;
	(ifvalue) =	ssetifvalue $0x7FFFFFFF;
	v0 =	vld.msk [tilespmem:s16+$0x0 ss:$0x1], $0xffff  }
.Ltmp4:
0x3a: {  	_ = 	snop;
	(pc) =	sbr.rel .LBB2_4-.Ltmp4, $1  }
0x3b: {  	_ =	sdelay $0x3  }
.LBB2_6:
0x3c: {  	_ =	sfence.sel $0x180000  }
0x3d: {  	s2 =	simm.s32 $0x2;
	[bflag:$0x0] =	sbarrier.arrive $0xFFFF  }
0x3e: {  	s30 =	simm.s32 $0x3;
	[sflag:s2] =	ssyncpa.u1 $0x1  }
0x3f: {  	s31 =	simm.s32 $0x1;
	[sflag:s30] =	ssyncpa.u1 $0x1  }
0x40: {  	[sflag:s31] =	ssyncpa.u1 $0x1  }
0x41: {  	p0 =	sne.s32 s1, $0x0;
	_ =	strace $0x90000047  }
0x42: {  	s0 =	sadd.s32 @!p0 $0x100000, s0;
	[bflag:$0x2] =	sbarrier.arrive $0xFFFF  }
0x43: {  	[sflag:s0] =	ssyncadd.tile.s32 @!p0 $0x1;
	_ =	shalt  }
.Lfunc_end2:
_tile_overlayer_lowered:
.L_overlay_start_2:
0x44: {  	(tag) =	ssettag $0x2  }
0x45: {  	s0 =	rddreg [dreg:$0x0];
	s2 =	stileid.u32  }
0x46: {  	s1 =	rddreg [dreg:$0x1];
	p0 =	sne.s32 s2, $0x0  }
0x47: {  	s3 =	rddreg [dreg:$0x2];
	[bflag:$0x3] =	sbarrier.arrive $0xFFFF;
	s2 =	simm.s32 @!p0 $0x1C01  }
0x48: {  	[timem:s3], [sflag:s2] =	dma.local @!p0 [hbm:s0], s1  }
0x49: {  	s0 =	simm.s32 @!p0 $0x1  }
0x4a: {  	_ =	swait.ge @!p0 [sflag:s0], s1  }
0x4b: {  	s1 =	ssub.s32 @!p0 $0x0, s1;
	[sflag:s0] =	ssyncset.done @!p0 $0x0  }
0x4c: {  	[sflag:s0] =	ssyncadd.s32 @!p0 s1  }
0x4d: {  	[bflag:$0x3] =	sbarrier.arrive $0xFFFF  }
0x4e: {  	_ =	shalt  }

// kernel: kernel.10.cloned.1.call-start
scs
__scs_entry_jumppad:
0x0: {  	(pc) =	sbr.rel $0x88, $3  }
0x1: {  	(tag) =	ssettag $0x0;
	lr =	simm.s32 $0x1  }
0x2: {  	[smem:$0x3F85] =	sst lr;
	_ =	strace $0xD0000000  }
0x3: {  	_ = 	snop  }
0x4: {  	_ = 	snop  }
0x5: {  	_ = 	snop  }
0x6: {  	_ = 	snop  }
0x7: {  	_ = 	snop  }
__scs_overlays_trampoline_lowered:
0x8: {  	[smem:$0x3F94] =	sst s0  }
0x9: {  	[smem:$0x3F95] =	sst s1  }
0xa: {  	[smem:$0x3F96] =	sst s2  }
0xb: {  	[smem:$0x3F97] =	sst s3  }
0xc: {  	[smem:$0x3F98] =	sst s4  }
0xd: {  	[smem:$0x3F99] =	sst s5  }
0xe: {  	[smem:$0x3F9A] =	sst s6  }
0xf: {  	[smem:$0x3F9B] =	sst s7  }
0x10: {  	[smem:$0x3F9C] =	sst s8  }
0x11: {  	[smem:$0x3F9D] =	sst s9;
	s0 =	simm.s32 @!p0 $0x0  }
0x12: {  	s1 =	sld [smem:$0x3F83];
	s0 =	simm.s32 @p0 $0x1  }
0x13: {  	[smem:$0x3F9E] =	sst s0;
	s0 =	simm.s32 @!p1 $0x0  }
0x14: {  	s2 =	sld [smem:$0x3F82];
	s0 =	simm.s32 @p1 $0x1  }
0x15: {  	[smem:$0x3F9F] =	sst s0;
	s0 =	simm.s32 @!p2 $0x0  }
0x16: {  	s3 =	sld [smem:$0x3FDB];
	s0 =	simm.s32 @p2 $0x1  }
0x17: {  	s4 =	simm.s32 $0x1BF5;
	[smem:$0x3FA1] =	sst s0  }
0x18: {  	s0 =	sld [smem:$0x3F84];
	_ =	swait.ge [sflag:s4], $0x0  }
0x19: {  	s7 =	sld [smem:$0x3F85]  }
0x1a: {  	s8 =	sadd.s32 $0xFFFFE003, lr  }
0x1b: {  	s9 =	sadd.s32 $0xFFFFFEF7, lr;
	s5 =	simm.s32 $0xFFFFFFFF;
	p2 =	slt.u32 s8, $0xFFFFF086  }
0x1c: {  	p1 =	slt.u32 s9, $0xF7A;
	s5 =	simm.s32 @!p2 $0x0  }
0x1d: {  	s5 =	simm.s32 @p1 $0x1;
	p0 =	seq.s32 s7, s2  }
0x1e: {  	s7 =	smul.u32 @!p0 $0xF7A, s2;
	p2 =	seq.s32 @!p0 s5, $0x0  }
0x1f: {  	s9 =	smul.u32 $0xF7A, s1;
	s8 =	simm.s32 @!p0 $0x1BF5;
	p2 =	por !p2, p0  }
0x20: {  	[sflag:s8] =	ssyncset.s32 @!p0 $0xFFFFF086;
	s6 =	sadd.s32 @!p0 s3, s7;
	s7 =	simm.s32 @!p0 $0x108  }
0x21: {  	s3 =	sadd.s32 s3, s9;
	s6 =	sadd.s32 @!p0 $0x88, s6;
	s7 =	simm.s32 @p2 $0x1082  }
0x22: {  	[simem:s7], [sflag:s8] =	dma.local @!p0 [hbm:s6], $0xF7A  }
0x23: {  	s9 =	sor.u32 $0xD0000000, s2;
	s6 =	simm.s32 $0x108;
	_ =	swait.ge @!p0 [sflag:s8], $0x0  }
0x24: {  	s3 =	sadd.s32 $0x88, s3;
	s6 =	simm.s32 @!p1 $0x1082;
	[sflag:s4] =	ssyncset.s32 $0xFFFFF086  }
0x25: {  	[simem:s6], [sflag:s4] =	dma.local [hbm:s3], $0xF7A  }
0x26: {  	[smem:$0x3F85] =	sst s1;
	(tag) =	ssettag s2;
	_ =	strace s9  }
0x27: {  	s1 =	sld [smem:$0x3F95]  }
0x28: {  	s2 =	sld [smem:$0x3F96]  }
0x29: {  	s4 =	sld [smem:$0x3F98]  }
0x2a: {  	p0 =	seq.s32 s5, $0x0;
	s5 =	sld [smem:$0x3F99]  }
0x2b: {  	s6 =	sld [smem:$0x3F9A]  }
0x2c: {  	s7 =	sld [smem:$0x3F9B]  }
0x2d: {  	s3 =	simm.s32 $0x108;
	s8 =	sld [smem:$0x3F9C]  }
0x2e: {  	s3 =	simm.s32 @!p0 $0x1082;
	s9 =	sld [smem:$0x3F9D]  }
0x2f: {  	lr =	sadd.s32 s0, s3;
	s0 =	sld [smem:$0x3F94]  }
0x30: {  	s3 =	sld [smem:$0x3F97]  }
0x31: {  	[smem:$0x3FA0] =	sst s10  }
0x32: {  	s10 =	sld [smem:$0x3F9E];
	_ =	sdelay $0x3  }
0x33: {  	p0 =	seq.s32 s10, $0x1;
	s10 =	sld [smem:$0x3FA0];
	_ =	sdelay $0x3  }
0x34: {  	[smem:$0x3FA0] =	sst s10  }
0x35: {  	s10 =	sld [smem:$0x3F9F];
	_ =	sdelay $0x3  }
0x36: {  	p1 =	seq.s32 s10, $0x1;
	s10 =	sld [smem:$0x3FA0];
	_ =	sdelay $0x3  }
0x37: {  	[smem:$0x3FA0] =	sst s10  }
0x38: {  	s10 =	sld [smem:$0x3FA1]  }
0x39: {  	_ = 	snop;
	(pc) =	sbr.ind lr, $3  }
0x3a: {  	_ = 	snop  }
0x3b: {  	_ = 	snop  }
0x3c: {  	p2 =	seq.s32 s10, $0x1;
	s10 =	sld [smem:$0x3FA0]  }
0x3d: {  	_ =	shalt  }
0x3e: {  	_ =	shalt  }
0x3f: {  	_ =	shalt  }
0x40: {  	_ =	shalt  }
0x41: {  	_ =	shalt  }
0x42: {  	_ =	shalt  }
0x43: {  	_ =	shalt  }
0x44: {  	_ =	shalt  }
0x45: {  	_ =	shalt  }
0x46: {  	_ =	shalt  }
0x47: {  	_ =	shalt  }
0x48: {  	_ =	shalt  }
0x49: {  	_ =	shalt  }
0x4a: {  	_ =	shalt  }
0x4b: {  	_ =	shalt  }
0x4c: {  	_ =	shalt  }
0x4d: {  	_ =	shalt  }
0x4e: {  	_ =	shalt  }
0x4f: {  	_ =	shalt  }
0x50: {  	_ =	shalt  }
0x51: {  	_ =	shalt  }
0x52: {  	_ =	shalt  }
0x53: {  	_ =	shalt  }
0x54: {  	_ =	shalt  }
0x55: {  	_ =	shalt  }
0x56: {  	_ =	shalt  }
0x57: {  	_ =	shalt  }
0x58: {  	_ =	shalt  }
0x59: {  	_ =	shalt  }
0x5a: {  	_ =	shalt  }
0x5b: {  	_ =	shalt  }
0x5c: {  	_ =	shalt  }
0x5d: {  	_ =	shalt  }
0x5e: {  	_ =	shalt  }
0x5f: {  	_ =	shalt  }
0x60: {  	_ =	shalt  }
0x61: {  	_ =	shalt  }
0x62: {  	_ =	shalt  }
0x63: {  	_ =	shalt  }
0x64: {  	_ =	shalt  }
0x65: {  	_ =	shalt  }
0x66: {  	_ =	shalt  }
0x67: {  	_ =	shalt  }
0x68: {  	_ =	shalt  }
0x69: {  	_ =	shalt  }
0x6a: {  	_ =	shalt  }
0x6b: {  	_ =	shalt  }
0x6c: {  	_ =	shalt  }
0x6d: {  	_ =	shalt  }
0x6e: {  	_ =	shalt  }
0x6f: {  	_ =	shalt  }
0x70: {  	_ =	shalt  }
0x71: {  	_ =	shalt  }
0x72: {  	_ =	shalt  }
0x73: {  	_ =	shalt  }
0x74: {  	_ =	shalt  }
0x75: {  	_ =	shalt  }
0x76: {  	_ =	shalt  }
0x77: {  	_ =	shalt  }
0x78: {  	_ =	shalt  }
0x79: {  	_ =	shalt  }
0x7a: {  	_ =	shalt  }
0x7b: {  	_ =	shalt  }
0x7c: {  	_ =	shalt  }
0x7d: {  	_ =	shalt  }
0x7e: {  	_ =	shalt  }
0x7f: {  	_ =	shalt  }
0x80: {  	_ =	shalt  }
0x81: {  	_ =	shalt  }
0x82: {  	_ =	shalt  }
0x83: {  	_ =	shalt  }
0x84: {  	_ =	shalt  }
0x85: {  	_ =	shalt  }
0x86: {  	_ =	shalt  }
0x87: {  	_ =	shalt  }
.Lfunc_end0:
.L_simem_size_0:
called_computation.3_lowered:
.L_overlay_start_0:
0x88: {  	s2 =	sld [smem:$0x3FD9]  }
0x89: {  	s3 =	sld [smem:$0x3FFE];
	_ =	sdelay $0x1  }
0x8a: {  	s1 =	srdreg.scid  }
0x8b: {  	s0 =	sand.u32 $0x1, s1  }
0x8c: {  	s17 =	sshll.u32 s0, $0xA;
	s2 =	sadd.s32 s3, s2  }
0x8d: {  	s2 =	sadd.s32 s2, s17  }
0x8e: {  	[smem:$0x3FAC] =	sst s2  }
0x8f: {  	_ = 	snop  }
0x90: {  	s2 =	sld [smem:$0x3FC9]  }
0x91: {  	s18 =	sld [smem:$0x3FC4];
	(tm) =	ssettm $0x1  }
0x92: {  	s4 =	sld [smem:$0x3FFB];
	_ =	sdelay $0x3  }
0x93: {  	_ =	strace s4  }
0x94: {  	s4 =	sld [smem:$0x3FFC];
	_ =	sdelay $0x3  }
0x95: {  	_ =	strace s4  }
0x96: {  	s4 =	sld [smem:$0x3FFD];
	_ =	sdelay $0x3  }
0x97: {  	_ =	strace s4  }
0x98: {  	_ =	strace $0x8FFFFFFF  }
0x99: {  	s19 =	sld [smem:$0x3FDB];
	_ =	sdelay $0x1  }
0x9a: {  	s5 =	simm.s32 $_scs_section_size  }
0x9b: {  	s6 =	simm.s32 $_size__tile_overlayer_lowered;
	s7 =	simm.s32 $_tile_overlayer_lowered  }
0x9c: {  	s22 =	simm.s32 $0x1BFF;
	s21 =	sshll.u32 s7, $0x1;
	s4 =	sadd.s32 s5, s19  }
0x9d: {  	s8 =	simm.s32 $0x0;
	s20 =	sshll.u32 s6, $0x1;
	s6 =	sadd.s32 s21, s4  }
0x9e: {  	[timem:s8], [sflag:s22] =	dma.local [hbm:s6], s20  }
0x9f: {  	_ =	swait.ge [sflag:s22], s20  }
0xa0: {  	s5 =	ssub.s32 $0x0, s20;
	[sflag:s22] =	ssyncset.done $0x0  }
0xa1: {  	[sflag:s22] =	ssyncadd.s32 s5;
	_ =	sdelay $0x1  }
0xa2: {  	s23 =	simm.s32 $0x1B8B  }
0xa3: {  	_ =	swait.ge [sflag:s23], $0x1  }
0xa4: {  	[sflag:s23] =	ssyncset.done $0x0  }
0xa5: {  	s25 =	simm.s32 $0x1B8E;
	s24 =	sld [smem:$0x3FFE];
	[sflag:s23] =	ssyncadd.s32 $0xFFFFFFFF  }
0xa6: {  	s26 =	simm.s32 $execute0_lowered;
	[smem:$0x3FD2] =	sst s25  }
0xa7: {  	s6 =	sshll.u32 s26, $0x1;
	_ =	strace $0x8000004F;
	[dreg:$0x1] =	wrdreg $0xFFFFFFFF  }
0xa8: {  	s28 =	simm.s32 $_size_execute0_lowered;
	s4 =	sadd.s32 s4, s6;
	[dreg:$0x0] =	wrdreg $0x0  }
0xa9: {  	s6 =	sshll.u32 s28, $0x1;
	[dreg:$0x2] =	wrdreg s4  }
0xaa: {  	[dreg:$0x3] =	wrdreg s6  }
0xab: {  	[dreg:$0x4] =	wrdreg $0xC0  }
0xac: {  	_ =	task [dreg:s8], $0x5FFFF  }
0xad: {  	[dreg:$0x1] =	wrdreg $0xFFFFFFFF  }
0xae: {  	[dreg:$0x0] =	wrdreg $0x60  }
0xaf: {  	[dreg:$0x2] =	wrdreg s2  }
0xb0: {  	[dreg:$0x3] =	wrdreg s24  }
0xb1: {  	[dreg:$0x4] =	wrdreg s18  }
0xb2: {  	[dreg:$0x5] =	wrdreg $0x51800  }
0xb3: {  	[dreg:$0x6] =	wrdreg $0x9  }
0xb4: {  	_ =	task.clear_ibuf [dreg:s8], $0x7FFFF;
	_ =	strace $0x9000004F  }
0xb5: {  	s29 =	simm.s32 $0x9;
	_ =	strace $0x80000051  }
0xb6: {  	_ =	swait.ge [sflag:s29], $0x1  }
0xb7: {  	[sflag:s29] =	ssyncadd.s32 $0xFFFFFFFF  }
0xb8: {  	_ =	strace $0x90000051  }
0xb9: {  	_ =	sfence  }
0xba: {  	s30 =	sld [smem:$0x0];
	_ =	sdelay $0x2  }
0xbb: {  	s31 =	sshll.u32 s1, $0xD;
	s1 =	sshrl.u32 s1, $0x2  }
0xbc: {  	s3 =	sand.u32 $0x4000, s31;
	s1 =	sadd.s32 s1, s30  }
0xbd: {  	s0 =	sor.u32 s3, s0;
	s1 =	sshll.u32 s1, $0x11  }
0xbe: {  	s0 =	sor.u32 s1, s0  }
0xbf: {  	s0 =	sadd.s32 $0x8F2B, s0  }
0xc0: {  	[sflag:s0] =	ssyncadd.remote.s32 $0x1  }
0xc1: {  	_ =	sfence.sel $0xFFFF  }
0xc2: {  	[dreg:$0x0] =	wrdreg $0xFFFFFFFF;
	(pc) =	sbr.abs _section_cstart, $3  }
0xc3: {  	[dreg:$0x1] =	wrdreg $0xFFFFFFFF  }
0xc4: {  	_ =	task.clear_ibuf [dreg:s8], $0x2FFFF;
	_ =	strace $0x9FFFFFFF  }
0xc5: {  	(tm) =	ssettm $0x7FFFFFFF  }
tec
execute0_lowered:
.L_overlay_start_1:
0x0: {  	(tag) =	ssettag $0x1  }
0x1: {  	s1 =	rddreg [dreg:$0x0]  }
0x2: {  	s0 =	rddreg [dreg:$0x1]  }
0x3: {  	s2 =	rddreg [dreg:$0x2]  }
0x4: {  	s3 =	rddreg [dreg:$0x3];
	s4 =	simm.s32 $0x0;
	s7 =	srdreg.scid  }
0x5: {  	s17 =	simm.s32 $0x5100;
	s18 =	simm.s32 $0x3;
	s19 =	simm.s32 $0x80  }
0x6: {  	s20 =	simm.s32 $0x2900;
	s21 =	simm.s32 $0x50;
	s22 =	simm.s32 $0x100  }
0x7: {  	s23 =	simm.s32 $0x1;
	s24 =	simm.s32 $0x2;
	s26 =	simm.s32 $0x0  }
0x8: {  	[smem:$0x7FF] =	sst s4;
	s5 =	sadd.s32 $0x36000, s0;
	s6 =	sadd.s32 $0x2C200, s0  }
0x9: {  	s8 =	sadd.s32 $0x22400, s0;
	s11 =	sand.u32 $0x1, s7;
	s9 =	sadd.s32 $0xE800, s0  }
0xa: {  	s7 =	stileid.u32;
	s10 =	sadd.s32 $0x4A00, s0;
	s12 =	smul.u32 $0x27100, s11  }
0xb: {  	_ =	strace $0x80000050;
	s13 =	ssub.s32 $0x2, s11;
	s14 =	smul.u32 $0x4F000, s7  }
0xc: {  	s11 =	sshll.u32 s11, $0x4;
	p0 =	seq.s32 s7, $0xF;
	s30 =	sshrl.u32 s13, $0x1  }
0xd: {  	s11 =	sor.u32 s7, s11;
	s15 =	sshll.u32 @!p0 s7, $0x6;
	s0 =	sadd.s32 s12, s0  }
0xe: {  	s13 =	ssub.s32 s13, s30;
	s31 =	sshrl.u32 s14, $0x2;
	s11 =	smul.u32 $0x2710, s11  }
0xf: {  	s14 =	sadd.s32 $0x128400, s3;
	s12 =	sadd.s32 $0x518000, s0;
	s0 =	smul.u32 $0x2780, s7  }
0x10: {  	s15 =	sor.u32 @!p0 $0x1C03, s15;
	s16 =	sadd.s32 s31, s3;
	s13 =	smax.u32 s13, $0x1  }
0x11: {  	s14 =	sshrl.u32 @p0 s14, $0x3;
	s16 =	sshrl.u32 @!p0 s16, $0x3;
	s25 =	sadd.s32 @!p0 s0, s12  }
.LBB2_1:
0x12: {  	s0 =	simm.s32 @p0 $0x1FC3  }
0x13: {  	[spmem:s14], [sflag:s0] =	dma.local @p0 [hbm:s10], $0x2100  }
0x14: {  	s0 =	simm.s32 @p0 $0x3  }
0x15: {  	_ =	swait.ge @p0 [sflag:s0], $0x2100  }
0x16: {  	[sflag:s0] =	ssyncset.done @p0 $0x0  }
0x17: {  	[sflag:s0] =	ssyncadd.s32 @p0 $0xFFFFDF00;
	s0 =	simm.s32 @!p0 $0x3  }
0x18: {  	[spmem:s16], [sflag:s15] =	dma.local @!p0 [hbm:s10], $0x2780  }
0x19: {  	_ =	swait.ge @!p0 [sflag:s0], $0x2780  }
0x1a: {  	[sflag:s0] =	ssyncset.done @!p0 $0x0  }
0x1b: {  	[sflag:s0] =	ssyncadd.s32 @!p0 $0xFFFFD880  }
0x1c: {  	[tilespmem:s17], [sflag:$0x3] =	stream.linear.gather [hbm4b:s2+s4], $0x80, $0x38;
	[tilespmem:$0x18A40] =	vst v63  }
0x1d: {  	_ =	swait.ge [sflag:s18], $0x80  }
0x1e: {  	[sflag:s18] =	ssyncset.done $0x0  }
0x1f: {  	[sflag:s18] =	ssyncadd.s32 $0xFFFFFF80  }
0x20: {  	s28 =	simm.s32 $0x0;
	[bflag:$0x0] =	sbarrier.arrive $0xFFFF  }
.LBB2_2:
0x21: {  	s0 =	smul.u32 $0x50, s28;
	_ =	sdelay $0x1  }
0x22: {  	s0 =	sadd.s32 s11, s0  }
0x23: {  	s29 =	sshrl.u32 s0, $0x3  }
0x24: {  	s31 =	simm.s32 $0x0;
	s30 =	sadd.s32 s8, s29  }
0x25: {  	[tilespmem:s19], [sflag:$0x3] =	stream.linear.gather [hbm4b:s30+s31], $0x50, $0x38;
	[tilespmem:$0x18A40] =	vst v63  }
0x26: {  	_ =	swait.ge [sflag:s18], $0x50  }
0x27: {  	[sflag:s18] =	ssyncset.done $0x0  }
0x28: {  	s29 =	sadd.s32 s6, s29;
	[sflag:s18] =	ssyncadd.s32 $0xFFFFFFB0  }
0x29: {  	[tilespmem:s31], [sflag:$0x3] =	stream.linear.gather [hbm4b:s29+s31], $0x50, $0x38;
	[tilespmem:$0x18A40] =	vst v63  }
0x2a: {  	_ =	swait.ge [sflag:s18], $0x50  }
0x2b: {  	s0 =	sshll.u32 s0, $0x4;
	[sflag:s18] =	ssyncset.done $0x0  }
0x2c: {  	s0 =	sadd.s32 s5, s0;
	[sflag:s18] =	ssyncadd.s32 $0xFFFFFFB0  }
0x2d: {  	[tilespmem:s20], [sflag:$0x2] =	stream.linear.gather [hbm4b:s0+s31], $0x2800, $0x38;
	[tilespmem:$0x18A40] =	vst v63  }
0x2e: {  	_ = 	snop  }
0x2f: {  	[tilespmem:s22], [sflag:$0x1] =	stream.indirect.gather [hbm4b:s1+s21], $0x80, s31, s21, $0xb8;
	[tilespmem:$0x18A40] =	vst v63  }
0x30: {  	_ =	swait.ge [sflag:s23], $0x2800  }
0x31: {  	[sflag:s23] =	ssyncset.done $0x0  }
0x32: {  	[sflag:s23] =	ssyncadd.s32 $0xFFFFD800  }
0x33: {  	_ =	swait.ge [sflag:s24], $0x2800  }
0x34: {  	[sflag:s24] =	ssyncset.done $0x0  }
0x35: {  	s29 =	simm.s32 $0x0;
	[sflag:s24] =	ssyncadd.s32 $0xFFFFD800  }
0x36: {  	v0 =	vld [tilespmem:s29+$0x2900]  }
0x37: {  	v1 =	vld [tilespmem:s29+$0x100];
	_ =	sdelay $0x1  }
0x38: {  	v2 =	vld [tilespmem:$0x5100];
	_ =	sdelay $0x2  }
0x39: {  	v0 =	vadd.f32 v0, v1;
	_ =	sdelay $0x1  }
0x3a: {  	v0 =	vadd.f32 v2, v0  }
0x3b: {  	v1 =	vld [tilespmem:s29+$0x2910]  }
0x3c: {  	v2 =	vld [tilespmem:s29+$0x110];
	v0 =	vmax.f32 v0, $0.0e+00  }
0x3d: {  	[tilespmem:s29+$0x100] =	vst v0  }
0x3e: {  	v0 =	vld [tilespmem:$0x5110];
	_ =	sdelay $0x2  }
0x3f: {  	v1 =	vadd.f32 v1, v2;
	_ =	sdelay $0x1  }
0x40: {  	v0 =	vadd.f32 v0, v1  }
0x41: {  	v2 =	vld [tilespmem:s29+$0x120]  }
0x42: {  	v1 =	vld [tilespmem:s29+$0x2920];
	v0 =	vmax.f32 v0, $0.0e+00  }
0x43: {  	[tilespmem:s29+$0x110] =	vst v0  }
0x44: {  	v0 =	vld [tilespmem:$0x5120];
	_ =	sdelay $0x2  }
0x45: {  	v1 =	vadd.f32 v1, v2;
	_ =	sdelay $0x1  }
0x46: {  	v0 =	vadd.f32 v0, v1  }
0x47: {  	v2 =	vld [tilespmem:s29+$0x130]  }
0x48: {  	v1 =	vld [tilespmem:s29+$0x2930];
	v0 =	vmax.f32 v0, $0.0e+00  }
0x49: {  	[tilespmem:s29+$0x120] =	vst v0  }
0x4a: {  	v0 =	vld [tilespmem:$0x5130];
	_ =	sdelay $0x2  }
0x4b: {  	v1 =	vadd.f32 v1, v2;
	_ =	sdelay $0x1  }
0x4c: {  	v0 =	vadd.f32 v0, v1  }
0x4d: {  	v2 =	vld [tilespmem:s29+$0x140]  }
0x4e: {  	v1 =	vld [tilespmem:s29+$0x2940];
	v0 =	vmax.f32 v0, $0.0e+00  }
0x4f: {  	[tilespmem:s29+$0x130] =	vst v0  }
0x50: {  	v0 =	vld [tilespmem:$0x5140];
	_ =	sdelay $0x2  }
0x51: {  	v1 =	vadd.f32 v1, v2;
	_ =	sdelay $0x1  }
0x52: {  	v0 =	vadd.f32 v0, v1  }
0x53: {  	v2 =	vld [tilespmem:s29+$0x150]  }
0x54: {  	v1 =	vld [tilespmem:s29+$0x2950];
	v0 =	vmax.f32 v0, $0.0e+00  }
0x55: {  	[tilespmem:s29+$0x140] =	vst v0  }
0x56: {  	v0 =	vld [tilespmem:$0x5150];
	_ =	sdelay $0x2  }
0x57: {  	v1 =	vadd.f32 v1, v2;
	_ =	sdelay $0x1  }
0x58: {  	v0 =	vadd.f32 v0, v1  }
0x59: {  	v2 =	vld [tilespmem:s29+$0x160]  }
0x5a: {  	v1 =	vld [tilespmem:s29+$0x2960];
	v0 =	vmax.f32 v0, $0.0e+00  }
0x5b: {  	[tilespmem:s29+$0x150] =	vst v0  }
0x5c: {  	v0 =	vld [tilespmem:$0x5160];
	_ =	sdelay $0x2  }
0x5d: {  	v1 =	vadd.f32 v1, v2;
	_ =	sdelay $0x1  }
0x5e: {  	v0 =	vadd.f32 v0, v1  }
0x5f: {  	v2 =	vld [tilespmem:s29+$0x170]  }
0x60: {  	v1 =	vld [tilespmem:s29+$0x2970];
	v0 =	vmax.f32 v0, $0.0e+00  }
0x61: {  	[tilespmem:s29+$0x160] =	vst v0  }
0x62: {  	v0 =	vld [tilespmem:$0x5170];
	_ =	sdelay $0x2  }
0x63: {  	v1 =	vadd.f32 v1, v2;
	_ =	sdelay $0x1  }
0x64: {  	s31 =	simm.s32 $0x80;
	v1 =	vadd.f32 v0, v1  }
0x65: {  	s30 =	simm.s32 $0x400;
	v0 =	vld [tilespmem:s31+$0x2900]  }
.LBB2_3:
0x66: {  	p1 =	sne.s32 s30, $0x9E00;
	v2 =	vld [tilespmem:s31+$0x100];
	v1 =	vmax.f32 v1, $0.0e+00  }
0x67: {  	[tilespmem:s29+$0x170] =	vst v1;
	s29 =	smov.u32 s31  }
0x68: {  	v1 =	vld [tilespmem:$0x5100];
	_ =	sdelay $0x2  }
0x69: {  	v0 =	vadd.f32 v0, v2;
	_ =	sdelay $0x1  }
0x6a: {  	v0 =	vadd.f32 v1, v0  }
0x6b: {  	v1 =	vld [tilespmem:s29+$0x2910]  }
0x6c: {  	v0 =	vmax.f32 v0, $0.0e+00;
	v2 =	vld [tilespmem:s29+$0x110]  }
0x6d: {  	[tilespmem:s29+$0x100] =	vst v0  }
0x6e: {  	v0 =	vld [tilespmem:$0x5110];
	_ =	sdelay $0x2  }
0x6f: {  	v1 =	vadd.f32 v1, v2;
	_ =	sdelay $0x1  }
0x70: {  	v0 =	vadd.f32 v0, v1  }
0x71: {  	v1 =	vld [tilespmem:s29+$0x2920]  }
0x72: {  	v0 =	vmax.f32 v0, $0.0e+00;
	v2 =	vld [tilespmem:s29+$0x120]  }
0x73: {  	[tilespmem:s29+$0x110] =	vst v0  }
0x74: {  	v0 =	vld [tilespmem:$0x5120];
	_ =	sdelay $0x2  }
0x75: {  	v1 =	vadd.f32 v1, v2;
	_ =	sdelay $0x1  }
0x76: {  	v0 =	vadd.f32 v0, v1  }
0x77: {  	v1 =	vld [tilespmem:s29+$0x2930]  }
0x78: {  	v0 =	vmax.f32 v0, $0.0e+00;
	v2 =	vld [tilespmem:s29+$0x130]  }
0x79: {  	[tilespmem:s29+$0x120] =	vst v0  }
0x7a: {  	v0 =	vld [tilespmem:$0x5130];
	_ =	sdelay $0x2  }
0x7b: {  	v1 =	vadd.f32 v1, v2;
	_ =	sdelay $0x1  }
0x7c: {  	v0 =	vadd.f32 v0, v1  }
0x7d: {  	v1 =	vld [tilespmem:s29+$0x2940]  }
0x7e: {  	v0 =	vmax.f32 v0, $0.0e+00;
	v2 =	vld [tilespmem:s29+$0x140]  }
0x7f: {  	[tilespmem:s29+$0x130] =	vst v0  }
0x80: {  	v0 =	vld [tilespmem:$0x5140];
	_ =	sdelay $0x2  }
0x81: {  	v1 =	vadd.f32 v1, v2;
	_ =	sdelay $0x1  }
0x82: {  	v0 =	vadd.f32 v0, v1  }
0x83: {  	v1 =	vld [tilespmem:s29+$0x2950]  }
0x84: {  	v0 =	vmax.f32 v0, $0.0e+00;
	v2 =	vld [tilespmem:s29+$0x150]  }
0x85: {  	[tilespmem:s29+$0x140] =	vst v0  }
0x86: {  	v0 =	vld [tilespmem:$0x5150];
	_ =	sdelay $0x2  }
0x87: {  	v1 =	vadd.f32 v1, v2;
	_ =	sdelay $0x1  }
0x88: {  	v0 =	vadd.f32 v0, v1  }
0x89: {  	v1 =	vld [tilespmem:s29+$0x2960]  }
0x8a: {  	v0 =	vmax.f32 v0, $0.0e+00;
	v2 =	vld [tilespmem:s29+$0x160]  }
0x8b: {  	[tilespmem:s29+$0x150] =	vst v0  }
0x8c: {  	v0 =	vld [tilespmem:$0x5160];
	_ =	sdelay $0x2  }
0x8d: {  	v1 =	vadd.f32 v1, v2;
	_ =	sdelay $0x1  }
0x8e: {  	v0 =	vadd.f32 v0, v1  }
0x8f: {  	v1 =	vld [tilespmem:s29+$0x2970]  }
0x90: {  	v0 =	vmax.f32 v0, $0.0e+00;
	v2 =	vld [tilespmem:s29+$0x170]  }
0x91: {  	[tilespmem:s29+$0x160] =	vst v0  }
0x92: {  	v0 =	vld [tilespmem:$0x5170];
	_ =	sdelay $0x1  }
.Ltmp0:
0x93: {  	(pc) =	sbr.rel @p1 .LBB2_3-.Ltmp0, $3  }
0x94: {  	v1 =	vadd.f32 v1, v2;
	_ =	sdelay $0x1  }
0x95: {  	s31 =	sshra.s32 s30, $0x2;
	v1 =	vadd.f32 v0, v1  }
0x96: {  	s30 =	sadd.s32 $0x200, s30;
	v0 =	vld [tilespmem:s31+$0x2900]  }
0x97: {  	v2 =	vld [tilespmem:s31+$0x100];
	v1 =	vmax.f32 v1, $0.0e+00  }
0x98: {  	[tilespmem:s29+$0x170] =	vst v1  }
0x99: {  	v1 =	vld [tilespmem:$0x5100];
	_ =	sdelay $0x2  }
0x9a: {  	v0 =	vadd.f32 v0, v2;
	_ =	sdelay $0x1  }
0x9b: {  	v0 =	vadd.f32 v1, v0  }
0x9c: {  	v50 =	vld [tilespmem:s31+$0x2910]  }
0x9d: {  	v51 =	vld [tilespmem:s31+$0x110];
	v0 =	vmax.f32 v0, $0.0e+00  }
0x9e: {  	[tilespmem:s31+$0x100] =	vst v0  }
0x9f: {  	v0 =	vld [tilespmem:$0x5110];
	_ =	sdelay $0x2  }
0xa0: {  	v1 =	vadd.f32 v50, v51;
	_ =	sdelay $0x1  }
0xa1: {  	v0 =	vadd.f32 v0, v1  }
0xa2: {  	v52 =	vld [tilespmem:s31+$0x2920]  }
0xa3: {  	v53 =	vld [tilespmem:s31+$0x120];
	v0 =	vmax.f32 v0, $0.0e+00  }
0xa4: {  	[tilespmem:s31+$0x110] =	vst v0  }
0xa5: {  	v0 =	vld [tilespmem:$0x5120];
	_ =	sdelay $0x2  }
0xa6: {  	v1 =	vadd.f32 v52, v53;
	_ =	sdelay $0x1  }
0xa7: {  	v0 =	vadd.f32 v0, v1  }
0xa8: {  	v54 =	vld [tilespmem:s31+$0x2930]  }
0xa9: {  	v55 =	vld [tilespmem:s31+$0x130];
	v0 =	vmax.f32 v0, $0.0e+00  }
0xaa: {  	[tilespmem:s31+$0x120] =	vst v0  }
0xab: {  	v0 =	vld [tilespmem:$0x5130];
	_ =	sdelay $0x2  }
0xac: {  	v1 =	vadd.f32 v54, v55;
	_ =	sdelay $0x1  }
0xad: {  	v0 =	vadd.f32 v0, v1  }
0xae: {  	v56 =	vld [tilespmem:s31+$0x2940]  }
0xaf: {  	v57 =	vld [tilespmem:s31+$0x140];
	v0 =	vmax.f32 v0, $0.0e+00  }
0xb0: {  	[tilespmem:s31+$0x130] =	vst v0  }
0xb1: {  	v0 =	vld [tilespmem:$0x5140];
	_ =	sdelay $0x2  }
0xb2: {  	v1 =	vadd.f32 v56, v57;
	_ =	sdelay $0x1  }
0xb3: {  	v0 =	vadd.f32 v0, v1  }
0xb4: {  	v58 =	vld [tilespmem:s31+$0x2950]  }
0xb5: {  	v59 =	vld [tilespmem:s31+$0x150];
	v0 =	vmax.f32 v0, $0.0e+00  }
0xb6: {  	[tilespmem:s31+$0x140] =	vst v0  }
0xb7: {  	v0 =	vld [tilespmem:$0x5150];
	_ =	sdelay $0x2  }
0xb8: {  	v1 =	vadd.f32 v58, v59;
	_ =	sdelay $0x1  }
0xb9: {  	v0 =	vadd.f32 v0, v1  }
0xba: {  	v60 =	vld [tilespmem:s31+$0x2960]  }
0xbb: {  	v61 =	vld [tilespmem:s31+$0x160];
	v0 =	vmax.f32 v0, $0.0e+00  }
0xbc: {  	[tilespmem:s31+$0x150] =	vst v0  }
0xbd: {  	v0 =	vld [tilespmem:$0x5160];
	_ =	sdelay $0x2  }
0xbe: {  	v1 =	vadd.f32 v60, v61;
	_ =	sdelay $0x1  }
0xbf: {  	v0 =	vadd.f32 v0, v1  }
0xc0: {  	v62 =	vld [tilespmem:s31+$0x2970]  }
0xc1: {  	v63 =	vld [tilespmem:s31+$0x170];
	v0 =	vmax.f32 v0, $0.0e+00  }
0xc2: {  	[tilespmem:s31+$0x160] =	vst v0  }
0xc3: {  	v0 =	vld [tilespmem:$0x5170];
	_ =	sdelay $0x2  }
0xc4: {  	v1 =	vadd.f32 v62, v63;
	_ =	sdelay $0x1  }
0xc5: {  	v0 =	vadd.f32 v0, v1  }
0xc6: {  	s28 =	sadd.s32 $0x1, s28  }
0xc7: {  	p1 =	sne.s32 s28, $0x7D;
	v0 =	vmax.f32 v0, $0.0e+00  }
.Ltmp1:
0xc8: {  	[tilespmem:s31+$0x170] =	vst v0;
	(pc) =	sbr.rel @p1 .LBB2_2-.Ltmp1, $4  }
0xc9: {  	[spmem:s3] =	stream.indirect.scatter.add.f32 [tilespmem:s22], [sflag:$0x3], $0x80, s19, s21, $0xb8;
	[tilespmem:$0x18A40] =	vst v63  }
0xca: {  	_ =	swait.ge [sflag:s18], $0x2800  }
0xcb: {  	[sflag:s18] =	ssyncset.done $0x0  }
0xcc: {  	[sflag:s18] =	ssyncadd.s32 $0xFFFFD800  }
0xcd: {  	[bflag:$0x0] =	sbarrier.arrive $0xFFFF;
	s28 =	simm.s32 $0x0;
	s29 =	simm.s32 $0x0  }
.LBB2_6:
0xce: {  	s0 =	smul.u32 $0x50, s29;
	_ =	sdelay $0x1  }
0xcf: {  	s0 =	sadd.s32 s11, s0  }
0xd0: {  	s30 =	sshrl.u32 s0, $0x3  }
0xd1: {  	s31 =	sadd.s32 s9, s30  }
0xd2: {  	[tilespmem:s19], [sflag:$0x3] =	stream.linear.gather [hbm4b:s31+s28], $0x50, $0x38;
	[tilespmem:$0x18A40] =	vst v63  }
0xd3: {  	_ =	swait.ge [sflag:s18], $0x50  }
0xd4: {  	[sflag:s18] =	ssyncset.done $0x0  }
0xd5: {  	s30 =	sadd.s32 s6, s30;
	[sflag:s18] =	ssyncadd.s32 $0xFFFFFFB0  }
0xd6: {  	[tilespmem:s28], [sflag:$0x3] =	stream.linear.gather [hbm4b:s30+s28], $0x50, $0x38;
	[tilespmem:$0x18A40] =	vst v63  }
0xd7: {  	_ =	swait.ge [sflag:s18], $0x50  }
0xd8: {  	s0 =	sshll.u32 s0, $0x4;
	[sflag:s18] =	ssyncset.done $0x0  }
0xd9: {  	s0 =	sadd.s32 s5, s0;
	[sflag:s18] =	ssyncadd.s32 $0xFFFFFFB0  }
0xda: {  	[tilespmem:s20], [sflag:$0x2] =	stream.linear.gather [hbm4b:s0+s28], $0x2800, $0x38;
	[tilespmem:$0x18A40] =	vst v63  }
0xdb: {  	_ = 	snop  }
0xdc: {  	[tilespmem:s22], [sflag:$0x1] =	stream.indirect.gather [hbm4b:s1+s21], $0x80, s28, s21, $0xb8;
	[tilespmem:$0x18A40] =	vst v63  }
0xdd: {  	_ =	swait.ge [sflag:s23], $0x2800  }
0xde: {  	[sflag:s23] =	ssyncset.done $0x0  }
0xdf: {  	[sflag:s23] =	ssyncadd.s32 $0xFFFFD800  }
0xe0: {  	_ =	swait.ge [sflag:s24], $0x2800  }
0xe1: {  	[sflag:s24] =	ssyncset.done $0x0  }
0xe2: {  	s30 =	simm.s32 $0x0;
	[sflag:s24] =	ssyncadd.s32 $0xFFFFD800  }
0xe3: {  	v0 =	vld [tilespmem:s30+$0x2900]  }
0xe4: {  	v1 =	vld [tilespmem:s30+$0x100];
	_ =	sdelay $0x1  }
0xe5: {  	v2 =	vld [tilespmem:$0x5100];
	_ =	sdelay $0x2  }
0xe6: {  	v0 =	vadd.f32 v0, v1;
	_ =	sdelay $0x1  }
0xe7: {  	v0 =	vadd.f32 v2, v0  }
0xe8: {  	v1 =	vld [tilespmem:s30+$0x2910]  }
0xe9: {  	v2 =	vld [tilespmem:s30+$0x110];
	v0 =	vmax.f32 v0, $0.0e+00  }
0xea: {  	[tilespmem:s30+$0x100] =	vst v0  }
0xeb: {  	v0 =	vld [tilespmem:$0x5110];
	_ =	sdelay $0x2  }
0xec: {  	v1 =	vadd.f32 v1, v2;
	_ =	sdelay $0x1  }
0xed: {  	v0 =	vadd.f32 v0, v1  }
0xee: {  	v2 =	vld [tilespmem:s30+$0x120]  }
0xef: {  	v1 =	vld [tilespmem:s30+$0x2920];
	v0 =	vmax.f32 v0, $0.0e+00  }
0xf0: {  	[tilespmem:s30+$0x110] =	vst v0  }
0xf1: {  	v0 =	vld [tilespmem:$0x5120];
	_ =	sdelay $0x2  }
0xf2: {  	v1 =	vadd.f32 v1, v2;
	_ =	sdelay $0x1  }
0xf3: {  	v0 =	vadd.f32 v0, v1  }
0xf4: {  	v2 =	vld [tilespmem:s30+$0x130]  }
0xf5: {  	v1 =	vld [tilespmem:s30+$0x2930];
	v0 =	vmax.f32 v0, $0.0e+00  }
0xf6: {  	[tilespmem:s30+$0x120] =	vst v0  }
0xf7: {  	v0 =	vld [tilespmem:$0x5130];
	_ =	sdelay $0x2  }
0xf8: {  	v1 =	vadd.f32 v1, v2;
	_ =	sdelay $0x1  }
0xf9: {  	v0 =	vadd.f32 v0, v1  }
0xfa: {  	v2 =	vld [tilespmem:s30+$0x140]  }
0xfb: {  	v1 =	vld [tilespmem:s30+$0x2940];
	v0 =	vmax.f32 v0, $0.0e+00  }
0xfc: {  	[tilespmem:s30+$0x130] =	vst v0  }
0xfd: {  	v0 =	vld [tilespmem:$0x5140];
	_ =	sdelay $0x2  }
0xfe: {  	v1 =	vadd.f32 v1, v2;
	_ =	sdelay $0x1  }
0xff: {  	v0 =	vadd.f32 v0, v1  }
0x100: {  	v2 =	vld [tilespmem:s30+$0x150]  }
0x101: {  	v1 =	vld [tilespmem:s30+$0x2950];
	v0 =	vmax.f32 v0, $0.0e+00  }
0x102: {  	[tilespmem:s30+$0x140] =	vst v0  }
0x103: {  	v0 =	vld [tilespmem:$0x5150];
	_ =	sdelay $0x2  }
0x104: {  	v1 =	vadd.f32 v1, v2;
	_ =	sdelay $0x1  }
0x105: {  	v0 =	vadd.f32 v0, v1  }
0x106: {  	v2 =	vld [tilespmem:s30+$0x160]  }
0x107: {  	v1 =	vld [tilespmem:s30+$0x2960];
	v0 =	vmax.f32 v0, $0.0e+00  }
0x108: {  	[tilespmem:s30+$0x150] =	vst v0  }
0x109: {  	v0 =	vld [tilespmem:$0x5160];
	_ =	sdelay $0x2  }
0x10a: {  	v1 =	vadd.f32 v1, v2;
	_ =	sdelay $0x1  }
0x10b: {  	v0 =	vadd.f32 v0, v1  }
0x10c: {  	v2 =	vld [tilespmem:s30+$0x170]  }
0x10d: {  	v1 =	vld [tilespmem:s30+$0x2970];
	v0 =	vmax.f32 v0, $0.0e+00  }
0x10e: {  	[tilespmem:s30+$0x160] =	vst v0  }
0x10f: {  	v0 =	vld [tilespmem:$0x5170];
	_ =	sdelay $0x2  }
0x110: {  	v1 =	vadd.f32 v1, v2;
	_ =	sdelay $0x1  }
0x111: {  	s0 =	simm.s32 $0x80;
	v1 =	vadd.f32 v0, v1  }
0x112: {  	s31 =	simm.s32 $0x400;
	v0 =	vld [tilespmem:s0+$0x2900]  }
.LBB2_7:
0x113: {  	p1 =	sne.s32 s31, $0x9E00;
	v2 =	vld [tilespmem:s0+$0x100];
	v1 =	vmax.f32 v1, $0.0e+00  }
0x114: {  	[tilespmem:s30+$0x170] =	vst v1;
	s30 =	smov.u32 s0  }
0x115: {  	v1 =	vld [tilespmem:$0x5100];
	_ =	sdelay $0x2  }
0x116: {  	v0 =	vadd.f32 v0, v2;
	_ =	sdelay $0x1  }
0x117: {  	v0 =	vadd.f32 v1, v0  }
0x118: {  	v1 =	vld [tilespmem:s30+$0x2910]  }
0x119: {  	v0 =	vmax.f32 v0, $0.0e+00;
	v2 =	vld [tilespmem:s30+$0x110]  }
0x11a: {  	[tilespmem:s30+$0x100] =	vst v0  }
0x11b: {  	v0 =	vld [tilespmem:$0x5110];
	_ =	sdelay $0x2  }
0x11c: {  	v1 =	vadd.f32 v1, v2;
	_ =	sdelay $0x1  }
0x11d: {  	v0 =	vadd.f32 v0, v1  }
0x11e: {  	v1 =	vld [tilespmem:s30+$0x2920]  }
0x11f: {  	v0 =	vmax.f32 v0, $0.0e+00;
	v2 =	vld [tilespmem:s30+$0x120]  }
0x120: {  	[tilespmem:s30+$0x110] =	vst v0  }
0x121: {  	v0 =	vld [tilespmem:$0x5120];
	_ =	sdelay $0x2  }
0x122: {  	v1 =	vadd.f32 v1, v2;
	_ =	sdelay $0x1  }
0x123: {  	v0 =	vadd.f32 v0, v1  }
0x124: {  	v1 =	vld [tilespmem:s30+$0x2930]  }
0x125: {  	v0 =	vmax.f32 v0, $0.0e+00;
	v2 =	vld [tilespmem:s30+$0x130]  }
0x126: {  	[tilespmem:s30+$0x120] =	vst v0  }
0x127: {  	v0 =	vld [tilespmem:$0x5130];
	_ =	sdelay $0x2  }
0x128: {  	v1 =	vadd.f32 v1, v2;
	_ =	sdelay $0x1  }
0x129: {  	v0 =	vadd.f32 v0, v1  }
0x12a: {  	v1 =	vld [tilespmem:s30+$0x2940]  }
0x12b: {  	v0 =	vmax.f32 v0, $0.0e+00;
	v2 =	vld [tilespmem:s30+$0x140]  }
0x12c: {  	[tilespmem:s30+$0x130] =	vst v0  }
0x12d: {  	v0 =	vld [tilespmem:$0x5140];
	_ =	sdelay $0x2  }
0x12e: {  	v1 =	vadd.f32 v1, v2;
	_ =	sdelay $0x1  }
0x12f: {  	v0 =	vadd.f32 v0, v1  }
0x130: {  	v1 =	vld [tilespmem:s30+$0x2950]  }
0x131: {  	v0 =	vmax.f32 v0, $0.0e+00;
	v2 =	vld [tilespmem:s30+$0x150]  }
0x132: {  	[tilespmem:s30+$0x140] =	vst v0  }
0x133: {  	v0 =	vld [tilespmem:$0x5150];
	_ =	sdelay $0x2  }
0x134: {  	v1 =	vadd.f32 v1, v2;
	_ =	sdelay $0x1  }
0x135: {  	v0 =	vadd.f32 v0, v1  }
0x136: {  	v1 =	vld [tilespmem:s30+$0x2960]  }
0x137: {  	v0 =	vmax.f32 v0, $0.0e+00;
	v2 =	vld [tilespmem:s30+$0x160]  }
0x138: {  	[tilespmem:s30+$0x150] =	vst v0  }
0x139: {  	v0 =	vld [tilespmem:$0x5160];
	_ =	sdelay $0x2  }
0x13a: {  	v1 =	vadd.f32 v1, v2;
	_ =	sdelay $0x1  }
0x13b: {  	v0 =	vadd.f32 v0, v1  }
0x13c: {  	v1 =	vld [tilespmem:s30+$0x2970]  }
0x13d: {  	v0 =	vmax.f32 v0, $0.0e+00;
	v2 =	vld [tilespmem:s30+$0x170]  }
0x13e: {  	[tilespmem:s30+$0x160] =	vst v0  }
0x13f: {  	v0 =	vld [tilespmem:$0x5170];
	_ =	sdelay $0x1  }
.Ltmp2:
0x140: {  	(pc) =	sbr.rel @p1 .LBB2_7-.Ltmp2, $3  }
0x141: {  	v1 =	vadd.f32 v1, v2;
	_ =	sdelay $0x1  }
0x142: {  	s0 =	sshra.s32 s31, $0x2;
	v1 =	vadd.f32 v0, v1  }
0x143: {  	s31 =	sadd.s32 $0x200, s31;
	v0 =	vld [tilespmem:s0+$0x2900]  }
0x144: {  	v2 =	vld [tilespmem:s0+$0x100];
	v1 =	vmax.f32 v1, $0.0e+00  }
0x145: {  	[tilespmem:s30+$0x170] =	vst v1  }
0x146: {  	v1 =	vld [tilespmem:$0x5100];
	_ =	sdelay $0x2  }
0x147: {  	v0 =	vadd.f32 v0, v2;
	_ =	sdelay $0x1  }
0x148: {  	v0 =	vadd.f32 v1, v0  }
0x149: {  	v50 =	vld [tilespmem:s0+$0x2910]  }
0x14a: {  	v51 =	vld [tilespmem:s0+$0x110];
	v0 =	vmax.f32 v0, $0.0e+00  }
0x14b: {  	[tilespmem:s0+$0x100] =	vst v0  }
0x14c: {  	v0 =	vld [tilespmem:$0x5110];
	_ =	sdelay $0x2  }
0x14d: {  	v1 =	vadd.f32 v50, v51;
	_ =	sdelay $0x1  }
0x14e: {  	v0 =	vadd.f32 v0, v1  }
0x14f: {  	v52 =	vld [tilespmem:s0+$0x2920]  }
0x150: {  	v53 =	vld [tilespmem:s0+$0x120];
	v0 =	vmax.f32 v0, $0.0e+00  }
0x151: {  	[tilespmem:s0+$0x110] =	vst v0  }
0x152: {  	v0 =	vld [tilespmem:$0x5120];
	_ =	sdelay $0x2  }
0x153: {  	v1 =	vadd.f32 v52, v53;
	_ =	sdelay $0x1  }
0x154: {  	v0 =	vadd.f32 v0, v1  }
0x155: {  	v54 =	vld [tilespmem:s0+$0x2930]  }
0x156: {  	v55 =	vld [tilespmem:s0+$0x130];
	v0 =	vmax.f32 v0, $0.0e+00  }
0x157: {  	[tilespmem:s0+$0x120] =	vst v0  }
0x158: {  	v0 =	vld [tilespmem:$0x5130];
	_ =	sdelay $0x2  }
0x159: {  	v1 =	vadd.f32 v54, v55;
	_ =	sdelay $0x1  }
0x15a: {  	v0 =	vadd.f32 v0, v1  }
0x15b: {  	v56 =	vld [tilespmem:s0+$0x2940]  }
0x15c: {  	v57 =	vld [tilespmem:s0+$0x140];
	v0 =	vmax.f32 v0, $0.0e+00  }
0x15d: {  	[tilespmem:s0+$0x130] =	vst v0  }
0x15e: {  	v0 =	vld [tilespmem:$0x5140];
	_ =	sdelay $0x2  }
0x15f: {  	v1 =	vadd.f32 v56, v57;
	_ =	sdelay $0x1  }
0x160: {  	v0 =	vadd.f32 v0, v1  }
0x161: {  	v58 =	vld [tilespmem:s0+$0x2950]  }
0x162: {  	v59 =	vld [tilespmem:s0+$0x150];
	v0 =	vmax.f32 v0, $0.0e+00  }
0x163: {  	[tilespmem:s0+$0x140] =	vst v0  }
0x164: {  	v0 =	vld [tilespmem:$0x5150];
	_ =	sdelay $0x2  }
0x165: {  	v1 =	vadd.f32 v58, v59;
	_ =	sdelay $0x1  }
0x166: {  	v0 =	vadd.f32 v0, v1  }
0x167: {  	v60 =	vld [tilespmem:s0+$0x2960]  }
0x168: {  	v61 =	vld [tilespmem:s0+$0x160];
	v0 =	vmax.f32 v0, $0.0e+00  }
0x169: {  	[tilespmem:s0+$0x150] =	vst v0  }
0x16a: {  	v0 =	vld [tilespmem:$0x5160];
	_ =	sdelay $0x2  }
0x16b: {  	v1 =	vadd.f32 v60, v61;
	_ =	sdelay $0x1  }
0x16c: {  	v0 =	vadd.f32 v0, v1  }
0x16d: {  	v62 =	vld [tilespmem:s0+$0x2970]  }
0x16e: {  	v63 =	vld [tilespmem:s0+$0x170];
	v0 =	vmax.f32 v0, $0.0e+00  }
0x16f: {  	[tilespmem:s0+$0x160] =	vst v0  }
0x170: {  	v0 =	vld [tilespmem:$0x5170];
	_ =	sdelay $0x2  }
0x171: {  	v1 =	vadd.f32 v62, v63;
	_ =	sdelay $0x1  }
0x172: {  	v0 =	vadd.f32 v0, v1  }
0x173: {  	s29 =	sadd.s32 $0x1, s29  }
0x174: {  	p1 =	sne.s32 s29, $0xD;
	v0 =	vmax.f32 v0, $0.0e+00  }
.Ltmp3:
0x175: {  	[tilespmem:s0+$0x170] =	vst v0;
	(pc) =	sbr.rel @p1 .LBB2_6-.Ltmp3, $4  }
0x176: {  	[spmem:s3] =	stream.indirect.scatter.add.f32 [tilespmem:s22], [sflag:$0x3], $0x80, s19, s21, $0xb8;
	[tilespmem:$0x18A40] =	vst v63  }
0x177: {  	_ =	swait.ge [sflag:s18], $0x2800  }
0x178: {  	[sflag:s18] =	ssyncset.done $0x0  }
0x179: {  	[sflag:s18] =	ssyncadd.s32 $0xFFFFD800  }
0x17a: {  	[bflag:$0x0] =	sbarrier.arrive $0xFFFF;
	s0 =	sadd.s32 @p0 $0x25080, s12;
	s28 =	simm.s32 @p0 $0x1FC3  }
0x17b: {  	[hbm:s0], [sflag:s28] =	dma.local @p0 [spmem:s14], $0x2080  }
0x17c: {  	s0 =	simm.s32 @p0 $0x3  }
0x17d: {  	s26 =	sadd.s32 $0x1, s26;
	_ =	swait.ge @p0 [sflag:s0], $0x2080  }
0x17e: {  	p1 =	sne.s32 s26, s13;
	[sflag:s0] =	ssyncset.done @p0 $0x0  }
.Ltmp4:
0x17f: {  	[sflag:s0] =	ssyncadd.s32 @p0 $0xFFFFDF80;
	s0 =	simm.s32 @!p0 $0x3;
	(pc) =	sbr.rel @p1 .LBB2_1-.Ltmp4, $4  }
0x180: {  	[hbm:s25], [sflag:s15] =	dma.local @!p0 [spmem:s16], $0x2780  }
0x181: {  	_ =	swait.ge @!p0 [sflag:s0], $0x2780  }
0x182: {  	[sflag:s0] =	ssyncset.done @!p0 $0x0  }
0x183: {  	[sflag:s0] =	ssyncadd.s32 @!p0 $0xFFFFD880  }
0x184: {  	_ =	sfence.sel $0x180000  }
0x185: {  	[bflag:$0x0] =	sbarrier.arrive $0xFFFF  }
0x186: {  	_ =	strace $0x90000050  }
0x187: {  	[bflag:$0x2] =	sbarrier.arrive $0xFFFF  }
0x188: {  	p0 =	sne.s32 s7, $0x0;
	s0 =	rddreg [dreg:$0x4]  }
0x189: {  	s0 =	sadd.s32 @!p0 $0x100000, s0  }
0x18a: {  	[sflag:s0] =	ssyncadd.tile.s32 @!p0 $0x1;
	_ =	shalt  }
.Lfunc_end2:
_tile_overlayer_lowered:
.L_overlay_start_2:
0x18b: {  	(tag) =	ssettag $0x2  }
0x18c: {  	s0 =	rddreg [dreg:$0x0];
	s2 =	stileid.u32  }
0x18d: {  	s1 =	rddreg [dreg:$0x1];
	p0 =	sne.s32 s2, $0x0  }
0x18e: {  	s3 =	rddreg [dreg:$0x2];
	[bflag:$0x3] =	sbarrier.arrive $0xFFFF;
	s2 =	simm.s32 @!p0 $0x1C03  }
0x18f: {  	[timem:s3], [sflag:s2] =	dma.local @!p0 [hbm:s0], s1  }
0x190: {  	s0 =	simm.s32 @!p0 $0x3  }
0x191: {  	_ =	swait.ge @!p0 [sflag:s0], s1  }
0x192: {  	s1 =	ssub.s32 @!p0 $0x0, s1;
	[sflag:s0] =	ssyncset.done @!p0 $0x0  }
0x193: {  	[sflag:s0] =	ssyncadd.s32 @!p0 s1  }
0x194: {  	[bflag:$0x3] =	sbarrier.arrive $0xFFFF  }
0x195: {  	_ =	shalt  }

// kernel: kernel.13.cloned.1.call-start
scs
__scs_entry_jumppad:
0x0: {  	(pc) =	sbr.rel $0x88, $3  }
0x1: {  	(tag) =	ssettag $0x0;
	lr =	simm.s32 $0x1  }
0x2: {  	[smem:$0x3F85] =	sst lr;
	_ =	strace $0xD0000000  }
0x3: {  	_ = 	snop  }
0x4: {  	_ = 	snop  }
0x5: {  	_ = 	snop  }
0x6: {  	_ = 	snop  }
0x7: {  	_ = 	snop  }
__scs_overlays_trampoline_lowered:
0x8: {  	[smem:$0x3F94] =	sst s0  }
0x9: {  	[smem:$0x3F95] =	sst s1  }
0xa: {  	[smem:$0x3F96] =	sst s2  }
0xb: {  	[smem:$0x3F97] =	sst s3  }
0xc: {  	[smem:$0x3F98] =	sst s4  }
0xd: {  	[smem:$0x3F99] =	sst s5  }
0xe: {  	[smem:$0x3F9A] =	sst s6  }
0xf: {  	[smem:$0x3F9B] =	sst s7  }
0x10: {  	[smem:$0x3F9C] =	sst s8  }
0x11: {  	[smem:$0x3F9D] =	sst s9;
	s0 =	simm.s32 @!p0 $0x0  }
0x12: {  	s1 =	sld [smem:$0x3F83];
	s0 =	simm.s32 @p0 $0x1  }
0x13: {  	[smem:$0x3F9E] =	sst s0;
	s0 =	simm.s32 @!p1 $0x0  }
0x14: {  	s2 =	sld [smem:$0x3F82];
	s0 =	simm.s32 @p1 $0x1  }
0x15: {  	[smem:$0x3F9F] =	sst s0;
	s0 =	simm.s32 @!p2 $0x0  }
0x16: {  	s3 =	sld [smem:$0x3FDB];
	s0 =	simm.s32 @p2 $0x1  }
0x17: {  	s4 =	simm.s32 $0x1BF5;
	[smem:$0x3FA1] =	sst s0  }
0x18: {  	s0 =	sld [smem:$0x3F84];
	_ =	swait.ge [sflag:s4], $0x0  }
0x19: {  	s7 =	sld [smem:$0x3F85]  }
0x1a: {  	s8 =	sadd.s32 $0xFFFFE003, lr  }
0x1b: {  	s9 =	sadd.s32 $0xFFFFFEF7, lr;
	s5 =	simm.s32 $0xFFFFFFFF;
	p2 =	slt.u32 s8, $0xFFFFF086  }
0x1c: {  	p1 =	slt.u32 s9, $0xF7A;
	s5 =	simm.s32 @!p2 $0x0  }
0x1d: {  	s5 =	simm.s32 @p1 $0x1;
	p0 =	seq.s32 s7, s2  }
0x1e: {  	s7 =	smul.u32 @!p0 $0xF7A, s2;
	p2 =	seq.s32 @!p0 s5, $0x0  }
0x1f: {  	s9 =	smul.u32 $0xF7A, s1;
	s8 =	simm.s32 @!p0 $0x1BF5;
	p2 =	por !p2, p0  }
0x20: {  	[sflag:s8] =	ssyncset.s32 @!p0 $0xFFFFF086;
	s6 =	sadd.s32 @!p0 s3, s7;
	s7 =	simm.s32 @!p0 $0x108  }
0x21: {  	s3 =	sadd.s32 s3, s9;
	s6 =	sadd.s32 @!p0 $0x88, s6;
	s7 =	simm.s32 @p2 $0x1082  }
0x22: {  	[simem:s7], [sflag:s8] =	dma.local @!p0 [hbm:s6], $0xF7A  }
0x23: {  	s9 =	sor.u32 $0xD0000000, s2;
	s6 =	simm.s32 $0x108;
	_ =	swait.ge @!p0 [sflag:s8], $0x0  }
0x24: {  	s3 =	sadd.s32 $0x88, s3;
	s6 =	simm.s32 @!p1 $0x1082;
	[sflag:s4] =	ssyncset.s32 $0xFFFFF086  }
0x25: {  	[simem:s6], [sflag:s4] =	dma.local [hbm:s3], $0xF7A  }
0x26: {  	[smem:$0x3F85] =	sst s1;
	(tag) =	ssettag s2;
	_ =	strace s9  }
0x27: {  	s1 =	sld [smem:$0x3F95]  }
0x28: {  	s2 =	sld [smem:$0x3F96]  }
0x29: {  	s4 =	sld [smem:$0x3F98]  }
0x2a: {  	p0 =	seq.s32 s5, $0x0;
	s5 =	sld [smem:$0x3F99]  }
0x2b: {  	s6 =	sld [smem:$0x3F9A]  }
0x2c: {  	s7 =	sld [smem:$0x3F9B]  }
0x2d: {  	s3 =	simm.s32 $0x108;
	s8 =	sld [smem:$0x3F9C]  }
0x2e: {  	s3 =	simm.s32 @!p0 $0x1082;
	s9 =	sld [smem:$0x3F9D]  }
0x2f: {  	lr =	sadd.s32 s0, s3;
	s0 =	sld [smem:$0x3F94]  }
0x30: {  	s3 =	sld [smem:$0x3F97]  }
0x31: {  	[smem:$0x3FA0] =	sst s10  }
0x32: {  	s10 =	sld [smem:$0x3F9E];
	_ =	sdelay $0x3  }
0x33: {  	p0 =	seq.s32 s10, $0x1;
	s10 =	sld [smem:$0x3FA0];
	_ =	sdelay $0x3  }
0x34: {  	[smem:$0x3FA0] =	sst s10  }
0x35: {  	s10 =	sld [smem:$0x3F9F];
	_ =	sdelay $0x3  }
0x36: {  	p1 =	seq.s32 s10, $0x1;
	s10 =	sld [smem:$0x3FA0];
	_ =	sdelay $0x3  }
0x37: {  	[smem:$0x3FA0] =	sst s10  }
0x38: {  	s10 =	sld [smem:$0x3FA1]  }
0x39: {  	_ = 	snop;
	(pc) =	sbr.ind lr, $3  }
0x3a: {  	_ = 	snop  }
0x3b: {  	_ = 	snop  }
0x3c: {  	p2 =	seq.s32 s10, $0x1;
	s10 =	sld [smem:$0x3FA0]  }
0x3d: {  	_ =	shalt  }
0x3e: {  	_ =	shalt  }
0x3f: {  	_ =	shalt  }
0x40: {  	_ =	shalt  }
0x41: {  	_ =	shalt  }
0x42: {  	_ =	shalt  }
0x43: {  	_ =	shalt  }
0x44: {  	_ =	shalt  }
0x45: {  	_ =	shalt  }
0x46: {  	_ =	shalt  }
0x47: {  	_ =	shalt  }
0x48: {  	_ =	shalt  }
0x49: {  	_ =	shalt  }
0x4a: {  	_ =	shalt  }
0x4b: {  	_ =	shalt  }
0x4c: {  	_ =	shalt  }
0x4d: {  	_ =	shalt  }
0x4e: {  	_ =	shalt  }
0x4f: {  	_ =	shalt  }
0x50: {  	_ =	shalt  }
0x51: {  	_ =	shalt  }
0x52: {  	_ =	shalt  }
0x53: {  	_ =	shalt  }
0x54: {  	_ =	shalt  }
0x55: {  	_ =	shalt  }
0x56: {  	_ =	shalt  }
0x57: {  	_ =	shalt  }
0x58: {  	_ =	shalt  }
0x59: {  	_ =	shalt  }
0x5a: {  	_ =	shalt  }
0x5b: {  	_ =	shalt  }
0x5c: {  	_ =	shalt  }
0x5d: {  	_ =	shalt  }
0x5e: {  	_ =	shalt  }
0x5f: {  	_ =	shalt  }
0x60: {  	_ =	shalt  }
0x61: {  	_ =	shalt  }
0x62: {  	_ =	shalt  }
0x63: {  	_ =	shalt  }
0x64: {  	_ =	shalt  }
0x65: {  	_ =	shalt  }
0x66: {  	_ =	shalt  }
0x67: {  	_ =	shalt  }
0x68: {  	_ =	shalt  }
0x69: {  	_ =	shalt  }
0x6a: {  	_ =	shalt  }
0x6b: {  	_ =	shalt  }
0x6c: {  	_ =	shalt  }
0x6d: {  	_ =	shalt  }
0x6e: {  	_ =	shalt  }
0x6f: {  	_ =	shalt  }
0x70: {  	_ =	shalt  }
0x71: {  	_ =	shalt  }
0x72: {  	_ =	shalt  }
0x73: {  	_ =	shalt  }
0x74: {  	_ =	shalt  }
0x75: {  	_ =	shalt  }
0x76: {  	_ =	shalt  }
0x77: {  	_ =	shalt  }
0x78: {  	_ =	shalt  }
0x79: {  	_ =	shalt  }
0x7a: {  	_ =	shalt  }
0x7b: {  	_ =	shalt  }
0x7c: {  	_ =	shalt  }
0x7d: {  	_ =	shalt  }
0x7e: {  	_ =	shalt  }
0x7f: {  	_ =	shalt  }
0x80: {  	_ =	shalt  }
0x81: {  	_ =	shalt  }
0x82: {  	_ =	shalt  }
0x83: {  	_ =	shalt  }
0x84: {  	_ =	shalt  }
0x85: {  	_ =	shalt  }
0x86: {  	_ =	shalt  }
0x87: {  	_ =	shalt  }
.Lfunc_end0:
.L_simem_size_0:
called_computation.4_lowered:
.L_overlay_start_0:
0x88: {  	s2 =	sld [smem:$0x3FD9]  }
0x89: {  	s3 =	sld [smem:$0x3FFE];
	_ =	sdelay $0x1  }
0x8a: {  	s1 =	srdreg.scid  }
0x8b: {  	s0 =	sand.u32 $0x1, s1  }
0x8c: {  	s17 =	sshll.u32 s0, $0xA;
	s2 =	sadd.s32 s3, s2  }
0x8d: {  	s2 =	sadd.s32 s2, s17  }
0x8e: {  	[smem:$0x3FAC] =	sst s2  }
0x8f: {  	_ = 	snop  }
0x90: {  	s2 =	sld [smem:$0x3FBE];
	(tm) =	ssettm $0x1  }
0x91: {  	s18 =	sld [smem:$0x3FFB];
	_ =	sdelay $0x3  }
0x92: {  	_ =	strace s18  }
0x93: {  	s3 =	sld [smem:$0x3FFC];
	_ =	sdelay $0x3  }
0x94: {  	_ =	strace s3  }
0x95: {  	s3 =	sld [smem:$0x3FFD];
	_ =	sdelay $0x3  }
0x96: {  	_ =	strace s3  }
0x97: {  	_ =	strace $0x8FFFFFFF  }
0x98: {  	s19 =	sld [smem:$0x3FDB];
	_ =	sdelay $0x1  }
0x99: {  	s4 =	simm.s32 $_scs_section_size  }
0x9a: {  	s5 =	simm.s32 $_size__tile_overlayer_lowered;
	s6 =	simm.s32 $_tile_overlayer_lowered  }
0x9b: {  	s22 =	simm.s32 $0x1BFF;
	s21 =	sshll.u32 s6, $0x1;
	s3 =	sadd.s32 s4, s19  }
0x9c: {  	s7 =	simm.s32 $0x0;
	s20 =	sshll.u32 s5, $0x1;
	s5 =	sadd.s32 s21, s3  }
0x9d: {  	[timem:s7], [sflag:s22] =	dma.local [hbm:s5], s20  }
0x9e: {  	_ =	swait.ge [sflag:s22], s20  }
0x9f: {  	s4 =	ssub.s32 $0x0, s20;
	[sflag:s22] =	ssyncset.done $0x0  }
0xa0: {  	[sflag:s22] =	ssyncadd.s32 s4;
	_ =	sdelay $0x1  }
0xa1: {  	s23 =	simm.s32 $0x1B8B  }
0xa2: {  	_ =	swait.ge [sflag:s23], $0x1  }
0xa3: {  	[sflag:s23] =	ssyncset.done $0x0  }
0xa4: {  	s25 =	simm.s32 $0x1B8E;
	s24 =	sld [smem:$0x3FFE];
	[sflag:s23] =	ssyncadd.s32 $0xFFFFFFFF  }
0xa5: {  	s26 =	simm.s32 $execute0_lowered;
	[smem:$0x3FD2] =	sst s25  }
0xa6: {  	s5 =	sshll.u32 s26, $0x1;
	_ =	strace $0x80000052;
	[dreg:$0x1] =	wrdreg $0xFFFFFFFF  }
0xa7: {  	s28 =	simm.s32 $_size_execute0_lowered;
	s3 =	sadd.s32 s3, s5;
	[dreg:$0x0] =	wrdreg $0x0  }
0xa8: {  	s5 =	sshll.u32 s28, $0x1;
	[dreg:$0x2] =	wrdreg s3  }
0xa9: {  	[dreg:$0x3] =	wrdreg s5  }
0xaa: {  	[dreg:$0x4] =	wrdreg $0xC0  }
0xab: {  	_ =	task [dreg:s7], $0x5FFFF  }
0xac: {  	[dreg:$0x1] =	wrdreg $0xFFFFFFFF  }
0xad: {  	[dreg:$0x0] =	wrdreg $0x60  }
0xae: {  	[dreg:$0x2] =	wrdreg s24  }
0xaf: {  	[dreg:$0x3] =	wrdreg s2  }
0xb0: {  	[dreg:$0x4] =	wrdreg $0x51800  }
0xb1: {  	[dreg:$0x5] =	wrdreg $0x9  }
0xb2: {  	_ =	task.clear_ibuf [dreg:s7], $0x6FFFF;
	_ =	strace $0x90000052  }
0xb3: {  	s29 =	simm.s32 $0x9;
	_ =	strace $0x80000054  }
0xb4: {  	_ =	swait.ge [sflag:s29], $0x1  }
0xb5: {  	[sflag:s29] =	ssyncadd.s32 $0xFFFFFFFF  }
0xb6: {  	_ =	strace $0x90000054  }
0xb7: {  	_ =	sfence  }
0xb8: {  	s30 =	sld [smem:$0x0];
	_ =	sdelay $0x2  }
0xb9: {  	s31 =	sshll.u32 s1, $0xD;
	s1 =	sshrl.u32 s1, $0x2  }
0xba: {  	s3 =	sand.u32 $0x4000, s31;
	s1 =	sadd.s32 s1, s30  }
0xbb: {  	s0 =	sor.u32 s3, s0;
	s1 =	sshll.u32 s1, $0x11  }
0xbc: {  	s0 =	sor.u32 s1, s0  }
0xbd: {  	s0 =	sadd.s32 $0x8F2B, s0  }
0xbe: {  	[sflag:s0] =	ssyncadd.remote.s32 $0x1  }
0xbf: {  	_ =	sfence.sel $0xFFFF  }
0xc0: {  	[dreg:$0x0] =	wrdreg $0xFFFFFFFF;
	(pc) =	sbr.abs _section_cstart, $3  }
0xc1: {  	[dreg:$0x1] =	wrdreg $0xFFFFFFFF  }
0xc2: {  	_ =	task.clear_ibuf [dreg:s7], $0x2FFFF;
	_ =	strace $0x9FFFFFFF  }
0xc3: {  	(tm) =	ssettm $0x7FFFFFFF  }
tec
execute0_lowered:
.L_overlay_start_1:
0x0: {  	(tag) =	ssettag $0x1  }
0x1: {  	s0 =	rddreg [dreg:$0x0]  }
0x2: {  	s1 =	rddreg [dreg:$0x1]  }
0x3: {  	s2 =	rddreg [dreg:$0x2]  }
0x4: {  	s3 =	simm.s32 $0x0;
	s7 =	srdreg.scid;
	s17 =	simm.s32 $0x5100  }
0x5: {  	s18 =	simm.s32 $0x3;
	s19 =	simm.s32 $0x80;
	s20 =	simm.s32 $0x2900  }
0x6: {  	s21 =	simm.s32 $0x50;
	s22 =	simm.s32 $0x100;
	s23 =	simm.s32 $0x1  }
0x7: {  	s24 =	simm.s32 $0x2;
	s26 =	simm.s32 $0x0;
	[smem:$0x7FF] =	sst s3  }
0x8: {  	s4 =	sadd.s32 $0x36000, s0;
	s5 =	sadd.s32 $0x1450C00, s0;
	s6 =	sadd.s32 $0x2C200, s0  }
0x9: {  	s8 =	sadd.s32 $0x22400, s0;
	s11 =	sand.u32 $0x1, s7;
	s9 =	sadd.s32 $0xE800, s0  }
0xa: {  	s7 =	stileid.u32;
	s10 =	sadd.s32 $0x4A00, s0;
	s12 =	smul.u32 $0x27100, s11  }
0xb: {  	_ =	strace $0x80000053;
	s13 =	ssub.s32 $0x2, s11;
	s14 =	smul.u32 $0x4F000, s7  }
0xc: {  	s11 =	sshll.u32 s11, $0x4;
	p0 =	seq.s32 s7, $0xF;
	s30 =	sshrl.u32 s13, $0x1  }
0xd: {  	s11 =	sor.u32 s7, s11;
	s15 =	sshll.u32 @!p0 s7, $0x6;
	s0 =	sadd.s32 s12, s0  }
0xe: {  	s13 =	ssub.s32 s13, s30;
	s31 =	sshrl.u32 s14, $0x2;
	s11 =	smul.u32 $0x2710, s11  }
0xf: {  	s14 =	sadd.s32 $0x128400, s2;
	s12 =	sadd.s32 $0x5D200, s0;
	s0 =	smul.u32 $0x2780, s7  }
0x10: {  	s15 =	sor.u32 @!p0 $0x1C03, s15;
	s16 =	sadd.s32 s31, s2;
	s13 =	smax.u32 s13, $0x1  }
0x11: {  	s14 =	sshrl.u32 @p0 s14, $0x3;
	s16 =	sshrl.u32 @!p0 s16, $0x3;
	s25 =	sadd.s32 @!p0 s0, s12  }
.LBB2_1:
0x12: {  	s0 =	simm.s32 @p0 $0x1FC3  }
0x13: {  	[spmem:s14], [sflag:s0] =	dma.local @p0 [hbm:s10], $0x2100  }
0x14: {  	s0 =	simm.s32 @p0 $0x3  }
0x15: {  	_ =	swait.ge @p0 [sflag:s0], $0x2100  }
0x16: {  	[sflag:s0] =	ssyncset.done @p0 $0x0  }
0x17: {  	[sflag:s0] =	ssyncadd.s32 @p0 $0xFFFFDF00;
	s0 =	simm.s32 @!p0 $0x3  }
0x18: {  	[spmem:s16], [sflag:s15] =	dma.local @!p0 [hbm:s10], $0x2780  }
0x19: {  	_ =	swait.ge @!p0 [sflag:s0], $0x2780  }
0x1a: {  	[sflag:s0] =	ssyncset.done @!p0 $0x0  }
0x1b: {  	[sflag:s0] =	ssyncadd.s32 @!p0 $0xFFFFD880  }
0x1c: {  	[tilespmem:s17], [sflag:$0x3] =	stream.linear.gather [hbm4b:s1+s3], $0x80, $0x38;
	[tilespmem:$0x18A40] =	vst v63  }
0x1d: {  	_ =	swait.ge [sflag:s18], $0x80  }
0x1e: {  	[sflag:s18] =	ssyncset.done $0x0  }
0x1f: {  	[sflag:s18] =	ssyncadd.s32 $0xFFFFFF80  }
0x20: {  	s28 =	simm.s32 $0x0;
	[bflag:$0x0] =	sbarrier.arrive $0xFFFF  }
.LBB2_2:
0x21: {  	s0 =	smul.u32 $0x50, s28;
	_ =	sdelay $0x1  }
0x22: {  	s0 =	sadd.s32 s11, s0  }
0x23: {  	s29 =	sshrl.u32 s0, $0x3  }
0x24: {  	s31 =	simm.s32 $0x0;
	s30 =	sadd.s32 s8, s29  }
0x25: {  	[tilespmem:s19], [sflag:$0x3] =	stream.linear.gather [hbm4b:s30+s31], $0x50, $0x38;
	[tilespmem:$0x18A40] =	vst v63  }
0x26: {  	_ =	swait.ge [sflag:s18], $0x50  }
0x27: {  	[sflag:s18] =	ssyncset.done $0x0  }
0x28: {  	s29 =	sadd.s32 s6, s29;
	[sflag:s18] =	ssyncadd.s32 $0xFFFFFFB0  }
0x29: {  	[tilespmem:s31], [sflag:$0x3] =	stream.linear.gather [hbm4b:s29+s31], $0x50, $0x38;
	[tilespmem:$0x18A40] =	vst v63  }
0x2a: {  	_ =	swait.ge [sflag:s18], $0x50  }
0x2b: {  	s0 =	sshll.u32 s0, $0x4;
	[sflag:s18] =	ssyncset.done $0x0  }
0x2c: {  	s0 =	sadd.s32 s5, s0;
	[sflag:s18] =	ssyncadd.s32 $0xFFFFFFB0  }
0x2d: {  	[tilespmem:s20], [sflag:$0x2] =	stream.linear.gather [hbm4b:s0+s31], $0x2800, $0x38;
	[tilespmem:$0x18A40] =	vst v63  }
0x2e: {  	_ = 	snop  }
0x2f: {  	[tilespmem:s22], [sflag:$0x1] =	stream.indirect.gather [hbm4b:s4+s21], $0x80, s31, s21, $0xb8;
	[tilespmem:$0x18A40] =	vst v63  }
0x30: {  	_ =	swait.ge [sflag:s23], $0x2800  }
0x31: {  	[sflag:s23] =	ssyncset.done $0x0  }
0x32: {  	[sflag:s23] =	ssyncadd.s32 $0xFFFFD800  }
0x33: {  	_ =	swait.ge [sflag:s24], $0x2800  }
0x34: {  	[sflag:s24] =	ssyncset.done $0x0  }
0x35: {  	s29 =	simm.s32 $0x0;
	[sflag:s24] =	ssyncadd.s32 $0xFFFFD800  }
0x36: {  	v0 =	vld [tilespmem:s29+$0x2900]  }
0x37: {  	v1 =	vld [tilespmem:s29+$0x100];
	_ =	sdelay $0x1  }
0x38: {  	v2 =	vld [tilespmem:$0x5100];
	_ =	sdelay $0x2  }
0x39: {  	v0 =	vadd.f32 v0, v1;
	_ =	sdelay $0x1  }
0x3a: {  	v0 =	vadd.f32 v2, v0  }
0x3b: {  	v1 =	vld [tilespmem:s29+$0x2910]  }
0x3c: {  	v2 =	vld [tilespmem:s29+$0x110];
	v0 =	vmax.f32 v0, $0.0e+00  }
0x3d: {  	[tilespmem:s29+$0x100] =	vst v0  }
0x3e: {  	v0 =	vld [tilespmem:$0x5110];
	_ =	sdelay $0x2  }
0x3f: {  	v1 =	vadd.f32 v1, v2;
	_ =	sdelay $0x1  }
0x40: {  	v0 =	vadd.f32 v0, v1  }
0x41: {  	v2 =	vld [tilespmem:s29+$0x120]  }
0x42: {  	v1 =	vld [tilespmem:s29+$0x2920];
	v0 =	vmax.f32 v0, $0.0e+00  }
0x43: {  	[tilespmem:s29+$0x110] =	vst v0  }
0x44: {  	v0 =	vld [tilespmem:$0x5120];
	_ =	sdelay $0x2  }
0x45: {  	v1 =	vadd.f32 v1, v2;
	_ =	sdelay $0x1  }
0x46: {  	v0 =	vadd.f32 v0, v1  }
0x47: {  	v2 =	vld [tilespmem:s29+$0x130]  }
0x48: {  	v1 =	vld [tilespmem:s29+$0x2930];
	v0 =	vmax.f32 v0, $0.0e+00  }
0x49: {  	[tilespmem:s29+$0x120] =	vst v0  }
0x4a: {  	v0 =	vld [tilespmem:$0x5130];
	_ =	sdelay $0x2  }
0x4b: {  	v1 =	vadd.f32 v1, v2;
	_ =	sdelay $0x1  }
0x4c: {  	v0 =	vadd.f32 v0, v1  }
0x4d: {  	v2 =	vld [tilespmem:s29+$0x140]  }
0x4e: {  	v1 =	vld [tilespmem:s29+$0x2940];
	v0 =	vmax.f32 v0, $0.0e+00  }
0x4f: {  	[tilespmem:s29+$0x130] =	vst v0  }
0x50: {  	v0 =	vld [tilespmem:$0x5140];
	_ =	sdelay $0x2  }
0x51: {  	v1 =	vadd.f32 v1, v2;
	_ =	sdelay $0x1  }
0x52: {  	v0 =	vadd.f32 v0, v1  }
0x53: {  	v2 =	vld [tilespmem:s29+$0x150]  }
0x54: {  	v1 =	vld [tilespmem:s29+$0x2950];
	v0 =	vmax.f32 v0, $0.0e+00  }
0x55: {  	[tilespmem:s29+$0x140] =	vst v0  }
0x56: {  	v0 =	vld [tilespmem:$0x5150];
	_ =	sdelay $0x2  }
0x57: {  	v1 =	vadd.f32 v1, v2;
	_ =	sdelay $0x1  }
0x58: {  	v0 =	vadd.f32 v0, v1  }
0x59: {  	v2 =	vld [tilespmem:s29+$0x160]  }
0x5a: {  	v1 =	vld [tilespmem:s29+$0x2960];
	v0 =	vmax.f32 v0, $0.0e+00  }
0x5b: {  	[tilespmem:s29+$0x150] =	vst v0  }
0x5c: {  	v0 =	vld [tilespmem:$0x5160];
	_ =	sdelay $0x2  }
0x5d: {  	v1 =	vadd.f32 v1, v2;
	_ =	sdelay $0x1  }
0x5e: {  	v0 =	vadd.f32 v0, v1  }
0x5f: {  	v2 =	vld [tilespmem:s29+$0x170]  }
0x60: {  	v1 =	vld [tilespmem:s29+$0x2970];
	v0 =	vmax.f32 v0, $0.0e+00  }
0x61: {  	[tilespmem:s29+$0x160] =	vst v0  }
0x62: {  	v0 =	vld [tilespmem:$0x5170];
	_ =	sdelay $0x2  }
0x63: {  	v1 =	vadd.f32 v1, v2;
	_ =	sdelay $0x1  }
0x64: {  	s31 =	simm.s32 $0x80;
	v1 =	vadd.f32 v0, v1  }
0x65: {  	s30 =	simm.s32 $0x400;
	v0 =	vld [tilespmem:s31+$0x2900]  }
.LBB2_3:
0x66: {  	p1 =	sne.s32 s30, $0x9E00;
	v2 =	vld [tilespmem:s31+$0x100];
	v1 =	vmax.f32 v1, $0.0e+00  }
0x67: {  	[tilespmem:s29+$0x170] =	vst v1;
	s29 =	smov.u32 s31  }
0x68: {  	v1 =	vld [tilespmem:$0x5100];
	_ =	sdelay $0x2  }
0x69: {  	v0 =	vadd.f32 v0, v2;
	_ =	sdelay $0x1  }
0x6a: {  	v0 =	vadd.f32 v1, v0  }
0x6b: {  	v1 =	vld [tilespmem:s29+$0x2910]  }
0x6c: {  	v0 =	vmax.f32 v0, $0.0e+00;
	v2 =	vld [tilespmem:s29+$0x110]  }
0x6d: {  	[tilespmem:s29+$0x100] =	vst v0  }
0x6e: {  	v0 =	vld [tilespmem:$0x5110];
	_ =	sdelay $0x2  }
0x6f: {  	v1 =	vadd.f32 v1, v2;
	_ =	sdelay $0x1  }
0x70: {  	v0 =	vadd.f32 v0, v1  }
0x71: {  	v1 =	vld [tilespmem:s29+$0x2920]  }
0x72: {  	v0 =	vmax.f32 v0, $0.0e+00;
	v2 =	vld [tilespmem:s29+$0x120]  }
0x73: {  	[tilespmem:s29+$0x110] =	vst v0  }
0x74: {  	v0 =	vld [tilespmem:$0x5120];
	_ =	sdelay $0x2  }
0x75: {  	v1 =	vadd.f32 v1, v2;
	_ =	sdelay $0x1  }
0x76: {  	v0 =	vadd.f32 v0, v1  }
0x77: {  	v1 =	vld [tilespmem:s29+$0x2930]  }
0x78: {  	v0 =	vmax.f32 v0, $0.0e+00;
	v2 =	vld [tilespmem:s29+$0x130]  }
0x79: {  	[tilespmem:s29+$0x120] =	vst v0  }
0x7a: {  	v0 =	vld [tilespmem:$0x5130];
	_ =	sdelay $0x2  }
0x7b: {  	v1 =	vadd.f32 v1, v2;
	_ =	sdelay $0x1  }
0x7c: {  	v0 =	vadd.f32 v0, v1  }
0x7d: {  	v1 =	vld [tilespmem:s29+$0x2940]  }
0x7e: {  	v0 =	vmax.f32 v0, $0.0e+00;
	v2 =	vld [tilespmem:s29+$0x140]  }
0x7f: {  	[tilespmem:s29+$0x130] =	vst v0  }
0x80: {  	v0 =	vld [tilespmem:$0x5140];
	_ =	sdelay $0x2  }
0x81: {  	v1 =	vadd.f32 v1, v2;
	_ =	sdelay $0x1  }
0x82: {  	v0 =	vadd.f32 v0, v1  }
0x83: {  	v1 =	vld [tilespmem:s29+$0x2950]  }
0x84: {  	v0 =	vmax.f32 v0, $0.0e+00;
	v2 =	vld [tilespmem:s29+$0x150]  }
0x85: {  	[tilespmem:s29+$0x140] =	vst v0  }
0x86: {  	v0 =	vld [tilespmem:$0x5150];
	_ =	sdelay $0x2  }
0x87: {  	v1 =	vadd.f32 v1, v2;
	_ =	sdelay $0x1  }
0x88: {  	v0 =	vadd.f32 v0, v1  }
0x89: {  	v1 =	vld [tilespmem:s29+$0x2960]  }
0x8a: {  	v0 =	vmax.f32 v0, $0.0e+00;
	v2 =	vld [tilespmem:s29+$0x160]  }
0x8b: {  	[tilespmem:s29+$0x150] =	vst v0  }
0x8c: {  	v0 =	vld [tilespmem:$0x5160];
	_ =	sdelay $0x2  }
0x8d: {  	v1 =	vadd.f32 v1, v2;
	_ =	sdelay $0x1  }
0x8e: {  	v0 =	vadd.f32 v0, v1  }
0x8f: {  	v1 =	vld [tilespmem:s29+$0x2970]  }
0x90: {  	v0 =	vmax.f32 v0, $0.0e+00;
	v2 =	vld [tilespmem:s29+$0x170]  }
0x91: {  	[tilespmem:s29+$0x160] =	vst v0  }
0x92: {  	v0 =	vld [tilespmem:$0x5170];
	_ =	sdelay $0x1  }
.Ltmp0:
0x93: {  	(pc) =	sbr.rel @p1 .LBB2_3-.Ltmp0, $3  }
0x94: {  	v1 =	vadd.f32 v1, v2;
	_ =	sdelay $0x1  }
0x95: {  	s31 =	sshra.s32 s30, $0x2;
	v1 =	vadd.f32 v0, v1  }
0x96: {  	s30 =	sadd.s32 $0x200, s30;
	v0 =	vld [tilespmem:s31+$0x2900]  }
0x97: {  	v2 =	vld [tilespmem:s31+$0x100];
	v1 =	vmax.f32 v1, $0.0e+00  }
0x98: {  	[tilespmem:s29+$0x170] =	vst v1  }
0x99: {  	v1 =	vld [tilespmem:$0x5100];
	_ =	sdelay $0x2  }
0x9a: {  	v0 =	vadd.f32 v0, v2;
	_ =	sdelay $0x1  }
0x9b: {  	v0 =	vadd.f32 v1, v0  }
0x9c: {  	v50 =	vld [tilespmem:s31+$0x2910]  }
0x9d: {  	v51 =	vld [tilespmem:s31+$0x110];
	v0 =	vmax.f32 v0, $0.0e+00  }
0x9e: {  	[tilespmem:s31+$0x100] =	vst v0  }
0x9f: {  	v0 =	vld [tilespmem:$0x5110];
	_ =	sdelay $0x2  }
0xa0: {  	v1 =	vadd.f32 v50, v51;
	_ =	sdelay $0x1  }
0xa1: {  	v0 =	vadd.f32 v0, v1  }
0xa2: {  	v52 =	vld [tilespmem:s31+$0x2920]  }
0xa3: {  	v53 =	vld [tilespmem:s31+$0x120];
	v0 =	vmax.f32 v0, $0.0e+00  }
0xa4: {  	[tilespmem:s31+$0x110] =	vst v0  }
0xa5: {  	v0 =	vld [tilespmem:$0x5120];
	_ =	sdelay $0x2  }
0xa6: {  	v1 =	vadd.f32 v52, v53;
	_ =	sdelay $0x1  }
0xa7: {  	v0 =	vadd.f32 v0, v1  }
0xa8: {  	v54 =	vld [tilespmem:s31+$0x2930]  }
0xa9: {  	v55 =	vld [tilespmem:s31+$0x130];
	v0 =	vmax.f32 v0, $0.0e+00  }
0xaa: {  	[tilespmem:s31+$0x120] =	vst v0  }
0xab: {  	v0 =	vld [tilespmem:$0x5130];
	_ =	sdelay $0x2  }
0xac: {  	v1 =	vadd.f32 v54, v55;
	_ =	sdelay $0x1  }
0xad: {  	v0 =	vadd.f32 v0, v1  }
0xae: {  	v56 =	vld [tilespmem:s31+$0x2940]  }
0xaf: {  	v57 =	vld [tilespmem:s31+$0x140];
	v0 =	vmax.f32 v0, $0.0e+00  }
0xb0: {  	[tilespmem:s31+$0x130] =	vst v0  }
0xb1: {  	v0 =	vld [tilespmem:$0x5140];
	_ =	sdelay $0x2  }
0xb2: {  	v1 =	vadd.f32 v56, v57;
	_ =	sdelay $0x1  }
0xb3: {  	v0 =	vadd.f32 v0, v1  }
0xb4: {  	v58 =	vld [tilespmem:s31+$0x2950]  }
0xb5: {  	v59 =	vld [tilespmem:s31+$0x150];
	v0 =	vmax.f32 v0, $0.0e+00  }
0xb6: {  	[tilespmem:s31+$0x140] =	vst v0  }
0xb7: {  	v0 =	vld [tilespmem:$0x5150];
	_ =	sdelay $0x2  }
0xb8: {  	v1 =	vadd.f32 v58, v59;
	_ =	sdelay $0x1  }
0xb9: {  	v0 =	vadd.f32 v0, v1  }
0xba: {  	v60 =	vld [tilespmem:s31+$0x2960]  }
0xbb: {  	v61 =	vld [tilespmem:s31+$0x160];
	v0 =	vmax.f32 v0, $0.0e+00  }
0xbc: {  	[tilespmem:s31+$0x150] =	vst v0  }
0xbd: {  	v0 =	vld [tilespmem:$0x5160];
	_ =	sdelay $0x2  }
0xbe: {  	v1 =	vadd.f32 v60, v61;
	_ =	sdelay $0x1  }
0xbf: {  	v0 =	vadd.f32 v0, v1  }
0xc0: {  	v62 =	vld [tilespmem:s31+$0x2970]  }
0xc1: {  	v63 =	vld [tilespmem:s31+$0x170];
	v0 =	vmax.f32 v0, $0.0e+00  }
0xc2: {  	[tilespmem:s31+$0x160] =	vst v0  }
0xc3: {  	v0 =	vld [tilespmem:$0x5170];
	_ =	sdelay $0x2  }
0xc4: {  	v1 =	vadd.f32 v62, v63;
	_ =	sdelay $0x1  }
0xc5: {  	v0 =	vadd.f32 v0, v1  }
0xc6: {  	s28 =	sadd.s32 $0x1, s28  }
0xc7: {  	p1 =	sne.s32 s28, $0x7D;
	v0 =	vmax.f32 v0, $0.0e+00  }
.Ltmp1:
0xc8: {  	[tilespmem:s31+$0x170] =	vst v0;
	(pc) =	sbr.rel @p1 .LBB2_2-.Ltmp1, $4  }
0xc9: {  	[spmem:s2] =	stream.indirect.scatter.add.f32 [tilespmem:s22], [sflag:$0x3], $0x80, s19, s21, $0xb8;
	[tilespmem:$0x18A40] =	vst v63  }
0xca: {  	_ =	swait.ge [sflag:s18], $0x2800  }
0xcb: {  	[sflag:s18] =	ssyncset.done $0x0  }
0xcc: {  	[sflag:s18] =	ssyncadd.s32 $0xFFFFD800  }
0xcd: {  	[bflag:$0x0] =	sbarrier.arrive $0xFFFF;
	s28 =	simm.s32 $0x0;
	s29 =	simm.s32 $0x0  }
.LBB2_6:
0xce: {  	s0 =	smul.u32 $0x50, s29;
	_ =	sdelay $0x1  }
0xcf: {  	s0 =	sadd.s32 s11, s0  }
0xd0: {  	s30 =	sshrl.u32 s0, $0x3  }
0xd1: {  	s31 =	sadd.s32 s9, s30  }
0xd2: {  	[tilespmem:s19], [sflag:$0x3] =	stream.linear.gather [hbm4b:s31+s28], $0x50, $0x38;
	[tilespmem:$0x18A40] =	vst v63  }
0xd3: {  	_ =	swait.ge [sflag:s18], $0x50  }
0xd4: {  	[sflag:s18] =	ssyncset.done $0x0  }
0xd5: {  	s30 =	sadd.s32 s6, s30;
	[sflag:s18] =	ssyncadd.s32 $0xFFFFFFB0  }
0xd6: {  	[tilespmem:s28], [sflag:$0x3] =	stream.linear.gather [hbm4b:s30+s28], $0x50, $0x38;
	[tilespmem:$0x18A40] =	vst v63  }
0xd7: {  	_ =	swait.ge [sflag:s18], $0x50  }
0xd8: {  	s0 =	sshll.u32 s0, $0x4;
	[sflag:s18] =	ssyncset.done $0x0  }
0xd9: {  	s0 =	sadd.s32 s5, s0;
	[sflag:s18] =	ssyncadd.s32 $0xFFFFFFB0  }
0xda: {  	[tilespmem:s20], [sflag:$0x2] =	stream.linear.gather [hbm4b:s0+s28], $0x2800, $0x38;
	[tilespmem:$0x18A40] =	vst v63  }
0xdb: {  	_ = 	snop  }
0xdc: {  	[tilespmem:s22], [sflag:$0x1] =	stream.indirect.gather [hbm4b:s4+s21], $0x80, s28, s21, $0xb8;
	[tilespmem:$0x18A40] =	vst v63  }
0xdd: {  	_ =	swait.ge [sflag:s23], $0x2800  }
0xde: {  	[sflag:s23] =	ssyncset.done $0x0  }
0xdf: {  	[sflag:s23] =	ssyncadd.s32 $0xFFFFD800  }
0xe0: {  	_ =	swait.ge [sflag:s24], $0x2800  }
0xe1: {  	[sflag:s24] =	ssyncset.done $0x0  }
0xe2: {  	s30 =	simm.s32 $0x0;
	[sflag:s24] =	ssyncadd.s32 $0xFFFFD800  }
0xe3: {  	v0 =	vld [tilespmem:s30+$0x2900]  }
0xe4: {  	v1 =	vld [tilespmem:s30+$0x100];
	_ =	sdelay $0x1  }
0xe5: {  	v2 =	vld [tilespmem:$0x5100];
	_ =	sdelay $0x2  }
0xe6: {  	v0 =	vadd.f32 v0, v1;
	_ =	sdelay $0x1  }
0xe7: {  	v0 =	vadd.f32 v2, v0  }
0xe8: {  	v1 =	vld [tilespmem:s30+$0x2910]  }
0xe9: {  	v2 =	vld [tilespmem:s30+$0x110];
	v0 =	vmax.f32 v0, $0.0e+00  }
0xea: {  	[tilespmem:s30+$0x100] =	vst v0  }
0xeb: {  	v0 =	vld [tilespmem:$0x5110];
	_ =	sdelay $0x2  }
0xec: {  	v1 =	vadd.f32 v1, v2;
	_ =	sdelay $0x1  }
0xed: {  	v0 =	vadd.f32 v0, v1  }
0xee: {  	v2 =	vld [tilespmem:s30+$0x120]  }
0xef: {  	v1 =	vld [tilespmem:s30+$0x2920];
	v0 =	vmax.f32 v0, $0.0e+00  }
0xf0: {  	[tilespmem:s30+$0x110] =	vst v0  }
0xf1: {  	v0 =	vld [tilespmem:$0x5120];
	_ =	sdelay $0x2  }
0xf2: {  	v1 =	vadd.f32 v1, v2;
	_ =	sdelay $0x1  }
0xf3: {  	v0 =	vadd.f32 v0, v1  }
0xf4: {  	v2 =	vld [tilespmem:s30+$0x130]  }
0xf5: {  	v1 =	vld [tilespmem:s30+$0x2930];
	v0 =	vmax.f32 v0, $0.0e+00  }
0xf6: {  	[tilespmem:s30+$0x120] =	vst v0  }
0xf7: {  	v0 =	vld [tilespmem:$0x5130];
	_ =	sdelay $0x2  }
0xf8: {  	v1 =	vadd.f32 v1, v2;
	_ =	sdelay $0x1  }
0xf9: {  	v0 =	vadd.f32 v0, v1  }
0xfa: {  	v2 =	vld [tilespmem:s30+$0x140]  }
0xfb: {  	v1 =	vld [tilespmem:s30+$0x2940];
	v0 =	vmax.f32 v0, $0.0e+00  }
0xfc: {  	[tilespmem:s30+$0x130] =	vst v0  }
0xfd: {  	v0 =	vld [tilespmem:$0x5140];
	_ =	sdelay $0x2  }
0xfe: {  	v1 =	vadd.f32 v1, v2;
	_ =	sdelay $0x1  }
0xff: {  	v0 =	vadd.f32 v0, v1  }
0x100: {  	v2 =	vld [tilespmem:s30+$0x150]  }
0x101: {  	v1 =	vld [tilespmem:s30+$0x2950];
	v0 =	vmax.f32 v0, $0.0e+00  }
0x102: {  	[tilespmem:s30+$0x140] =	vst v0  }
0x103: {  	v0 =	vld [tilespmem:$0x5150];
	_ =	sdelay $0x2  }
0x104: {  	v1 =	vadd.f32 v1, v2;
	_ =	sdelay $0x1  }
0x105: {  	v0 =	vadd.f32 v0, v1  }
0x106: {  	v2 =	vld [tilespmem:s30+$0x160]  }
0x107: {  	v1 =	vld [tilespmem:s30+$0x2960];
	v0 =	vmax.f32 v0, $0.0e+00  }
0x108: {  	[tilespmem:s30+$0x150] =	vst v0  }
0x109: {  	v0 =	vld [tilespmem:$0x5160];
	_ =	sdelay $0x2  }
0x10a: {  	v1 =	vadd.f32 v1, v2;
	_ =	sdelay $0x1  }
0x10b: {  	v0 =	vadd.f32 v0, v1  }
0x10c: {  	v2 =	vld [tilespmem:s30+$0x170]  }
0x10d: {  	v1 =	vld [tilespmem:s30+$0x2970];
	v0 =	vmax.f32 v0, $0.0e+00  }
0x10e: {  	[tilespmem:s30+$0x160] =	vst v0  }
0x10f: {  	v0 =	vld [tilespmem:$0x5170];
	_ =	sdelay $0x2  }
0x110: {  	v1 =	vadd.f32 v1, v2;
	_ =	sdelay $0x1  }
0x111: {  	s0 =	simm.s32 $0x80;
	v1 =	vadd.f32 v0, v1  }
0x112: {  	s31 =	simm.s32 $0x400;
	v0 =	vld [tilespmem:s0+$0x2900]  }
.LBB2_7:
0x113: {  	p1 =	sne.s32 s31, $0x9E00;
	v2 =	vld [tilespmem:s0+$0x100];
	v1 =	vmax.f32 v1, $0.0e+00  }
0x114: {  	[tilespmem:s30+$0x170] =	vst v1;
	s30 =	smov.u32 s0  }
0x115: {  	v1 =	vld [tilespmem:$0x5100];
	_ =	sdelay $0x2  }
0x116: {  	v0 =	vadd.f32 v0, v2;
	_ =	sdelay $0x1  }
0x117: {  	v0 =	vadd.f32 v1, v0  }
0x118: {  	v1 =	vld [tilespmem:s30+$0x2910]  }
0x119: {  	v0 =	vmax.f32 v0, $0.0e+00;
	v2 =	vld [tilespmem:s30+$0x110]  }
0x11a: {  	[tilespmem:s30+$0x100] =	vst v0  }
0x11b: {  	v0 =	vld [tilespmem:$0x5110];
	_ =	sdelay $0x2  }
0x11c: {  	v1 =	vadd.f32 v1, v2;
	_ =	sdelay $0x1  }
0x11d: {  	v0 =	vadd.f32 v0, v1  }
0x11e: {  	v1 =	vld [tilespmem:s30+$0x2920]  }
0x11f: {  	v0 =	vmax.f32 v0, $0.0e+00;
	v2 =	vld [tilespmem:s30+$0x120]  }
0x120: {  	[tilespmem:s30+$0x110] =	vst v0  }
0x121: {  	v0 =	vld [tilespmem:$0x5120];
	_ =	sdelay $0x2  }
0x122: {  	v1 =	vadd.f32 v1, v2;
	_ =	sdelay $0x1  }
0x123: {  	v0 =	vadd.f32 v0, v1  }
0x124: {  	v1 =	vld [tilespmem:s30+$0x2930]  }
0x125: {  	v0 =	vmax.f32 v0, $0.0e+00;
	v2 =	vld [tilespmem:s30+$0x130]  }
0x126: {  	[tilespmem:s30+$0x120] =	vst v0  }
0x127: {  	v0 =	vld [tilespmem:$0x5130];
	_ =	sdelay $0x2  }
0x128: {  	v1 =	vadd.f32 v1, v2;
	_ =	sdelay $0x1  }
0x129: {  	v0 =	vadd.f32 v0, v1  }
0x12a: {  	v1 =	vld [tilespmem:s30+$0x2940]  }
0x12b: {  	v0 =	vmax.f32 v0, $0.0e+00;
	v2 =	vld [tilespmem:s30+$0x140]  }
0x12c: {  	[tilespmem:s30+$0x130] =	vst v0  }
0x12d: {  	v0 =	vld [tilespmem:$0x5140];
	_ =	sdelay $0x2  }
0x12e: {  	v1 =	vadd.f32 v1, v2;
	_ =	sdelay $0x1  }
0x12f: {  	v0 =	vadd.f32 v0, v1  }
0x130: {  	v1 =	vld [tilespmem:s30+$0x2950]  }
0x131: {  	v0 =	vmax.f32 v0, $0.0e+00;
	v2 =	vld [tilespmem:s30+$0x150]  }
0x132: {  	[tilespmem:s30+$0x140] =	vst v0  }
0x133: {  	v0 =	vld [tilespmem:$0x5150];
	_ =	sdelay $0x2  }
0x134: {  	v1 =	vadd.f32 v1, v2;
	_ =	sdelay $0x1  }
0x135: {  	v0 =	vadd.f32 v0, v1  }
0x136: {  	v1 =	vld [tilespmem:s30+$0x2960]  }
0x137: {  	v0 =	vmax.f32 v0, $0.0e+00;
	v2 =	vld [tilespmem:s30+$0x160]  }
0x138: {  	[tilespmem:s30+$0x150] =	vst v0  }
0x139: {  	v0 =	vld [tilespmem:$0x5160];
	_ =	sdelay $0x2  }
0x13a: {  	v1 =	vadd.f32 v1, v2;
	_ =	sdelay $0x1  }
0x13b: {  	v0 =	vadd.f32 v0, v1  }
0x13c: {  	v1 =	vld [tilespmem:s30+$0x2970]  }
0x13d: {  	v0 =	vmax.f32 v0, $0.0e+00;
	v2 =	vld [tilespmem:s30+$0x170]  }
0x13e: {  	[tilespmem:s30+$0x160] =	vst v0  }
0x13f: {  	v0 =	vld [tilespmem:$0x5170];
	_ =	sdelay $0x1  }
.Ltmp2:
0x140: {  	(pc) =	sbr.rel @p1 .LBB2_7-.Ltmp2, $3  }
0x141: {  	v1 =	vadd.f32 v1, v2;
	_ =	sdelay $0x1  }
0x142: {  	s0 =	sshra.s32 s31, $0x2;
	v1 =	vadd.f32 v0, v1  }
0x143: {  	s31 =	sadd.s32 $0x200, s31;
	v0 =	vld [tilespmem:s0+$0x2900]  }
0x144: {  	v2 =	vld [tilespmem:s0+$0x100];
	v1 =	vmax.f32 v1, $0.0e+00  }
0x145: {  	[tilespmem:s30+$0x170] =	vst v1  }
0x146: {  	v1 =	vld [tilespmem:$0x5100];
	_ =	sdelay $0x2  }
0x147: {  	v0 =	vadd.f32 v0, v2;
	_ =	sdelay $0x1  }
0x148: {  	v0 =	vadd.f32 v1, v0  }
0x149: {  	v50 =	vld [tilespmem:s0+$0x2910]  }
0x14a: {  	v51 =	vld [tilespmem:s0+$0x110];
	v0 =	vmax.f32 v0, $0.0e+00  }
0x14b: {  	[tilespmem:s0+$0x100] =	vst v0  }
0x14c: {  	v0 =	vld [tilespmem:$0x5110];
	_ =	sdelay $0x2  }
0x14d: {  	v1 =	vadd.f32 v50, v51;
	_ =	sdelay $0x1  }
0x14e: {  	v0 =	vadd.f32 v0, v1  }
0x14f: {  	v52 =	vld [tilespmem:s0+$0x2920]  }
0x150: {  	v53 =	vld [tilespmem:s0+$0x120];
	v0 =	vmax.f32 v0, $0.0e+00  }
0x151: {  	[tilespmem:s0+$0x110] =	vst v0  }
0x152: {  	v0 =	vld [tilespmem:$0x5120];
	_ =	sdelay $0x2  }
0x153: {  	v1 =	vadd.f32 v52, v53;
	_ =	sdelay $0x1  }
0x154: {  	v0 =	vadd.f32 v0, v1  }
0x155: {  	v54 =	vld [tilespmem:s0+$0x2930]  }
0x156: {  	v55 =	vld [tilespmem:s0+$0x130];
	v0 =	vmax.f32 v0, $0.0e+00  }
0x157: {  	[tilespmem:s0+$0x120] =	vst v0  }
0x158: {  	v0 =	vld [tilespmem:$0x5130];
	_ =	sdelay $0x2  }
0x159: {  	v1 =	vadd.f32 v54, v55;
	_ =	sdelay $0x1  }
0x15a: {  	v0 =	vadd.f32 v0, v1  }
0x15b: {  	v56 =	vld [tilespmem:s0+$0x2940]  }
0x15c: {  	v57 =	vld [tilespmem:s0+$0x140];
	v0 =	vmax.f32 v0, $0.0e+00  }
0x15d: {  	[tilespmem:s0+$0x130] =	vst v0  }
0x15e: {  	v0 =	vld [tilespmem:$0x5140];
	_ =	sdelay $0x2  }
0x15f: {  	v1 =	vadd.f32 v56, v57;
	_ =	sdelay $0x1  }
0x160: {  	v0 =	vadd.f32 v0, v1  }
0x161: {  	v58 =	vld [tilespmem:s0+$0x2950]  }
0x162: {  	v59 =	vld [tilespmem:s0+$0x150];
	v0 =	vmax.f32 v0, $0.0e+00  }
0x163: {  	[tilespmem:s0+$0x140] =	vst v0  }
0x164: {  	v0 =	vld [tilespmem:$0x5150];
	_ =	sdelay $0x2  }
0x165: {  	v1 =	vadd.f32 v58, v59;
	_ =	sdelay $0x1  }
0x166: {  	v0 =	vadd.f32 v0, v1  }
0x167: {  	v60 =	vld [tilespmem:s0+$0x2960]  }
0x168: {  	v61 =	vld [tilespmem:s0+$0x160];
	v0 =	vmax.f32 v0, $0.0e+00  }
0x169: {  	[tilespmem:s0+$0x150] =	vst v0  }
0x16a: {  	v0 =	vld [tilespmem:$0x5160];
	_ =	sdelay $0x2  }
0x16b: {  	v1 =	vadd.f32 v60, v61;
	_ =	sdelay $0x1  }
0x16c: {  	v0 =	vadd.f32 v0, v1  }
0x16d: {  	v62 =	vld [tilespmem:s0+$0x2970]  }
0x16e: {  	v63 =	vld [tilespmem:s0+$0x170];
	v0 =	vmax.f32 v0, $0.0e+00  }
0x16f: {  	[tilespmem:s0+$0x160] =	vst v0  }
0x170: {  	v0 =	vld [tilespmem:$0x5170];
	_ =	sdelay $0x2  }
0x171: {  	v1 =	vadd.f32 v62, v63;
	_ =	sdelay $0x1  }
0x172: {  	v0 =	vadd.f32 v0, v1  }
0x173: {  	s29 =	sadd.s32 $0x1, s29  }
0x174: {  	p1 =	sne.s32 s29, $0xD;
	v0 =	vmax.f32 v0, $0.0e+00  }
.Ltmp3:
0x175: {  	[tilespmem:s0+$0x170] =	vst v0;
	(pc) =	sbr.rel @p1 .LBB2_6-.Ltmp3, $4  }
0x176: {  	[spmem:s2] =	stream.indirect.scatter.add.f32 [tilespmem:s22], [sflag:$0x3], $0x80, s19, s21, $0xb8;
	[tilespmem:$0x18A40] =	vst v63  }
0x177: {  	_ =	swait.ge [sflag:s18], $0x2800  }
0x178: {  	[sflag:s18] =	ssyncset.done $0x0  }
0x179: {  	[sflag:s18] =	ssyncadd.s32 $0xFFFFD800  }
0x17a: {  	[bflag:$0x0] =	sbarrier.arrive $0xFFFF;
	s0 =	sadd.s32 @p0 $0x25080, s12;
	s28 =	simm.s32 @p0 $0x1FC3  }
0x17b: {  	[hbm:s0], [sflag:s28] =	dma.local @p0 [spmem:s14], $0x2080  }
0x17c: {  	s0 =	simm.s32 @p0 $0x3  }
0x17d: {  	s26 =	sadd.s32 $0x1, s26;
	_ =	swait.ge @p0 [sflag:s0], $0x2080  }
0x17e: {  	p1 =	sne.s32 s26, s13;
	[sflag:s0] =	ssyncset.done @p0 $0x0  }
.Ltmp4:
0x17f: {  	[sflag:s0] =	ssyncadd.s32 @p0 $0xFFFFDF80;
	s0 =	simm.s32 @!p0 $0x3;
	(pc) =	sbr.rel @p1 .LBB2_1-.Ltmp4, $4  }
0x180: {  	[hbm:s25], [sflag:s15] =	dma.local @!p0 [spmem:s16], $0x2780  }
0x181: {  	_ =	swait.ge @!p0 [sflag:s0], $0x2780  }
0x182: {  	[sflag:s0] =	ssyncset.done @!p0 $0x0  }
0x183: {  	[sflag:s0] =	ssyncadd.s32 @!p0 $0xFFFFD880  }
0x184: {  	_ =	sfence.sel $0x180000  }
0x185: {  	[bflag:$0x0] =	sbarrier.arrive $0xFFFF  }
0x186: {  	_ =	strace $0x90000053  }
0x187: {  	[bflag:$0x2] =	sbarrier.arrive $0xFFFF  }
0x188: {  	p0 =	sne.s32 s7, $0x0;
	s0 =	rddreg [dreg:$0x3]  }
0x189: {  	s0 =	sadd.s32 @!p0 $0x100000, s0  }
0x18a: {  	[sflag:s0] =	ssyncadd.tile.s32 @!p0 $0x1;
	_ =	shalt  }
.Lfunc_end2:
_tile_overlayer_lowered:
.L_overlay_start_2:
0x18b: {  	(tag) =	ssettag $0x2  }
0x18c: {  	s0 =	rddreg [dreg:$0x0];
	s2 =	stileid.u32  }
0x18d: {  	s1 =	rddreg [dreg:$0x1];
	p0 =	sne.s32 s2, $0x0  }
0x18e: {  	s3 =	rddreg [dreg:$0x2];
	[bflag:$0x3] =	sbarrier.arrive $0xFFFF;
	s2 =	simm.s32 @!p0 $0x1C03  }
0x18f: {  	[timem:s3], [sflag:s2] =	dma.local @!p0 [hbm:s0], s1  }
0x190: {  	s0 =	simm.s32 @!p0 $0x3  }
0x191: {  	_ =	swait.ge @!p0 [sflag:s0], s1  }
0x192: {  	s1 =	ssub.s32 @!p0 $0x0, s1;
	[sflag:s0] =	ssyncset.done @!p0 $0x0  }
0x193: {  	[sflag:s0] =	ssyncadd.s32 @!p0 s1  }
0x194: {  	[bflag:$0x3] =	sbarrier.arrive $0xFFFF  }
0x195: {  	_ =	shalt  }

// kernel: kernel.16.cloned.1.call-start
scs
__scs_entry_jumppad:
0x0: {  	(pc) =	sbr.rel $0x88, $3  }
0x1: {  	(tag) =	ssettag $0x0;
	lr =	simm.s32 $0x1  }
0x2: {  	[smem:$0x3F85] =	sst lr;
	_ =	strace $0xD0000000  }
0x3: {  	_ = 	snop  }
0x4: {  	_ = 	snop  }
0x5: {  	_ = 	snop  }
0x6: {  	_ = 	snop  }
0x7: {  	_ = 	snop  }
__scs_overlays_trampoline_lowered:
0x8: {  	[smem:$0x3F94] =	sst s0  }
0x9: {  	[smem:$0x3F95] =	sst s1  }
0xa: {  	[smem:$0x3F96] =	sst s2  }
0xb: {  	[smem:$0x3F97] =	sst s3  }
0xc: {  	[smem:$0x3F98] =	sst s4  }
0xd: {  	[smem:$0x3F99] =	sst s5  }
0xe: {  	[smem:$0x3F9A] =	sst s6  }
0xf: {  	[smem:$0x3F9B] =	sst s7  }
0x10: {  	[smem:$0x3F9C] =	sst s8  }
0x11: {  	[smem:$0x3F9D] =	sst s9;
	s0 =	simm.s32 @!p0 $0x0  }
0x12: {  	s1 =	sld [smem:$0x3F83];
	s0 =	simm.s32 @p0 $0x1  }
0x13: {  	[smem:$0x3F9E] =	sst s0;
	s0 =	simm.s32 @!p1 $0x0  }
0x14: {  	s2 =	sld [smem:$0x3F82];
	s0 =	simm.s32 @p1 $0x1  }
0x15: {  	[smem:$0x3F9F] =	sst s0;
	s0 =	simm.s32 @!p2 $0x0  }
0x16: {  	s3 =	sld [smem:$0x3FDB];
	s0 =	simm.s32 @p2 $0x1  }
0x17: {  	s4 =	simm.s32 $0x1BF5;
	[smem:$0x3FA1] =	sst s0  }
0x18: {  	s0 =	sld [smem:$0x3F84];
	_ =	swait.ge [sflag:s4], $0x0  }
0x19: {  	s7 =	sld [smem:$0x3F85]  }
0x1a: {  	s8 =	sadd.s32 $0xFFFFE003, lr  }
0x1b: {  	s9 =	sadd.s32 $0xFFFFFEF7, lr;
	s5 =	simm.s32 $0xFFFFFFFF;
	p2 =	slt.u32 s8, $0xFFFFF086  }
0x1c: {  	p1 =	slt.u32 s9, $0xF7A;
	s5 =	simm.s32 @!p2 $0x0  }
0x1d: {  	s5 =	simm.s32 @p1 $0x1;
	p0 =	seq.s32 s7, s2  }
0x1e: {  	s7 =	smul.u32 @!p0 $0xF7A, s2;
	p2 =	seq.s32 @!p0 s5, $0x0  }
0x1f: {  	s9 =	smul.u32 $0xF7A, s1;
	s8 =	simm.s32 @!p0 $0x1BF5;
	p2 =	por !p2, p0  }
0x20: {  	[sflag:s8] =	ssyncset.s32 @!p0 $0xFFFFF086;
	s6 =	sadd.s32 @!p0 s3, s7;
	s7 =	simm.s32 @!p0 $0x108  }
0x21: {  	s3 =	sadd.s32 s3, s9;
	s6 =	sadd.s32 @!p0 $0x88, s6;
	s7 =	simm.s32 @p2 $0x1082  }
0x22: {  	[simem:s7], [sflag:s8] =	dma.local @!p0 [hbm:s6], $0xF7A  }
0x23: {  	s9 =	sor.u32 $0xD0000000, s2;
	s6 =	simm.s32 $0x108;
	_ =	swait.ge @!p0 [sflag:s8], $0x0  }
0x24: {  	s3 =	sadd.s32 $0x88, s3;
	s6 =	simm.s32 @!p1 $0x1082;
	[sflag:s4] =	ssyncset.s32 $0xFFFFF086  }
0x25: {  	[simem:s6], [sflag:s4] =	dma.local [hbm:s3], $0xF7A  }
0x26: {  	[smem:$0x3F85] =	sst s1;
	(tag) =	ssettag s2;
	_ =	strace s9  }
0x27: {  	s1 =	sld [smem:$0x3F95]  }
0x28: {  	s2 =	sld [smem:$0x3F96]  }
0x29: {  	s4 =	sld [smem:$0x3F98]  }
0x2a: {  	p0 =	seq.s32 s5, $0x0;
	s5 =	sld [smem:$0x3F99]  }
0x2b: {  	s6 =	sld [smem:$0x3F9A]  }
0x2c: {  	s7 =	sld [smem:$0x3F9B]  }
0x2d: {  	s3 =	simm.s32 $0x108;
	s8 =	sld [smem:$0x3F9C]  }
0x2e: {  	s3 =	simm.s32 @!p0 $0x1082;
	s9 =	sld [smem:$0x3F9D]  }
0x2f: {  	lr =	sadd.s32 s0, s3;
	s0 =	sld [smem:$0x3F94]  }
0x30: {  	s3 =	sld [smem:$0x3F97]  }
0x31: {  	[smem:$0x3FA0] =	sst s10  }
0x32: {  	s10 =	sld [smem:$0x3F9E];
	_ =	sdelay $0x3  }
0x33: {  	p0 =	seq.s32 s10, $0x1;
	s10 =	sld [smem:$0x3FA0];
	_ =	sdelay $0x3  }
0x34: {  	[smem:$0x3FA0] =	sst s10  }
0x35: {  	s10 =	sld [smem:$0x3F9F];
	_ =	sdelay $0x3  }
0x36: {  	p1 =	seq.s32 s10, $0x1;
	s10 =	sld [smem:$0x3FA0];
	_ =	sdelay $0x3  }
0x37: {  	[smem:$0x3FA0] =	sst s10  }
0x38: {  	s10 =	sld [smem:$0x3FA1]  }
0x39: {  	_ = 	snop;
	(pc) =	sbr.ind lr, $3  }
0x3a: {  	_ = 	snop  }
0x3b: {  	_ = 	snop  }
0x3c: {  	p2 =	seq.s32 s10, $0x1;
	s10 =	sld [smem:$0x3FA0]  }
0x3d: {  	_ =	shalt  }
0x3e: {  	_ =	shalt  }
0x3f: {  	_ =	shalt  }
0x40: {  	_ =	shalt  }
0x41: {  	_ =	shalt  }
0x42: {  	_ =	shalt  }
0x43: {  	_ =	shalt  }
0x44: {  	_ =	shalt  }
0x45: {  	_ =	shalt  }
0x46: {  	_ =	shalt  }
0x47: {  	_ =	shalt  }
0x48: {  	_ =	shalt  }
0x49: {  	_ =	shalt  }
0x4a: {  	_ =	shalt  }
0x4b: {  	_ =	shalt  }
0x4c: {  	_ =	shalt  }
0x4d: {  	_ =	shalt  }
0x4e: {  	_ =	shalt  }
0x4f: {  	_ =	shalt  }
0x50: {  	_ =	shalt  }
0x51: {  	_ =	shalt  }
0x52: {  	_ =	shalt  }
0x53: {  	_ =	shalt  }
0x54: {  	_ =	shalt  }
0x55: {  	_ =	shalt  }
0x56: {  	_ =	shalt  }
0x57: {  	_ =	shalt  }
0x58: {  	_ =	shalt  }
0x59: {  	_ =	shalt  }
0x5a: {  	_ =	shalt  }
0x5b: {  	_ =	shalt  }
0x5c: {  	_ =	shalt  }
0x5d: {  	_ =	shalt  }
0x5e: {  	_ =	shalt  }
0x5f: {  	_ =	shalt  }
0x60: {  	_ =	shalt  }
0x61: {  	_ =	shalt  }
0x62: {  	_ =	shalt  }
0x63: {  	_ =	shalt  }
0x64: {  	_ =	shalt  }
0x65: {  	_ =	shalt  }
0x66: {  	_ =	shalt  }
0x67: {  	_ =	shalt  }
0x68: {  	_ =	shalt  }
0x69: {  	_ =	shalt  }
0x6a: {  	_ =	shalt  }
0x6b: {  	_ =	shalt  }
0x6c: {  	_ =	shalt  }
0x6d: {  	_ =	shalt  }
0x6e: {  	_ =	shalt  }
0x6f: {  	_ =	shalt  }
0x70: {  	_ =	shalt  }
0x71: {  	_ =	shalt  }
0x72: {  	_ =	shalt  }
0x73: {  	_ =	shalt  }
0x74: {  	_ =	shalt  }
0x75: {  	_ =	shalt  }
0x76: {  	_ =	shalt  }
0x77: {  	_ =	shalt  }
0x78: {  	_ =	shalt  }
0x79: {  	_ =	shalt  }
0x7a: {  	_ =	shalt  }
0x7b: {  	_ =	shalt  }
0x7c: {  	_ =	shalt  }
0x7d: {  	_ =	shalt  }
0x7e: {  	_ =	shalt  }
0x7f: {  	_ =	shalt  }
0x80: {  	_ =	shalt  }
0x81: {  	_ =	shalt  }
0x82: {  	_ =	shalt  }
0x83: {  	_ =	shalt  }
0x84: {  	_ =	shalt  }
0x85: {  	_ =	shalt  }
0x86: {  	_ =	shalt  }
0x87: {  	_ =	shalt  }
.Lfunc_end0:
.L_simem_size_0:
called_computation.5_lowered:
.L_overlay_start_0:
0x88: {  	s2 =	sld [smem:$0x3FD9]  }
0x89: {  	s3 =	sld [smem:$0x3FFE];
	_ =	sdelay $0x1  }
0x8a: {  	s1 =	srdreg.scid  }
0x8b: {  	s0 =	sand.u32 $0x1, s1  }
0x8c: {  	s17 =	sshll.u32 s0, $0xA;
	s2 =	sadd.s32 s3, s2  }
0x8d: {  	s2 =	sadd.s32 s2, s17  }
0x8e: {  	[smem:$0x3FAC] =	sst s2  }
0x8f: {  	_ = 	snop  }
0x90: {  	s2 =	sld [smem:$0x3FB8];
	(tm) =	ssettm $0x1  }
0x91: {  	s18 =	sld [smem:$0x3FFB];
	_ =	sdelay $0x3  }
0x92: {  	_ =	strace s18  }
0x93: {  	s3 =	sld [smem:$0x3FFC];
	_ =	sdelay $0x3  }
0x94: {  	_ =	strace s3  }
0x95: {  	s3 =	sld [smem:$0x3FFD];
	_ =	sdelay $0x3  }
0x96: {  	_ =	strace s3  }
0x97: {  	_ =	strace $0x8FFFFFFF  }
0x98: {  	s19 =	sld [smem:$0x3FDB];
	_ =	sdelay $0x1  }
0x99: {  	s4 =	simm.s32 $_scs_section_size  }
0x9a: {  	s5 =	simm.s32 $_size__tile_overlayer_lowered;
	s6 =	simm.s32 $_tile_overlayer_lowered  }
0x9b: {  	s22 =	simm.s32 $0x1BFF;
	s21 =	sshll.u32 s6, $0x1;
	s3 =	sadd.s32 s4, s19  }
0x9c: {  	s7 =	simm.s32 $0x0;
	s20 =	sshll.u32 s5, $0x1;
	s5 =	sadd.s32 s21, s3  }
0x9d: {  	[timem:s7], [sflag:s22] =	dma.local [hbm:s5], s20  }
0x9e: {  	_ =	swait.ge [sflag:s22], s20  }
0x9f: {  	s4 =	ssub.s32 $0x0, s20;
	[sflag:s22] =	ssyncset.done $0x0  }
0xa0: {  	[sflag:s22] =	ssyncadd.s32 s4;
	_ =	sdelay $0x1  }
0xa1: {  	s23 =	simm.s32 $0x1B8B  }
0xa2: {  	_ =	swait.ge [sflag:s23], $0x1  }
0xa3: {  	[sflag:s23] =	ssyncset.done $0x0  }
0xa4: {  	s25 =	simm.s32 $0x1B8E;
	s24 =	sld [smem:$0x3FFE];
	[sflag:s23] =	ssyncadd.s32 $0xFFFFFFFF  }
0xa5: {  	s26 =	simm.s32 $execute0_lowered;
	[smem:$0x3FD2] =	sst s25  }
0xa6: {  	s5 =	sshll.u32 s26, $0x1;
	_ =	strace $0x80000055;
	[dreg:$0x1] =	wrdreg $0xFFFFFFFF  }
0xa7: {  	s28 =	simm.s32 $_size_execute0_lowered;
	s3 =	sadd.s32 s3, s5;
	[dreg:$0x0] =	wrdreg $0x0  }
0xa8: {  	s5 =	sshll.u32 s28, $0x1;
	[dreg:$0x2] =	wrdreg s3  }
0xa9: {  	[dreg:$0x3] =	wrdreg s5  }
0xaa: {  	[dreg:$0x4] =	wrdreg $0xC0  }
0xab: {  	_ =	task [dreg:s7], $0x5FFFF  }
0xac: {  	[dreg:$0x1] =	wrdreg $0xFFFFFFFF  }
0xad: {  	[dreg:$0x0] =	wrdreg $0x60  }
0xae: {  	[dreg:$0x2] =	wrdreg s24  }
0xaf: {  	[dreg:$0x3] =	wrdreg s2  }
0xb0: {  	[dreg:$0x4] =	wrdreg $0x51800  }
0xb1: {  	[dreg:$0x5] =	wrdreg $0x9  }
0xb2: {  	_ =	task.clear_ibuf [dreg:s7], $0x6FFFF;
	_ =	strace $0x90000055  }
0xb3: {  	s29 =	simm.s32 $0x9;
	_ =	strace $0x80000057  }
0xb4: {  	_ =	swait.ge [sflag:s29], $0x1  }
0xb5: {  	[sflag:s29] =	ssyncadd.s32 $0xFFFFFFFF  }
0xb6: {  	_ =	strace $0x90000057  }
0xb7: {  	_ =	sfence  }
0xb8: {  	s30 =	sld [smem:$0x0];
	_ =	sdelay $0x2  }
0xb9: {  	s31 =	sshll.u32 s1, $0xD;
	s1 =	sshrl.u32 s1, $0x2  }
0xba: {  	s3 =	sand.u32 $0x4000, s31;
	s1 =	sadd.s32 s1, s30  }
0xbb: {  	s0 =	sor.u32 s3, s0;
	s1 =	sshll.u32 s1, $0x11  }
0xbc: {  	s0 =	sor.u32 s1, s0  }
0xbd: {  	s0 =	sadd.s32 $0x8F2B, s0  }
0xbe: {  	[sflag:s0] =	ssyncadd.remote.s32 $0x1  }
0xbf: {  	_ =	sfence.sel $0xFFFF  }
0xc0: {  	[dreg:$0x0] =	wrdreg $0xFFFFFFFF;
	(pc) =	sbr.abs _section_cstart, $3  }
0xc1: {  	[dreg:$0x1] =	wrdreg $0xFFFFFFFF  }
0xc2: {  	_ =	task.clear_ibuf [dreg:s7], $0x2FFFF;
	_ =	strace $0x9FFFFFFF  }
0xc3: {  	(tm) =	ssettm $0x7FFFFFFF  }
tec
execute0_lowered:
.L_overlay_start_1:
0x0: {  	(tag) =	ssettag $0x1  }
0x1: {  	s0 =	rddreg [dreg:$0x0]  }
0x2: {  	s1 =	rddreg [dreg:$0x1]  }
0x3: {  	s2 =	rddreg [dreg:$0x2]  }
0x4: {  	s3 =	simm.s32 $0x0;
	s7 =	srdreg.scid;
	s17 =	simm.s32 $0x5100  }
0x5: {  	s18 =	simm.s32 $0x3;
	s19 =	simm.s32 $0x80;
	s20 =	simm.s32 $0x2900  }
0x6: {  	s21 =	simm.s32 $0x50;
	s22 =	simm.s32 $0x100;
	s23 =	simm.s32 $0x1  }
0x7: {  	s24 =	simm.s32 $0x2;
	s26 =	simm.s32 $0x0;
	[smem:$0x7FF] =	sst s3  }
0x8: {  	s4 =	sadd.s32 $0x5D200, s0;
	s5 =	sadd.s32 $0x1932C00, s0;
	s6 =	sadd.s32 $0x2C200, s0  }
0x9: {  	s8 =	sadd.s32 $0x22400, s0;
	s11 =	sand.u32 $0x1, s7;
	s9 =	sadd.s32 $0xE800, s0  }
0xa: {  	s7 =	stileid.u32;
	s10 =	sadd.s32 $0x4A00, s0;
	s12 =	smul.u32 $0x27100, s11  }
0xb: {  	_ =	strace $0x80000056;
	s13 =	ssub.s32 $0x2, s11;
	s14 =	smul.u32 $0x4F000, s7  }
0xc: {  	s11 =	sshll.u32 s11, $0x4;
	p0 =	seq.s32 s7, $0xF;
	s30 =	sshrl.u32 s13, $0x1  }
0xd: {  	s11 =	sor.u32 s7, s11;
	s15 =	sshll.u32 @!p0 s7, $0x6;
	s0 =	sadd.s32 s12, s0  }
0xe: {  	s13 =	ssub.s32 s13, s30;
	s31 =	sshrl.u32 s14, $0x2;
	s11 =	smul.u32 $0x2710, s11  }
0xf: {  	s14 =	sadd.s32 $0x128400, s2;
	s12 =	sadd.s32 $0x84400, s0;
	s0 =	smul.u32 $0x2780, s7  }
0x10: {  	s15 =	sor.u32 @!p0 $0x1C03, s15;
	s16 =	sadd.s32 s31, s2;
	s13 =	smax.u32 s13, $0x1  }
0x11: {  	s14 =	sshrl.u32 @p0 s14, $0x3;
	s16 =	sshrl.u32 @!p0 s16, $0x3;
	s25 =	sadd.s32 @!p0 s0, s12  }
.LBB2_1:
0x12: {  	s0 =	simm.s32 @p0 $0x1FC3  }
0x13: {  	[spmem:s14], [sflag:s0] =	dma.local @p0 [hbm:s10], $0x2100  }
0x14: {  	s0 =	simm.s32 @p0 $0x3  }
0x15: {  	_ =	swait.ge @p0 [sflag:s0], $0x2100  }
0x16: {  	[sflag:s0] =	ssyncset.done @p0 $0x0  }
0x17: {  	[sflag:s0] =	ssyncadd.s32 @p0 $0xFFFFDF00;
	s0 =	simm.s32 @!p0 $0x3  }
0x18: {  	[spmem:s16], [sflag:s15] =	dma.local @!p0 [hbm:s10], $0x2780  }
0x19: {  	_ =	swait.ge @!p0 [sflag:s0], $0x2780  }
0x1a: {  	[sflag:s0] =	ssyncset.done @!p0 $0x0  }
0x1b: {  	[sflag:s0] =	ssyncadd.s32 @!p0 $0xFFFFD880  }
0x1c: {  	[tilespmem:s17], [sflag:$0x3] =	stream.linear.gather [hbm4b:s1+s3], $0x80, $0x38;
	[tilespmem:$0x18A40] =	vst v63  }
0x1d: {  	_ =	swait.ge [sflag:s18], $0x80  }
0x1e: {  	[sflag:s18] =	ssyncset.done $0x0  }
0x1f: {  	[sflag:s18] =	ssyncadd.s32 $0xFFFFFF80  }
0x20: {  	s28 =	simm.s32 $0x0;
	[bflag:$0x0] =	sbarrier.arrive $0xFFFF  }
.LBB2_2:
0x21: {  	s0 =	smul.u32 $0x50, s28;
	_ =	sdelay $0x1  }
0x22: {  	s0 =	sadd.s32 s11, s0  }
0x23: {  	s29 =	sshrl.u32 s0, $0x3  }
0x24: {  	s31 =	simm.s32 $0x0;
	s30 =	sadd.s32 s8, s29  }
0x25: {  	[tilespmem:s19], [sflag:$0x3] =	stream.linear.gather [hbm4b:s30+s31], $0x50, $0x38;
	[tilespmem:$0x18A40] =	vst v63  }
0x26: {  	_ =	swait.ge [sflag:s18], $0x50  }
0x27: {  	[sflag:s18] =	ssyncset.done $0x0  }
0x28: {  	s29 =	sadd.s32 s6, s29;
	[sflag:s18] =	ssyncadd.s32 $0xFFFFFFB0  }
0x29: {  	[tilespmem:s31], [sflag:$0x3] =	stream.linear.gather [hbm4b:s29+s31], $0x50, $0x38;
	[tilespmem:$0x18A40] =	vst v63  }
0x2a: {  	_ =	swait.ge [sflag:s18], $0x50  }
0x2b: {  	s0 =	sshll.u32 s0, $0x4;
	[sflag:s18] =	ssyncset.done $0x0  }
0x2c: {  	s0 =	sadd.s32 s5, s0;
	[sflag:s18] =	ssyncadd.s32 $0xFFFFFFB0  }
0x2d: {  	[tilespmem:s20], [sflag:$0x2] =	stream.linear.gather [hbm4b:s0+s31], $0x2800, $0x38;
	[tilespmem:$0x18A40] =	vst v63  }
0x2e: {  	_ = 	snop  }
0x2f: {  	[tilespmem:s22], [sflag:$0x1] =	stream.indirect.gather [hbm4b:s4+s21], $0x80, s31, s21, $0xb8;
	[tilespmem:$0x18A40] =	vst v63  }
0x30: {  	_ =	swait.ge [sflag:s23], $0x2800  }
0x31: {  	[sflag:s23] =	ssyncset.done $0x0  }
0x32: {  	[sflag:s23] =	ssyncadd.s32 $0xFFFFD800  }
0x33: {  	_ =	swait.ge [sflag:s24], $0x2800  }
0x34: {  	[sflag:s24] =	ssyncset.done $0x0  }
0x35: {  	s29 =	simm.s32 $0x0;
	[sflag:s24] =	ssyncadd.s32 $0xFFFFD800  }
0x36: {  	v0 =	vld [tilespmem:s29+$0x2900]  }
0x37: {  	v1 =	vld [tilespmem:s29+$0x100];
	_ =	sdelay $0x1  }
0x38: {  	v2 =	vld [tilespmem:$0x5100];
	_ =	sdelay $0x2  }
0x39: {  	v0 =	vadd.f32 v0, v1;
	_ =	sdelay $0x1  }
0x3a: {  	v0 =	vadd.f32 v2, v0  }
0x3b: {  	v1 =	vld [tilespmem:s29+$0x2910]  }
0x3c: {  	v2 =	vld [tilespmem:s29+$0x110];
	v0 =	vmax.f32 v0, $0.0e+00  }
0x3d: {  	[tilespmem:s29+$0x100] =	vst v0  }
0x3e: {  	v0 =	vld [tilespmem:$0x5110];
	_ =	sdelay $0x2  }
0x3f: {  	v1 =	vadd.f32 v1, v2;
	_ =	sdelay $0x1  }
0x40: {  	v0 =	vadd.f32 v0, v1  }
0x41: {  	v2 =	vld [tilespmem:s29+$0x120]  }
0x42: {  	v1 =	vld [tilespmem:s29+$0x2920];
	v0 =	vmax.f32 v0, $0.0e+00  }
0x43: {  	[tilespmem:s29+$0x110] =	vst v0  }
0x44: {  	v0 =	vld [tilespmem:$0x5120];
	_ =	sdelay $0x2  }
0x45: {  	v1 =	vadd.f32 v1, v2;
	_ =	sdelay $0x1  }
0x46: {  	v0 =	vadd.f32 v0, v1  }
0x47: {  	v2 =	vld [tilespmem:s29+$0x130]  }
0x48: {  	v1 =	vld [tilespmem:s29+$0x2930];
	v0 =	vmax.f32 v0, $0.0e+00  }
0x49: {  	[tilespmem:s29+$0x120] =	vst v0  }
0x4a: {  	v0 =	vld [tilespmem:$0x5130];
	_ =	sdelay $0x2  }
0x4b: {  	v1 =	vadd.f32 v1, v2;
	_ =	sdelay $0x1  }
0x4c: {  	v0 =	vadd.f32 v0, v1  }
0x4d: {  	v2 =	vld [tilespmem:s29+$0x140]  }
0x4e: {  	v1 =	vld [tilespmem:s29+$0x2940];
	v0 =	vmax.f32 v0, $0.0e+00  }
0x4f: {  	[tilespmem:s29+$0x130] =	vst v0  }
0x50: {  	v0 =	vld [tilespmem:$0x5140];
	_ =	sdelay $0x2  }
0x51: {  	v1 =	vadd.f32 v1, v2;
	_ =	sdelay $0x1  }
0x52: {  	v0 =	vadd.f32 v0, v1  }
0x53: {  	v2 =	vld [tilespmem:s29+$0x150]  }
0x54: {  	v1 =	vld [tilespmem:s29+$0x2950];
	v0 =	vmax.f32 v0, $0.0e+00  }
0x55: {  	[tilespmem:s29+$0x140] =	vst v0  }
0x56: {  	v0 =	vld [tilespmem:$0x5150];
	_ =	sdelay $0x2  }
0x57: {  	v1 =	vadd.f32 v1, v2;
	_ =	sdelay $0x1  }
0x58: {  	v0 =	vadd.f32 v0, v1  }
0x59: {  	v2 =	vld [tilespmem:s29+$0x160]  }
0x5a: {  	v1 =	vld [tilespmem:s29+$0x2960];
	v0 =	vmax.f32 v0, $0.0e+00  }
0x5b: {  	[tilespmem:s29+$0x150] =	vst v0  }
0x5c: {  	v0 =	vld [tilespmem:$0x5160];
	_ =	sdelay $0x2  }
0x5d: {  	v1 =	vadd.f32 v1, v2;
	_ =	sdelay $0x1  }
0x5e: {  	v0 =	vadd.f32 v0, v1  }
0x5f: {  	v2 =	vld [tilespmem:s29+$0x170]  }
0x60: {  	v1 =	vld [tilespmem:s29+$0x2970];
	v0 =	vmax.f32 v0, $0.0e+00  }
0x61: {  	[tilespmem:s29+$0x160] =	vst v0  }
0x62: {  	v0 =	vld [tilespmem:$0x5170];
	_ =	sdelay $0x2  }
0x63: {  	v1 =	vadd.f32 v1, v2;
	_ =	sdelay $0x1  }
0x64: {  	s31 =	simm.s32 $0x80;
	v1 =	vadd.f32 v0, v1  }
0x65: {  	s30 =	simm.s32 $0x400;
	v0 =	vld [tilespmem:s31+$0x2900]  }
.LBB2_3:
0x66: {  	p1 =	sne.s32 s30, $0x9E00;
	v2 =	vld [tilespmem:s31+$0x100];
	v1 =	vmax.f32 v1, $0.0e+00  }
0x67: {  	[tilespmem:s29+$0x170] =	vst v1;
	s29 =	smov.u32 s31  }
0x68: {  	v1 =	vld [tilespmem:$0x5100];
	_ =	sdelay $0x2  }
0x69: {  	v0 =	vadd.f32 v0, v2;
	_ =	sdelay $0x1  }
0x6a: {  	v0 =	vadd.f32 v1, v0  }
0x6b: {  	v1 =	vld [tilespmem:s29+$0x2910]  }
0x6c: {  	v0 =	vmax.f32 v0, $0.0e+00;
	v2 =	vld [tilespmem:s29+$0x110]  }
0x6d: {  	[tilespmem:s29+$0x100] =	vst v0  }
0x6e: {  	v0 =	vld [tilespmem:$0x5110];
	_ =	sdelay $0x2  }
0x6f: {  	v1 =	vadd.f32 v1, v2;
	_ =	sdelay $0x1  }
0x70: {  	v0 =	vadd.f32 v0, v1  }
0x71: {  	v1 =	vld [tilespmem:s29+$0x2920]  }
0x72: {  	v0 =	vmax.f32 v0, $0.0e+00;
	v2 =	vld [tilespmem:s29+$0x120]  }
0x73: {  	[tilespmem:s29+$0x110] =	vst v0  }
0x74: {  	v0 =	vld [tilespmem:$0x5120];
	_ =	sdelay $0x2  }
0x75: {  	v1 =	vadd.f32 v1, v2;
	_ =	sdelay $0x1  }
0x76: {  	v0 =	vadd.f32 v0, v1  }
0x77: {  	v1 =	vld [tilespmem:s29+$0x2930]  }
0x78: {  	v0 =	vmax.f32 v0, $0.0e+00;
	v2 =	vld [tilespmem:s29+$0x130]  }
0x79: {  	[tilespmem:s29+$0x120] =	vst v0  }
0x7a: {  	v0 =	vld [tilespmem:$0x5130];
	_ =	sdelay $0x2  }
0x7b: {  	v1 =	vadd.f32 v1, v2;
	_ =	sdelay $0x1  }
0x7c: {  	v0 =	vadd.f32 v0, v1  }
0x7d: {  	v1 =	vld [tilespmem:s29+$0x2940]  }
0x7e: {  	v0 =	vmax.f32 v0, $0.0e+00;
	v2 =	vld [tilespmem:s29+$0x140]  }
0x7f: {  	[tilespmem:s29+$0x130] =	vst v0  }
0x80: {  	v0 =	vld [tilespmem:$0x5140];
	_ =	sdelay $0x2  }
0x81: {  	v1 =	vadd.f32 v1, v2;
	_ =	sdelay $0x1  }
0x82: {  	v0 =	vadd.f32 v0, v1  }
0x83: {  	v1 =	vld [tilespmem:s29+$0x2950]  }
0x84: {  	v0 =	vmax.f32 v0, $0.0e+00;
	v2 =	vld [tilespmem:s29+$0x150]  }
0x85: {  	[tilespmem:s29+$0x140] =	vst v0  }
0x86: {  	v0 =	vld [tilespmem:$0x5150];
	_ =	sdelay $0x2  }
0x87: {  	v1 =	vadd.f32 v1, v2;
	_ =	sdelay $0x1  }
0x88: {  	v0 =	vadd.f32 v0, v1  }
0x89: {  	v1 =	vld [tilespmem:s29+$0x2960]  }
0x8a: {  	v0 =	vmax.f32 v0, $0.0e+00;
	v2 =	vld [tilespmem:s29+$0x160]  }
0x8b: {  	[tilespmem:s29+$0x150] =	vst v0  }
0x8c: {  	v0 =	vld [tilespmem:$0x5160];
	_ =	sdelay $0x2  }
0x8d: {  	v1 =	vadd.f32 v1, v2;
	_ =	sdelay $0x1  }
0x8e: {  	v0 =	vadd.f32 v0, v1  }
0x8f: {  	v1 =	vld [tilespmem:s29+$0x2970]  }
0x90: {  	v0 =	vmax.f32 v0, $0.0e+00;
	v2 =	vld [tilespmem:s29+$0x170]  }
0x91: {  	[tilespmem:s29+$0x160] =	vst v0  }
0x92: {  	v0 =	vld [tilespmem:$0x5170];
	_ =	sdelay $0x1  }
.Ltmp0:
0x93: {  	(pc) =	sbr.rel @p1 .LBB2_3-.Ltmp0, $3  }
0x94: {  	v1 =	vadd.f32 v1, v2;
	_ =	sdelay $0x1  }
0x95: {  	s31 =	sshra.s32 s30, $0x2;
	v1 =	vadd.f32 v0, v1  }
0x96: {  	s30 =	sadd.s32 $0x200, s30;
	v0 =	vld [tilespmem:s31+$0x2900]  }
0x97: {  	v2 =	vld [tilespmem:s31+$0x100];
	v1 =	vmax.f32 v1, $0.0e+00  }
0x98: {  	[tilespmem:s29+$0x170] =	vst v1  }
0x99: {  	v1 =	vld [tilespmem:$0x5100];
	_ =	sdelay $0x2  }
0x9a: {  	v0 =	vadd.f32 v0, v2;
	_ =	sdelay $0x1  }
0x9b: {  	v0 =	vadd.f32 v1, v0  }
0x9c: {  	v50 =	vld [tilespmem:s31+$0x2910]  }
0x9d: {  	v51 =	vld [tilespmem:s31+$0x110];
	v0 =	vmax.f32 v0, $0.0e+00  }
0x9e: {  	[tilespmem:s31+$0x100] =	vst v0  }
0x9f: {  	v0 =	vld [tilespmem:$0x5110];
	_ =	sdelay $0x2  }
0xa0: {  	v1 =	vadd.f32 v50, v51;
	_ =	sdelay $0x1  }
0xa1: {  	v0 =	vadd.f32 v0, v1  }
0xa2: {  	v52 =	vld [tilespmem:s31+$0x2920]  }
0xa3: {  	v53 =	vld [tilespmem:s31+$0x120];
	v0 =	vmax.f32 v0, $0.0e+00  }
0xa4: {  	[tilespmem:s31+$0x110] =	vst v0  }
0xa5: {  	v0 =	vld [tilespmem:$0x5120];
	_ =	sdelay $0x2  }
0xa6: {  	v1 =	vadd.f32 v52, v53;
	_ =	sdelay $0x1  }
0xa7: {  	v0 =	vadd.f32 v0, v1  }
0xa8: {  	v54 =	vld [tilespmem:s31+$0x2930]  }
0xa9: {  	v55 =	vld [tilespmem:s31+$0x130];
	v0 =	vmax.f32 v0, $0.0e+00  }
0xaa: {  	[tilespmem:s31+$0x120] =	vst v0  }
0xab: {  	v0 =	vld [tilespmem:$0x5130];
	_ =	sdelay $0x2  }
0xac: {  	v1 =	vadd.f32 v54, v55;
	_ =	sdelay $0x1  }
0xad: {  	v0 =	vadd.f32 v0, v1  }
0xae: {  	v56 =	vld [tilespmem:s31+$0x2940]  }
0xaf: {  	v57 =	vld [tilespmem:s31+$0x140];
	v0 =	vmax.f32 v0, $0.0e+00  }
0xb0: {  	[tilespmem:s31+$0x130] =	vst v0  }
0xb1: {  	v0 =	vld [tilespmem:$0x5140];
	_ =	sdelay $0x2  }
0xb2: {  	v1 =	vadd.f32 v56, v57;
	_ =	sdelay $0x1  }
0xb3: {  	v0 =	vadd.f32 v0, v1  }
0xb4: {  	v58 =	vld [tilespmem:s31+$0x2950]  }
0xb5: {  	v59 =	vld [tilespmem:s31+$0x150];
	v0 =	vmax.f32 v0, $0.0e+00  }
0xb6: {  	[tilespmem:s31+$0x140] =	vst v0  }
0xb7: {  	v0 =	vld [tilespmem:$0x5150];
	_ =	sdelay $0x2  }
0xb8: {  	v1 =	vadd.f32 v58, v59;
	_ =	sdelay $0x1  }
0xb9: {  	v0 =	vadd.f32 v0, v1  }
0xba: {  	v60 =	vld [tilespmem:s31+$0x2960]  }
0xbb: {  	v61 =	vld [tilespmem:s31+$0x160];
	v0 =	vmax.f32 v0, $0.0e+00  }
0xbc: {  	[tilespmem:s31+$0x150] =	vst v0  }
0xbd: {  	v0 =	vld [tilespmem:$0x5160];
	_ =	sdelay $0x2  }
0xbe: {  	v1 =	vadd.f32 v60, v61;
	_ =	sdelay $0x1  }
0xbf: {  	v0 =	vadd.f32 v0, v1  }
0xc0: {  	v62 =	vld [tilespmem:s31+$0x2970]  }
0xc1: {  	v63 =	vld [tilespmem:s31+$0x170];
	v0 =	vmax.f32 v0, $0.0e+00  }
0xc2: {  	[tilespmem:s31+$0x160] =	vst v0  }
0xc3: {  	v0 =	vld [tilespmem:$0x5170];
	_ =	sdelay $0x2  }
0xc4: {  	v1 =	vadd.f32 v62, v63;
	_ =	sdelay $0x1  }
0xc5: {  	v0 =	vadd.f32 v0, v1  }
0xc6: {  	s28 =	sadd.s32 $0x1, s28  }
0xc7: {  	p1 =	sne.s32 s28, $0x7D;
	v0 =	vmax.f32 v0, $0.0e+00  }
.Ltmp1:
0xc8: {  	[tilespmem:s31+$0x170] =	vst v0;
	(pc) =	sbr.rel @p1 .LBB2_2-.Ltmp1, $4  }
0xc9: {  	[spmem:s2] =	stream.indirect.scatter.add.f32 [tilespmem:s22], [sflag:$0x3], $0x80, s19, s21, $0xb8;
	[tilespmem:$0x18A40] =	vst v63  }
0xca: {  	_ =	swait.ge [sflag:s18], $0x2800  }
0xcb: {  	[sflag:s18] =	ssyncset.done $0x0  }
0xcc: {  	[sflag:s18] =	ssyncadd.s32 $0xFFFFD800  }
0xcd: {  	[bflag:$0x0] =	sbarrier.arrive $0xFFFF;
	s28 =	simm.s32 $0x0;
	s29 =	simm.s32 $0x0  }
.LBB2_6:
0xce: {  	s0 =	smul.u32 $0x50, s29;
	_ =	sdelay $0x1  }
0xcf: {  	s0 =	sadd.s32 s11, s0  }
0xd0: {  	s30 =	sshrl.u32 s0, $0x3  }
0xd1: {  	s31 =	sadd.s32 s9, s30  }
0xd2: {  	[tilespmem:s19], [sflag:$0x3] =	stream.linear.gather [hbm4b:s31+s28], $0x50, $0x38;
	[tilespmem:$0x18A40] =	vst v63  }
0xd3: {  	_ =	swait.ge [sflag:s18], $0x50  }
0xd4: {  	[sflag:s18] =	ssyncset.done $0x0  }
0xd5: {  	s30 =	sadd.s32 s6, s30;
	[sflag:s18] =	ssyncadd.s32 $0xFFFFFFB0  }
0xd6: {  	[tilespmem:s28], [sflag:$0x3] =	stream.linear.gather [hbm4b:s30+s28], $0x50, $0x38;
	[tilespmem:$0x18A40] =	vst v63  }
0xd7: {  	_ =	swait.ge [sflag:s18], $0x50  }
0xd8: {  	s0 =	sshll.u32 s0, $0x4;
	[sflag:s18] =	ssyncset.done $0x0  }
0xd9: {  	s0 =	sadd.s32 s5, s0;
	[sflag:s18] =	ssyncadd.s32 $0xFFFFFFB0  }
0xda: {  	[tilespmem:s20], [sflag:$0x2] =	stream.linear.gather [hbm4b:s0+s28], $0x2800, $0x38;
	[tilespmem:$0x18A40] =	vst v63  }
0xdb: {  	_ = 	snop  }
0xdc: {  	[tilespmem:s22], [sflag:$0x1] =	stream.indirect.gather [hbm4b:s4+s21], $0x80, s28, s21, $0xb8;
	[tilespmem:$0x18A40] =	vst v63  }
0xdd: {  	_ =	swait.ge [sflag:s23], $0x2800  }
0xde: {  	[sflag:s23] =	ssyncset.done $0x0  }
0xdf: {  	[sflag:s23] =	ssyncadd.s32 $0xFFFFD800  }
0xe0: {  	_ =	swait.ge [sflag:s24], $0x2800  }
0xe1: {  	[sflag:s24] =	ssyncset.done $0x0  }
0xe2: {  	s30 =	simm.s32 $0x0;
	[sflag:s24] =	ssyncadd.s32 $0xFFFFD800  }
0xe3: {  	v0 =	vld [tilespmem:s30+$0x2900]  }
0xe4: {  	v1 =	vld [tilespmem:s30+$0x100];
	_ =	sdelay $0x1  }
0xe5: {  	v2 =	vld [tilespmem:$0x5100];
	_ =	sdelay $0x2  }
0xe6: {  	v0 =	vadd.f32 v0, v1;
	_ =	sdelay $0x1  }
0xe7: {  	v0 =	vadd.f32 v2, v0  }
0xe8: {  	v1 =	vld [tilespmem:s30+$0x2910]  }
0xe9: {  	v2 =	vld [tilespmem:s30+$0x110];
	v0 =	vmax.f32 v0, $0.0e+00  }
0xea: {  	[tilespmem:s30+$0x100] =	vst v0  }
0xeb: {  	v0 =	vld [tilespmem:$0x5110];
	_ =	sdelay $0x2  }
0xec: {  	v1 =	vadd.f32 v1, v2;
	_ =	sdelay $0x1  }
0xed: {  	v0 =	vadd.f32 v0, v1  }
0xee: {  	v2 =	vld [tilespmem:s30+$0x120]  }
0xef: {  	v1 =	vld [tilespmem:s30+$0x2920];
	v0 =	vmax.f32 v0, $0.0e+00  }
0xf0: {  	[tilespmem:s30+$0x110] =	vst v0  }
0xf1: {  	v0 =	vld [tilespmem:$0x5120];
	_ =	sdelay $0x2  }
0xf2: {  	v1 =	vadd.f32 v1, v2;
	_ =	sdelay $0x1  }
0xf3: {  	v0 =	vadd.f32 v0, v1  }
0xf4: {  	v2 =	vld [tilespmem:s30+$0x130]  }
0xf5: {  	v1 =	vld [tilespmem:s30+$0x2930];
	v0 =	vmax.f32 v0, $0.0e+00  }
0xf6: {  	[tilespmem:s30+$0x120] =	vst v0  }
0xf7: {  	v0 =	vld [tilespmem:$0x5130];
	_ =	sdelay $0x2  }
0xf8: {  	v1 =	vadd.f32 v1, v2;
	_ =	sdelay $0x1  }
0xf9: {  	v0 =	vadd.f32 v0, v1  }
0xfa: {  	v2 =	vld [tilespmem:s30+$0x140]  }
0xfb: {  	v1 =	vld [tilespmem:s30+$0x2940];
	v0 =	vmax.f32 v0, $0.0e+00  }
0xfc: {  	[tilespmem:s30+$0x130] =	vst v0  }
0xfd: {  	v0 =	vld [tilespmem:$0x5140];
	_ =	sdelay $0x2  }
0xfe: {  	v1 =	vadd.f32 v1, v2;
	_ =	sdelay $0x1  }
0xff: {  	v0 =	vadd.f32 v0, v1  }
0x100: {  	v2 =	vld [tilespmem:s30+$0x150]  }
0x101: {  	v1 =	vld [tilespmem:s30+$0x2950];
	v0 =	vmax.f32 v0, $0.0e+00  }
0x102: {  	[tilespmem:s30+$0x140] =	vst v0  }
0x103: {  	v0 =	vld [tilespmem:$0x5150];
	_ =	sdelay $0x2  }
0x104: {  	v1 =	vadd.f32 v1, v2;
	_ =	sdelay $0x1  }
0x105: {  	v0 =	vadd.f32 v0, v1  }
0x106: {  	v2 =	vld [tilespmem:s30+$0x160]  }
0x107: {  	v1 =	vld [tilespmem:s30+$0x2960];
	v0 =	vmax.f32 v0, $0.0e+00  }
0x108: {  	[tilespmem:s30+$0x150] =	vst v0  }
0x109: {  	v0 =	vld [tilespmem:$0x5160];
	_ =	sdelay $0x2  }
0x10a: {  	v1 =	vadd.f32 v1, v2;
	_ =	sdelay $0x1  }
0x10b: {  	v0 =	vadd.f32 v0, v1  }
0x10c: {  	v2 =	vld [tilespmem:s30+$0x170]  }
0x10d: {  	v1 =	vld [tilespmem:s30+$0x2970];
	v0 =	vmax.f32 v0, $0.0e+00  }
0x10e: {  	[tilespmem:s30+$0x160] =	vst v0  }
0x10f: {  	v0 =	vld [tilespmem:$0x5170];
	_ =	sdelay $0x2  }
0x110: {  	v1 =	vadd.f32 v1, v2;
	_ =	sdelay $0x1  }
0x111: {  	s0 =	simm.s32 $0x80;
	v1 =	vadd.f32 v0, v1  }
0x112: {  	s31 =	simm.s32 $0x400;
	v0 =	vld [tilespmem:s0+$0x2900]  }
.LBB2_7:
0x113: {  	p1 =	sne.s32 s31, $0x9E00;
	v2 =	vld [tilespmem:s0+$0x100];
	v1 =	vmax.f32 v1, $0.0e+00  }
0x114: {  	[tilespmem:s30+$0x170] =	vst v1;
	s30 =	smov.u32 s0  }
0x115: {  	v1 =	vld [tilespmem:$0x5100];
	_ =	sdelay $0x2  }
0x116: {  	v0 =	vadd.f32 v0, v2;
	_ =	sdelay $0x1  }
0x117: {  	v0 =	vadd.f32 v1, v0  }
0x118: {  	v1 =	vld [tilespmem:s30+$0x2910]  }
0x119: {  	v0 =	vmax.f32 v0, $0.0e+00;
	v2 =	vld [tilespmem:s30+$0x110]  }
0x11a: {  	[tilespmem:s30+$0x100] =	vst v0  }
0x11b: {  	v0 =	vld [tilespmem:$0x5110];
	_ =	sdelay $0x2  }
0x11c: {  	v1 =	vadd.f32 v1, v2;
	_ =	sdelay $0x1  }
0x11d: {  	v0 =	vadd.f32 v0, v1  }
0x11e: {  	v1 =	vld [tilespmem:s30+$0x2920]  }
0x11f: {  	v0 =	vmax.f32 v0, $0.0e+00;
	v2 =	vld [tilespmem:s30+$0x120]  }
0x120: {  	[tilespmem:s30+$0x110] =	vst v0  }
0x121: {  	v0 =	vld [tilespmem:$0x5120];
	_ =	sdelay $0x2  }
0x122: {  	v1 =	vadd.f32 v1, v2;
	_ =	sdelay $0x1  }
0x123: {  	v0 =	vadd.f32 v0, v1  }
0x124: {  	v1 =	vld [tilespmem:s30+$0x2930]  }
0x125: {  	v0 =	vmax.f32 v0, $0.0e+00;
	v2 =	vld [tilespmem:s30+$0x130]  }
0x126: {  	[tilespmem:s30+$0x120] =	vst v0  }
0x127: {  	v0 =	vld [tilespmem:$0x5130];
	_ =	sdelay $0x2  }
0x128: {  	v1 =	vadd.f32 v1, v2;
	_ =	sdelay $0x1  }
0x129: {  	v0 =	vadd.f32 v0, v1  }
0x12a: {  	v1 =	vld [tilespmem:s30+$0x2940]  }
0x12b: {  	v0 =	vmax.f32 v0, $0.0e+00;
	v2 =	vld [tilespmem:s30+$0x140]  }
0x12c: {  	[tilespmem:s30+$0x130] =	vst v0  }
0x12d: {  	v0 =	vld [tilespmem:$0x5140];
	_ =	sdelay $0x2  }
0x12e: {  	v1 =	vadd.f32 v1, v2;
	_ =	sdelay $0x1  }
0x12f: {  	v0 =	vadd.f32 v0, v1  }
0x130: {  	v1 =	vld [tilespmem:s30+$0x2950]  }
0x131: {  	v0 =	vmax.f32 v0, $0.0e+00;
	v2 =	vld [tilespmem:s30+$0x150]  }
0x132: {  	[tilespmem:s30+$0x140] =	vst v0  }
0x133: {  	v0 =	vld [tilespmem:$0x5150];
	_ =	sdelay $0x2  }
0x134: {  	v1 =	vadd.f32 v1, v2;
	_ =	sdelay $0x1  }
0x135: {  	v0 =	vadd.f32 v0, v1  }
0x136: {  	v1 =	vld [tilespmem:s30+$0x2960]  }
0x137: {  	v0 =	vmax.f32 v0, $0.0e+00;
	v2 =	vld [tilespmem:s30+$0x160]  }
0x138: {  	[tilespmem:s30+$0x150] =	vst v0  }
0x139: {  	v0 =	vld [tilespmem:$0x5160];
	_ =	sdelay $0x2  }
0x13a: {  	v1 =	vadd.f32 v1, v2;
	_ =	sdelay $0x1  }
0x13b: {  	v0 =	vadd.f32 v0, v1  }
0x13c: {  	v1 =	vld [tilespmem:s30+$0x2970]  }
0x13d: {  	v0 =	vmax.f32 v0, $0.0e+00;
	v2 =	vld [tilespmem:s30+$0x170]  }
0x13e: {  	[tilespmem:s30+$0x160] =	vst v0  }
0x13f: {  	v0 =	vld [tilespmem:$0x5170];
	_ =	sdelay $0x1  }
.Ltmp2:
0x140: {  	(pc) =	sbr.rel @p1 .LBB2_7-.Ltmp2, $3  }
0x141: {  	v1 =	vadd.f32 v1, v2;
	_ =	sdelay $0x1  }
0x142: {  	s0 =	sshra.s32 s31, $0x2;
	v1 =	vadd.f32 v0, v1  }
0x143: {  	s31 =	sadd.s32 $0x200, s31;
	v0 =	vld [tilespmem:s0+$0x2900]  }
0x144: {  	v2 =	vld [tilespmem:s0+$0x100];
	v1 =	vmax.f32 v1, $0.0e+00  }
0x145: {  	[tilespmem:s30+$0x170] =	vst v1  }
0x146: {  	v1 =	vld [tilespmem:$0x5100];
	_ =	sdelay $0x2  }
0x147: {  	v0 =	vadd.f32 v0, v2;
	_ =	sdelay $0x1  }
0x148: {  	v0 =	vadd.f32 v1, v0  }
0x149: {  	v50 =	vld [tilespmem:s0+$0x2910]  }
0x14a: {  	v51 =	vld [tilespmem:s0+$0x110];
	v0 =	vmax.f32 v0, $0.0e+00  }
0x14b: {  	[tilespmem:s0+$0x100] =	vst v0  }
0x14c: {  	v0 =	vld [tilespmem:$0x5110];
	_ =	sdelay $0x2  }
0x14d: {  	v1 =	vadd.f32 v50, v51;
	_ =	sdelay $0x1  }
0x14e: {  	v0 =	vadd.f32 v0, v1  }
0x14f: {  	v52 =	vld [tilespmem:s0+$0x2920]  }
0x150: {  	v53 =	vld [tilespmem:s0+$0x120];
	v0 =	vmax.f32 v0, $0.0e+00  }
0x151: {  	[tilespmem:s0+$0x110] =	vst v0  }
0x152: {  	v0 =	vld [tilespmem:$0x5120];
	_ =	sdelay $0x2  }
0x153: {  	v1 =	vadd.f32 v52, v53;
	_ =	sdelay $0x1  }
0x154: {  	v0 =	vadd.f32 v0, v1  }
0x155: {  	v54 =	vld [tilespmem:s0+$0x2930]  }
0x156: {  	v55 =	vld [tilespmem:s0+$0x130];
	v0 =	vmax.f32 v0, $0.0e+00  }
0x157: {  	[tilespmem:s0+$0x120] =	vst v0  }
0x158: {  	v0 =	vld [tilespmem:$0x5130];
	_ =	sdelay $0x2  }
0x159: {  	v1 =	vadd.f32 v54, v55;
	_ =	sdelay $0x1  }
0x15a: {  	v0 =	vadd.f32 v0, v1  }
0x15b: {  	v56 =	vld [tilespmem:s0+$0x2940]  }
0x15c: {  	v57 =	vld [tilespmem:s0+$0x140];
	v0 =	vmax.f32 v0, $0.0e+00  }
0x15d: {  	[tilespmem:s0+$0x130] =	vst v0  }
0x15e: {  	v0 =	vld [tilespmem:$0x5140];
	_ =	sdelay $0x2  }
0x15f: {  	v1 =	vadd.f32 v56, v57;
	_ =	sdelay $0x1  }
0x160: {  	v0 =	vadd.f32 v0, v1  }
0x161: {  	v58 =	vld [tilespmem:s0+$0x2950]  }
0x162: {  	v59 =	vld [tilespmem:s0+$0x150];
	v0 =	vmax.f32 v0, $0.0e+00  }
0x163: {  	[tilespmem:s0+$0x140] =	vst v0  }
0x164: {  	v0 =	vld [tilespmem:$0x5150];
	_ =	sdelay $0x2  }
0x165: {  	v1 =	vadd.f32 v58, v59;
	_ =	sdelay $0x1  }
0x166: {  	v0 =	vadd.f32 v0, v1  }
0x167: {  	v60 =	vld [tilespmem:s0+$0x2960]  }
0x168: {  	v61 =	vld [tilespmem:s0+$0x160];
	v0 =	vmax.f32 v0, $0.0e+00  }
0x169: {  	[tilespmem:s0+$0x150] =	vst v0  }
0x16a: {  	v0 =	vld [tilespmem:$0x5160];
	_ =	sdelay $0x2  }
0x16b: {  	v1 =	vadd.f32 v60, v61;
	_ =	sdelay $0x1  }
0x16c: {  	v0 =	vadd.f32 v0, v1  }
0x16d: {  	v62 =	vld [tilespmem:s0+$0x2970]  }
0x16e: {  	v63 =	vld [tilespmem:s0+$0x170];
	v0 =	vmax.f32 v0, $0.0e+00  }
0x16f: {  	[tilespmem:s0+$0x160] =	vst v0  }
0x170: {  	v0 =	vld [tilespmem:$0x5170];
	_ =	sdelay $0x2  }
0x171: {  	v1 =	vadd.f32 v62, v63;
	_ =	sdelay $0x1  }
0x172: {  	v0 =	vadd.f32 v0, v1  }
0x173: {  	s29 =	sadd.s32 $0x1, s29  }
0x174: {  	p1 =	sne.s32 s29, $0xD;
	v0 =	vmax.f32 v0, $0.0e+00  }
.Ltmp3:
0x175: {  	[tilespmem:s0+$0x170] =	vst v0;
	(pc) =	sbr.rel @p1 .LBB2_6-.Ltmp3, $4  }
0x176: {  	[spmem:s2] =	stream.indirect.scatter.add.f32 [tilespmem:s22], [sflag:$0x3], $0x80, s19, s21, $0xb8;
	[tilespmem:$0x18A40] =	vst v63  }
0x177: {  	_ =	swait.ge [sflag:s18], $0x2800  }
0x178: {  	[sflag:s18] =	ssyncset.done $0x0  }
0x179: {  	[sflag:s18] =	ssyncadd.s32 $0xFFFFD800  }
0x17a: {  	[bflag:$0x0] =	sbarrier.arrive $0xFFFF;
	s0 =	sadd.s32 @p0 $0x25080, s12;
	s28 =	simm.s32 @p0 $0x1FC3  }
0x17b: {  	[hbm:s0], [sflag:s28] =	dma.local @p0 [spmem:s14], $0x2080  }
0x17c: {  	s0 =	simm.s32 @p0 $0x3  }
0x17d: {  	s26 =	sadd.s32 $0x1, s26;
	_ =	swait.ge @p0 [sflag:s0], $0x2080  }
0x17e: {  	p1 =	sne.s32 s26, s13;
	[sflag:s0] =	ssyncset.done @p0 $0x0  }
.Ltmp4:
0x17f: {  	[sflag:s0] =	ssyncadd.s32 @p0 $0xFFFFDF80;
	s0 =	simm.s32 @!p0 $0x3;
	(pc) =	sbr.rel @p1 .LBB2_1-.Ltmp4, $4  }
0x180: {  	[hbm:s25], [sflag:s15] =	dma.local @!p0 [spmem:s16], $0x2780  }
0x181: {  	_ =	swait.ge @!p0 [sflag:s0], $0x2780  }
0x182: {  	[sflag:s0] =	ssyncset.done @!p0 $0x0  }
0x183: {  	[sflag:s0] =	ssyncadd.s32 @!p0 $0xFFFFD880  }
0x184: {  	_ =	sfence.sel $0x180000  }
0x185: {  	[bflag:$0x0] =	sbarrier.arrive $0xFFFF  }
0x186: {  	_ =	strace $0x90000056  }
0x187: {  	[bflag:$0x2] =	sbarrier.arrive $0xFFFF  }
0x188: {  	p0 =	sne.s32 s7, $0x0;
	s0 =	rddreg [dreg:$0x3]  }
0x189: {  	s0 =	sadd.s32 @!p0 $0x100000, s0  }
0x18a: {  	[sflag:s0] =	ssyncadd.tile.s32 @!p0 $0x1;
	_ =	shalt  }
.Lfunc_end2:
_tile_overlayer_lowered:
.L_overlay_start_2:
0x18b: {  	(tag) =	ssettag $0x2  }
0x18c: {  	s0 =	rddreg [dreg:$0x0];
	s2 =	stileid.u32  }
0x18d: {  	s1 =	rddreg [dreg:$0x1];
	p0 =	sne.s32 s2, $0x0  }
0x18e: {  	s3 =	rddreg [dreg:$0x2];
	[bflag:$0x3] =	sbarrier.arrive $0xFFFF;
	s2 =	simm.s32 @!p0 $0x1C03  }
0x18f: {  	[timem:s3], [sflag:s2] =	dma.local @!p0 [hbm:s0], s1  }
0x190: {  	s0 =	simm.s32 @!p0 $0x3  }
0x191: {  	_ =	swait.ge @!p0 [sflag:s0], s1  }
0x192: {  	s1 =	ssub.s32 @!p0 $0x0, s1;
	[sflag:s0] =	ssyncset.done @!p0 $0x0  }
0x193: {  	[sflag:s0] =	ssyncadd.s32 @!p0 s1  }
0x194: {  	[bflag:$0x3] =	sbarrier.arrive $0xFFFF  }
0x195: {  	_ =	shalt  }

</sc_bundles>
